<compile_context>
chip_gen: v7x
topology: tpu7x:2x2x1
jax: 0.10.2.dev20260603
libtpu: 0.0.44.dev20260713+nightly
codegen_flags: <defaults>
</compile_context>

<pallas_src>
import jax
import jax.numpy as jnp
from jax.experimental import pallas as pl
from jax.experimental.pallas import tpu as pltpu

_G = 128
_CIN = 2
_COUT = 16


def _conv_body(w_ref, pa_ref, pb_ref, pc_ref, out_ref):
    planes = []
    for ref in (pa_ref, pb_ref, pc_ref):
        for c in range(_CIN):
            planes.append(ref[c, 0])

    subs = {}
    for dx in range(3):
        for c in range(_CIN):
            p = planes[dx * _CIN + c]
            for dy in range(3):
                for dz in range(3):
                    subs[(dx, dy, dz, c)] = jax.lax.slice(
                        p, (dy, dz), (dy + _G, dz + _G))

    for o in range(_COUT):
        acc = jnp.zeros((_G, _G), jnp.float32)
        for dx in range(3):
            for dy in range(3):
                for dz in range(3):
                    k = dx * 9 + dy * 3 + dz
                    for c in range(_CIN):
                        acc = acc + subs[(dx, dy, dz, c)] * w_ref[k * (_CIN * _COUT) + c * _COUT + o]
        out_ref[0, o] = acc


def kernel(feats, coords, W):
    n = feats.shape[0]

    keys = (coords[:, 0] * _G + coords[:, 1]) * _G + coords[:, 2]
    rep = jnp.full((_G * _G * _G,), n, dtype=jnp.int32)
    rep = rep.at[keys].min(jnp.arange(n, dtype=jnp.int32))
    occupied = rep < n
    grid_feats = jnp.where(occupied[:, None],
                           feats[jnp.clip(rep, 0, n - 1)], 0.0)
    grid_feats = grid_feats.reshape(_G, _G, _G, _CIN).transpose(3, 0, 1, 2)
    padded = jnp.pad(grid_feats, ((0, 0), (1, 1), (1, 1), (1, 1)))

    w_flat = W.astype(jnp.float32).reshape(-1)

    conv = pl.pallas_call(
        _conv_body,
        grid=(_G,),
        in_specs=[
            pl.BlockSpec(memory_space=pltpu.SMEM),
            pl.BlockSpec((_CIN, 1, _G + 2, _G + 2), lambda i: (0, i, 0, 0)),
            pl.BlockSpec((_CIN, 1, _G + 2, _G + 2), lambda i: (0, i + 1, 0, 0)),
            pl.BlockSpec((_CIN, 1, _G + 2, _G + 2), lambda i: (0, i + 2, 0, 0)),
        ],
        out_specs=pl.BlockSpec((1, _COUT, _G, _G), lambda i: (i, 0, 0, 0)),
        out_shape=jax.ShapeDtypeStruct((_G, _COUT, _G, _G), jnp.float32),
    )(w_flat, padded, padded, padded)

    return conv[coords[:, 0], :, coords[:, 1], coords[:, 2]]

# --- scband reference (transcript-rebuilt; emitter-appended) ---
"""Pipeline reference for scband-test-model-38465727103476 (READ-ONLY COPY).

The authoritative reference and input builder live on the scoring server;
editing this copy changes nothing except your own understanding.
"""

import jax, jax.numpy as jnp
import numpy as np

N = 100000
GRID = 128
C_IN = 2
C_OUT = 16
K = 27


def _offsets():
    r = np.arange(-1, 2)
    off = np.stack(np.meshgrid(r, r, r, indexing='ij'), axis=-1).reshape(-1, 3)
    return jnp.asarray(off, dtype=jnp.int32)


def setup_inputs(seed: int = 0):
    key = jax.random.key(seed)
    k1, k2, k3 = jax.random.split(key, 3)
    coords = jax.random.randint(k1, (N, 3), 0, GRID, dtype=jnp.int32)
    feats = jax.random.normal(k2, (N, C_IN), dtype=jnp.float32)
    W = jax.random.normal(k3, (K, C_IN, C_OUT), dtype=jnp.float32) * (1.0 / np.sqrt(C_IN * K))
    return {"feats": feats, "coords": coords, "W": W}


def reference(feats, coords, W):
    # Faithful sparse (Minkowski-style) 3D convolution, kernel 3x3x3, stride 1.
    # Output coordinates == input coordinates. For each kernel offset k:
    #   out[u] += in[u + offset_k] @ W[k]   (if the neighbor voxel exists)
    offsets = _offsets()
    keys = (coords[:, 0].astype(jnp.int64) * GRID + coords[:, 1].astype(jnp.int64)) * GRID + coords[:, 2].astype(jnp.int64)
    order = jnp.argsort(keys)
    sorted_keys = keys[order]
    n = feats.shape[0]
    out = jnp.zeros((n, C_OUT), dtype=jnp.float32)
    for k in range(K):
        nb = coords + offsets[k]
        valid = jnp.all((nb >= 0) & (nb < GRID), axis=1)
        nb_key = (nb[:, 0].astype(jnp.int64) * GRID + nb[:, 1].astype(jnp.int64)) * GRID + nb[:, 2].astype(jnp.int64)
        pos = jnp.searchsorted(sorted_keys, nb_key)
        pos = jnp.clip(pos, 0, n - 1)
        found = valid & (sorted_keys[pos] == nb_key)
        src = order[pos]
        gathered = jnp.where(found[:, None], jnp.take(feats, src, axis=0), 0.0)
        out = out + gathered @ W[k]
    return out

if __name__ == "__main__":
    import jax
    _d = setup_inputs()
    print(jax.jit(kernel)(*tuple(_d.values())))

</pallas_src>

<mosaic_0001>
module attributes {stable_mosaic.version = 14 : i64} {
  func.func @_conv_body(%arg0: i32, %arg1: memref<864xf32, #tpu.memory_space<smem>>, %arg2: memref<2x1x130x130xf32, #tpu.memory_space<vmem>>, %arg3: memref<2x1x130x130xf32, #tpu.memory_space<vmem>>, %arg4: memref<2x1x130x130xf32, #tpu.memory_space<vmem>>, %arg5: memref<1x16x128x128xf32, #tpu.memory_space<vmem>>) attributes {dimension_semantics = [#tpu.dimension_semantics<arbitrary>], iteration_bounds = array<i64: 128>, scalar_prefetch = 0 : i64, scratch_operands = 0 : i64, tpu.core_type = #tpu.core_type<tc>, window_params = [{transform_indices = @transform_0, window_bounds = array<i64: 864>}, {transform_indices = @transform_1, window_bounds = array<i64: 2, 1, 130, 130>}, {transform_indices = @transform_2, window_bounds = array<i64: 2, 1, 130, 130>}, {transform_indices = @transform_3, window_bounds = array<i64: 2, 1, 130, 130>}, {transform_indices = @transform_4, window_bounds = array<i64: 1, 16, 128, 128>}]} {
    %get3A = arith.constant 0 : index
    %get3A_0 = arith.constant 0 : index
    %get3A_1 = arith.constant 0 : index
    %get3A_2 = arith.constant 0 : index
    %get3A_3 = vector.load %arg2[%get3A, %get3A_0, %get3A_1, %get3A_2] : memref<2x1x130x130xf32, #tpu.memory_space<vmem>>, vector<1x1x130x130xf32>
    %get3A_4 = vector.shape_cast %get3A_3 : vector<1x1x130x130xf32> to vector<130x130xf32>
    %get3A_5 = arith.constant 1 : index
    %get3A_6 = arith.constant 0 : index
    %get3A_7 = arith.constant 0 : index
    %get3A_8 = arith.constant 0 : index
    %get3A_9 = vector.load %arg2[%get3A_5, %get3A_6, %get3A_7, %get3A_8] : memref<2x1x130x130xf32, #tpu.memory_space<vmem>>, vector<1x1x130x130xf32>
    %get3A_10 = vector.shape_cast %get3A_9 : vector<1x1x130x130xf32> to vector<130x130xf32>
    %get3A_11 = arith.constant 0 : index
    %get3A_12 = arith.constant 0 : index
    %get3A_13 = arith.constant 0 : index
    %get3A_14 = arith.constant 0 : index
    %get3A_15 = vector.load %arg3[%get3A_11, %get3A_12, %get3A_13, %get3A_14] : memref<2x1x130x130xf32, #tpu.memory_space<vmem>>, vector<1x1x130x130xf32>
    %get3A_16 = vector.shape_cast %get3A_15 : vector<1x1x130x130xf32> to vector<130x130xf32>
    %get3A_17 = arith.constant 1 : index
    %get3A_18 = arith.constant 0 : index
    %get3A_19 = arith.constant 0 : index
    %get3A_20 = arith.constant 0 : index
    %get3A_21 = vector.load %arg3[%get3A_17, %get3A_18, %get3A_19, %get3A_20] : memref<2x1x130x130xf32, #tpu.memory_space<vmem>>, vector<1x1x130x130xf32>
    %get3A_22 = vector.shape_cast %get3A_21 : vector<1x1x130x130xf32> to vector<130x130xf32>
    %get3A_23 = arith.constant 0 : index
    %get3A_24 = arith.constant 0 : index
    %get3A_25 = arith.constant 0 : index
    %get3A_26 = arith.constant 0 : index
    %get3A_27 = vector.load %arg4[%get3A_23, %get3A_24, %get3A_25, %get3A_26] : memref<2x1x130x130xf32, #tpu.memory_space<vmem>>, vector<1x1x130x130xf32>
    %get3A_28 = vector.shape_cast %get3A_27 : vector<1x1x130x130xf32> to vector<130x130xf32>
    %get3A_29 = arith.constant 1 : index
    %get3A_30 = arith.constant 0 : index
    %get3A_31 = arith.constant 0 : index
    %get3A_32 = arith.constant 0 : index
    %get3A_33 = vector.load %arg4[%get3A_29, %get3A_30, %get3A_31, %get3A_32] : memref<2x1x130x130xf32, #tpu.memory_space<vmem>>, vector<1x1x130x130xf32>
    %get3A_34 = vector.shape_cast %get3A_33 : vector<1x1x130x130xf32> to vector<130x130xf32>
    %slice3A = vector.extract_strided_slice %get3A_4 {offsets = [0, 0], sizes = [128, 128], strides = [1, 1]} : vector<130x130xf32> to vector<128x128xf32>
    %slice3A_35 = vector.extract_strided_slice %get3A_4 {offsets = [0, 1], sizes = [128, 128], strides = [1, 1]} : vector<130x130xf32> to vector<128x128xf32>
    %slice3A_36 = vector.extract_strided_slice %get3A_4 {offsets = [0, 2], sizes = [128, 128], strides = [1, 1]} : vector<130x130xf32> to vector<128x128xf32>
    %slice3A_37 = vector.extract_strided_slice %get3A_4 {offsets = [1, 0], sizes = [128, 128], strides = [1, 1]} : vector<130x130xf32> to vector<128x128xf32>
    %slice3A_38 = vector.extract_strided_slice %get3A_4 {offsets = [1, 1], sizes = [128, 128], strides = [1, 1]} : vector<130x130xf32> to vector<128x128xf32>
    %slice3A_39 = vector.extract_strided_slice %get3A_4 {offsets = [1, 2], sizes = [128, 128], strides = [1, 1]} : vector<130x130xf32> to vector<128x128xf32>
    %slice3A_40 = vector.extract_strided_slice %get3A_4 {offsets = [2, 0], sizes = [128, 128], strides = [1, 1]} : vector<130x130xf32> to vector<128x128xf32>
    %slice3A_41 = vector.extract_strided_slice %get3A_4 {offsets = [2, 1], sizes = [128, 128], strides = [1, 1]} : vector<130x130xf32> to vector<128x128xf32>
    %slice3A_42 = vector.extract_strided_slice %get3A_4 {offsets = [2, 2], sizes = [128, 128], strides = [1, 1]} : vector<130x130xf32> to vector<128x128xf32>
    %slice3A_43 = vector.extract_strided_slice %get3A_10 {offsets = [0, 0], sizes = [128, 128], strides = [1, 1]} : vector<130x130xf32> to vector<128x128xf32>
    %slice3A_44 = vector.extract_strided_slice %get3A_10 {offsets = [0, 1], sizes = [128, 128], strides = [1, 1]} : vector<130x130xf32> to vector<128x128xf32>
    %slice3A_45 = vector.extract_strided_slice %get3A_10 {offsets = [0, 2], sizes = [128, 128], strides = [1, 1]} : vector<130x130xf32> to vector<128x128xf32>
    %slice3A_46 = vector.extract_strided_slice %get3A_10 {offsets = [1, 0], sizes = [128, 128], strides = [1, 1]} : vector<130x130xf32> to vector<128x128xf32>
    %slice3A_47 = vector.extract_strided_slice %get3A_10 {offsets = [1, 1], sizes = [128, 128], strides = [1, 1]} : vector<130x130xf32> to vector<128x128xf32>
    %slice3A_48 = vector.extract_strided_slice %get3A_10 {offsets = [1, 2], sizes = [128, 128], strides = [1, 1]} : vector<130x130xf32> to vector<128x128xf32>
    %slice3A_49 = vector.extract_strided_slice %get3A_10 {offsets = [2, 0], sizes = [128, 128], strides = [1, 1]} : vector<130x130xf32> to vector<128x128xf32>
    %slice3A_50 = vector.extract_strided_slice %get3A_10 {offsets = [2, 1], sizes = [128, 128], strides = [1, 1]} : vector<130x130xf32> to vector<128x128xf32>
    %slice3A_51 = vector.extract_strided_slice %get3A_10 {offsets = [2, 2], sizes = [128, 128], strides = [1, 1]} : vector<130x130xf32> to vector<128x128xf32>
    %slice3A_52 = vector.extract_strided_slice %get3A_16 {offsets = [0, 0], sizes = [128, 128], strides = [1, 1]} : vector<130x130xf32> to vector<128x128xf32>
    %slice3A_53 = vector.extract_strided_slice %get3A_16 {offsets = [0, 1], sizes = [128, 128], strides = [1, 1]} : vector<130x130xf32> to vector<128x128xf32>
    %slice3A_54 = vector.extract_strided_slice %get3A_16 {offsets = [0, 2], sizes = [128, 128], strides = [1, 1]} : vector<130x130xf32> to vector<128x128xf32>
    %slice3A_55 = vector.extract_strided_slice %get3A_16 {offsets = [1, 0], sizes = [128, 128], strides = [1, 1]} : vector<130x130xf32> to vector<128x128xf32>
    %slice3A_56 = vector.extract_strided_slice %get3A_16 {offsets = [1, 1], sizes = [128, 128], strides = [1, 1]} : vector<130x130xf32> to vector<128x128xf32>
    %slice3A_57 = vector.extract_strided_slice %get3A_16 {offsets = [1, 2], sizes = [128, 128], strides = [1, 1]} : vector<130x130xf32> to vector<128x128xf32>
    %slice3A_58 = vector.extract_strided_slice %get3A_16 {offsets = [2, 0], sizes = [128, 128], strides = [1, 1]} : vector<130x130xf32> to vector<128x128xf32>
    %slice3A_59 = vector.extract_strided_slice %get3A_16 {offsets = [2, 1], sizes = [128, 128], strides = [1, 1]} : vector<130x130xf32> to vector<128x128xf32>
    %slice3A_60 = vector.extract_strided_slice %get3A_16 {offsets = [2, 2], sizes = [128, 128], strides = [1, 1]} : vector<130x130xf32> to vector<128x128xf32>
    %slice3A_61 = vector.extract_strided_slice %get3A_22 {offsets = [0, 0], sizes = [128, 128], strides = [1, 1]} : vector<130x130xf32> to vector<128x128xf32>
    %slice3A_62 = vector.extract_strided_slice %get3A_22 {offsets = [0, 1], sizes = [128, 128], strides = [1, 1]} : vector<130x130xf32> to vector<128x128xf32>
    %slice3A_63 = vector.extract_strided_slice %get3A_22 {offsets = [0, 2], sizes = [128, 128], strides = [1, 1]} : vector<130x130xf32> to vector<128x128xf32>
    %slice3A_64 = vector.extract_strided_slice %get3A_22 {offsets = [1, 0], sizes = [128, 128], strides = [1, 1]} : vector<130x130xf32> to vector<128x128xf32>
    %slice3A_65 = vector.extract_strided_slice %get3A_22 {offsets = [1, 1], sizes = [128, 128], strides = [1, 1]} : vector<130x130xf32> to vector<128x128xf32>
    %slice3A_66 = vector.extract_strided_slice %get3A_22 {offsets = [1, 2], sizes = [128, 128], strides = [1, 1]} : vector<130x130xf32> to vector<128x128xf32>
    %slice3A_67 = vector.extract_strided_slice %get3A_22 {offsets = [2, 0], sizes = [128, 128], strides = [1, 1]} : vector<130x130xf32> to vector<128x128xf32>
    %slice3A_68 = vector.extract_strided_slice %get3A_22 {offsets = [2, 1], sizes = [128, 128], strides = [1, 1]} : vector<130x130xf32> to vector<128x128xf32>
    %slice3A_69 = vector.extract_strided_slice %get3A_22 {offsets = [2, 2], sizes = [128, 128], strides = [1, 1]} : vector<130x130xf32> to vector<128x128xf32>
    %slice3A_70 = vector.extract_strided_slice %get3A_28 {offsets = [0, 0], sizes = [128, 128], strides = [1, 1]} : vector<130x130xf32> to vector<128x128xf32>
    %slice3A_71 = vector.extract_strided_slice %get3A_28 {offsets = [0, 1], sizes = [128, 128], strides = [1, 1]} : vector<130x130xf32> to vector<128x128xf32>
    %slice3A_72 = vector.extract_strided_slice %get3A_28 {offsets = [0, 2], sizes = [128, 128], strides = [1, 1]} : vector<130x130xf32> to vector<128x128xf32>
    %slice3A_73 = vector.extract_strided_slice %get3A_28 {offsets = [1, 0], sizes = [128, 128], strides = [1, 1]} : vector<130x130xf32> to vector<128x128xf32>
    %slice3A_74 = vector.extract_strided_slice %get3A_28 {offsets = [1, 1], sizes = [128, 128], strides = [1, 1]} : vector<130x130xf32> to vector<128x128xf32>
    %slice3A_75 = vector.extract_strided_slice %get3A_28 {offsets = [1, 2], sizes = [128, 128], strides = [1, 1]} : vector<130x130xf32> to vector<128x128xf32>
    %slice3A_76 = vector.extract_strided_slice %get3A_28 {offsets = [2, 0], sizes = [128, 128], strides = [1, 1]} : vector<130x130xf32> to vector<128x128xf32>
    %slice3A_77 = vector.extract_strided_slice %get3A_28 {offsets = [2, 1], sizes = [128, 128], strides = [1, 1]} : vector<130x130xf32> to vector<128x128xf32>
    %slice3A_78 = vector.extract_strided_slice %get3A_28 {offsets = [2, 2], sizes = [128, 128], strides = [1, 1]} : vector<130x130xf32> to vector<128x128xf32>
    %slice3A_79 = vector.extract_strided_slice %get3A_34 {offsets = [0, 0], sizes = [128, 128], strides = [1, 1]} : vector<130x130xf32> to vector<128x128xf32>
    %slice3A_80 = vector.extract_strided_slice %get3A_34 {offsets = [0, 1], sizes = [128, 128], strides = [1, 1]} : vector<130x130xf32> to vector<128x128xf32>
    %slice3A_81 = vector.extract_strided_slice %get3A_34 {offsets = [0, 2], sizes = [128, 128], strides = [1, 1]} : vector<130x130xf32> to vector<128x128xf32>
    %slice3A_82 = vector.extract_strided_slice %get3A_34 {offsets = [1, 0], sizes = [128, 128], strides = [1, 1]} : vector<130x130xf32> to vector<128x128xf32>
    %slice3A_83 = vector.extract_strided_slice %get3A_34 {offsets = [1, 1], sizes = [128, 128], strides = [1, 1]} : vector<130x130xf32> to vector<128x128xf32>
    %slice3A_84 = vector.extract_strided_slice %get3A_34 {offsets = [1, 2], sizes = [128, 128], strides = [1, 1]} : vector<130x130xf32> to vector<128x128xf32>
    %slice3A_85 = vector.extract_strided_slice %get3A_34 {offsets = [2, 0], sizes = [128, 128], strides = [1, 1]} : vector<130x130xf32> to vector<128x128xf32>
    %slice3A_86 = vector.extract_strided_slice %get3A_34 {offsets = [2, 1], sizes = [128, 128], strides = [1, 1]} : vector<130x130xf32> to vector<128x128xf32>
    %slice3A_87 = vector.extract_strided_slice %get3A_34 {offsets = [2, 2], sizes = [128, 128], strides = [1, 1]} : vector<130x130xf32> to vector<128x128xf32>
    %broadcast_in_dim3A = arith.constant 0.000000e+00 : f32
    %broadcast_in_dim3A_88 = vector.broadcast %broadcast_in_dim3A : f32 to vector<128x128xf32>
    %get3A_89 = arith.constant 0 : index
    %get3A_90 = memref.load %arg1[%get3A_89] : memref<864xf32, #tpu.memory_space<smem>>
    %mul3A = vector.broadcast %get3A_90 : f32 to vector<128x128xf32>
    %mul3A_91 = arith.mulf %slice3A, %mul3A : vector<128x128xf32>
    %add3A = arith.addf %broadcast_in_dim3A_88, %mul3A_91 : vector<128x128xf32>
    %get3A_92 = arith.constant 16 : index
    %get3A_93 = memref.load %arg1[%get3A_92] : memref<864xf32, #tpu.memory_space<smem>>
    %mul3A_94 = vector.broadcast %get3A_93 : f32 to vector<128x128xf32>
    %mul3A_95 = arith.mulf %slice3A_43, %mul3A_94 : vector<128x128xf32>
    %add3A_96 = arith.addf %add3A, %mul3A_95 : vector<128x128xf32>
    %get3A_97 = arith.constant 32 : index
    %get3A_98 = memref.load %arg1[%get3A_97] : memref<864xf32, #tpu.memory_space<smem>>
    %mul3A_99 = vector.broadcast %get3A_98 : f32 to vector<128x128xf32>
    %mul3A_100 = arith.mulf %slice3A_35, %mul3A_99 : vector<128x128xf32>
    %add3A_101 = arith.addf %add3A_96, %mul3A_100 : vector<128x128xf32>
    %get3A_102 = arith.constant 48 : index
    %get3A_103 = memref.load %arg1[%get3A_102] : memref<864xf32, #tpu.memory_space<smem>>
    %mul3A_104 = vector.broadcast %get3A_103 : f32 to vector<128x128xf32>
    %mul3A_105 = arith.mulf %slice3A_44, %mul3A_104 : vector<128x128xf32>
    %add3A_106 = arith.addf %add3A_101, %mul3A_105 : vector<128x128xf32>
    %get3A_107 = arith.constant 64 : index
    %get3A_108 = memref.load %arg1[%get3A_107] : memref<864xf32, #tpu.memory_space<smem>>
    %mul3A_109 = vector.broadcast %get3A_108 : f32 to vector<128x128xf32>
    %mul3A_110 = arith.mulf %slice3A_36, %mul3A_109 : vector<128x128xf32>
    %add3A_111 = arith.addf %add3A_106, %mul3A_110 : vector<128x128xf32>
    %get3A_112 = arith.constant 80 : index
    %get3A_113 = memref.load %arg1[%get3A_112] : memref<864xf32, #tpu.memory_space<smem>>
    %mul3A_114 = vector.broadcast %get3A_113 : f32 to vector<128x128xf32>
    %mul3A_115 = arith.mulf %slice3A_45, %mul3A_114 : vector<128x128xf32>
    %add3A_116 = arith.addf %add3A_111, %mul3A_115 : vector<128x128xf32>
    %get3A_117 = arith.constant 96 : index
    %get3A_118 = memref.load %arg1[%get3A_117] : memref<864xf32, #tpu.memory_space<smem>>
    %mul3A_119 = vector.broadcast %get3A_118 : f32 to vector<128x128xf32>
    %mul3A_120 = arith.mulf %slice3A_37, %mul3A_119 : vector<128x128xf32>
    %add3A_121 = arith.addf %add3A_116, %mul3A_120 : vector<128x128xf32>
    %get3A_122 = arith.constant 112 : index
    %get3A_123 = memref.load %arg1[%get3A_122] : memref<864xf32, #tpu.memory_space<smem>>
    %mul3A_124 = vector.broadcast %get3A_123 : f32 to vector<128x128xf32>
    %mul3A_125 = arith.mulf %slice3A_46, %mul3A_124 : vector<128x128xf32>
    %add3A_126 = arith.addf %add3A_121, %mul3A_125 : vector<128x128xf32>
    %get3A_127 = arith.constant 128 : index
    %get3A_128 = memref.load %arg1[%get3A_127] : memref<864xf32, #tpu.memory_space<smem>>
    %mul3A_129 = vector.broadcast %get3A_128 : f32 to vector<128x128xf32>
    %mul3A_130 = arith.mulf %slice3A_38, %mul3A_129 : vector<128x128xf32>
    %add3A_131 = arith.addf %add3A_126, %mul3A_130 : vector<128x128xf32>
    %get3A_132 = arith.constant 144 : index
    %get3A_133 = memref.load %arg1[%get3A_132] : memref<864xf32, #tpu.memory_space<smem>>
    %mul3A_134 = vector.broadcast %get3A_133 : f32 to vector<128x128xf32>
    %mul3A_135 = arith.mulf %slice3A_47, %mul3A_134 : vector<128x128xf32>
    %add3A_136 = arith.addf %add3A_131, %mul3A_135 : vector<128x128xf32>
    %get3A_137 = arith.constant 160 : index
    %get3A_138 = memref.load %arg1[%get3A_137] : memref<864xf32, #tpu.memory_space<smem>>
    %mul3A_139 = vector.broadcast %get3A_138 : f32 to vector<128x128xf32>
    %mul3A_140 = arith.mulf %slice3A_39, %mul3A_139 : vector<128x128xf32>
    %add3A_141 = arith.addf %add3A_136, %mul3A_140 : vector<128x128xf32>
    %get3A_142 = arith.constant 176 : index
    %get3A_143 = memref.load %arg1[%get3A_142] : memref<864xf32, #tpu.memory_space<smem>>
    %mul3A_144 = vector.broadcast %get3A_143 : f32 to vector<128x128xf32>
    %mul3A_145 = arith.mulf %slice3A_48, %mul3A_144 : vector<128x128xf32>
    %add3A_146 = arith.addf %add3A_141, %mul3A_145 : vector<128x128xf32>
    %get3A_147 = arith.constant 192 : index
    %get3A_148 = memref.load %arg1[%get3A_147] : memref<864xf32, #tpu.memory_space<smem>>
    %mul3A_149 = vector.broadcast %get3A_148 : f32 to vector<128x128xf32>
    %mul3A_150 = arith.mulf %slice3A_40, %mul3A_149 : vector<128x128xf32>
    %add3A_151 = arith.addf %add3A_146, %mul3A_150 : vector<128x128xf32>
    %get3A_152 = arith.constant 208 : index
    %get3A_153 = memref.load %arg1[%get3A_152] : memref<864xf32, #tpu.memory_space<smem>>
    %mul3A_154 = vector.broadcast %get3A_153 : f32 to vector<128x128xf32>
    %mul3A_155 = arith.mulf %slice3A_49, %mul3A_154 : vector<128x128xf32>
    %add3A_156 = arith.addf %add3A_151, %mul3A_155 : vector<128x128xf32>
    %get3A_157 = arith.constant 224 : index
    %get3A_158 = memref.load %arg1[%get3A_157] : memref<864xf32, #tpu.memory_space<smem>>
    %mul3A_159 = vector.broadcast %get3A_158 : f32 to vector<128x128xf32>
    %mul3A_160 = arith.mulf %slice3A_41, %mul3A_159 : vector<128x128xf32>
    %add3A_161 = arith.addf %add3A_156, %mul3A_160 : vector<128x128xf32>
    %get3A_162 = arith.constant 240 : index
    %get3A_163 = memref.load %arg1[%get3A_162] : memref<864xf32, #tpu.memory_space<smem>>
    %mul3A_164 = vector.broadcast %get3A_163 : f32 to vector<128x128xf32>
    %mul3A_165 = arith.mulf %slice3A_50, %mul3A_164 : vector<128x128xf32>
    %add3A_166 = arith.addf %add3A_161, %mul3A_165 : vector<128x128xf32>
    %get3A_167 = arith.constant 256 : index
    %get3A_168 = memref.load %arg1[%get3A_167] : memref<864xf32, #tpu.memory_space<smem>>
    %mul3A_169 = vector.broadcast %get3A_168 : f32 to vector<128x128xf32>
    %mul3A_170 = arith.mulf %slice3A_42, %mul3A_169 : vector<128x128xf32>
    %add3A_171 = arith.addf %add3A_166, %mul3A_170 : vector<128x128xf32>
    %get3A_172 = arith.constant 272 : index
    %get3A_173 = memref.load %arg1[%get3A_172] : memref<864xf32, #tpu.memory_space<smem>>
    %mul3A_174 = vector.broadcast %get3A_173 : f32 to vector<128x128xf32>
    %mul3A_175 = arith.mulf %slice3A_51, %mul3A_174 : vector<128x128xf32>
    %add3A_176 = arith.addf %add3A_171, %mul3A_175 : vector<128x128xf32>
    %get3A_177 = arith.constant 288 : index
    %get3A_178 = memref.load %arg1[%get3A_177] : memref<864xf32, #tpu.memory_space<smem>>
    %mul3A_179 = vector.broadcast %get3A_178 : f32 to vector<128x128xf32>
    %mul3A_180 = arith.mulf %slice3A_52, %mul3A_179 : vector<128x128xf32>
    %add3A_181 = arith.addf %add3A_176, %mul3A_180 : vector<128x128xf32>
    %get3A_182 = arith.constant 304 : index
    %get3A_183 = memref.load %arg1[%get3A_182] : memref<864xf32, #tpu.memory_space<smem>>
    %mul3A_184 = vector.broadcast %get3A_183 : f32 to vector<128x128xf32>
    %mul3A_185 = arith.mulf %slice3A_61, %mul3A_184 : vector<128x128xf32>
    %add3A_186 = arith.addf %add3A_181, %mul3A_185 : vector<128x128xf32>
    %get3A_187 = arith.constant 320 : index
    %get3A_188 = memref.load %arg1[%get3A_187] : memref<864xf32, #tpu.memory_space<smem>>
    %mul3A_189 = vector.broadcast %get3A_188 : f32 to vector<128x128xf32>
    %mul3A_190 = arith.mulf %slice3A_53, %mul3A_189 : vector<128x128xf32>
    %add3A_191 = arith.addf %add3A_186, %mul3A_190 : vector<128x128xf32>
    %get3A_192 = arith.constant 336 : index
    %get3A_193 = memref.load %arg1[%get3A_192] : memref<864xf32, #tpu.memory_space<smem>>
    %mul3A_194 = vector.broadcast %get3A_193 : f32 to vector<128x128xf32>
    %mul3A_195 = arith.mulf %slice3A_62, %mul3A_194 : vector<128x128xf32>
    %add3A_196 = arith.addf %add3A_191, %mul3A_195 : vector<128x128xf32>
    %get3A_197 = arith.constant 352 : index
    %get3A_198 = memref.load %arg1[%get3A_197] : memref<864xf32, #tpu.memory_space<smem>>
    %mul3A_199 = vector.broadcast %get3A_198 : f32 to vector<128x128xf32>
    %mul3A_200 = arith.mulf %slice3A_54, %mul3A_199 : vector<128x128xf32>
    %add3A_201 = arith.addf %add3A_196, %mul3A_200 : vector<128x128xf32>
    %get3A_202 = arith.constant 368 : index
    %get3A_203 = memref.load %arg1[%get3A_202] : memref<864xf32, #tpu.memory_space<smem>>
    %mul3A_204 = vector.broadcast %get3A_203 : f32 to vector<128x128xf32>
    %mul3A_205 = arith.mulf %slice3A_63, %mul3A_204 : vector<128x128xf32>
    %add3A_206 = arith.addf %add3A_201, %mul3A_205 : vector<128x128xf32>
    %get3A_207 = arith.constant 384 : index
    %get3A_208 = memref.load %arg1[%get3A_207] : memref<864xf32, #tpu.memory_space<smem>>
    %mul3A_209 = vector.broadcast %get3A_208 : f32 to vector<128x128xf32>
    %mul3A_210 = arith.mulf %slice3A_55, %mul3A_209 : vector<128x128xf32>
    %add3A_211 = arith.addf %add3A_206, %mul3A_210 : vector<128x128xf32>
    %get3A_212 = arith.constant 400 : index
    %get3A_213 = memref.load %arg1[%get3A_212] : memref<864xf32, #tpu.memory_space<smem>>
    %mul3A_214 = vector.broadcast %get3A_213 : f32 to vector<128x128xf32>
    %mul3A_215 = arith.mulf %slice3A_64, %mul3A_214 : vector<128x128xf32>
    %add3A_216 = arith.addf %add3A_211, %mul3A_215 : vector<128x128xf32>
    %get3A_217 = arith.constant 416 : index
    %get3A_218 = memref.load %arg1[%get3A_217] : memref<864xf32, #tpu.memory_space<smem>>
    %mul3A_219 = vector.broadcast %get3A_218 : f32 to vector<128x128xf32>
    %mul3A_220 = arith.mulf %slice3A_56, %mul3A_219 : vector<128x128xf32>
    %add3A_221 = arith.addf %add3A_216, %mul3A_220 : vector<128x128xf32>
    %get3A_222 = arith.constant 432 : index
    %get3A_223 = memref.load %arg1[%get3A_222] : memref<864xf32, #tpu.memory_space<smem>>
    %mul3A_224 = vector.broadcast %get3A_223 : f32 to vector<128x128xf32>
    %mul3A_225 = arith.mulf %slice3A_65, %mul3A_224 : vector<128x128xf32>
    %add3A_226 = arith.addf %add3A_221, %mul3A_225 : vector<128x128xf32>
    %get3A_227 = arith.constant 448 : index
    %get3A_228 = memref.load %arg1[%get3A_227] : memref<864xf32, #tpu.memory_space<smem>>
    %mul3A_229 = vector.broadcast %get3A_228 : f32 to vector<128x128xf32>
    %mul3A_230 = arith.mulf %slice3A_57, %mul3A_229 : vector<128x128xf32>
    %add3A_231 = arith.addf %add3A_226, %mul3A_230 : vector<128x128xf32>
    %get3A_232 = arith.constant 464 : index
    %get3A_233 = memref.load %arg1[%get3A_232] : memref<864xf32, #tpu.memory_space<smem>>
    %mul3A_234 = vector.broadcast %get3A_233 : f32 to vector<128x128xf32>
    %mul3A_235 = arith.mulf %slice3A_66, %mul3A_234 : vector<128x128xf32>
    %add3A_236 = arith.addf %add3A_231, %mul3A_235 : vector<128x128xf32>
    %get3A_237 = arith.constant 480 : index
    %get3A_238 = memref.load %arg1[%get3A_237] : memref<864xf32, #tpu.memory_space<smem>>
    %mul3A_239 = vector.broadcast %get3A_238 : f32 to vector<128x128xf32>
    %mul3A_240 = arith.mulf %slice3A_58, %mul3A_239 : vector<128x128xf32>
    %add3A_241 = arith.addf %add3A_236, %mul3A_240 : vector<128x128xf32>
    %get3A_242 = arith.constant 496 : index
    %get3A_243 = memref.load %arg1[%get3A_242] : memref<864xf32, #tpu.memory_space<smem>>
    %mul3A_244 = vector.broadcast %get3A_243 : f32 to vector<128x128xf32>
    %mul3A_245 = arith.mulf %slice3A_67, %mul3A_244 : vector<128x128xf32>
    %add3A_246 = arith.addf %add3A_241, %mul3A_245 : vector<128x128xf32>
    %get3A_247 = arith.constant 512 : index
    %get3A_248 = memref.load %arg1[%get3A_247] : memref<864xf32, #tpu.memory_space<smem>>
    %mul3A_249 = vector.broadcast %get3A_248 : f32 to vector<128x128xf32>
    %mul3A_250 = arith.mulf %slice3A_59, %mul3A_249 : vector<128x128xf32>
    %add3A_251 = arith.addf %add3A_246, %mul3A_250 : vector<128x128xf32>
    %get3A_252 = arith.constant 528 : index
    %get3A_253 = memref.load %arg1[%get3A_252] : memref<864xf32, #tpu.memory_space<smem>>
    %mul3A_254 = vector.broadcast %get3A_253 : f32 to vector<128x128xf32>
    %mul3A_255 = arith.mulf %slice3A_68, %mul3A_254 : vector<128x128xf32>
    %add3A_256 = arith.addf %add3A_251, %mul3A_255 : vector<128x128xf32>
    %get3A_257 = arith.constant 544 : index
    %get3A_258 = memref.load %arg1[%get3A_257] : memref<864xf32, #tpu.memory_space<smem>>
    %mul3A_259 = vector.broadcast %get3A_258 : f32 to vector<128x128xf32>
    %mul3A_260 = arith.mulf %slice3A_60, %mul3A_259 : vector<128x128xf32>
    %add3A_261 = arith.addf %add3A_256, %mul3A_260 : vector<128x128xf32>
    %get3A_262 = arith.constant 560 : index
    %get3A_263 = memref.load %arg1[%get3A_262] : memref<864xf32, #tpu.memory_space<smem>>
    %mul3A_264 = vector.broadcast %get3A_263 : f32 to vector<128x128xf32>
    %mul3A_265 = arith.mulf %slice3A_69, %mul3A_264 : vector<128x128xf32>
    %add3A_266 = arith.addf %add3A_261, %mul3A_265 : vector<128x128xf32>
    %get3A_267 = arith.constant 576 : index
    %get3A_268 = memref.load %arg1[%get3A_267] : memref<864xf32, #tpu.memory_space<smem>>
    %mul3A_269 = vector.broadcast %get3A_268 : f32 to vector<128x128xf32>
    %mul3A_270 = arith.mulf %slice3A_70, %mul3A_269 : vector<128x128xf32>
    %add3A_271 = arith.addf %add3A_266, %mul3A_270 : vector<128x128xf32>
    %get3A_272 = arith.constant 592 : index
    %get3A_273 = memref.load %arg1[%get3A_272] : memref<864xf32, #tpu.memory_space<smem>>
    %mul3A_274 = vector.broadcast %get3A_273 : f32 to vector<128x128xf32>
    %mul3A_275 = arith.mulf %slice3A_79, %mul3A_274 : vector<128x128xf32>
    %add3A_276 = arith.addf %add3A_271, %mul3A_275 : vector<128x128xf32>
    %get3A_277 = arith.constant 608 : index
    %get3A_278 = memref.load %arg1[%get3A_277] : memref<864xf32, #tpu.memory_space<smem>>
    %mul3A_279 = vector.broadcast %get3A_278 : f32 to vector<128x128xf32>
    %mul3A_280 = arith.mulf %slice3A_71, %mul3A_279 : vector<128x128xf32>
    %add3A_281 = arith.addf %add3A_276, %mul3A_280 : vector<128x128xf32>
    %get3A_282 = arith.constant 624 : index
    %get3A_283 = memref.load %arg1[%get3A_282] : memref<864xf32, #tpu.memory_space<smem>>
    %mul3A_284 = vector.broadcast %get3A_283 : f32 to vector<128x128xf32>
    %mul3A_285 = arith.mulf %slice3A_80, %mul3A_284 : vector<128x128xf32>
    %add3A_286 = arith.addf %add3A_281, %mul3A_285 : vector<128x128xf32>
    %get3A_287 = arith.constant 640 : index
    %get3A_288 = memref.load %arg1[%get3A_287] : memref<864xf32, #tpu.memory_space<smem>>
    %mul3A_289 = vector.broadcast %get3A_288 : f32 to vector<128x128xf32>
    %mul3A_290 = arith.mulf %slice3A_72, %mul3A_289 : vector<128x128xf32>
    %add3A_291 = arith.addf %add3A_286, %mul3A_290 : vector<128x128xf32>
    %get3A_292 = arith.constant 656 : index
    %get3A_293 = memref.load %arg1[%get3A_292] : memref<864xf32, #tpu.memory_space<smem>>
    %mul3A_294 = vector.broadcast %get3A_293 : f32 to vector<128x128xf32>
    %mul3A_295 = arith.mulf %slice3A_81, %mul3A_294 : vector<128x128xf32>
    %add3A_296 = arith.addf %add3A_291, %mul3A_295 : vector<128x128xf32>
    %get3A_297 = arith.constant 672 : index
    %get3A_298 = memref.load %arg1[%get3A_297] : memref<864xf32, #tpu.memory_space<smem>>
    %mul3A_299 = vector.broadcast %get3A_298 : f32 to vector<128x128xf32>
    %mul3A_300 = arith.mulf %slice3A_73, %mul3A_299 : vector<128x128xf32>
    %add3A_301 = arith.addf %add3A_296, %mul3A_300 : vector<128x128xf32>
    %get3A_302 = arith.constant 688 : index
    %get3A_303 = memref.load %arg1[%get3A_302] : memref<864xf32, #tpu.memory_space<smem>>
    %mul3A_304 = vector.broadcast %get3A_303 : f32 to vector<128x128xf32>
    %mul3A_305 = arith.mulf %slice3A_82, %mul3A_304 : vector<128x128xf32>
    %add3A_306 = arith.addf %add3A_301, %mul3A_305 : vector<128x128xf32>
    %get3A_307 = arith.constant 704 : index
    %get3A_308 = memref.load %arg1[%get3A_307] : memref<864xf32, #tpu.memory_space<smem>>
    %mul3A_309 = vector.broadcast %get3A_308 : f32 to vector<128x128xf32>
    %mul3A_310 = arith.mulf %slice3A_74, %mul3A_309 : vector<128x128xf32>
    %add3A_311 = arith.addf %add3A_306, %mul3A_310 : vector<128x128xf32>
    %get3A_312 = arith.constant 720 : index
    %get3A_313 = memref.load %arg1[%get3A_312] : memref<864xf32, #tpu.memory_space<smem>>
    %mul3A_314 = vector.broadcast %get3A_313 : f32 to vector<128x128xf32>
    %mul3A_315 = arith.mulf %slice3A_83, %mul3A_314 : vector<128x128xf32>
    %add3A_316 = arith.addf %add3A_311, %mul3A_315 : vector<128x128xf32>
    %get3A_317 = arith.constant 736 : index
    %get3A_318 = memref.load %arg1[%get3A_317] : memref<864xf32, #tpu.memory_space<smem>>
    %mul3A_319 = vector.broadcast %get3A_318 : f32 to vector<128x128xf32>
    %mul3A_320 = arith.mulf %slice3A_75, %mul3A_319 : vector<128x128xf32>
    %add3A_321 = arith.addf %add3A_316, %mul3A_320 : vector<128x128xf32>
    %get3A_322 = arith.constant 752 : index
    %get3A_323 = memref.load %arg1[%get3A_322] : memref<864xf32, #tpu.memory_space<smem>>
    %mul3A_324 = vector.broadcast %get3A_323 : f32 to vector<128x128xf32>
    %mul3A_325 = arith.mulf %slice3A_84, %mul3A_324 : vector<128x128xf32>
    %add3A_326 = arith.addf %add3A_321, %mul3A_325 : vector<128x128xf32>
    %get3A_327 = arith.constant 768 : index
    %get3A_328 = memref.load %arg1[%get3A_327] : memref<864xf32, #tpu.memory_space<smem>>
    %mul3A_329 = vector.broadcast %get3A_328 : f32 to vector<128x128xf32>
    %mul3A_330 = arith.mulf %slice3A_76, %mul3A_329 : vector<128x128xf32>
    %add3A_331 = arith.addf %add3A_326, %mul3A_330 : vector<128x128xf32>
    %get3A_332 = arith.constant 784 : index
    %get3A_333 = memref.load %arg1[%get3A_332] : memref<864xf32, #tpu.memory_space<smem>>
    %mul3A_334 = vector.broadcast %get3A_333 : f32 to vector<128x128xf32>
    %mul3A_335 = arith.mulf %slice3A_85, %mul3A_334 : vector<128x128xf32>
    %add3A_336 = arith.addf %add3A_331, %mul3A_335 : vector<128x128xf32>
    %get3A_337 = arith.constant 800 : index
    %get3A_338 = memref.load %arg1[%get3A_337] : memref<864xf32, #tpu.memory_space<smem>>
    %mul3A_339 = vector.broadcast %get3A_338 : f32 to vector<128x128xf32>
    %mul3A_340 = arith.mulf %slice3A_77, %mul3A_339 : vector<128x128xf32>
    %add3A_341 = arith.addf %add3A_336, %mul3A_340 : vector<128x128xf32>
    %get3A_342 = arith.constant 816 : index
    %get3A_343 = memref.load %arg1[%get3A_342] : memref<864xf32, #tpu.memory_space<smem>>
    %mul3A_344 = vector.broadcast %get3A_343 : f32 to vector<128x128xf32>
    %mul3A_345 = arith.mulf %slice3A_86, %mul3A_344 : vector<128x128xf32>
    %add3A_346 = arith.addf %add3A_341, %mul3A_345 : vector<128x128xf32>
    %get3A_347 = arith.constant 832 : index
    %get3A_348 = memref.load %arg1[%get3A_347] : memref<864xf32, #tpu.memory_space<smem>>
    %mul3A_349 = vector.broadcast %get3A_348 : f32 to vector<128x128xf32>
    %mul3A_350 = arith.mulf %slice3A_78, %mul3A_349 : vector<128x128xf32>
    %add3A_351 = arith.addf %add3A_346, %mul3A_350 : vector<128x128xf32>
    %get3A_352 = arith.constant 848 : index
    %get3A_353 = memref.load %arg1[%get3A_352] : memref<864xf32, #tpu.memory_space<smem>>
    %mul3A_354 = vector.broadcast %get3A_353 : f32 to vector<128x128xf32>
    %mul3A_355 = arith.mulf %slice3A_87, %mul3A_354 : vector<128x128xf32>
    %add3A_356 = arith.addf %add3A_351, %mul3A_355 : vector<128x128xf32>
    %swap3A = arith.constant 0 : index
    %swap3A_357 = arith.constant 0 : index
    %swap3A_358 = arith.constant 0 : index
    %swap3A_359 = arith.constant 0 : index
    %swap3A_360 = vector.load %arg5[%swap3A, %swap3A_357, %swap3A_358, %swap3A_359] : memref<1x16x128x128xf32, #tpu.memory_space<vmem>>, vector<1x1x128x128xf32>
    %swap3A_361 = vector.shape_cast %swap3A_360 : vector<1x1x128x128xf32> to vector<128x128xf32>
    %swap3A_362 = vector.shape_cast %add3A_356 : vector<128x128xf32> to vector<1x1x128x128xf32>
    tpu.vector_store %arg5[%swap3A, %swap3A_357, %swap3A_358, %swap3A_359], %swap3A_362 {strides = array<i32>} : memref<1x16x128x128xf32, #tpu.memory_space<vmem>>, vector<1x1x128x128xf32>,
    %broadcast_in_dim3A_363 = arith.constant 0.000000e+00 : f32
    %broadcast_in_dim3A_364 = vector.broadcast %broadcast_in_dim3A_363 : f32 to vector<128x128xf32>
    %get3A_365 = arith.constant 1 : index
    %get3A_366 = memref.load %arg1[%get3A_365] : memref<864xf32, #tpu.memory_space<smem>>
    %mul3A_367 = vector.broadcast %get3A_366 : f32 to vector<128x128xf32>
    %mul3A_368 = arith.mulf %slice3A, %mul3A_367 : vector<128x128xf32>
    %add3A_369 = arith.addf %broadcast_in_dim3A_364, %mul3A_368 : vector<128x128xf32>
    %get3A_370 = arith.constant 17 : index
    %get3A_371 = memref.load %arg1[%get3A_370] : memref<864xf32, #tpu.memory_space<smem>>
    %mul3A_372 = vector.broadcast %get3A_371 : f32 to vector<128x128xf32>
    %mul3A_373 = arith.mulf %slice3A_43, %mul3A_372 : vector<128x128xf32>
    %add3A_374 = arith.addf %add3A_369, %mul3A_373 : vector<128x128xf32>
    %get3A_375 = arith.constant 33 : index
    %get3A_376 = memref.load %arg1[%get3A_375] : memref<864xf32, #tpu.memory_space<smem>>
    %mul3A_377 = vector.broadcast %get3A_376 : f32 to vector<128x128xf32>
    %mul3A_378 = arith.mulf %slice3A_35, %mul3A_377 : vector<128x128xf32>
    %add3A_379 = arith.addf %add3A_374, %mul3A_378 : vector<128x128xf32>
    %get3A_380 = arith.constant 49 : index
    %get3A_381 = memref.load %arg1[%get3A_380] : memref<864xf32, #tpu.memory_space<smem>>
    %mul3A_382 = vector.broadcast %get3A_381 : f32 to vector<128x128xf32>
    %mul3A_383 = arith.mulf %slice3A_44, %mul3A_382 : vector<128x128xf32>
    %add3A_384 = arith.addf %add3A_379, %mul3A_383 : vector<128x128xf32>
    %get3A_385 = arith.constant 65 : index
    %get3A_386 = memref.load %arg1[%get3A_385] : memref<864xf32, #tpu.memory_space<smem>>
    %mul3A_387 = vector.broadcast %get3A_386 : f32 to vector<128x128xf32>
    %mul3A_388 = arith.mulf %slice3A_36, %mul3A_387 : vector<128x128xf32>
    %add3A_389 = arith.addf %add3A_384, %mul3A_388 : vector<128x128xf32>
    %get3A_390 = arith.constant 81 : index
    %get3A_391 = memref.load %arg1[%get3A_390] : memref<864xf32, #tpu.memory_space<smem>>
    %mul3A_392 = vector.broadcast %get3A_391 : f32 to vector<128x128xf32>
    %mul3A_393 = arith.mulf %slice3A_45, %mul3A_392 : vector<128x128xf32>
    %add3A_394 = arith.addf %add3A_389, %mul3A_393 : vector<128x128xf32>
    %get3A_395 = arith.constant 97 : index
    %get3A_396 = memref.load %arg1[%get3A_395] : memref<864xf32, #tpu.memory_space<smem>>
    %mul3A_397 = vector.broadcast %get3A_396 : f32 to vector<128x128xf32>
    %mul3A_398 = arith.mulf %slice3A_37, %mul3A_397 : vector<128x128xf32>
    %add3A_399 = arith.addf %add3A_394, %mul3A_398 : vector<128x128xf32>
    %get3A_400 = arith.constant 113 : index
    %get3A_401 = memref.load %arg1[%get3A_400] : memref<864xf32, #tpu.memory_space<smem>>
    %mul3A_402 = vector.broadcast %get3A_401 : f32 to vector<128x128xf32>
    %mul3A_403 = arith.mulf %slice3A_46, %mul3A_402 : vector<128x128xf32>
    %add3A_404 = arith.addf %add3A_399, %mul3A_403 : vector<128x128xf32>
    %get3A_405 = arith.constant 129 : index
    %get3A_406 = memref.load %arg1[%get3A_405] : memref<864xf32, #tpu.memory_space<smem>>
    %mul3A_407 = vector.broadcast %get3A_406 : f32 to vector<128x128xf32>
    %mul3A_408 = arith.mulf %slice3A_38, %mul3A_407 : vector<128x128xf32>
    %add3A_409 = arith.addf %add3A_404, %mul3A_408 : vector<128x128xf32>
    %get3A_410 = arith.constant 145 : index
    %get3A_411 = memref.load %arg1[%get3A_410] : memref<864xf32, #tpu.memory_space<smem>>
    %mul3A_412 = vector.broadcast %get3A_411 : f32 to vector<128x128xf32>
    %mul3A_413 = arith.mulf %slice3A_47, %mul3A_412 : vector<128x128xf32>
    %add3A_414 = arith.addf %add3A_409, %mul3A_413 : vector<128x128xf32>
    %get3A_415 = arith.constant 161 : index
    %get3A_416 = memref.load %arg1[%get3A_415] : memref<864xf32, #tpu.memory_space<smem>>
    %mul3A_417 = vector.broadcast %get3A_416 : f32 to vector<128x128xf32>
    %mul3A_418 = arith.mulf %slice3A_39, %mul3A_417 : vector<128x128xf32>
    %add3A_419 = arith.addf %add3A_414, %mul3A_418 : vector<128x128xf32>
    %get3A_420 = arith.constant 177 : index
    %get3A_421 = memref.load %arg1[%get3A_420] : memref<864xf32, #tpu.memory_space<smem>>
    %mul3A_422 = vector.broadcast %get3A_421 : f32 to vector<128x128xf32>
    %mul3A_423 = arith.mulf %slice3A_48, %mul3A_422 : vector<128x128xf32>
    %add3A_424 = arith.addf %add3A_419, %mul3A_423 : vector<128x128xf32>
    %get3A_425 = arith.constant 193 : index
    %get3A_426 = memref.load %arg1[%get3A_425] : memref<864xf32, #tpu.memory_space<smem>>
    %mul3A_427 = vector.broadcast %get3A_426 : f32 to vector<128x128xf32>
    %mul3A_428 = arith.mulf %slice3A_40, %mul3A_427 : vector<128x128xf32>
    %add3A_429 = arith.addf %add3A_424, %mul3A_428 : vector<128x128xf32>
    %get3A_430 = arith.constant 209 : index
    %get3A_431 = memref.load %arg1[%get3A_430] : memref<864xf32, #tpu.memory_space<smem>>
    %mul3A_432 = vector.broadcast %get3A_431 : f32 to vector<128x128xf32>
    %mul3A_433 = arith.mulf %slice3A_49, %mul3A_432 : vector<128x128xf32>
    %add3A_434 = arith.addf %add3A_429, %mul3A_433 : vector<128x128xf32>
    %get3A_435 = arith.constant 225 : index
    %get3A_436 = memref.load %arg1[%get3A_435] : memref<864xf32, #tpu.memory_space<smem>>
    %mul3A_437 = vector.broadcast %get3A_436 : f32 to vector<128x128xf32>
    %mul3A_438 = arith.mulf %slice3A_41, %mul3A_437 : vector<128x128xf32>
    %add3A_439 = arith.addf %add3A_434, %mul3A_438 : vector<128x128xf32>
    %get3A_440 = arith.constant 241 : index
    %get3A_441 = memref.load %arg1[%get3A_440] : memref<864xf32, #tpu.memory_space<smem>>
    %mul3A_442 = vector.broadcast %get3A_441 : f32 to vector<128x128xf32>
    %mul3A_443 = arith.mulf %slice3A_50, %mul3A_442 : vector<128x128xf32>
    %add3A_444 = arith.addf %add3A_439, %mul3A_443 : vector<128x128xf32>
    %get3A_445 = arith.constant 257 : index
    %get3A_446 = memref.load %arg1[%get3A_445] : memref<864xf32, #tpu.memory_space<smem>>
    %mul3A_447 = vector.broadcast %get3A_446 : f32 to vector<128x128xf32>
    %mul3A_448 = arith.mulf %slice3A_42, %mul3A_447 : vector<128x128xf32>
    %add3A_449 = arith.addf %add3A_444, %mul3A_448 : vector<128x128xf32>
    %get3A_450 = arith.constant 273 : index
    %get3A_451 = memref.load %arg1[%get3A_450] : memref<864xf32, #tpu.memory_space<smem>>
    %mul3A_452 = vector.broadcast %get3A_451 : f32 to vector<128x128xf32>
    %mul3A_453 = arith.mulf %slice3A_51, %mul3A_452 : vector<128x128xf32>
    %add3A_454 = arith.addf %add3A_449, %mul3A_453 : vector<128x128xf32>
    %get3A_455 = arith.constant 289 : index
    %get3A_456 = memref.load %arg1[%get3A_455] : memref<864xf32, #tpu.memory_space<smem>>
    %mul3A_457 = vector.broadcast %get3A_456 : f32 to vector<128x128xf32>
    %mul3A_458 = arith.mulf %slice3A_52, %mul3A_457 : vector<128x128xf32>
    %add3A_459 = arith.addf %add3A_454, %mul3A_458 : vector<128x128xf32>
    %get3A_460 = arith.constant 305 : index
    %get3A_461 = memref.load %arg1[%get3A_460] : memref<864xf32, #tpu.memory_space<smem>>
    %mul3A_462 = vector.broadcast %get3A_461 : f32 to vector<128x128xf32>
    %mul3A_463 = arith.mulf %slice3A_61, %mul3A_462 : vector<128x128xf32>
    %add3A_464 = arith.addf %add3A_459, %mul3A_463 : vector<128x128xf32>
    %get3A_465 = arith.constant 321 : index
    %get3A_466 = memref.load %arg1[%get3A_465] : memref<864xf32, #tpu.memory_space<smem>>
    %mul3A_467 = vector.broadcast %get3A_466 : f32 to vector<128x128xf32>
    %mul3A_468 = arith.mulf %slice3A_53, %mul3A_467 : vector<128x128xf32>
    %add3A_469 = arith.addf %add3A_464, %mul3A_468 : vector<128x128xf32>
    %get3A_470 = arith.constant 337 : index
    %get3A_471 = memref.load %arg1[%get3A_470] : memref<864xf32, #tpu.memory_space<smem>>
    %mul3A_472 = vector.broadcast %get3A_471 : f32 to vector<128x128xf32>
    %mul3A_473 = arith.mulf %slice3A_62, %mul3A_472 : vector<128x128xf32>
    %add3A_474 = arith.addf %add3A_469, %mul3A_473 : vector<128x128xf32>
    %get3A_475 = arith.constant 353 : index
    %get3A_476 = memref.load %arg1[%get3A_475] : memref<864xf32, #tpu.memory_space<smem>>
    %mul3A_477 = vector.broadcast %get3A_476 : f32 to vector<128x128xf32>
    %mul3A_478 = arith.mulf %slice3A_54, %mul3A_477 : vector<128x128xf32>
    %add3A_479 = arith.addf %add3A_474, %mul3A_478 : vector<128x128xf32>
    %get3A_480 = arith.constant 369 : index
    %get3A_481 = memref.load %arg1[%get3A_480] : memref<864xf32, #tpu.memory_space<smem>>
    %mul3A_482 = vector.broadcast %get3A_481 : f32 to vector<128x128xf32>
    %mul3A_483 = arith.mulf %slice3A_63, %mul3A_482 : vector<128x128xf32>
    %add3A_484 = arith.addf %add3A_479, %mul3A_483 : vector<128x128xf32>
    %get3A_485 = arith.constant 385 : index
    %get3A_486 = memref.load %arg1[%get3A_485] : memref<864xf32, #tpu.memory_space<smem>>
    %mul3A_487 = vector.broadcast %get3A_486 : f32 to vector<128x128xf32>
    %mul3A_488 = arith.mulf %slice3A_55, %mul3A_487 : vector<128x128xf32>
    %add3A_489 = arith.addf %add3A_484, %mul3A_488 : vector<128x128xf32>
    %get3A_490 = arith.constant 401 : index
    %get3A_491 = memref.load %arg1[%get3A_490] : memref<864xf32, #tpu.memory_space<smem>>
    %mul3A_492 = vector.broadcast %get3A_491 : f32 to vector<128x128xf32>
    %mul3A_493 = arith.mulf %slice3A_64, %mul3A_492 : vector<128x128xf32>
    %add3A_494 = arith.addf %add3A_489, %mul3A_493 : vector<128x128xf32>
    %get3A_495 = arith.constant 417 : index
    %get3A_496 = memref.load %arg1[%get3A_495] : memref<864xf32, #tpu.memory_space<smem>>
    %mul3A_497 = vector.broadcast %get3A_496 : f32 to vector<128x128xf32>
    %mul3A_498 = arith.mulf %slice3A_56, %mul3A_497 : vector<128x128xf32>
    %add3A_499 = arith.addf %add3A_494, %mul3A_498 : vector<128x128xf32>
    %get3A_500 = arith.constant 433 : index
    %get3A_501 = memref.load %arg1[%get3A_500] : memref<864xf32, #tpu.memory_space<smem>>
    %mul3A_502 = vector.broadcast %get3A_501 : f32 to vector<128x128xf32>
    %mul3A_503 = arith.mulf %slice3A_65, %mul3A_502 : vector<128x128xf32>
    %add3A_504 = arith.addf %add3A_499, %mul3A_503 : vector<128x128xf32>
    %get3A_505 = arith.constant 449 : index
    %get3A_506 = memref.load %arg1[%get3A_505] : memref<864xf32, #tpu.memory_space<smem>>
    %mul3A_507 = vector.broadcast %get3A_506 : f32 to vector<128x128xf32>
    %mul3A_508 = arith.mulf %slice3A_57, %mul3A_507 : vector<128x128xf32>
    %add3A_509 = arith.addf %add3A_504, %mul3A_508 : vector<128x128xf32>
    %get3A_510 = arith.constant 465 : index
    %get3A_511 = memref.load %arg1[%get3A_510] : memref<864xf32, #tpu.memory_space<smem>>
    %mul3A_512 = vector.broadcast %get3A_511 : f32 to vector<128x128xf32>
    %mul3A_513 = arith.mulf %slice3A_66, %mul3A_512 : vector<128x128xf32>
    %add3A_514 = arith.addf %add3A_509, %mul3A_513 : vector<128x128xf32>
    %get3A_515 = arith.constant 481 : index
    %get3A_516 = memref.load %arg1[%get3A_515] : memref<864xf32, #tpu.memory_space<smem>>
    %mul3A_517 = vector.broadcast %get3A_516 : f32 to vector<128x128xf32>
    %mul3A_518 = arith.mulf %slice3A_58, %mul3A_517 : vector<128x128xf32>
    %add3A_519 = arith.addf %add3A_514, %mul3A_518 : vector<128x128xf32>
    %get3A_520 = arith.constant 497 : index
    %get3A_521 = memref.load %arg1[%get3A_520] : memref<864xf32, #tpu.memory_space<smem>>
    %mul3A_522 = vector.broadcast %get3A_521 : f32 to vector<128x128xf32>
    %mul3A_523 = arith.mulf %slice3A_67, %mul3A_522 : vector<128x128xf32>
    %add3A_524 = arith.addf %add3A_519, %mul3A_523 : vector<128x128xf32>
    %get3A_525 = arith.constant 513 : index
    %get3A_526 = memref.load %arg1[%get3A_525] : memref<864xf32, #tpu.memory_space<smem>>
    %mul3A_527 = vector.broadcast %get3A_526 : f32 to vector<128x128xf32>
    %mul3A_528 = arith.mulf %slice3A_59, %mul3A_527 : vector<128x128xf32>
    %add3A_529 = arith.addf %add3A_524, %mul3A_528 : vector<128x128xf32>
    %get3A_530 = arith.constant 529 : index
    %get3A_531 = memref.load %arg1[%get3A_530] : memref<864xf32, #tpu.memory_space<smem>>
    %mul3A_532 = vector.broadcast %get3A_531 : f32 to vector<128x128xf32>
    %mul3A_533 = arith.mulf %slice3A_68, %mul3A_532 : vector<128x128xf32>
    %add3A_534 = arith.addf %add3A_529, %mul3A_533 : vector<128x128xf32>
    %get3A_535 = arith.constant 545 : index
    %get3A_536 = memref.load %arg1[%get3A_535] : memref<864xf32, #tpu.memory_space<smem>>
    %mul3A_537 = vector.broadcast %get3A_536 : f32 to vector<128x128xf32>
    %mul3A_538 = arith.mulf %slice3A_60, %mul3A_537 : vector<128x128xf32>
    %add3A_539 = arith.addf %add3A_534, %mul3A_538 : vector<128x128xf32>
    %get3A_540 = arith.constant 561 : index
    %get3A_541 = memref.load %arg1[%get3A_540] : memref<864xf32, #tpu.memory_space<smem>>
    %mul3A_542 = vector.broadcast %get3A_541 : f32 to vector<128x128xf32>
    %mul3A_543 = arith.mulf %slice3A_69, %mul3A_542 : vector<128x128xf32>
    %add3A_544 = arith.addf %add3A_539, %mul3A_543 : vector<128x128xf32>
    %get3A_545 = arith.constant 577 : index
    %get3A_546 = memref.load %arg1[%get3A_545] : memref<864xf32, #tpu.memory_space<smem>>
    %mul3A_547 = vector.broadcast %get3A_546 : f32 to vector<128x128xf32>
    %mul3A_548 = arith.mulf %slice3A_70, %mul3A_547 : vector<128x128xf32>
    %add3A_549 = arith.addf %add3A_544, %mul3A_548 : vector<128x128xf32>
    %get3A_550 = arith.constant 593 : index
    %get3A_551 = memref.load %arg1[%get3A_550] : memref<864xf32, #tpu.memory_space<smem>>
    %mul3A_552 = vector.broadcast %get3A_551 : f32 to vector<128x128xf32>
    %mul3A_553 = arith.mulf %slice3A_79, %mul3A_552 : vector<128x128xf32>
    %add3A_554 = arith.addf %add3A_549, %mul3A_553 : vector<128x128xf32>
    %get3A_555 = arith.constant 609 : index
    %get3A_556 = memref.load %arg1[%get3A_555] : memref<864xf32, #tpu.memory_space<smem>>
    %mul3A_557 = vector.broadcast %get3A_556 : f32 to vector<128x128xf32>
    %mul3A_558 = arith.mulf %slice3A_71, %mul3A_557 : vector<128x128xf32>
    %add3A_559 = arith.addf %add3A_554, %mul3A_558 : vector<128x128xf32>
    %get3A_560 = arith.constant 625 : index
    %get3A_561 = memref.load %arg1[%get3A_560] : memref<864xf32, #tpu.memory_space<smem>>
    %mul3A_562 = vector.broadcast %get3A_561 : f32 to vector<128x128xf32>
    %mul3A_563 = arith.mulf %slice3A_80, %mul3A_562 : vector<128x128xf32>
    %add3A_564 = arith.addf %add3A_559, %mul3A_563 : vector<128x128xf32>
    %get3A_565 = arith.constant 641 : index
    %get3A_566 = memref.load %arg1[%get3A_565] : memref<864xf32, #tpu.memory_space<smem>>
    %mul3A_567 = vector.broadcast %get3A_566 : f32 to vector<128x128xf32>
    %mul3A_568 = arith.mulf %slice3A_72, %mul3A_567 : vector<128x128xf32>
    %add3A_569 = arith.addf %add3A_564, %mul3A_568 : vector<128x128xf32>
    %get3A_570 = arith.constant 657 : index
    %get3A_571 = memref.load %arg1[%get3A_570] : memref<864xf32, #tpu.memory_space<smem>>
    %mul3A_572 = vector.broadcast %get3A_571 : f32 to vector<128x128xf32>
    %mul3A_573 = arith.mulf %slice3A_81, %mul3A_572 : vector<128x128xf32>
    %add3A_574 = arith.addf %add3A_569, %mul3A_573 : vector<128x128xf32>
    %get3A_575 = arith.constant 673 : index
    %get3A_576 = memref.load %arg1[%get3A_575] : memref<864xf32, #tpu.memory_space<smem>>
    %mul3A_577 = vector.broadcast %get3A_576 : f32 to vector<128x128xf32>
    %mul3A_578 = arith.mulf %slice3A_73, %mul3A_577 : vector<128x128xf32>
    %add3A_579 = arith.addf %add3A_574, %mul3A_578 : vector<128x128xf32>
    %get3A_580 = arith.constant 689 : index
    %get3A_581 = memref.load %arg1[%get3A_580] : memref<864xf32, #tpu.memory_space<smem>>
    %mul3A_582 = vector.broadcast %get3A_581 : f32 to vector<128x128xf32>
    %mul3A_583 = arith.mulf %slice3A_82, %mul3A_582 : vector<128x128xf32>
    %add3A_584 = arith.addf %add3A_579, %mul3A_583 : vector<128x128xf32>
    %get3A_585 = arith.constant 705 : index
    %get3A_586 = memref.load %arg1[%get3A_585] : memref<864xf32, #tpu.memory_space<smem>>
    %mul3A_587 = vector.broadcast %get3A_586 : f32 to vector<128x128xf32>
    %mul3A_588 = arith.mulf %slice3A_74, %mul3A_587 : vector<128x128xf32>
    %add3A_589 = arith.addf %add3A_584, %mul3A_588 : vector<128x128xf32>
    %get3A_590 = arith.constant 721 : index
    %get3A_591 = memref.load %arg1[%get3A_590] : memref<864xf32, #tpu.memory_space<smem>>
    %mul3A_592 = vector.broadcast %get3A_591 : f32 to vector<128x128xf32>
    %mul3A_593 = arith.mulf %slice3A_83, %mul3A_592 : vector<128x128xf32>
    %add3A_594 = arith.addf %add3A_589, %mul3A_593 : vector<128x128xf32>
    %get3A_595 = arith.constant 737 : index
    %get3A_596 = memref.load %arg1[%get3A_595] : memref<864xf32, #tpu.memory_space<smem>>
    %mul3A_597 = vector.broadcast %get3A_596 : f32 to vector<128x128xf32>
    %mul3A_598 = arith.mulf %slice3A_75, %mul3A_597 : vector<128x128xf32>
    %add3A_599 = arith.addf %add3A_594, %mul3A_598 : vector<128x128xf32>
    %get3A_600 = arith.constant 753 : index
    %get3A_601 = memref.load %arg1[%get3A_600] : memref<864xf32, #tpu.memory_space<smem>>
    %mul3A_602 = vector.broadcast %get3A_601 : f32 to vector<128x128xf32>
    %mul3A_603 = arith.mulf %slice3A_84, %mul3A_602 : vector<128x128xf32>
    %add3A_604 = arith.addf %add3A_599, %mul3A_603 : vector<128x128xf32>
    %get3A_605 = arith.constant 769 : index
    %get3A_606 = memref.load %arg1[%get3A_605] : memref<864xf32, #tpu.memory_space<smem>>
    %mul3A_607 = vector.broadcast %get3A_606 : f32 to vector<128x128xf32>
    %mul3A_608 = arith.mulf %slice3A_76, %mul3A_607 : vector<128x128xf32>
    %add3A_609 = arith.addf %add3A_604, %mul3A_608 : vector<128x128xf32>
    %get3A_610 = arith.constant 785 : index
    %get3A_611 = memref.load %arg1[%get3A_610] : memref<864xf32, #tpu.memory_space<smem>>
    %mul3A_612 = vector.broadcast %get3A_611 : f32 to vector<128x128xf32>
    %mul3A_613 = arith.mulf %slice3A_85, %mul3A_612 : vector<128x128xf32>
    %add3A_614 = arith.addf %add3A_609, %mul3A_613 : vector<128x128xf32>
    %get3A_615 = arith.constant 801 : index
    %get3A_616 = memref.load %arg1[%get3A_615] : memref<864xf32, #tpu.memory_space<smem>>
    %mul3A_617 = vector.broadcast %get3A_616 : f32 to vector<128x128xf32>
    %mul3A_618 = arith.mulf %slice3A_77, %mul3A_617 : vector<128x128xf32>
    %add3A_619 = arith.addf %add3A_614, %mul3A_618 : vector<128x128xf32>
    %get3A_620 = arith.constant 817 : index
    %get3A_621 = memref.load %arg1[%get3A_620] : memref<864xf32, #tpu.memory_space<smem>>
    %mul3A_622 = vector.broadcast %get3A_621 : f32 to vector<128x128xf32>
    %mul3A_623 = arith.mulf %slice3A_86, %mul3A_622 : vector<128x128xf32>
    %add3A_624 = arith.addf %add3A_619, %mul3A_623 : vector<128x128xf32>
    %get3A_625 = arith.constant 833 : index
    %get3A_626 = memref.load %arg1[%get3A_625] : memref<864xf32, #tpu.memory_space<smem>>
    %mul3A_627 = vector.broadcast %get3A_626 : f32 to vector<128x128xf32>
    %mul3A_628 = arith.mulf %slice3A_78, %mul3A_627 : vector<128x128xf32>
    %add3A_629 = arith.addf %add3A_624, %mul3A_628 : vector<128x128xf32>
    %get3A_630 = arith.constant 849 : index
    %get3A_631 = memref.load %arg1[%get3A_630] : memref<864xf32, #tpu.memory_space<smem>>
    %mul3A_632 = vector.broadcast %get3A_631 : f32 to vector<128x128xf32>
    %mul3A_633 = arith.mulf %slice3A_87, %mul3A_632 : vector<128x128xf32>
    %add3A_634 = arith.addf %add3A_629, %mul3A_633 : vector<128x128xf32>
    %swap3A_635 = arith.constant 0 : index
    %swap3A_636 = arith.constant 1 : index
    %swap3A_637 = arith.constant 0 : index
    %swap3A_638 = arith.constant 0 : index
    %swap3A_639 = vector.load %arg5[%swap3A_635, %swap3A_636, %swap3A_637, %swap3A_638] : memref<1x16x128x128xf32, #tpu.memory_space<vmem>>, vector<1x1x128x128xf32>
    %swap3A_640 = vector.shape_cast %swap3A_639 : vector<1x1x128x128xf32> to vector<128x128xf32>
    %swap3A_641 = vector.shape_cast %add3A_634 : vector<128x128xf32> to vector<1x1x128x128xf32>
    tpu.vector_store %arg5[%swap3A_635, %swap3A_636, %swap3A_637, %swap3A_638], %swap3A_641 {strides = array<i32>} : memref<1x16x128x128xf32, #tpu.memory_space<vmem>>, vector<1x1x128x128xf32>,
    %broadcast_in_dim3A_642 = arith.constant 0.000000e+00 : f32
    %broadcast_in_dim3A_643 = vector.broadcast %broadcast_in_dim3A_642 : f32 to vector<128x128xf32>
    %get3A_644 = arith.constant 2 : index
    %get3A_645 = memref.load %arg1[%get3A_644] : memref<864xf32, #tpu.memory_space<smem>>
    %mul3A_646 = vector.broadcast %get3A_645 : f32 to vector<128x128xf32>
    %mul3A_647 = arith.mulf %slice3A, %mul3A_646 : vector<128x128xf32>
    %add3A_648 = arith.addf %broadcast_in_dim3A_643, %mul3A_647 : vector<128x128xf32>
    %get3A_649 = arith.constant 18 : index
    %get3A_650 = memref.load %arg1[%get3A_649] : memref<864xf32, #tpu.memory_space<smem>>
    %mul3A_651 = vector.broadcast %get3A_650 : f32 to vector<128x128xf32>
    %mul3A_652 = arith.mulf %slice3A_43, %mul3A_651 : vector<128x128xf32>
    %add3A_653 = arith.addf %add3A_648, %mul3A_652 : vector<128x128xf32>
    %get3A_654 = arith.constant 34 : index
    %get3A_655 = memref.load %arg1[%get3A_654] : memref<864xf32, #tpu.memory_space<smem>>
    %mul3A_656 = vector.broadcast %get3A_655 : f32 to vector<128x128xf32>
    %mul3A_657 = arith.mulf %slice3A_35, %mul3A_656 : vector<128x128xf32>
    %add3A_658 = arith.addf %add3A_653, %mul3A_657 : vector<128x128xf32>
    %get3A_659 = arith.constant 50 : index
    %get3A_660 = memref.load %arg1[%get3A_659] : memref<864xf32, #tpu.memory_space<smem>>
    %mul3A_661 = vector.broadcast %get3A_660 : f32 to vector<128x128xf32>
    %mul3A_662 = arith.mulf %slice3A_44, %mul3A_661 : vector<128x128xf32>
    %add3A_663 = arith.addf %add3A_658, %mul3A_662 : vector<128x128xf32>
    %get3A_664 = arith.constant 66 : index
    %get3A_665 = memref.load %arg1[%get3A_664] : memref<864xf32, #tpu.memory_space<smem>>
    %mul3A_666 = vector.broadcast %get3A_665 : f32 to vector<128x128xf32>
    %mul3A_667 = arith.mulf %slice3A_36, %mul3A_666 : vector<128x128xf32>
    %add3A_668 = arith.addf %add3A_663, %mul3A_667 : vector<128x128xf32>
    %get3A_669 = arith.constant 82 : index
    %get3A_670 = memref.load %arg1[%get3A_669] : memref<864xf32, #tpu.memory_space<smem>>
    %mul3A_671 = vector.broadcast %get3A_670 : f32 to vector<128x128xf32>
    %mul3A_672 = arith.mulf %slice3A_45, %mul3A_671 : vector<128x128xf32>
    %add3A_673 = arith.addf %add3A_668, %mul3A_672 : vector<128x128xf32>
    %get3A_674 = arith.constant 98 : index
    %get3A_675 = memref.load %arg1[%get3A_674] : memref<864xf32, #tpu.memory_space<smem>>
    %mul3A_676 = vector.broadcast %get3A_675 : f32 to vector<128x128xf32>
    %mul3A_677 = arith.mulf %slice3A_37, %mul3A_676 : vector<128x128xf32>
    %add3A_678 = arith.addf %add3A_673, %mul3A_677 : vector<128x128xf32>
    %get3A_679 = arith.constant 114 : index
    %get3A_680 = memref.load %arg1[%get3A_679] : memref<864xf32, #tpu.memory_space<smem>>
    %mul3A_681 = vector.broadcast %get3A_680 : f32 to vector<128x128xf32>
    %mul3A_682 = arith.mulf %slice3A_46, %mul3A_681 : vector<128x128xf32>
    %add3A_683 = arith.addf %add3A_678, %mul3A_682 : vector<128x128xf32>
    %get3A_684 = arith.constant 130 : index
    %get3A_685 = memref.load %arg1[%get3A_684] : memref<864xf32, #tpu.memory_space<smem>>
    %mul3A_686 = vector.broadcast %get3A_685 : f32 to vector<128x128xf32>
    %mul3A_687 = arith.mulf %slice3A_38, %mul3A_686 : vector<128x128xf32>
    %add3A_688 = arith.addf %add3A_683, %mul3A_687 : vector<128x128xf32>
    %get3A_689 = arith.constant 146 : index
    %get3A_690 = memref.load %arg1[%get3A_689] : memref<864xf32, #tpu.memory_space<smem>>
    %mul3A_691 = vector.broadcast %get3A_690 : f32 to vector<128x128xf32>
    %mul3A_692 = arith.mulf %slice3A_47, %mul3A_691 : vector<128x128xf32>
    %add3A_693 = arith.addf %add3A_688, %mul3A_692 : vector<128x128xf32>
    %get3A_694 = arith.constant 162 : index
    %get3A_695 = memref.load %arg1[%get3A_694] : memref<864xf32, #tpu.memory_space<smem>>
    %mul3A_696 = vector.broadcast %get3A_695 : f32 to vector<128x128xf32>
    %mul3A_697 = arith.mulf %slice3A_39, %mul3A_696 : vector<128x128xf32>
    %add3A_698 = arith.addf %add3A_693, %mul3A_697 : vector<128x128xf32>
    %get3A_699 = arith.constant 178 : index
    %get3A_700 = memref.load %arg1[%get3A_699] : memref<864xf32, #tpu.memory_space<smem>>
    %mul3A_701 = vector.broadcast %get3A_700 : f32 to vector<128x128xf32>
    %mul3A_702 = arith.mulf %slice3A_48, %mul3A_701 : vector<128x128xf32>
    %add3A_703 = arith.addf %add3A_698, %mul3A_702 : vector<128x128xf32>
    %get3A_704 = arith.constant 194 : index
    %get3A_705 = memref.load %arg1[%get3A_704] : memref<864xf32, #tpu.memory_space<smem>>
    %mul3A_706 = vector.broadcast %get3A_705 : f32 to vector<128x128xf32>
    %mul3A_707 = arith.mulf %slice3A_40, %mul3A_706 : vector<128x128xf32>
    %add3A_708 = arith.addf %add3A_703, %mul3A_707 : vector<128x128xf32>
    %get3A_709 = arith.constant 210 : index
    %get3A_710 = memref.load %arg1[%get3A_709] : memref<864xf32, #tpu.memory_space<smem>>
    %mul3A_711 = vector.broadcast %get3A_710 : f32 to vector<128x128xf32>
    %mul3A_712 = arith.mulf %slice3A_49, %mul3A_711 : vector<128x128xf32>
    %add3A_713 = arith.addf %add3A_708, %mul3A_712 : vector<128x128xf32>
    %get3A_714 = arith.constant 226 : index
    %get3A_715 = memref.load %arg1[%get3A_714] : memref<864xf32, #tpu.memory_space<smem>>
    %mul3A_716 = vector.broadcast %get3A_715 : f32 to vector<128x128xf32>
    %mul3A_717 = arith.mulf %slice3A_41, %mul3A_716 : vector<128x128xf32>
    %add3A_718 = arith.addf %add3A_713, %mul3A_717 : vector<128x128xf32>
    %get3A_719 = arith.constant 242 : index
    %get3A_720 = memref.load %arg1[%get3A_719] : memref<864xf32, #tpu.memory_space<smem>>
    %mul3A_721 = vector.broadcast %get3A_720 : f32 to vector<128x128xf32>
    %mul3A_722 = arith.mulf %slice3A_50, %mul3A_721 : vector<128x128xf32>
    %add3A_723 = arith.addf %add3A_718, %mul3A_722 : vector<128x128xf32>
    %get3A_724 = arith.constant 258 : index
    %get3A_725 = memref.load %arg1[%get3A_724] : memref<864xf32, #tpu.memory_space<smem>>
    %mul3A_726 = vector.broadcast %get3A_725 : f32 to vector<128x128xf32>
    %mul3A_727 = arith.mulf %slice3A_42, %mul3A_726 : vector<128x128xf32>
    %add3A_728 = arith.addf %add3A_723, %mul3A_727 : vector<128x128xf32>
    %get3A_729 = arith.constant 274 : index
    %get3A_730 = memref.load %arg1[%get3A_729] : memref<864xf32, #tpu.memory_space<smem>>
    %mul3A_731 = vector.broadcast %get3A_730 : f32 to vector<128x128xf32>
    %mul3A_732 = arith.mulf %slice3A_51, %mul3A_731 : vector<128x128xf32>
    %add3A_733 = arith.addf %add3A_728, %mul3A_732 : vector<128x128xf32>
    %get3A_734 = arith.constant 290 : index
    %get3A_735 = memref.load %arg1[%get3A_734] : memref<864xf32, #tpu.memory_space<smem>>
    %mul3A_736 = vector.broadcast %get3A_735 : f32 to vector<128x128xf32>
    %mul3A_737 = arith.mulf %slice3A_52, %mul3A_736 : vector<128x128xf32>
    %add3A_738 = arith.addf %add3A_733, %mul3A_737 : vector<128x128xf32>
    %get3A_739 = arith.constant 306 : index
    %get3A_740 = memref.load %arg1[%get3A_739] : memref<864xf32, #tpu.memory_space<smem>>
    %mul3A_741 = vector.broadcast %get3A_740 : f32 to vector<128x128xf32>
    %mul3A_742 = arith.mulf %slice3A_61, %mul3A_741 : vector<128x128xf32>
    %add3A_743 = arith.addf %add3A_738, %mul3A_742 : vector<128x128xf32>
    %get3A_744 = arith.constant 322 : index
    %get3A_745 = memref.load %arg1[%get3A_744] : memref<864xf32, #tpu.memory_space<smem>>
    %mul3A_746 = vector.broadcast %get3A_745 : f32 to vector<128x128xf32>
    %mul3A_747 = arith.mulf %slice3A_53, %mul3A_746 : vector<128x128xf32>
    %add3A_748 = arith.addf %add3A_743, %mul3A_747 : vector<128x128xf32>
    %get3A_749 = arith.constant 338 : index
    %get3A_750 = memref.load %arg1[%get3A_749] : memref<864xf32, #tpu.memory_space<smem>>
    %mul3A_751 = vector.broadcast %get3A_750 : f32 to vector<128x128xf32>
    %mul3A_752 = arith.mulf %slice3A_62, %mul3A_751 : vector<128x128xf32>
    %add3A_753 = arith.addf %add3A_748, %mul3A_752 : vector<128x128xf32>
    %get3A_754 = arith.constant 354 : index
    %get3A_755 = memref.load %arg1[%get3A_754] : memref<864xf32, #tpu.memory_space<smem>>
    %mul3A_756 = vector.broadcast %get3A_755 : f32 to vector<128x128xf32>
    %mul3A_757 = arith.mulf %slice3A_54, %mul3A_756 : vector<128x128xf32>
    %add3A_758 = arith.addf %add3A_753, %mul3A_757 : vector<128x128xf32>
    %get3A_759 = arith.constant 370 : index
    %get3A_760 = memref.load %arg1[%get3A_759] : memref<864xf32, #tpu.memory_space<smem>>
    %mul3A_761 = vector.broadcast %get3A_760 : f32 to vector<128x128xf32>
    %mul3A_762 = arith.mulf %slice3A_63, %mul3A_761 : vector<128x128xf32>
    %add3A_763 = arith.addf %add3A_758, %mul3A_762 : vector<128x128xf32>
    %get3A_764 = arith.constant 386 : index
    %get3A_765 = memref.load %arg1[%get3A_764] : memref<864xf32, #tpu.memory_space<smem>>
    %mul3A_766 = vector.broadcast %get3A_765 : f32 to vector<128x128xf32>
    %mul3A_767 = arith.mulf %slice3A_55, %mul3A_766 : vector<128x128xf32>
    %add3A_768 = arith.addf %add3A_763, %mul3A_767 : vector<128x128xf32>
    %get3A_769 = arith.constant 402 : index
    %get3A_770 = memref.load %arg1[%get3A_769] : memref<864xf32, #tpu.memory_space<smem>>
    %mul3A_771 = vector.broadcast %get3A_770 : f32 to vector<128x128xf32>
    %mul3A_772 = arith.mulf %slice3A_64, %mul3A_771 : vector<128x128xf32>
    %add3A_773 = arith.addf %add3A_768, %mul3A_772 : vector<128x128xf32>
    %get3A_774 = arith.constant 418 : index
    %get3A_775 = memref.load %arg1[%get3A_774] : memref<864xf32, #tpu.memory_space<smem>>
    %mul3A_776 = vector.broadcast %get3A_775 : f32 to vector<128x128xf32>
    %mul3A_777 = arith.mulf %slice3A_56, %mul3A_776 : vector<128x128xf32>
    %add3A_778 = arith.addf %add3A_773, %mul3A_777 : vector<128x128xf32>
    %get3A_779 = arith.constant 434 : index
    %get3A_780 = memref.load %arg1[%get3A_779] : memref<864xf32, #tpu.memory_space<smem>>
    %mul3A_781 = vector.broadcast %get3A_780 : f32 to vector<128x128xf32>
    %mul3A_782 = arith.mulf %slice3A_65, %mul3A_781 : vector<128x128xf32>
    %add3A_783 = arith.addf %add3A_778, %mul3A_782 : vector<128x128xf32>
    %get3A_784 = arith.constant 450 : index
    %get3A_785 = memref.load %arg1[%get3A_784] : memref<864xf32, #tpu.memory_space<smem>>
    %mul3A_786 = vector.broadcast %get3A_785 : f32 to vector<128x128xf32>
    %mul3A_787 = arith.mulf %slice3A_57, %mul3A_786 : vector<128x128xf32>
    %add3A_788 = arith.addf %add3A_783, %mul3A_787 : vector<128x128xf32>
    %get3A_789 = arith.constant 466 : index
    %get3A_790 = memref.load %arg1[%get3A_789] : memref<864xf32, #tpu.memory_space<smem>>
    %mul3A_791 = vector.broadcast %get3A_790 : f32 to vector<128x128xf32>
    %mul3A_792 = arith.mulf %slice3A_66, %mul3A_791 : vector<128x128xf32>
    %add3A_793 = arith.addf %add3A_788, %mul3A_792 : vector<128x128xf32>
    %get3A_794 = arith.constant 482 : index
    %get3A_795 = memref.load %arg1[%get3A_794] : memref<864xf32, #tpu.memory_space<smem>>
    %mul3A_796 = vector.broadcast %get3A_795 : f32 to vector<128x128xf32>
    %mul3A_797 = arith.mulf %slice3A_58, %mul3A_796 : vector<128x128xf32>
    %add3A_798 = arith.addf %add3A_793, %mul3A_797 : vector<128x128xf32>
    %get3A_799 = arith.constant 498 : index
    %get3A_800 = memref.load %arg1[%get3A_799] : memref<864xf32, #tpu.memory_space<smem>>
    %mul3A_801 = vector.broadcast %get3A_800 : f32 to vector<128x128xf32>
    %mul3A_802 = arith.mulf %slice3A_67, %mul3A_801 : vector<128x128xf32>
    %add3A_803 = arith.addf %add3A_798, %mul3A_802 : vector<128x128xf32>
    %get3A_804 = arith.constant 514 : index
    %get3A_805 = memref.load %arg1[%get3A_804] : memref<864xf32, #tpu.memory_space<smem>>
    %mul3A_806 = vector.broadcast %get3A_805 : f32 to vector<128x128xf32>
    %mul3A_807 = arith.mulf %slice3A_59, %mul3A_806 : vector<128x128xf32>
    %add3A_808 = arith.addf %add3A_803, %mul3A_807 : vector<128x128xf32>
    %get3A_809 = arith.constant 530 : index
    %get3A_810 = memref.load %arg1[%get3A_809] : memref<864xf32, #tpu.memory_space<smem>>
    %mul3A_811 = vector.broadcast %get3A_810 : f32 to vector<128x128xf32>
    %mul3A_812 = arith.mulf %slice3A_68, %mul3A_811 : vector<128x128xf32>
    %add3A_813 = arith.addf %add3A_808, %mul3A_812 : vector<128x128xf32>
    %get3A_814 = arith.constant 546 : index
    %get3A_815 = memref.load %arg1[%get3A_814] : memref<864xf32, #tpu.memory_space<smem>>
    %mul3A_816 = vector.broadcast %get3A_815 : f32 to vector<128x128xf32>
    %mul3A_817 = arith.mulf %slice3A_60, %mul3A_816 : vector<128x128xf32>
    %add3A_818 = arith.addf %add3A_813, %mul3A_817 : vector<128x128xf32>
    %get3A_819 = arith.constant 562 : index
    %get3A_820 = memref.load %arg1[%get3A_819] : memref<864xf32, #tpu.memory_space<smem>>
    %mul3A_821 = vector.broadcast %get3A_820 : f32 to vector<128x128xf32>
    %mul3A_822 = arith.mulf %slice3A_69, %mul3A_821 : vector<128x128xf32>
    %add3A_823 = arith.addf %add3A_818, %mul3A_822 : vector<128x128xf32>
    %get3A_824 = arith.constant 578 : index
    %get3A_825 = memref.load %arg1[%get3A_824] : memref<864xf32, #tpu.memory_space<smem>>
    %mul3A_826 = vector.broadcast %get3A_825 : f32 to vector<128x128xf32>
    %mul3A_827 = arith.mulf %slice3A_70, %mul3A_826 : vector<128x128xf32>
    %add3A_828 = arith.addf %add3A_823, %mul3A_827 : vector<128x128xf32>
    %get3A_829 = arith.constant 594 : index
    %get3A_830 = memref.load %arg1[%get3A_829] : memref<864xf32, #tpu.memory_space<smem>>
    %mul3A_831 = vector.broadcast %get3A_830 : f32 to vector<128x128xf32>
    %mul3A_832 = arith.mulf %slice3A_79, %mul3A_831 : vector<128x128xf32>
    %add3A_833 = arith.addf %add3A_828, %mul3A_832 : vector<128x128xf32>
    %get3A_834 = arith.constant 610 : index
    %get3A_835 = memref.load %arg1[%get3A_834] : memref<864xf32, #tpu.memory_space<smem>>
    %mul3A_836 = vector.broadcast %get3A_835 : f32 to vector<128x128xf32>
    %mul3A_837 = arith.mulf %slice3A_71, %mul3A_836 : vector<128x128xf32>
    %add3A_838 = arith.addf %add3A_833, %mul3A_837 : vector<128x128xf32>
    %get3A_839 = arith.constant 626 : index
    %get3A_840 = memref.load %arg1[%get3A_839] : memref<864xf32, #tpu.memory_space<smem>>
    %mul3A_841 = vector.broadcast %get3A_840 : f32 to vector<128x128xf32>
    %mul3A_842 = arith.mulf %slice3A_80, %mul3A_841 : vector<128x128xf32>
    %add3A_843 = arith.addf %add3A_838, %mul3A_842 : vector<128x128xf32>
    %get3A_844 = arith.constant 642 : index
    %get3A_845 = memref.load %arg1[%get3A_844] : memref<864xf32, #tpu.memory_space<smem>>
    %mul3A_846 = vector.broadcast %get3A_845 : f32 to vector<128x128xf32>
    %mul3A_847 = arith.mulf %slice3A_72, %mul3A_846 : vector<128x128xf32>
    %add3A_848 = arith.addf %add3A_843, %mul3A_847 : vector<128x128xf32>
    %get3A_849 = arith.constant 658 : index
    %get3A_850 = memref.load %arg1[%get3A_849] : memref<864xf32, #tpu.memory_space<smem>>
    %mul3A_851 = vector.broadcast %get3A_850 : f32 to vector<128x128xf32>
    %mul3A_852 = arith.mulf %slice3A_81, %mul3A_851 : vector<128x128xf32>
    %add3A_853 = arith.addf %add3A_848, %mul3A_852 : vector<128x128xf32>
    %get3A_854 = arith.constant 674 : index
    %get3A_855 = memref.load %arg1[%get3A_854] : memref<864xf32, #tpu.memory_space<smem>>
    %mul3A_856 = vector.broadcast %get3A_855 : f32 to vector<128x128xf32>
    %mul3A_857 = arith.mulf %slice3A_73, %mul3A_856 : vector<128x128xf32>
    %add3A_858 = arith.addf %add3A_853, %mul3A_857 : vector<128x128xf32>
    %get3A_859 = arith.constant 690 : index
    %get3A_860 = memref.load %arg1[%get3A_859] : memref<864xf32, #tpu.memory_space<smem>>
    %mul3A_861 = vector.broadcast %get3A_860 : f32 to vector<128x128xf32>
    %mul3A_862 = arith.mulf %slice3A_82, %mul3A_861 : vector<128x128xf32>
    %add3A_863 = arith.addf %add3A_858, %mul3A_862 : vector<128x128xf32>
    %get3A_864 = arith.constant 706 : index
    %get3A_865 = memref.load %arg1[%get3A_864] : memref<864xf32, #tpu.memory_space<smem>>
    %mul3A_866 = vector.broadcast %get3A_865 : f32 to vector<128x128xf32>
    %mul3A_867 = arith.mulf %slice3A_74, %mul3A_866 : vector<128x128xf32>
    %add3A_868 = arith.addf %add3A_863, %mul3A_867 : vector<128x128xf32>
    %get3A_869 = arith.constant 722 : index
    %get3A_870 = memref.load %arg1[%get3A_869] : memref<864xf32, #tpu.memory_space<smem>>
    %mul3A_871 = vector.broadcast %get3A_870 : f32 to vector<128x128xf32>
    %mul3A_872 = arith.mulf %slice3A_83, %mul3A_871 : vector<128x128xf32>
    %add3A_873 = arith.addf %add3A_868, %mul3A_872 : vector<128x128xf32>
    %get3A_874 = arith.constant 738 : index
    %get3A_875 = memref.load %arg1[%get3A_874] : memref<864xf32, #tpu.memory_space<smem>>
    %mul3A_876 = vector.broadcast %get3A_875 : f32 to vector<128x128xf32>
    %mul3A_877 = arith.mulf %slice3A_75, %mul3A_876 : vector<128x128xf32>
    %add3A_878 = arith.addf %add3A_873, %mul3A_877 : vector<128x128xf32>
    %get3A_879 = arith.constant 754 : index
    %get3A_880 = memref.load %arg1[%get3A_879] : memref<864xf32, #tpu.memory_space<smem>>
    %mul3A_881 = vector.broadcast %get3A_880 : f32 to vector<128x128xf32>
    %mul3A_882 = arith.mulf %slice3A_84, %mul3A_881 : vector<128x128xf32>
    %add3A_883 = arith.addf %add3A_878, %mul3A_882 : vector<128x128xf32>
    %get3A_884 = arith.constant 770 : index
    %get3A_885 = memref.load %arg1[%get3A_884] : memref<864xf32, #tpu.memory_space<smem>>
    %mul3A_886 = vector.broadcast %get3A_885 : f32 to vector<128x128xf32>
    %mul3A_887 = arith.mulf %slice3A_76, %mul3A_886 : vector<128x128xf32>
    %add3A_888 = arith.addf %add3A_883, %mul3A_887 : vector<128x128xf32>
    %get3A_889 = arith.constant 786 : index
    %get3A_890 = memref.load %arg1[%get3A_889] : memref<864xf32, #tpu.memory_space<smem>>
    %mul3A_891 = vector.broadcast %get3A_890 : f32 to vector<128x128xf32>
    %mul3A_892 = arith.mulf %slice3A_85, %mul3A_891 : vector<128x128xf32>
    %add3A_893 = arith.addf %add3A_888, %mul3A_892 : vector<128x128xf32>
    %get3A_894 = arith.constant 802 : index
    %get3A_895 = memref.load %arg1[%get3A_894] : memref<864xf32, #tpu.memory_space<smem>>
    %mul3A_896 = vector.broadcast %get3A_895 : f32 to vector<128x128xf32>
    %mul3A_897 = arith.mulf %slice3A_77, %mul3A_896 : vector<128x128xf32>
    %add3A_898 = arith.addf %add3A_893, %mul3A_897 : vector<128x128xf32>
    %get3A_899 = arith.constant 818 : index
    %get3A_900 = memref.load %arg1[%get3A_899] : memref<864xf32, #tpu.memory_space<smem>>
    %mul3A_901 = vector.broadcast %get3A_900 : f32 to vector<128x128xf32>
    %mul3A_902 = arith.mulf %slice3A_86, %mul3A_901 : vector<128x128xf32>
    %add3A_903 = arith.addf %add3A_898, %mul3A_902 : vector<128x128xf32>
    %get3A_904 = arith.constant 834 : index
    %get3A_905 = memref.load %arg1[%get3A_904] : memref<864xf32, #tpu.memory_space<smem>>
    %mul3A_906 = vector.broadcast %get3A_905 : f32 to vector<128x128xf32>
    %mul3A_907 = arith.mulf %slice3A_78, %mul3A_906 : vector<128x128xf32>
    %add3A_908 = arith.addf %add3A_903, %mul3A_907 : vector<128x128xf32>
    %get3A_909 = arith.constant 850 : index
    %get3A_910 = memref.load %arg1[%get3A_909] : memref<864xf32, #tpu.memory_space<smem>>
    %mul3A_911 = vector.broadcast %get3A_910 : f32 to vector<128x128xf32>
    %mul3A_912 = arith.mulf %slice3A_87, %mul3A_911 : vector<128x128xf32>
    %add3A_913 = arith.addf %add3A_908, %mul3A_912 : vector<128x128xf32>
    %swap3A_914 = arith.constant 0 : index
    %swap3A_915 = arith.constant 2 : index
    %swap3A_916 = arith.constant 0 : index
    %swap3A_917 = arith.constant 0 : index
    %swap3A_918 = vector.load %arg5[%swap3A_914, %swap3A_915, %swap3A_916, %swap3A_917] : memref<1x16x128x128xf32, #tpu.memory_space<vmem>>, vector<1x1x128x128xf32>
    %swap3A_919 = vector.shape_cast %swap3A_918 : vector<1x1x128x128xf32> to vector<128x128xf32>
    %swap3A_920 = vector.shape_cast %add3A_913 : vector<128x128xf32> to vector<1x1x128x128xf32>
    tpu.vector_store %arg5[%swap3A_914, %swap3A_915, %swap3A_916, %swap3A_917], %swap3A_920 {strides = array<i32>} : memref<1x16x128x128xf32, #tpu.memory_space<vmem>>, vector<1x1x128x128xf32>,
    %broadcast_in_dim3A_921 = arith.constant 0.000000e+00 : f32
    %broadcast_in_dim3A_922 = vector.broadcast %broadcast_in_dim3A_921 : f32 to vector<128x128xf32>
    %get3A_923 = arith.constant 3 : index
    %get3A_924 = memref.load %arg1[%get3A_923] : memref<864xf32, #tpu.memory_space<smem>>
    %mul3A_925 = vector.broadcast %get3A_924 : f32 to vector<128x128xf32>
    %mul3A_926 = arith.mulf %slice3A, %mul3A_925 : vector<128x128xf32>
    %add3A_927 = arith.addf %broadcast_in_dim3A_922, %mul3A_926 : vector<128x128xf32>
    %get3A_928 = arith.constant 19 : index
    %get3A_929 = memref.load %arg1[%get3A_928] : memref<864xf32, #tpu.memory_space<smem>>
    %mul3A_930 = vector.broadcast %get3A_929 : f32 to vector<128x128xf32>
    %mul3A_931 = arith.mulf %slice3A_43, %mul3A_930 : vector<128x128xf32>
    %add3A_932 = arith.addf %add3A_927, %mul3A_931 : vector<128x128xf32>
    %get3A_933 = arith.constant 35 : index
    %get3A_934 = memref.load %arg1[%get3A_933] : memref<864xf32, #tpu.memory_space<smem>>
    %mul3A_935 = vector.broadcast %get3A_934 : f32 to vector<128x128xf32>
    %mul3A_936 = arith.mulf %slice3A_35, %mul3A_935 : vector<128x128xf32>
    %add3A_937 = arith.addf %add3A_932, %mul3A_936 : vector<128x128xf32>
    %get3A_938 = arith.constant 51 : index
    %get3A_939 = memref.load %arg1[%get3A_938] : memref<864xf32, #tpu.memory_space<smem>>
    %mul3A_940 = vector.broadcast %get3A_939 : f32 to vector<128x128xf32>
    %mul3A_941 = arith.mulf %slice3A_44, %mul3A_940 : vector<128x128xf32>
    %add3A_942 = arith.addf %add3A_937, %mul3A_941 : vector<128x128xf32>
    %get3A_943 = arith.constant 67 : index
    %get3A_944 = memref.load %arg1[%get3A_943] : memref<864xf32, #tpu.memory_space<smem>>
    %mul3A_945 = vector.broadcast %get3A_944 : f32 to vector<128x128xf32>
    %mul3A_946 = arith.mulf %slice3A_36, %mul3A_945 : vector<128x128xf32>
    %add3A_947 = arith.addf %add3A_942, %mul3A_946 : vector<128x128xf32>
    %get3A_948 = arith.constant 83 : index
    %get3A_949 = memref.load %arg1[%get3A_948] : memref<864xf32, #tpu.memory_space<smem>>
    %mul3A_950 = vector.broadcast %get3A_949 : f32 to vector<128x128xf32>
    %mul3A_951 = arith.mulf %slice3A_45, %mul3A_950 : vector<128x128xf32>
    %add3A_952 = arith.addf %add3A_947, %mul3A_951 : vector<128x128xf32>
    %get3A_953 = arith.constant 99 : index
    %get3A_954 = memref.load %arg1[%get3A_953] : memref<864xf32, #tpu.memory_space<smem>>
    %mul3A_955 = vector.broadcast %get3A_954 : f32 to vector<128x128xf32>
    %mul3A_956 = arith.mulf %slice3A_37, %mul3A_955 : vector<128x128xf32>
    %add3A_957 = arith.addf %add3A_952, %mul3A_956 : vector<128x128xf32>
    %get3A_958 = arith.constant 115 : index
    %get3A_959 = memref.load %arg1[%get3A_958] : memref<864xf32, #tpu.memory_space<smem>>
    %mul3A_960 = vector.broadcast %get3A_959 : f32 to vector<128x128xf32>
    %mul3A_961 = arith.mulf %slice3A_46, %mul3A_960 : vector<128x128xf32>
    %add3A_962 = arith.addf %add3A_957, %mul3A_961 : vector<128x128xf32>
    %get3A_963 = arith.constant 131 : index
    %get3A_964 = memref.load %arg1[%get3A_963] : memref<864xf32, #tpu.memory_space<smem>>
    %mul3A_965 = vector.broadcast %get3A_964 : f32 to vector<128x128xf32>
    %mul3A_966 = arith.mulf %slice3A_38, %mul3A_965 : vector<128x128xf32>
    %add3A_967 = arith.addf %add3A_962, %mul3A_966 : vector<128x128xf32>
    %get3A_968 = arith.constant 147 : index
    %get3A_969 = memref.load %arg1[%get3A_968] : memref<864xf32, #tpu.memory_space<smem>>
    %mul3A_970 = vector.broadcast %get3A_969 : f32 to vector<128x128xf32>
    %mul3A_971 = arith.mulf %slice3A_47, %mul3A_970 : vector<128x128xf32>
    %add3A_972 = arith.addf %add3A_967, %mul3A_971 : vector<128x128xf32>
    %get3A_973 = arith.constant 163 : index
    %get3A_974 = memref.load %arg1[%get3A_973] : memref<864xf32, #tpu.memory_space<smem>>
    %mul3A_975 = vector.broadcast %get3A_974 : f32 to vector<128x128xf32>
    %mul3A_976 = arith.mulf %slice3A_39, %mul3A_975 : vector<128x128xf32>
    %add3A_977 = arith.addf %add3A_972, %mul3A_976 : vector<128x128xf32>
    %get3A_978 = arith.constant 179 : index
    %get3A_979 = memref.load %arg1[%get3A_978] : memref<864xf32, #tpu.memory_space<smem>>
    %mul3A_980 = vector.broadcast %get3A_979 : f32 to vector<128x128xf32>
    %mul3A_981 = arith.mulf %slice3A_48, %mul3A_980 : vector<128x128xf32>
    %add3A_982 = arith.addf %add3A_977, %mul3A_981 : vector<128x128xf32>
    %get3A_983 = arith.constant 195 : index
    %get3A_984 = memref.load %arg1[%get3A_983] : memref<864xf32, #tpu.memory_space<smem>>
    %mul3A_985 = vector.broadcast %get3A_984 : f32 to vector<128x128xf32>
    %mul3A_986 = arith.mulf %slice3A_40, %mul3A_985 : vector<128x128xf32>
    %add3A_987 = arith.addf %add3A_982, %mul3A_986 : vector<128x128xf32>
    %get3A_988 = arith.constant 211 : index
    %get3A_989 = memref.load %arg1[%get3A_988] : memref<864xf32, #tpu.memory_space<smem>>
    %mul3A_990 = vector.broadcast %get3A_989 : f32 to vector<128x128xf32>
    %mul3A_991 = arith.mulf %slice3A_49, %mul3A_990 : vector<128x128xf32>
    %add3A_992 = arith.addf %add3A_987, %mul3A_991 : vector<128x128xf32>
    %get3A_993 = arith.constant 227 : index
    %get3A_994 = memref.load %arg1[%get3A_993] : memref<864xf32, #tpu.memory_space<smem>>
    %mul3A_995 = vector.broadcast %get3A_994 : f32 to vector<128x128xf32>
    %mul3A_996 = arith.mulf %slice3A_41, %mul3A_995 : vector<128x128xf32>
    %add3A_997 = arith.addf %add3A_992, %mul3A_996 : vector<128x128xf32>
    %get3A_998 = arith.constant 243 : index
    %get3A_999 = memref.load %arg1[%get3A_998] : memref<864xf32, #tpu.memory_space<smem>>
    %mul3A_1000 = vector.broadcast %get3A_999 : f32 to vector<128x128xf32>
    %mul3A_1001 = arith.mulf %slice3A_50, %mul3A_1000 : vector<128x128xf32>
    %add3A_1002 = arith.addf %add3A_997, %mul3A_1001 : vector<128x128xf32>
    %get3A_1003 = arith.constant 259 : index
    %get3A_1004 = memref.load %arg1[%get3A_1003] : memref<864xf32, #tpu.memory_space<smem>>
    %mul3A_1005 = vector.broadcast %get3A_1004 : f32 to vector<128x128xf32>
    %mul3A_1006 = arith.mulf %slice3A_42, %mul3A_1005 : vector<128x128xf32>
    %add3A_1007 = arith.addf %add3A_1002, %mul3A_1006 : vector<128x128xf32>
    %get3A_1008 = arith.constant 275 : index
    %get3A_1009 = memref.load %arg1[%get3A_1008] : memref<864xf32, #tpu.memory_space<smem>>
    %mul3A_1010 = vector.broadcast %get3A_1009 : f32 to vector<128x128xf32>
    %mul3A_1011 = arith.mulf %slice3A_51, %mul3A_1010 : vector<128x128xf32>
    %add3A_1012 = arith.addf %add3A_1007, %mul3A_1011 : vector<128x128xf32>
    %get3A_1013 = arith.constant 291 : index
    %get3A_1014 = memref.load %arg1[%get3A_1013] : memref<864xf32, #tpu.memory_space<smem>>
    %mul3A_1015 = vector.broadcast %get3A_1014 : f32 to vector<128x128xf32>
    %mul3A_1016 = arith.mulf %slice3A_52, %mul3A_1015 : vector<128x128xf32>
    %add3A_1017 = arith.addf %add3A_1012, %mul3A_1016 : vector<128x128xf32>
    %get3A_1018 = arith.constant 307 : index
    %get3A_1019 = memref.load %arg1[%get3A_1018] : memref<864xf32, #tpu.memory_space<smem>>
    %mul3A_1020 = vector.broadcast %get3A_1019 : f32 to vector<128x128xf32>
    %mul3A_1021 = arith.mulf %slice3A_61, %mul3A_1020 : vector<128x128xf32>
    %add3A_1022 = arith.addf %add3A_1017, %mul3A_1021 : vector<128x128xf32>
    %get3A_1023 = arith.constant 323 : index
    %get3A_1024 = memref.load %arg1[%get3A_1023] : memref<864xf32, #tpu.memory_space<smem>>
    %mul3A_1025 = vector.broadcast %get3A_1024 : f32 to vector<128x128xf32>
    %mul3A_1026 = arith.mulf %slice3A_53, %mul3A_1025 : vector<128x128xf32>
    %add3A_1027 = arith.addf %add3A_1022, %mul3A_1026 : vector<128x128xf32>
    %get3A_1028 = arith.constant 339 : index
    %get3A_1029 = memref.load %arg1[%get3A_1028] : memref<864xf32, #tpu.memory_space<smem>>
    %mul3A_1030 = vector.broadcast %get3A_1029 : f32 to vector<128x128xf32>
    %mul3A_1031 = arith.mulf %slice3A_62, %mul3A_1030 : vector<128x128xf32>
    %add3A_1032 = arith.addf %add3A_1027, %mul3A_1031 : vector<128x128xf32>
    %get3A_1033 = arith.constant 355 : index
    %get3A_1034 = memref.load %arg1[%get3A_1033] : memref<864xf32, #tpu.memory_space<smem>>
    %mul3A_1035 = vector.broadcast %get3A_1034 : f32 to vector<128x128xf32>
    %mul3A_1036 = arith.mulf %slice3A_54, %mul3A_1035 : vector<128x128xf32>
    %add3A_1037 = arith.addf %add3A_1032, %mul3A_1036 : vector<128x128xf32>
    %get3A_1038 = arith.constant 371 : index
    %get3A_1039 = memref.load %arg1[%get3A_1038] : memref<864xf32, #tpu.memory_space<smem>>
    %mul3A_1040 = vector.broadcast %get3A_1039 : f32 to vector<128x128xf32>
    %mul3A_1041 = arith.mulf %slice3A_63, %mul3A_1040 : vector<128x128xf32>
    %add3A_1042 = arith.addf %add3A_1037, %mul3A_1041 : vector<128x128xf32>
    %get3A_1043 = arith.constant 387 : index
    %get3A_1044 = memref.load %arg1[%get3A_1043] : memref<864xf32, #tpu.memory_space<smem>>
    %mul3A_1045 = vector.broadcast %get3A_1044 : f32 to vector<128x128xf32>
    %mul3A_1046 = arith.mulf %slice3A_55, %mul3A_1045 : vector<128x128xf32>
    %add3A_1047 = arith.addf %add3A_1042, %mul3A_1046 : vector<128x128xf32>
    %get3A_1048 = arith.constant 403 : index
    %get3A_1049 = memref.load %arg1[%get3A_1048] : memref<864xf32, #tpu.memory_space<smem>>
    %mul3A_1050 = vector.broadcast %get3A_1049 : f32 to vector<128x128xf32>
    %mul3A_1051 = arith.mulf %slice3A_64, %mul3A_1050 : vector<128x128xf32>
    %add3A_1052 = arith.addf %add3A_1047, %mul3A_1051 : vector<128x128xf32>
    %get3A_1053 = arith.constant 419 : index
    %get3A_1054 = memref.load %arg1[%get3A_1053] : memref<864xf32, #tpu.memory_space<smem>>
    %mul3A_1055 = vector.broadcast %get3A_1054 : f32 to vector<128x128xf32>
    %mul3A_1056 = arith.mulf %slice3A_56, %mul3A_1055 : vector<128x128xf32>
    %add3A_1057 = arith.addf %add3A_1052, %mul3A_1056 : vector<128x128xf32>
    %get3A_1058 = arith.constant 435 : index
    %get3A_1059 = memref.load %arg1[%get3A_1058] : memref<864xf32, #tpu.memory_space<smem>>
    %mul3A_1060 = vector.broadcast %get3A_1059 : f32 to vector<128x128xf32>
    %mul3A_1061 = arith.mulf %slice3A_65, %mul3A_1060 : vector<128x128xf32>
    %add3A_1062 = arith.addf %add3A_1057, %mul3A_1061 : vector<128x128xf32>
    %get3A_1063 = arith.constant 451 : index
    %get3A_1064 = memref.load %arg1[%get3A_1063] : memref<864xf32, #tpu.memory_space<smem>>
    %mul3A_1065 = vector.broadcast %get3A_1064 : f32 to vector<128x128xf32>
    %mul3A_1066 = arith.mulf %slice3A_57, %mul3A_1065 : vector<128x128xf32>
    %add3A_1067 = arith.addf %add3A_1062, %mul3A_1066 : vector<128x128xf32>
    %get3A_1068 = arith.constant 467 : index
    %get3A_1069 = memref.load %arg1[%get3A_1068] : memref<864xf32, #tpu.memory_space<smem>>
    %mul3A_1070 = vector.broadcast %get3A_1069 : f32 to vector<128x128xf32>
    %mul3A_1071 = arith.mulf %slice3A_66, %mul3A_1070 : vector<128x128xf32>
    %add3A_1072 = arith.addf %add3A_1067, %mul3A_1071 : vector<128x128xf32>
    %get3A_1073 = arith.constant 483 : index
    %get3A_1074 = memref.load %arg1[%get3A_1073] : memref<864xf32, #tpu.memory_space<smem>>
    %mul3A_1075 = vector.broadcast %get3A_1074 : f32 to vector<128x128xf32>
    %mul3A_1076 = arith.mulf %slice3A_58, %mul3A_1075 : vector<128x128xf32>
    %add3A_1077 = arith.addf %add3A_1072, %mul3A_1076 : vector<128x128xf32>
    %get3A_1078 = arith.constant 499 : index
    %get3A_1079 = memref.load %arg1[%get3A_1078] : memref<864xf32, #tpu.memory_space<smem>>
    %mul3A_1080 = vector.broadcast %get3A_1079 : f32 to vector<128x128xf32>
    %mul3A_1081 = arith.mulf %slice3A_67, %mul3A_1080 : vector<128x128xf32>
    %add3A_1082 = arith.addf %add3A_1077, %mul3A_1081 : vector<128x128xf32>
    %get3A_1083 = arith.constant 515 : index
    %get3A_1084 = memref.load %arg1[%get3A_1083] : memref<864xf32, #tpu.memory_space<smem>>
    %mul3A_1085 = vector.broadcast %get3A_1084 : f32 to vector<128x128xf32>
    %mul3A_1086 = arith.mulf %slice3A_59, %mul3A_1085 : vector<128x128xf32>
    %add3A_1087 = arith.addf %add3A_1082, %mul3A_1086 : vector<128x128xf32>
    %get3A_1088 = arith.constant 531 : index
    %get3A_1089 = memref.load %arg1[%get3A_1088] : memref<864xf32, #tpu.memory_space<smem>>
    %mul3A_1090 = vector.broadcast %get3A_1089 : f32 to vector<128x128xf32>
    %mul3A_1091 = arith.mulf %slice3A_68, %mul3A_1090 : vector<128x128xf32>
    %add3A_1092 = arith.addf %add3A_1087, %mul3A_1091 : vector<128x128xf32>
    %get3A_1093 = arith.constant 547 : index
    %get3A_1094 = memref.load %arg1[%get3A_1093] : memref<864xf32, #tpu.memory_space<smem>>
    %mul3A_1095 = vector.broadcast %get3A_1094 : f32 to vector<128x128xf32>
    %mul3A_1096 = arith.mulf %slice3A_60, %mul3A_1095 : vector<128x128xf32>
    %add3A_1097 = arith.addf %add3A_1092, %mul3A_1096 : vector<128x128xf32>
    %get3A_1098 = arith.constant 563 : index
    %get3A_1099 = memref.load %arg1[%get3A_1098] : memref<864xf32, #tpu.memory_space<smem>>
    %mul3A_1100 = vector.broadcast %get3A_1099 : f32 to vector<128x128xf32>
    %mul3A_1101 = arith.mulf %slice3A_69, %mul3A_1100 : vector<128x128xf32>
    %add3A_1102 = arith.addf %add3A_1097, %mul3A_1101 : vector<128x128xf32>
    %get3A_1103 = arith.constant 579 : index
    %get3A_1104 = memref.load %arg1[%get3A_1103] : memref<864xf32, #tpu.memory_space<smem>>
    %mul3A_1105 = vector.broadcast %get3A_1104 : f32 to vector<128x128xf32>
    %mul3A_1106 = arith.mulf %slice3A_70, %mul3A_1105 : vector<128x128xf32>
    %add3A_1107 = arith.addf %add3A_1102, %mul3A_1106 : vector<128x128xf32>
    %get3A_1108 = arith.constant 595 : index
    %get3A_1109 = memref.load %arg1[%get3A_1108] : memref<864xf32, #tpu.memory_space<smem>>
    %mul3A_1110 = vector.broadcast %get3A_1109 : f32 to vector<128x128xf32>
    %mul3A_1111 = arith.mulf %slice3A_79, %mul3A_1110 : vector<128x128xf32>
    %add3A_1112 = arith.addf %add3A_1107, %mul3A_1111 : vector<128x128xf32>
    %get3A_1113 = arith.constant 611 : index
    %get3A_1114 = memref.load %arg1[%get3A_1113] : memref<864xf32, #tpu.memory_space<smem>>
    %mul3A_1115 = vector.broadcast %get3A_1114 : f32 to vector<128x128xf32>
    %mul3A_1116 = arith.mulf %slice3A_71, %mul3A_1115 : vector<128x128xf32>
    %add3A_1117 = arith.addf %add3A_1112, %mul3A_1116 : vector<128x128xf32>
    %get3A_1118 = arith.constant 627 : index
    %get3A_1119 = memref.load %arg1[%get3A_1118] : memref<864xf32, #tpu.memory_space<smem>>
    %mul3A_1120 = vector.broadcast %get3A_1119 : f32 to vector<128x128xf32>
    %mul3A_1121 = arith.mulf %slice3A_80, %mul3A_1120 : vector<128x128xf32>
    %add3A_1122 = arith.addf %add3A_1117, %mul3A_1121 : vector<128x128xf32>
    %get3A_1123 = arith.constant 643 : index
    %get3A_1124 = memref.load %arg1[%get3A_1123] : memref<864xf32, #tpu.memory_space<smem>>
    %mul3A_1125 = vector.broadcast %get3A_1124 : f32 to vector<128x128xf32>
    %mul3A_1126 = arith.mulf %slice3A_72, %mul3A_1125 : vector<128x128xf32>
    %add3A_1127 = arith.addf %add3A_1122, %mul3A_1126 : vector<128x128xf32>
    %get3A_1128 = arith.constant 659 : index
    %get3A_1129 = memref.load %arg1[%get3A_1128] : memref<864xf32, #tpu.memory_space<smem>>
    %mul3A_1130 = vector.broadcast %get3A_1129 : f32 to vector<128x128xf32>
    %mul3A_1131 = arith.mulf %slice3A_81, %mul3A_1130 : vector<128x128xf32>
    %add3A_1132 = arith.addf %add3A_1127, %mul3A_1131 : vector<128x128xf32>
    %get3A_1133 = arith.constant 675 : index
    %get3A_1134 = memref.load %arg1[%get3A_1133] : memref<864xf32, #tpu.memory_space<smem>>
    %mul3A_1135 = vector.broadcast %get3A_1134 : f32 to vector<128x128xf32>
    %mul3A_1136 = arith.mulf %slice3A_73, %mul3A_1135 : vector<128x128xf32>
    %add3A_1137 = arith.addf %add3A_1132, %mul3A_1136 : vector<128x128xf32>
    %get3A_1138 = arith.constant 691 : index
    %get3A_1139 = memref.load %arg1[%get3A_1138] : memref<864xf32, #tpu.memory_space<smem>>
    %mul3A_1140 = vector.broadcast %get3A_1139 : f32 to vector<128x128xf32>
    %mul3A_1141 = arith.mulf %slice3A_82, %mul3A_1140 : vector<128x128xf32>
    %add3A_1142 = arith.addf %add3A_1137, %mul3A_1141 : vector<128x128xf32>
    %get3A_1143 = arith.constant 707 : index
    %get3A_1144 = memref.load %arg1[%get3A_1143] : memref<864xf32, #tpu.memory_space<smem>>
    %mul3A_1145 = vector.broadcast %get3A_1144 : f32 to vector<128x128xf32>
    %mul3A_1146 = arith.mulf %slice3A_74, %mul3A_1145 : vector<128x128xf32>
    %add3A_1147 = arith.addf %add3A_1142, %mul3A_1146 : vector<128x128xf32>
    %get3A_1148 = arith.constant 723 : index
    %get3A_1149 = memref.load %arg1[%get3A_1148] : memref<864xf32, #tpu.memory_space<smem>>
    %mul3A_1150 = vector.broadcast %get3A_1149 : f32 to vector<128x128xf32>
    %mul3A_1151 = arith.mulf %slice3A_83, %mul3A_1150 : vector<128x128xf32>
    %add3A_1152 = arith.addf %add3A_1147, %mul3A_1151 : vector<128x128xf32>
    %get3A_1153 = arith.constant 739 : index
    %get3A_1154 = memref.load %arg1[%get3A_1153] : memref<864xf32, #tpu.memory_space<smem>>
    %mul3A_1155 = vector.broadcast %get3A_1154 : f32 to vector<128x128xf32>
    %mul3A_1156 = arith.mulf %slice3A_75, %mul3A_1155 : vector<128x128xf32>
    %add3A_1157 = arith.addf %add3A_1152, %mul3A_1156 : vector<128x128xf32>
    %get3A_1158 = arith.constant 755 : index
    %get3A_1159 = memref.load %arg1[%get3A_1158] : memref<864xf32, #tpu.memory_space<smem>>
    %mul3A_1160 = vector.broadcast %get3A_1159 : f32 to vector<128x128xf32>
    %mul3A_1161 = arith.mulf %slice3A_84, %mul3A_1160 : vector<128x128xf32>
    %add3A_1162 = arith.addf %add3A_1157, %mul3A_1161 : vector<128x128xf32>
    %get3A_1163 = arith.constant 771 : index
    %get3A_1164 = memref.load %arg1[%get3A_1163] : memref<864xf32, #tpu.memory_space<smem>>
    %mul3A_1165 = vector.broadcast %get3A_1164 : f32 to vector<128x128xf32>
    %mul3A_1166 = arith.mulf %slice3A_76, %mul3A_1165 : vector<128x128xf32>
    %add3A_1167 = arith.addf %add3A_1162, %mul3A_1166 : vector<128x128xf32>
    %get3A_1168 = arith.constant 787 : index
    %get3A_1169 = memref.load %arg1[%get3A_1168] : memref<864xf32, #tpu.memory_space<smem>>
    %mul3A_1170 = vector.broadcast %get3A_1169 : f32 to vector<128x128xf32>
    %mul3A_1171 = arith.mulf %slice3A_85, %mul3A_1170 : vector<128x128xf32>
    %add3A_1172 = arith.addf %add3A_1167, %mul3A_1171 : vector<128x128xf32>
    %get3A_1173 = arith.constant 803 : index
    %get3A_1174 = memref.load %arg1[%get3A_1173] : memref<864xf32, #tpu.memory_space<smem>>
    %mul3A_1175 = vector.broadcast %get3A_1174 : f32 to vector<128x128xf32>
    %mul3A_1176 = arith.mulf %slice3A_77, %mul3A_1175 : vector<128x128xf32>
    %add3A_1177 = arith.addf %add3A_1172, %mul3A_1176 : vector<128x128xf32>
    %get3A_1178 = arith.constant 819 : index
    %get3A_1179 = memref.load %arg1[%get3A_1178] : memref<864xf32, #tpu.memory_space<smem>>
    %mul3A_1180 = vector.broadcast %get3A_1179 : f32 to vector<128x128xf32>
    %mul3A_1181 = arith.mulf %slice3A_86, %mul3A_1180 : vector<128x128xf32>
    %add3A_1182 = arith.addf %add3A_1177, %mul3A_1181 : vector<128x128xf32>
    %get3A_1183 = arith.constant 835 : index
    %get3A_1184 = memref.load %arg1[%get3A_1183] : memref<864xf32, #tpu.memory_space<smem>>
    %mul3A_1185 = vector.broadcast %get3A_1184 : f32 to vector<128x128xf32>
    %mul3A_1186 = arith.mulf %slice3A_78, %mul3A_1185 : vector<128x128xf32>
    %add3A_1187 = arith.addf %add3A_1182, %mul3A_1186 : vector<128x128xf32>
    %get3A_1188 = arith.constant 851 : index
    %get3A_1189 = memref.load %arg1[%get3A_1188] : memref<864xf32, #tpu.memory_space<smem>>
    %mul3A_1190 = vector.broadcast %get3A_1189 : f32 to vector<128x128xf32>
    %mul3A_1191 = arith.mulf %slice3A_87, %mul3A_1190 : vector<128x128xf32>
    %add3A_1192 = arith.addf %add3A_1187, %mul3A_1191 : vector<128x128xf32>
    %swap3A_1193 = arith.constant 0 : index
    %swap3A_1194 = arith.constant 3 : index
    %swap3A_1195 = arith.constant 0 : index
    %swap3A_1196 = arith.constant 0 : index
    %swap3A_1197 = vector.load %arg5[%swap3A_1193, %swap3A_1194, %swap3A_1195, %swap3A_1196] : memref<1x16x128x128xf32, #tpu.memory_space<vmem>>, vector<1x1x128x128xf32>
    %swap3A_1198 = vector.shape_cast %swap3A_1197 : vector<1x1x128x128xf32> to vector<128x128xf32>
    %swap3A_1199 = vector.shape_cast %add3A_1192 : vector<128x128xf32> to vector<1x1x128x128xf32>
    tpu.vector_store %arg5[%swap3A_1193, %swap3A_1194, %swap3A_1195, %swap3A_1196], %swap3A_1199 {strides = array<i32>} : memref<1x16x128x128xf32, #tpu.memory_space<vmem>>, vector<1x1x128x128xf32>,
    %broadcast_in_dim3A_1200 = arith.constant 0.000000e+00 : f32
    %broadcast_in_dim3A_1201 = vector.broadcast %broadcast_in_dim3A_1200 : f32 to vector<128x128xf32>
    %get3A_1202 = arith.constant 4 : index
    %get3A_1203 = memref.load %arg1[%get3A_1202] : memref<864xf32, #tpu.memory_space<smem>>
    %mul3A_1204 = vector.broadcast %get3A_1203 : f32 to vector<128x128xf32>
    %mul3A_1205 = arith.mulf %slice3A, %mul3A_1204 : vector<128x128xf32>
    %add3A_1206 = arith.addf %broadcast_in_dim3A_1201, %mul3A_1205 : vector<128x128xf32>
    %get3A_1207 = arith.constant 20 : index
    %get3A_1208 = memref.load %arg1[%get3A_1207] : memref<864xf32, #tpu.memory_space<smem>>
    %mul3A_1209 = vector.broadcast %get3A_1208 : f32 to vector<128x128xf32>
    %mul3A_1210 = arith.mulf %slice3A_43, %mul3A_1209 : vector<128x128xf32>
    %add3A_1211 = arith.addf %add3A_1206, %mul3A_1210 : vector<128x128xf32>
    %get3A_1212 = arith.constant 36 : index
    %get3A_1213 = memref.load %arg1[%get3A_1212] : memref<864xf32, #tpu.memory_space<smem>>
    %mul3A_1214 = vector.broadcast %get3A_1213 : f32 to vector<128x128xf32>
    %mul3A_1215 = arith.mulf %slice3A_35, %mul3A_1214 : vector<128x128xf32>
    %add3A_1216 = arith.addf %add3A_1211, %mul3A_1215 : vector<128x128xf32>
    %get3A_1217 = arith.constant 52 : index
    %get3A_1218 = memref.load %arg1[%get3A_1217] : memref<864xf32, #tpu.memory_space<smem>>
    %mul3A_1219 = vector.broadcast %get3A_1218 : f32 to vector<128x128xf32>
    %mul3A_1220 = arith.mulf %slice3A_44, %mul3A_1219 : vector<128x128xf32>
    %add3A_1221 = arith.addf %add3A_1216, %mul3A_1220 : vector<128x128xf32>
    %get3A_1222 = arith.constant 68 : index
    %get3A_1223 = memref.load %arg1[%get3A_1222] : memref<864xf32, #tpu.memory_space<smem>>
    %mul3A_1224 = vector.broadcast %get3A_1223 : f32 to vector<128x128xf32>
    %mul3A_1225 = arith.mulf %slice3A_36, %mul3A_1224 : vector<128x128xf32>
    %add3A_1226 = arith.addf %add3A_1221, %mul3A_1225 : vector<128x128xf32>
    %get3A_1227 = arith.constant 84 : index
    %get3A_1228 = memref.load %arg1[%get3A_1227] : memref<864xf32, #tpu.memory_space<smem>>
    %mul3A_1229 = vector.broadcast %get3A_1228 : f32 to vector<128x128xf32>
    %mul3A_1230 = arith.mulf %slice3A_45, %mul3A_1229 : vector<128x128xf32>
    %add3A_1231 = arith.addf %add3A_1226, %mul3A_1230 : vector<128x128xf32>
    %get3A_1232 = arith.constant 100 : index
    %get3A_1233 = memref.load %arg1[%get3A_1232] : memref<864xf32, #tpu.memory_space<smem>>
    %mul3A_1234 = vector.broadcast %get3A_1233 : f32 to vector<128x128xf32>
    %mul3A_1235 = arith.mulf %slice3A_37, %mul3A_1234 : vector<128x128xf32>
    %add3A_1236 = arith.addf %add3A_1231, %mul3A_1235 : vector<128x128xf32>
    %get3A_1237 = arith.constant 116 : index
    %get3A_1238 = memref.load %arg1[%get3A_1237] : memref<864xf32, #tpu.memory_space<smem>>
    %mul3A_1239 = vector.broadcast %get3A_1238 : f32 to vector<128x128xf32>
    %mul3A_1240 = arith.mulf %slice3A_46, %mul3A_1239 : vector<128x128xf32>
    %add3A_1241 = arith.addf %add3A_1236, %mul3A_1240 : vector<128x128xf32>
    %get3A_1242 = arith.constant 132 : index
    %get3A_1243 = memref.load %arg1[%get3A_1242] : memref<864xf32, #tpu.memory_space<smem>>
    %mul3A_1244 = vector.broadcast %get3A_1243 : f32 to vector<128x128xf32>
    %mul3A_1245 = arith.mulf %slice3A_38, %mul3A_1244 : vector<128x128xf32>
    %add3A_1246 = arith.addf %add3A_1241, %mul3A_1245 : vector<128x128xf32>
    %get3A_1247 = arith.constant 148 : index
    %get3A_1248 = memref.load %arg1[%get3A_1247] : memref<864xf32, #tpu.memory_space<smem>>
    %mul3A_1249 = vector.broadcast %get3A_1248 : f32 to vector<128x128xf32>
    %mul3A_1250 = arith.mulf %slice3A_47, %mul3A_1249 : vector<128x128xf32>
    %add3A_1251 = arith.addf %add3A_1246, %mul3A_1250 : vector<128x128xf32>
    %get3A_1252 = arith.constant 164 : index
    %get3A_1253 = memref.load %arg1[%get3A_1252] : memref<864xf32, #tpu.memory_space<smem>>
    %mul3A_1254 = vector.broadcast %get3A_1253 : f32 to vector<128x128xf32>
    %mul3A_1255 = arith.mulf %slice3A_39, %mul3A_1254 : vector<128x128xf32>
    %add3A_1256 = arith.addf %add3A_1251, %mul3A_1255 : vector<128x128xf32>
    %get3A_1257 = arith.constant 180 : index
    %get3A_1258 = memref.load %arg1[%get3A_1257] : memref<864xf32, #tpu.memory_space<smem>>
    %mul3A_1259 = vector.broadcast %get3A_1258 : f32 to vector<128x128xf32>
    %mul3A_1260 = arith.mulf %slice3A_48, %mul3A_1259 : vector<128x128xf32>
    %add3A_1261 = arith.addf %add3A_1256, %mul3A_1260 : vector<128x128xf32>
    %get3A_1262 = arith.constant 196 : index
    %get3A_1263 = memref.load %arg1[%get3A_1262] : memref<864xf32, #tpu.memory_space<smem>>
    %mul3A_1264 = vector.broadcast %get3A_1263 : f32 to vector<128x128xf32>
    %mul3A_1265 = arith.mulf %slice3A_40, %mul3A_1264 : vector<128x128xf32>
    %add3A_1266 = arith.addf %add3A_1261, %mul3A_1265 : vector<128x128xf32>
    %get3A_1267 = arith.constant 212 : index
    %get3A_1268 = memref.load %arg1[%get3A_1267] : memref<864xf32, #tpu.memory_space<smem>>
    %mul3A_1269 = vector.broadcast %get3A_1268 : f32 to vector<128x128xf32>
    %mul3A_1270 = arith.mulf %slice3A_49, %mul3A_1269 : vector<128x128xf32>
    %add3A_1271 = arith.addf %add3A_1266, %mul3A_1270 : vector<128x128xf32>
    %get3A_1272 = arith.constant 228 : index
    %get3A_1273 = memref.load %arg1[%get3A_1272] : memref<864xf32, #tpu.memory_space<smem>>
    %mul3A_1274 = vector.broadcast %get3A_1273 : f32 to vector<128x128xf32>
    %mul3A_1275 = arith.mulf %slice3A_41, %mul3A_1274 : vector<128x128xf32>
    %add3A_1276 = arith.addf %add3A_1271, %mul3A_1275 : vector<128x128xf32>
    %get3A_1277 = arith.constant 244 : index
    %get3A_1278 = memref.load %arg1[%get3A_1277] : memref<864xf32, #tpu.memory_space<smem>>
    %mul3A_1279 = vector.broadcast %get3A_1278 : f32 to vector<128x128xf32>
    %mul3A_1280 = arith.mulf %slice3A_50, %mul3A_1279 : vector<128x128xf32>
    %add3A_1281 = arith.addf %add3A_1276, %mul3A_1280 : vector<128x128xf32>
    %get3A_1282 = arith.constant 260 : index
    %get3A_1283 = memref.load %arg1[%get3A_1282] : memref<864xf32, #tpu.memory_space<smem>>
    %mul3A_1284 = vector.broadcast %get3A_1283 : f32 to vector<128x128xf32>
    %mul3A_1285 = arith.mulf %slice3A_42, %mul3A_1284 : vector<128x128xf32>
    %add3A_1286 = arith.addf %add3A_1281, %mul3A_1285 : vector<128x128xf32>
    %get3A_1287 = arith.constant 276 : index
    %get3A_1288 = memref.load %arg1[%get3A_1287] : memref<864xf32, #tpu.memory_space<smem>>
    %mul3A_1289 = vector.broadcast %get3A_1288 : f32 to vector<128x128xf32>
    %mul3A_1290 = arith.mulf %slice3A_51, %mul3A_1289 : vector<128x128xf32>
    %add3A_1291 = arith.addf %add3A_1286, %mul3A_1290 : vector<128x128xf32>
    %get3A_1292 = arith.constant 292 : index
    %get3A_1293 = memref.load %arg1[%get3A_1292] : memref<864xf32, #tpu.memory_space<smem>>
    %mul3A_1294 = vector.broadcast %get3A_1293 : f32 to vector<128x128xf32>
    %mul3A_1295 = arith.mulf %slice3A_52, %mul3A_1294 : vector<128x128xf32>
    %add3A_1296 = arith.addf %add3A_1291, %mul3A_1295 : vector<128x128xf32>
    %get3A_1297 = arith.constant 308 : index
    %get3A_1298 = memref.load %arg1[%get3A_1297] : memref<864xf32, #tpu.memory_space<smem>>
    %mul3A_1299 = vector.broadcast %get3A_1298 : f32 to vector<128x128xf32>
    %mul3A_1300 = arith.mulf %slice3A_61, %mul3A_1299 : vector<128x128xf32>
    %add3A_1301 = arith.addf %add3A_1296, %mul3A_1300 : vector<128x128xf32>
    %get3A_1302 = arith.constant 324 : index
    %get3A_1303 = memref.load %arg1[%get3A_1302] : memref<864xf32, #tpu.memory_space<smem>>
    %mul3A_1304 = vector.broadcast %get3A_1303 : f32 to vector<128x128xf32>
    %mul3A_1305 = arith.mulf %slice3A_53, %mul3A_1304 : vector<128x128xf32>
    %add3A_1306 = arith.addf %add3A_1301, %mul3A_1305 : vector<128x128xf32>
    %get3A_1307 = arith.constant 340 : index
    %get3A_1308 = memref.load %arg1[%get3A_1307] : memref<864xf32, #tpu.memory_space<smem>>
    %mul3A_1309 = vector.broadcast %get3A_1308 : f32 to vector<128x128xf32>
    %mul3A_1310 = arith.mulf %slice3A_62, %mul3A_1309 : vector<128x128xf32>
    %add3A_1311 = arith.addf %add3A_1306, %mul3A_1310 : vector<128x128xf32>
    %get3A_1312 = arith.constant 356 : index
    %get3A_1313 = memref.load %arg1[%get3A_1312] : memref<864xf32, #tpu.memory_space<smem>>
    %mul3A_1314 = vector.broadcast %get3A_1313 : f32 to vector<128x128xf32>
    %mul3A_1315 = arith.mulf %slice3A_54, %mul3A_1314 : vector<128x128xf32>
    %add3A_1316 = arith.addf %add3A_1311, %mul3A_1315 : vector<128x128xf32>
    %get3A_1317 = arith.constant 372 : index
    %get3A_1318 = memref.load %arg1[%get3A_1317] : memref<864xf32, #tpu.memory_space<smem>>
    %mul3A_1319 = vector.broadcast %get3A_1318 : f32 to vector<128x128xf32>
    %mul3A_1320 = arith.mulf %slice3A_63, %mul3A_1319 : vector<128x128xf32>
    %add3A_1321 = arith.addf %add3A_1316, %mul3A_1320 : vector<128x128xf32>
    %get3A_1322 = arith.constant 388 : index
    %get3A_1323 = memref.load %arg1[%get3A_1322] : memref<864xf32, #tpu.memory_space<smem>>
    %mul3A_1324 = vector.broadcast %get3A_1323 : f32 to vector<128x128xf32>
    %mul3A_1325 = arith.mulf %slice3A_55, %mul3A_1324 : vector<128x128xf32>
    %add3A_1326 = arith.addf %add3A_1321, %mul3A_1325 : vector<128x128xf32>
    %get3A_1327 = arith.constant 404 : index
    %get3A_1328 = memref.load %arg1[%get3A_1327] : memref<864xf32, #tpu.memory_space<smem>>
    %mul3A_1329 = vector.broadcast %get3A_1328 : f32 to vector<128x128xf32>
    %mul3A_1330 = arith.mulf %slice3A_64, %mul3A_1329 : vector<128x128xf32>
    %add3A_1331 = arith.addf %add3A_1326, %mul3A_1330 : vector<128x128xf32>
    %get3A_1332 = arith.constant 420 : index
    %get3A_1333 = memref.load %arg1[%get3A_1332] : memref<864xf32, #tpu.memory_space<smem>>
    %mul3A_1334 = vector.broadcast %get3A_1333 : f32 to vector<128x128xf32>
    %mul3A_1335 = arith.mulf %slice3A_56, %mul3A_1334 : vector<128x128xf32>
    %add3A_1336 = arith.addf %add3A_1331, %mul3A_1335 : vector<128x128xf32>
    %get3A_1337 = arith.constant 436 : index
    %get3A_1338 = memref.load %arg1[%get3A_1337] : memref<864xf32, #tpu.memory_space<smem>>
    %mul3A_1339 = vector.broadcast %get3A_1338 : f32 to vector<128x128xf32>
    %mul3A_1340 = arith.mulf %slice3A_65, %mul3A_1339 : vector<128x128xf32>
    %add3A_1341 = arith.addf %add3A_1336, %mul3A_1340 : vector<128x128xf32>
    %get3A_1342 = arith.constant 452 : index
    %get3A_1343 = memref.load %arg1[%get3A_1342] : memref<864xf32, #tpu.memory_space<smem>>
    %mul3A_1344 = vector.broadcast %get3A_1343 : f32 to vector<128x128xf32>
    %mul3A_1345 = arith.mulf %slice3A_57, %mul3A_1344 : vector<128x128xf32>
    %add3A_1346 = arith.addf %add3A_1341, %mul3A_1345 : vector<128x128xf32>
    %get3A_1347 = arith.constant 468 : index
    %get3A_1348 = memref.load %arg1[%get3A_1347] : memref<864xf32, #tpu.memory_space<smem>>
    %mul3A_1349 = vector.broadcast %get3A_1348 : f32 to vector<128x128xf32>
    %mul3A_1350 = arith.mulf %slice3A_66, %mul3A_1349 : vector<128x128xf32>
    %add3A_1351 = arith.addf %add3A_1346, %mul3A_1350 : vector<128x128xf32>
    %get3A_1352 = arith.constant 484 : index
    %get3A_1353 = memref.load %arg1[%get3A_1352] : memref<864xf32, #tpu.memory_space<smem>>
    %mul3A_1354 = vector.broadcast %get3A_1353 : f32 to vector<128x128xf32>
    %mul3A_1355 = arith.mulf %slice3A_58, %mul3A_1354 : vector<128x128xf32>
    %add3A_1356 = arith.addf %add3A_1351, %mul3A_1355 : vector<128x128xf32>
    %get3A_1357 = arith.constant 500 : index
    %get3A_1358 = memref.load %arg1[%get3A_1357] : memref<864xf32, #tpu.memory_space<smem>>
    %mul3A_1359 = vector.broadcast %get3A_1358 : f32 to vector<128x128xf32>
    %mul3A_1360 = arith.mulf %slice3A_67, %mul3A_1359 : vector<128x128xf32>
    %add3A_1361 = arith.addf %add3A_1356, %mul3A_1360 : vector<128x128xf32>
    %get3A_1362 = arith.constant 516 : index
    %get3A_1363 = memref.load %arg1[%get3A_1362] : memref<864xf32, #tpu.memory_space<smem>>
    %mul3A_1364 = vector.broadcast %get3A_1363 : f32 to vector<128x128xf32>
    %mul3A_1365 = arith.mulf %slice3A_59, %mul3A_1364 : vector<128x128xf32>
    %add3A_1366 = arith.addf %add3A_1361, %mul3A_1365 : vector<128x128xf32>
    %get3A_1367 = arith.constant 532 : index
    %get3A_1368 = memref.load %arg1[%get3A_1367] : memref<864xf32, #tpu.memory_space<smem>>
    %mul3A_1369 = vector.broadcast %get3A_1368 : f32 to vector<128x128xf32>
    %mul3A_1370 = arith.mulf %slice3A_68, %mul3A_1369 : vector<128x128xf32>
    %add3A_1371 = arith.addf %add3A_1366, %mul3A_1370 : vector<128x128xf32>
    %get3A_1372 = arith.constant 548 : index
    %get3A_1373 = memref.load %arg1[%get3A_1372] : memref<864xf32, #tpu.memory_space<smem>>
    %mul3A_1374 = vector.broadcast %get3A_1373 : f32 to vector<128x128xf32>
    %mul3A_1375 = arith.mulf %slice3A_60, %mul3A_1374 : vector<128x128xf32>
    %add3A_1376 = arith.addf %add3A_1371, %mul3A_1375 : vector<128x128xf32>
    %get3A_1377 = arith.constant 564 : index
    %get3A_1378 = memref.load %arg1[%get3A_1377] : memref<864xf32, #tpu.memory_space<smem>>
    %mul3A_1379 = vector.broadcast %get3A_1378 : f32 to vector<128x128xf32>
    %mul3A_1380 = arith.mulf %slice3A_69, %mul3A_1379 : vector<128x128xf32>
    %add3A_1381 = arith.addf %add3A_1376, %mul3A_1380 : vector<128x128xf32>
    %get3A_1382 = arith.constant 580 : index
    %get3A_1383 = memref.load %arg1[%get3A_1382] : memref<864xf32, #tpu.memory_space<smem>>
    %mul3A_1384 = vector.broadcast %get3A_1383 : f32 to vector<128x128xf32>
    %mul3A_1385 = arith.mulf %slice3A_70, %mul3A_1384 : vector<128x128xf32>
    %add3A_1386 = arith.addf %add3A_1381, %mul3A_1385 : vector<128x128xf32>
    %get3A_1387 = arith.constant 596 : index
    %get3A_1388 = memref.load %arg1[%get3A_1387] : memref<864xf32, #tpu.memory_space<smem>>
    %mul3A_1389 = vector.broadcast %get3A_1388 : f32 to vector<128x128xf32>
    %mul3A_1390 = arith.mulf %slice3A_79, %mul3A_1389 : vector<128x128xf32>
    %add3A_1391 = arith.addf %add3A_1386, %mul3A_1390 : vector<128x128xf32>
    %get3A_1392 = arith.constant 612 : index
    %get3A_1393 = memref.load %arg1[%get3A_1392] : memref<864xf32, #tpu.memory_space<smem>>
    %mul3A_1394 = vector.broadcast %get3A_1393 : f32 to vector<128x128xf32>
    %mul3A_1395 = arith.mulf %slice3A_71, %mul3A_1394 : vector<128x128xf32>
    %add3A_1396 = arith.addf %add3A_1391, %mul3A_1395 : vector<128x128xf32>
    %get3A_1397 = arith.constant 628 : index
    %get3A_1398 = memref.load %arg1[%get3A_1397] : memref<864xf32, #tpu.memory_space<smem>>
    %mul3A_1399 = vector.broadcast %get3A_1398 : f32 to vector<128x128xf32>
    %mul3A_1400 = arith.mulf %slice3A_80, %mul3A_1399 : vector<128x128xf32>
    %add3A_1401 = arith.addf %add3A_1396, %mul3A_1400 : vector<128x128xf32>
    %get3A_1402 = arith.constant 644 : index
    %get3A_1403 = memref.load %arg1[%get3A_1402] : memref<864xf32, #tpu.memory_space<smem>>
    %mul3A_1404 = vector.broadcast %get3A_1403 : f32 to vector<128x128xf32>
    %mul3A_1405 = arith.mulf %slice3A_72, %mul3A_1404 : vector<128x128xf32>
    %add3A_1406 = arith.addf %add3A_1401, %mul3A_1405 : vector<128x128xf32>
    %get3A_1407 = arith.constant 660 : index
    %get3A_1408 = memref.load %arg1[%get3A_1407] : memref<864xf32, #tpu.memory_space<smem>>
    %mul3A_1409 = vector.broadcast %get3A_1408 : f32 to vector<128x128xf32>
    %mul3A_1410 = arith.mulf %slice3A_81, %mul3A_1409 : vector<128x128xf32>
    %add3A_1411 = arith.addf %add3A_1406, %mul3A_1410 : vector<128x128xf32>
    %get3A_1412 = arith.constant 676 : index
    %get3A_1413 = memref.load %arg1[%get3A_1412] : memref<864xf32, #tpu.memory_space<smem>>
    %mul3A_1414 = vector.broadcast %get3A_1413 : f32 to vector<128x128xf32>
    %mul3A_1415 = arith.mulf %slice3A_73, %mul3A_1414 : vector<128x128xf32>
    %add3A_1416 = arith.addf %add3A_1411, %mul3A_1415 : vector<128x128xf32>
    %get3A_1417 = arith.constant 692 : index
    %get3A_1418 = memref.load %arg1[%get3A_1417] : memref<864xf32, #tpu.memory_space<smem>>
    %mul3A_1419 = vector.broadcast %get3A_1418 : f32 to vector<128x128xf32>
    %mul3A_1420 = arith.mulf %slice3A_82, %mul3A_1419 : vector<128x128xf32>
    %add3A_1421 = arith.addf %add3A_1416, %mul3A_1420 : vector<128x128xf32>
    %get3A_1422 = arith.constant 708 : index
    %get3A_1423 = memref.load %arg1[%get3A_1422] : memref<864xf32, #tpu.memory_space<smem>>
    %mul3A_1424 = vector.broadcast %get3A_1423 : f32 to vector<128x128xf32>
    %mul3A_1425 = arith.mulf %slice3A_74, %mul3A_1424 : vector<128x128xf32>
    %add3A_1426 = arith.addf %add3A_1421, %mul3A_1425 : vector<128x128xf32>
    %get3A_1427 = arith.constant 724 : index
    %get3A_1428 = memref.load %arg1[%get3A_1427] : memref<864xf32, #tpu.memory_space<smem>>
    %mul3A_1429 = vector.broadcast %get3A_1428 : f32 to vector<128x128xf32>
    %mul3A_1430 = arith.mulf %slice3A_83, %mul3A_1429 : vector<128x128xf32>
    %add3A_1431 = arith.addf %add3A_1426, %mul3A_1430 : vector<128x128xf32>
    %get3A_1432 = arith.constant 740 : index
    %get3A_1433 = memref.load %arg1[%get3A_1432] : memref<864xf32, #tpu.memory_space<smem>>
    %mul3A_1434 = vector.broadcast %get3A_1433 : f32 to vector<128x128xf32>
    %mul3A_1435 = arith.mulf %slice3A_75, %mul3A_1434 : vector<128x128xf32>
    %add3A_1436 = arith.addf %add3A_1431, %mul3A_1435 : vector<128x128xf32>
    %get3A_1437 = arith.constant 756 : index
    %get3A_1438 = memref.load %arg1[%get3A_1437] : memref<864xf32, #tpu.memory_space<smem>>
    %mul3A_1439 = vector.broadcast %get3A_1438 : f32 to vector<128x128xf32>
    %mul3A_1440 = arith.mulf %slice3A_84, %mul3A_1439 : vector<128x128xf32>
    %add3A_1441 = arith.addf %add3A_1436, %mul3A_1440 : vector<128x128xf32>
    %get3A_1442 = arith.constant 772 : index
    %get3A_1443 = memref.load %arg1[%get3A_1442] : memref<864xf32, #tpu.memory_space<smem>>
    %mul3A_1444 = vector.broadcast %get3A_1443 : f32 to vector<128x128xf32>
    %mul3A_1445 = arith.mulf %slice3A_76, %mul3A_1444 : vector<128x128xf32>
    %add3A_1446 = arith.addf %add3A_1441, %mul3A_1445 : vector<128x128xf32>
    %get3A_1447 = arith.constant 788 : index
    %get3A_1448 = memref.load %arg1[%get3A_1447] : memref<864xf32, #tpu.memory_space<smem>>
    %mul3A_1449 = vector.broadcast %get3A_1448 : f32 to vector<128x128xf32>
    %mul3A_1450 = arith.mulf %slice3A_85, %mul3A_1449 : vector<128x128xf32>
    %add3A_1451 = arith.addf %add3A_1446, %mul3A_1450 : vector<128x128xf32>
    %get3A_1452 = arith.constant 804 : index
    %get3A_1453 = memref.load %arg1[%get3A_1452] : memref<864xf32, #tpu.memory_space<smem>>
    %mul3A_1454 = vector.broadcast %get3A_1453 : f32 to vector<128x128xf32>
    %mul3A_1455 = arith.mulf %slice3A_77, %mul3A_1454 : vector<128x128xf32>
    %add3A_1456 = arith.addf %add3A_1451, %mul3A_1455 : vector<128x128xf32>
    %get3A_1457 = arith.constant 820 : index
    %get3A_1458 = memref.load %arg1[%get3A_1457] : memref<864xf32, #tpu.memory_space<smem>>
    %mul3A_1459 = vector.broadcast %get3A_1458 : f32 to vector<128x128xf32>
    %mul3A_1460 = arith.mulf %slice3A_86, %mul3A_1459 : vector<128x128xf32>
    %add3A_1461 = arith.addf %add3A_1456, %mul3A_1460 : vector<128x128xf32>
    %get3A_1462 = arith.constant 836 : index
    %get3A_1463 = memref.load %arg1[%get3A_1462] : memref<864xf32, #tpu.memory_space<smem>>
    %mul3A_1464 = vector.broadcast %get3A_1463 : f32 to vector<128x128xf32>
    %mul3A_1465 = arith.mulf %slice3A_78, %mul3A_1464 : vector<128x128xf32>
    %add3A_1466 = arith.addf %add3A_1461, %mul3A_1465 : vector<128x128xf32>
    %get3A_1467 = arith.constant 852 : index
    %get3A_1468 = memref.load %arg1[%get3A_1467] : memref<864xf32, #tpu.memory_space<smem>>
    %mul3A_1469 = vector.broadcast %get3A_1468 : f32 to vector<128x128xf32>
    %mul3A_1470 = arith.mulf %slice3A_87, %mul3A_1469 : vector<128x128xf32>
    %add3A_1471 = arith.addf %add3A_1466, %mul3A_1470 : vector<128x128xf32>
    %swap3A_1472 = arith.constant 0 : index
    %swap3A_1473 = arith.constant 4 : index
    %swap3A_1474 = arith.constant 0 : index
    %swap3A_1475 = arith.constant 0 : index
    %swap3A_1476 = vector.load %arg5[%swap3A_1472, %swap3A_1473, %swap3A_1474, %swap3A_1475] : memref<1x16x128x128xf32, #tpu.memory_space<vmem>>, vector<1x1x128x128xf32>
    %swap3A_1477 = vector.shape_cast %swap3A_1476 : vector<1x1x128x128xf32> to vector<128x128xf32>
    %swap3A_1478 = vector.shape_cast %add3A_1471 : vector<128x128xf32> to vector<1x1x128x128xf32>
    tpu.vector_store %arg5[%swap3A_1472, %swap3A_1473, %swap3A_1474, %swap3A_1475], %swap3A_1478 {strides = array<i32>} : memref<1x16x128x128xf32, #tpu.memory_space<vmem>>, vector<1x1x128x128xf32>,
    %broadcast_in_dim3A_1479 = arith.constant 0.000000e+00 : f32
    %broadcast_in_dim3A_1480 = vector.broadcast %broadcast_in_dim3A_1479 : f32 to vector<128x128xf32>
    %get3A_1481 = arith.constant 5 : index
    %get3A_1482 = memref.load %arg1[%get3A_1481] : memref<864xf32, #tpu.memory_space<smem>>
    %mul3A_1483 = vector.broadcast %get3A_1482 : f32 to vector<128x128xf32>
    %mul3A_1484 = arith.mulf %slice3A, %mul3A_1483 : vector<128x128xf32>
    %add3A_1485 = arith.addf %broadcast_in_dim3A_1480, %mul3A_1484 : vector<128x128xf32>
    %get3A_1486 = arith.constant 21 : index
    %get3A_1487 = memref.load %arg1[%get3A_1486] : memref<864xf32, #tpu.memory_space<smem>>
    %mul3A_1488 = vector.broadcast %get3A_1487 : f32 to vector<128x128xf32>
    %mul3A_1489 = arith.mulf %slice3A_43, %mul3A_1488 : vector<128x128xf32>
    %add3A_1490 = arith.addf %add3A_1485, %mul3A_1489 : vector<128x128xf32>
    %get3A_1491 = arith.constant 37 : index
    %get3A_1492 = memref.load %arg1[%get3A_1491] : memref<864xf32, #tpu.memory_space<smem>>
    %mul3A_1493 = vector.broadcast %get3A_1492 : f32 to vector<128x128xf32>
    %mul3A_1494 = arith.mulf %slice3A_35, %mul3A_1493 : vector<128x128xf32>
    %add3A_1495 = arith.addf %add3A_1490, %mul3A_1494 : vector<128x128xf32>
    %get3A_1496 = arith.constant 53 : index
    %get3A_1497 = memref.load %arg1[%get3A_1496] : memref<864xf32, #tpu.memory_space<smem>>
    %mul3A_1498 = vector.broadcast %get3A_1497 : f32 to vector<128x128xf32>
    %mul3A_1499 = arith.mulf %slice3A_44, %mul3A_1498 : vector<128x128xf32>
    %add3A_1500 = arith.addf %add3A_1495, %mul3A_1499 : vector<128x128xf32>
    %get3A_1501 = arith.constant 69 : index
    %get3A_1502 = memref.load %arg1[%get3A_1501] : memref<864xf32, #tpu.memory_space<smem>>
    %mul3A_1503 = vector.broadcast %get3A_1502 : f32 to vector<128x128xf32>
    %mul3A_1504 = arith.mulf %slice3A_36, %mul3A_1503 : vector<128x128xf32>
    %add3A_1505 = arith.addf %add3A_1500, %mul3A_1504 : vector<128x128xf32>
    %get3A_1506 = arith.constant 85 : index
    %get3A_1507 = memref.load %arg1[%get3A_1506] : memref<864xf32, #tpu.memory_space<smem>>
    %mul3A_1508 = vector.broadcast %get3A_1507 : f32 to vector<128x128xf32>
    %mul3A_1509 = arith.mulf %slice3A_45, %mul3A_1508 : vector<128x128xf32>
    %add3A_1510 = arith.addf %add3A_1505, %mul3A_1509 : vector<128x128xf32>
    %get3A_1511 = arith.constant 101 : index
    %get3A_1512 = memref.load %arg1[%get3A_1511] : memref<864xf32, #tpu.memory_space<smem>>
    %mul3A_1513 = vector.broadcast %get3A_1512 : f32 to vector<128x128xf32>
    %mul3A_1514 = arith.mulf %slice3A_37, %mul3A_1513 : vector<128x128xf32>
    %add3A_1515 = arith.addf %add3A_1510, %mul3A_1514 : vector<128x128xf32>
    %get3A_1516 = arith.constant 117 : index
    %get3A_1517 = memref.load %arg1[%get3A_1516] : memref<864xf32, #tpu.memory_space<smem>>
    %mul3A_1518 = vector.broadcast %get3A_1517 : f32 to vector<128x128xf32>
    %mul3A_1519 = arith.mulf %slice3A_46, %mul3A_1518 : vector<128x128xf32>
    %add3A_1520 = arith.addf %add3A_1515, %mul3A_1519 : vector<128x128xf32>
    %get3A_1521 = arith.constant 133 : index
    %get3A_1522 = memref.load %arg1[%get3A_1521] : memref<864xf32, #tpu.memory_space<smem>>
    %mul3A_1523 = vector.broadcast %get3A_1522 : f32 to vector<128x128xf32>
    %mul3A_1524 = arith.mulf %slice3A_38, %mul3A_1523 : vector<128x128xf32>
    %add3A_1525 = arith.addf %add3A_1520, %mul3A_1524 : vector<128x128xf32>
    %get3A_1526 = arith.constant 149 : index
    %get3A_1527 = memref.load %arg1[%get3A_1526] : memref<864xf32, #tpu.memory_space<smem>>
    %mul3A_1528 = vector.broadcast %get3A_1527 : f32 to vector<128x128xf32>
    %mul3A_1529 = arith.mulf %slice3A_47, %mul3A_1528 : vector<128x128xf32>
    %add3A_1530 = arith.addf %add3A_1525, %mul3A_1529 : vector<128x128xf32>
    %get3A_1531 = arith.constant 165 : index
    %get3A_1532 = memref.load %arg1[%get3A_1531] : memref<864xf32, #tpu.memory_space<smem>>
    %mul3A_1533 = vector.broadcast %get3A_1532 : f32 to vector<128x128xf32>
    %mul3A_1534 = arith.mulf %slice3A_39, %mul3A_1533 : vector<128x128xf32>
    %add3A_1535 = arith.addf %add3A_1530, %mul3A_1534 : vector<128x128xf32>
    %get3A_1536 = arith.constant 181 : index
    %get3A_1537 = memref.load %arg1[%get3A_1536] : memref<864xf32, #tpu.memory_space<smem>>
    %mul3A_1538 = vector.broadcast %get3A_1537 : f32 to vector<128x128xf32>
    %mul3A_1539 = arith.mulf %slice3A_48, %mul3A_1538 : vector<128x128xf32>
    %add3A_1540 = arith.addf %add3A_1535, %mul3A_1539 : vector<128x128xf32>
    %get3A_1541 = arith.constant 197 : index
    %get3A_1542 = memref.load %arg1[%get3A_1541] : memref<864xf32, #tpu.memory_space<smem>>
    %mul3A_1543 = vector.broadcast %get3A_1542 : f32 to vector<128x128xf32>
    %mul3A_1544 = arith.mulf %slice3A_40, %mul3A_1543 : vector<128x128xf32>
    %add3A_1545 = arith.addf %add3A_1540, %mul3A_1544 : vector<128x128xf32>
    %get3A_1546 = arith.constant 213 : index
    %get3A_1547 = memref.load %arg1[%get3A_1546] : memref<864xf32, #tpu.memory_space<smem>>
    %mul3A_1548 = vector.broadcast %get3A_1547 : f32 to vector<128x128xf32>
    %mul3A_1549 = arith.mulf %slice3A_49, %mul3A_1548 : vector<128x128xf32>
    %add3A_1550 = arith.addf %add3A_1545, %mul3A_1549 : vector<128x128xf32>
    %get3A_1551 = arith.constant 229 : index
    %get3A_1552 = memref.load %arg1[%get3A_1551] : memref<864xf32, #tpu.memory_space<smem>>
    %mul3A_1553 = vector.broadcast %get3A_1552 : f32 to vector<128x128xf32>
    %mul3A_1554 = arith.mulf %slice3A_41, %mul3A_1553 : vector<128x128xf32>
    %add3A_1555 = arith.addf %add3A_1550, %mul3A_1554 : vector<128x128xf32>
    %get3A_1556 = arith.constant 245 : index
    %get3A_1557 = memref.load %arg1[%get3A_1556] : memref<864xf32, #tpu.memory_space<smem>>
    %mul3A_1558 = vector.broadcast %get3A_1557 : f32 to vector<128x128xf32>
    %mul3A_1559 = arith.mulf %slice3A_50, %mul3A_1558 : vector<128x128xf32>
    %add3A_1560 = arith.addf %add3A_1555, %mul3A_1559 : vector<128x128xf32>
    %get3A_1561 = arith.constant 261 : index
    %get3A_1562 = memref.load %arg1[%get3A_1561] : memref<864xf32, #tpu.memory_space<smem>>
    %mul3A_1563 = vector.broadcast %get3A_1562 : f32 to vector<128x128xf32>
    %mul3A_1564 = arith.mulf %slice3A_42, %mul3A_1563 : vector<128x128xf32>
    %add3A_1565 = arith.addf %add3A_1560, %mul3A_1564 : vector<128x128xf32>
    %get3A_1566 = arith.constant 277 : index
    %get3A_1567 = memref.load %arg1[%get3A_1566] : memref<864xf32, #tpu.memory_space<smem>>
    %mul3A_1568 = vector.broadcast %get3A_1567 : f32 to vector<128x128xf32>
    %mul3A_1569 = arith.mulf %slice3A_51, %mul3A_1568 : vector<128x128xf32>
    %add3A_1570 = arith.addf %add3A_1565, %mul3A_1569 : vector<128x128xf32>
    %get3A_1571 = arith.constant 293 : index
    %get3A_1572 = memref.load %arg1[%get3A_1571] : memref<864xf32, #tpu.memory_space<smem>>
    %mul3A_1573 = vector.broadcast %get3A_1572 : f32 to vector<128x128xf32>
    %mul3A_1574 = arith.mulf %slice3A_52, %mul3A_1573 : vector<128x128xf32>
    %add3A_1575 = arith.addf %add3A_1570, %mul3A_1574 : vector<128x128xf32>
    %get3A_1576 = arith.constant 309 : index
    %get3A_1577 = memref.load %arg1[%get3A_1576] : memref<864xf32, #tpu.memory_space<smem>>
    %mul3A_1578 = vector.broadcast %get3A_1577 : f32 to vector<128x128xf32>
    %mul3A_1579 = arith.mulf %slice3A_61, %mul3A_1578 : vector<128x128xf32>
    %add3A_1580 = arith.addf %add3A_1575, %mul3A_1579 : vector<128x128xf32>
    %get3A_1581 = arith.constant 325 : index
    %get3A_1582 = memref.load %arg1[%get3A_1581] : memref<864xf32, #tpu.memory_space<smem>>
    %mul3A_1583 = vector.broadcast %get3A_1582 : f32 to vector<128x128xf32>
    %mul3A_1584 = arith.mulf %slice3A_53, %mul3A_1583 : vector<128x128xf32>
    %add3A_1585 = arith.addf %add3A_1580, %mul3A_1584 : vector<128x128xf32>
    %get3A_1586 = arith.constant 341 : index
    %get3A_1587 = memref.load %arg1[%get3A_1586] : memref<864xf32, #tpu.memory_space<smem>>
    %mul3A_1588 = vector.broadcast %get3A_1587 : f32 to vector<128x128xf32>
    %mul3A_1589 = arith.mulf %slice3A_62, %mul3A_1588 : vector<128x128xf32>
    %add3A_1590 = arith.addf %add3A_1585, %mul3A_1589 : vector<128x128xf32>
    %get3A_1591 = arith.constant 357 : index
    %get3A_1592 = memref.load %arg1[%get3A_1591] : memref<864xf32, #tpu.memory_space<smem>>
    %mul3A_1593 = vector.broadcast %get3A_1592 : f32 to vector<128x128xf32>
    %mul3A_1594 = arith.mulf %slice3A_54, %mul3A_1593 : vector<128x128xf32>
    %add3A_1595 = arith.addf %add3A_1590, %mul3A_1594 : vector<128x128xf32>
    %get3A_1596 = arith.constant 373 : index
    %get3A_1597 = memref.load %arg1[%get3A_1596] : memref<864xf32, #tpu.memory_space<smem>>
    %mul3A_1598 = vector.broadcast %get3A_1597 : f32 to vector<128x128xf32>
    %mul3A_1599 = arith.mulf %slice3A_63, %mul3A_1598 : vector<128x128xf32>
    %add3A_1600 = arith.addf %add3A_1595, %mul3A_1599 : vector<128x128xf32>
    %get3A_1601 = arith.constant 389 : index
    %get3A_1602 = memref.load %arg1[%get3A_1601] : memref<864xf32, #tpu.memory_space<smem>>
    %mul3A_1603 = vector.broadcast %get3A_1602 : f32 to vector<128x128xf32>
    %mul3A_1604 = arith.mulf %slice3A_55, %mul3A_1603 : vector<128x128xf32>
    %add3A_1605 = arith.addf %add3A_1600, %mul3A_1604 : vector<128x128xf32>
    %get3A_1606 = arith.constant 405 : index
    %get3A_1607 = memref.load %arg1[%get3A_1606] : memref<864xf32, #tpu.memory_space<smem>>
    %mul3A_1608 = vector.broadcast %get3A_1607 : f32 to vector<128x128xf32>
    %mul3A_1609 = arith.mulf %slice3A_64, %mul3A_1608 : vector<128x128xf32>
    %add3A_1610 = arith.addf %add3A_1605, %mul3A_1609 : vector<128x128xf32>
    %get3A_1611 = arith.constant 421 : index
    %get3A_1612 = memref.load %arg1[%get3A_1611] : memref<864xf32, #tpu.memory_space<smem>>
    %mul3A_1613 = vector.broadcast %get3A_1612 : f32 to vector<128x128xf32>
    %mul3A_1614 = arith.mulf %slice3A_56, %mul3A_1613 : vector<128x128xf32>
    %add3A_1615 = arith.addf %add3A_1610, %mul3A_1614 : vector<128x128xf32>
    %get3A_1616 = arith.constant 437 : index
    %get3A_1617 = memref.load %arg1[%get3A_1616] : memref<864xf32, #tpu.memory_space<smem>>
    %mul3A_1618 = vector.broadcast %get3A_1617 : f32 to vector<128x128xf32>
    %mul3A_1619 = arith.mulf %slice3A_65, %mul3A_1618 : vector<128x128xf32>
    %add3A_1620 = arith.addf %add3A_1615, %mul3A_1619 : vector<128x128xf32>
    %get3A_1621 = arith.constant 453 : index
    %get3A_1622 = memref.load %arg1[%get3A_1621] : memref<864xf32, #tpu.memory_space<smem>>
    %mul3A_1623 = vector.broadcast %get3A_1622 : f32 to vector<128x128xf32>
    %mul3A_1624 = arith.mulf %slice3A_57, %mul3A_1623 : vector<128x128xf32>
    %add3A_1625 = arith.addf %add3A_1620, %mul3A_1624 : vector<128x128xf32>
    %get3A_1626 = arith.constant 469 : index
    %get3A_1627 = memref.load %arg1[%get3A_1626] : memref<864xf32, #tpu.memory_space<smem>>
    %mul3A_1628 = vector.broadcast %get3A_1627 : f32 to vector<128x128xf32>
    %mul3A_1629 = arith.mulf %slice3A_66, %mul3A_1628 : vector<128x128xf32>
    %add3A_1630 = arith.addf %add3A_1625, %mul3A_1629 : vector<128x128xf32>
    %get3A_1631 = arith.constant 485 : index
    %get3A_1632 = memref.load %arg1[%get3A_1631] : memref<864xf32, #tpu.memory_space<smem>>
    %mul3A_1633 = vector.broadcast %get3A_1632 : f32 to vector<128x128xf32>
    %mul3A_1634 = arith.mulf %slice3A_58, %mul3A_1633 : vector<128x128xf32>
    %add3A_1635 = arith.addf %add3A_1630, %mul3A_1634 : vector<128x128xf32>
    %get3A_1636 = arith.constant 501 : index
    %get3A_1637 = memref.load %arg1[%get3A_1636] : memref<864xf32, #tpu.memory_space<smem>>
    %mul3A_1638 = vector.broadcast %get3A_1637 : f32 to vector<128x128xf32>
    %mul3A_1639 = arith.mulf %slice3A_67, %mul3A_1638 : vector<128x128xf32>
    %add3A_1640 = arith.addf %add3A_1635, %mul3A_1639 : vector<128x128xf32>
    %get3A_1641 = arith.constant 517 : index
    %get3A_1642 = memref.load %arg1[%get3A_1641] : memref<864xf32, #tpu.memory_space<smem>>
    %mul3A_1643 = vector.broadcast %get3A_1642 : f32 to vector<128x128xf32>
    %mul3A_1644 = arith.mulf %slice3A_59, %mul3A_1643 : vector<128x128xf32>
    %add3A_1645 = arith.addf %add3A_1640, %mul3A_1644 : vector<128x128xf32>
    %get3A_1646 = arith.constant 533 : index
    %get3A_1647 = memref.load %arg1[%get3A_1646] : memref<864xf32, #tpu.memory_space<smem>>
    %mul3A_1648 = vector.broadcast %get3A_1647 : f32 to vector<128x128xf32>
    %mul3A_1649 = arith.mulf %slice3A_68, %mul3A_1648 : vector<128x128xf32>
    %add3A_1650 = arith.addf %add3A_1645, %mul3A_1649 : vector<128x128xf32>
    %get3A_1651 = arith.constant 549 : index
    %get3A_1652 = memref.load %arg1[%get3A_1651] : memref<864xf32, #tpu.memory_space<smem>>
    %mul3A_1653 = vector.broadcast %get3A_1652 : f32 to vector<128x128xf32>
    %mul3A_1654 = arith.mulf %slice3A_60, %mul3A_1653 : vector<128x128xf32>
    %add3A_1655 = arith.addf %add3A_1650, %mul3A_1654 : vector<128x128xf32>
    %get3A_1656 = arith.constant 565 : index
    %get3A_1657 = memref.load %arg1[%get3A_1656] : memref<864xf32, #tpu.memory_space<smem>>
    %mul3A_1658 = vector.broadcast %get3A_1657 : f32 to vector<128x128xf32>
    %mul3A_1659 = arith.mulf %slice3A_69, %mul3A_1658 : vector<128x128xf32>
    %add3A_1660 = arith.addf %add3A_1655, %mul3A_1659 : vector<128x128xf32>
    %get3A_1661 = arith.constant 581 : index
    %get3A_1662 = memref.load %arg1[%get3A_1661] : memref<864xf32, #tpu.memory_space<smem>>
    %mul3A_1663 = vector.broadcast %get3A_1662 : f32 to vector<128x128xf32>
    %mul3A_1664 = arith.mulf %slice3A_70, %mul3A_1663 : vector<128x128xf32>
    %add3A_1665 = arith.addf %add3A_1660, %mul3A_1664 : vector<128x128xf32>
    %get3A_1666 = arith.constant 597 : index
    %get3A_1667 = memref.load %arg1[%get3A_1666] : memref<864xf32, #tpu.memory_space<smem>>
    %mul3A_1668 = vector.broadcast %get3A_1667 : f32 to vector<128x128xf32>
    %mul3A_1669 = arith.mulf %slice3A_79, %mul3A_1668 : vector<128x128xf32>
    %add3A_1670 = arith.addf %add3A_1665, %mul3A_1669 : vector<128x128xf32>
    %get3A_1671 = arith.constant 613 : index
    %get3A_1672 = memref.load %arg1[%get3A_1671] : memref<864xf32, #tpu.memory_space<smem>>
    %mul3A_1673 = vector.broadcast %get3A_1672 : f32 to vector<128x128xf32>
    %mul3A_1674 = arith.mulf %slice3A_71, %mul3A_1673 : vector<128x128xf32>
    %add3A_1675 = arith.addf %add3A_1670, %mul3A_1674 : vector<128x128xf32>
    %get3A_1676 = arith.constant 629 : index
    %get3A_1677 = memref.load %arg1[%get3A_1676] : memref<864xf32, #tpu.memory_space<smem>>
    %mul3A_1678 = vector.broadcast %get3A_1677 : f32 to vector<128x128xf32>
    %mul3A_1679 = arith.mulf %slice3A_80, %mul3A_1678 : vector<128x128xf32>
    %add3A_1680 = arith.addf %add3A_1675, %mul3A_1679 : vector<128x128xf32>
    %get3A_1681 = arith.constant 645 : index
    %get3A_1682 = memref.load %arg1[%get3A_1681] : memref<864xf32, #tpu.memory_space<smem>>
    %mul3A_1683 = vector.broadcast %get3A_1682 : f32 to vector<128x128xf32>
    %mul3A_1684 = arith.mulf %slice3A_72, %mul3A_1683 : vector<128x128xf32>
    %add3A_1685 = arith.addf %add3A_1680, %mul3A_1684 : vector<128x128xf32>
    %get3A_1686 = arith.constant 661 : index
    %get3A_1687 = memref.load %arg1[%get3A_1686] : memref<864xf32, #tpu.memory_space<smem>>
    %mul3A_1688 = vector.broadcast %get3A_1687 : f32 to vector<128x128xf32>
    %mul3A_1689 = arith.mulf %slice3A_81, %mul3A_1688 : vector<128x128xf32>
    %add3A_1690 = arith.addf %add3A_1685, %mul3A_1689 : vector<128x128xf32>
    %get3A_1691 = arith.constant 677 : index
    %get3A_1692 = memref.load %arg1[%get3A_1691] : memref<864xf32, #tpu.memory_space<smem>>
    %mul3A_1693 = vector.broadcast %get3A_1692 : f32 to vector<128x128xf32>
    %mul3A_1694 = arith.mulf %slice3A_73, %mul3A_1693 : vector<128x128xf32>
    %add3A_1695 = arith.addf %add3A_1690, %mul3A_1694 : vector<128x128xf32>
    %get3A_1696 = arith.constant 693 : index
    %get3A_1697 = memref.load %arg1[%get3A_1696] : memref<864xf32, #tpu.memory_space<smem>>
    %mul3A_1698 = vector.broadcast %get3A_1697 : f32 to vector<128x128xf32>
    %mul3A_1699 = arith.mulf %slice3A_82, %mul3A_1698 : vector<128x128xf32>
    %add3A_1700 = arith.addf %add3A_1695, %mul3A_1699 : vector<128x128xf32>
    %get3A_1701 = arith.constant 709 : index
    %get3A_1702 = memref.load %arg1[%get3A_1701] : memref<864xf32, #tpu.memory_space<smem>>
    %mul3A_1703 = vector.broadcast %get3A_1702 : f32 to vector<128x128xf32>
    %mul3A_1704 = arith.mulf %slice3A_74, %mul3A_1703 : vector<128x128xf32>
    %add3A_1705 = arith.addf %add3A_1700, %mul3A_1704 : vector<128x128xf32>
    %get3A_1706 = arith.constant 725 : index
    %get3A_1707 = memref.load %arg1[%get3A_1706] : memref<864xf32, #tpu.memory_space<smem>>
    %mul3A_1708 = vector.broadcast %get3A_1707 : f32 to vector<128x128xf32>
    %mul3A_1709 = arith.mulf %slice3A_83, %mul3A_1708 : vector<128x128xf32>
    %add3A_1710 = arith.addf %add3A_1705, %mul3A_1709 : vector<128x128xf32>
    %get3A_1711 = arith.constant 741 : index
    %get3A_1712 = memref.load %arg1[%get3A_1711] : memref<864xf32, #tpu.memory_space<smem>>
    %mul3A_1713 = vector.broadcast %get3A_1712 : f32 to vector<128x128xf32>
    %mul3A_1714 = arith.mulf %slice3A_75, %mul3A_1713 : vector<128x128xf32>
    %add3A_1715 = arith.addf %add3A_1710, %mul3A_1714 : vector<128x128xf32>
    %get3A_1716 = arith.constant 757 : index
    %get3A_1717 = memref.load %arg1[%get3A_1716] : memref<864xf32, #tpu.memory_space<smem>>
    %mul3A_1718 = vector.broadcast %get3A_1717 : f32 to vector<128x128xf32>
    %mul3A_1719 = arith.mulf %slice3A_84, %mul3A_1718 : vector<128x128xf32>
    %add3A_1720 = arith.addf %add3A_1715, %mul3A_1719 : vector<128x128xf32>
    %get3A_1721 = arith.constant 773 : index
    %get3A_1722 = memref.load %arg1[%get3A_1721] : memref<864xf32, #tpu.memory_space<smem>>
    %mul3A_1723 = vector.broadcast %get3A_1722 : f32 to vector<128x128xf32>
    %mul3A_1724 = arith.mulf %slice3A_76, %mul3A_1723 : vector<128x128xf32>
    %add3A_1725 = arith.addf %add3A_1720, %mul3A_1724 : vector<128x128xf32>
    %get3A_1726 = arith.constant 789 : index
    %get3A_1727 = memref.load %arg1[%get3A_1726] : memref<864xf32, #tpu.memory_space<smem>>
    %mul3A_1728 = vector.broadcast %get3A_1727 : f32 to vector<128x128xf32>
    %mul3A_1729 = arith.mulf %slice3A_85, %mul3A_1728 : vector<128x128xf32>
    %add3A_1730 = arith.addf %add3A_1725, %mul3A_1729 : vector<128x128xf32>
    %get3A_1731 = arith.constant 805 : index
    %get3A_1732 = memref.load %arg1[%get3A_1731] : memref<864xf32, #tpu.memory_space<smem>>
    %mul3A_1733 = vector.broadcast %get3A_1732 : f32 to vector<128x128xf32>
    %mul3A_1734 = arith.mulf %slice3A_77, %mul3A_1733 : vector<128x128xf32>
    %add3A_1735 = arith.addf %add3A_1730, %mul3A_1734 : vector<128x128xf32>
    %get3A_1736 = arith.constant 821 : index
    %get3A_1737 = memref.load %arg1[%get3A_1736] : memref<864xf32, #tpu.memory_space<smem>>
    %mul3A_1738 = vector.broadcast %get3A_1737 : f32 to vector<128x128xf32>
    %mul3A_1739 = arith.mulf %slice3A_86, %mul3A_1738 : vector<128x128xf32>
    %add3A_1740 = arith.addf %add3A_1735, %mul3A_1739 : vector<128x128xf32>
    %get3A_1741 = arith.constant 837 : index
    %get3A_1742 = memref.load %arg1[%get3A_1741] : memref<864xf32, #tpu.memory_space<smem>>
    %mul3A_1743 = vector.broadcast %get3A_1742 : f32 to vector<128x128xf32>
    %mul3A_1744 = arith.mulf %slice3A_78, %mul3A_1743 : vector<128x128xf32>
    %add3A_1745 = arith.addf %add3A_1740, %mul3A_1744 : vector<128x128xf32>
    %get3A_1746 = arith.constant 853 : index
    %get3A_1747 = memref.load %arg1[%get3A_1746] : memref<864xf32, #tpu.memory_space<smem>>
    %mul3A_1748 = vector.broadcast %get3A_1747 : f32 to vector<128x128xf32>
    %mul3A_1749 = arith.mulf %slice3A_87, %mul3A_1748 : vector<128x128xf32>
    %add3A_1750 = arith.addf %add3A_1745, %mul3A_1749 : vector<128x128xf32>
    %swap3A_1751 = arith.constant 0 : index
    %swap3A_1752 = arith.constant 5 : index
    %swap3A_1753 = arith.constant 0 : index
    %swap3A_1754 = arith.constant 0 : index
    %swap3A_1755 = vector.load %arg5[%swap3A_1751, %swap3A_1752, %swap3A_1753, %swap3A_1754] : memref<1x16x128x128xf32, #tpu.memory_space<vmem>>, vector<1x1x128x128xf32>
    %swap3A_1756 = vector.shape_cast %swap3A_1755 : vector<1x1x128x128xf32> to vector<128x128xf32>
    %swap3A_1757 = vector.shape_cast %add3A_1750 : vector<128x128xf32> to vector<1x1x128x128xf32>
    tpu.vector_store %arg5[%swap3A_1751, %swap3A_1752, %swap3A_1753, %swap3A_1754], %swap3A_1757 {strides = array<i32>} : memref<1x16x128x128xf32, #tpu.memory_space<vmem>>, vector<1x1x128x128xf32>,
    %broadcast_in_dim3A_1758 = arith.constant 0.000000e+00 : f32
    %broadcast_in_dim3A_1759 = vector.broadcast %broadcast_in_dim3A_1758 : f32 to vector<128x128xf32>
    %get3A_1760 = arith.constant 6 : index
    %get3A_1761 = memref.load %arg1[%get3A_1760] : memref<864xf32, #tpu.memory_space<smem>>
    %mul3A_1762 = vector.broadcast %get3A_1761 : f32 to vector<128x128xf32>
    %mul3A_1763 = arith.mulf %slice3A, %mul3A_1762 : vector<128x128xf32>
    %add3A_1764 = arith.addf %broadcast_in_dim3A_1759, %mul3A_1763 : vector<128x128xf32>
    %get3A_1765 = arith.constant 22 : index
    %get3A_1766 = memref.load %arg1[%get3A_1765] : memref<864xf32, #tpu.memory_space<smem>>
    %mul3A_1767 = vector.broadcast %get3A_1766 : f32 to vector<128x128xf32>
    %mul3A_1768 = arith.mulf %slice3A_43, %mul3A_1767 : vector<128x128xf32>
    %add3A_1769 = arith.addf %add3A_1764, %mul3A_1768 : vector<128x128xf32>
    %get3A_1770 = arith.constant 38 : index
    %get3A_1771 = memref.load %arg1[%get3A_1770] : memref<864xf32, #tpu.memory_space<smem>>
    %mul3A_1772 = vector.broadcast %get3A_1771 : f32 to vector<128x128xf32>
    %mul3A_1773 = arith.mulf %slice3A_35, %mul3A_1772 : vector<128x128xf32>
    %add3A_1774 = arith.addf %add3A_1769, %mul3A_1773 : vector<128x128xf32>
    %get3A_1775 = arith.constant 54 : index
    %get3A_1776 = memref.load %arg1[%get3A_1775] : memref<864xf32, #tpu.memory_space<smem>>
    %mul3A_1777 = vector.broadcast %get3A_1776 : f32 to vector<128x128xf32>
    %mul3A_1778 = arith.mulf %slice3A_44, %mul3A_1777 : vector<128x128xf32>
    %add3A_1779 = arith.addf %add3A_1774, %mul3A_1778 : vector<128x128xf32>
    %get3A_1780 = arith.constant 70 : index
    %get3A_1781 = memref.load %arg1[%get3A_1780] : memref<864xf32, #tpu.memory_space<smem>>
    %mul3A_1782 = vector.broadcast %get3A_1781 : f32 to vector<128x128xf32>
    %mul3A_1783 = arith.mulf %slice3A_36, %mul3A_1782 : vector<128x128xf32>
    %add3A_1784 = arith.addf %add3A_1779, %mul3A_1783 : vector<128x128xf32>
    %get3A_1785 = arith.constant 86 : index
    %get3A_1786 = memref.load %arg1[%get3A_1785] : memref<864xf32, #tpu.memory_space<smem>>
    %mul3A_1787 = vector.broadcast %get3A_1786 : f32 to vector<128x128xf32>
    %mul3A_1788 = arith.mulf %slice3A_45, %mul3A_1787 : vector<128x128xf32>
    %add3A_1789 = arith.addf %add3A_1784, %mul3A_1788 : vector<128x128xf32>
    %get3A_1790 = arith.constant 102 : index
    %get3A_1791 = memref.load %arg1[%get3A_1790] : memref<864xf32, #tpu.memory_space<smem>>
    %mul3A_1792 = vector.broadcast %get3A_1791 : f32 to vector<128x128xf32>
    %mul3A_1793 = arith.mulf %slice3A_37, %mul3A_1792 : vector<128x128xf32>
    %add3A_1794 = arith.addf %add3A_1789, %mul3A_1793 : vector<128x128xf32>
    %get3A_1795 = arith.constant 118 : index
    %get3A_1796 = memref.load %arg1[%get3A_1795] : memref<864xf32, #tpu.memory_space<smem>>
    %mul3A_1797 = vector.broadcast %get3A_1796 : f32 to vector<128x128xf32>
    %mul3A_1798 = arith.mulf %slice3A_46, %mul3A_1797 : vector<128x128xf32>
    %add3A_1799 = arith.addf %add3A_1794, %mul3A_1798 : vector<128x128xf32>
    %get3A_1800 = arith.constant 134 : index
    %get3A_1801 = memref.load %arg1[%get3A_1800] : memref<864xf32, #tpu.memory_space<smem>>
    %mul3A_1802 = vector.broadcast %get3A_1801 : f32 to vector<128x128xf32>
    %mul3A_1803 = arith.mulf %slice3A_38, %mul3A_1802 : vector<128x128xf32>
    %add3A_1804 = arith.addf %add3A_1799, %mul3A_1803 : vector<128x128xf32>
    %get3A_1805 = arith.constant 150 : index
    %get3A_1806 = memref.load %arg1[%get3A_1805] : memref<864xf32, #tpu.memory_space<smem>>
    %mul3A_1807 = vector.broadcast %get3A_1806 : f32 to vector<128x128xf32>
    %mul3A_1808 = arith.mulf %slice3A_47, %mul3A_1807 : vector<128x128xf32>
    %add3A_1809 = arith.addf %add3A_1804, %mul3A_1808 : vector<128x128xf32>
    %get3A_1810 = arith.constant 166 : index
    %get3A_1811 = memref.load %arg1[%get3A_1810] : memref<864xf32, #tpu.memory_space<smem>>
    %mul3A_1812 = vector.broadcast %get3A_1811 : f32 to vector<128x128xf32>
    %mul3A_1813 = arith.mulf %slice3A_39, %mul3A_1812 : vector<128x128xf32>
    %add3A_1814 = arith.addf %add3A_1809, %mul3A_1813 : vector<128x128xf32>
    %get3A_1815 = arith.constant 182 : index
    %get3A_1816 = memref.load %arg1[%get3A_1815] : memref<864xf32, #tpu.memory_space<smem>>
    %mul3A_1817 = vector.broadcast %get3A_1816 : f32 to vector<128x128xf32>
    %mul3A_1818 = arith.mulf %slice3A_48, %mul3A_1817 : vector<128x128xf32>
    %add3A_1819 = arith.addf %add3A_1814, %mul3A_1818 : vector<128x128xf32>
    %get3A_1820 = arith.constant 198 : index
    %get3A_1821 = memref.load %arg1[%get3A_1820] : memref<864xf32, #tpu.memory_space<smem>>
    %mul3A_1822 = vector.broadcast %get3A_1821 : f32 to vector<128x128xf32>
    %mul3A_1823 = arith.mulf %slice3A_40, %mul3A_1822 : vector<128x128xf32>
    %add3A_1824 = arith.addf %add3A_1819, %mul3A_1823 : vector<128x128xf32>
    %get3A_1825 = arith.constant 214 : index
    %get3A_1826 = memref.load %arg1[%get3A_1825] : memref<864xf32, #tpu.memory_space<smem>>
    %mul3A_1827 = vector.broadcast %get3A_1826 : f32 to vector<128x128xf32>
    %mul3A_1828 = arith.mulf %slice3A_49, %mul3A_1827 : vector<128x128xf32>
    %add3A_1829 = arith.addf %add3A_1824, %mul3A_1828 : vector<128x128xf32>
    %get3A_1830 = arith.constant 230 : index
    %get3A_1831 = memref.load %arg1[%get3A_1830] : memref<864xf32, #tpu.memory_space<smem>>
    %mul3A_1832 = vector.broadcast %get3A_1831 : f32 to vector<128x128xf32>
    %mul3A_1833 = arith.mulf %slice3A_41, %mul3A_1832 : vector<128x128xf32>
    %add3A_1834 = arith.addf %add3A_1829, %mul3A_1833 : vector<128x128xf32>
    %get3A_1835 = arith.constant 246 : index
    %get3A_1836 = memref.load %arg1[%get3A_1835] : memref<864xf32, #tpu.memory_space<smem>>
    %mul3A_1837 = vector.broadcast %get3A_1836 : f32 to vector<128x128xf32>
    %mul3A_1838 = arith.mulf %slice3A_50, %mul3A_1837 : vector<128x128xf32>
    %add3A_1839 = arith.addf %add3A_1834, %mul3A_1838 : vector<128x128xf32>
    %get3A_1840 = arith.constant 262 : index
    %get3A_1841 = memref.load %arg1[%get3A_1840] : memref<864xf32, #tpu.memory_space<smem>>
    %mul3A_1842 = vector.broadcast %get3A_1841 : f32 to vector<128x128xf32>
    %mul3A_1843 = arith.mulf %slice3A_42, %mul3A_1842 : vector<128x128xf32>
    %add3A_1844 = arith.addf %add3A_1839, %mul3A_1843 : vector<128x128xf32>
    %get3A_1845 = arith.constant 278 : index
    %get3A_1846 = memref.load %arg1[%get3A_1845] : memref<864xf32, #tpu.memory_space<smem>>
    %mul3A_1847 = vector.broadcast %get3A_1846 : f32 to vector<128x128xf32>
    %mul3A_1848 = arith.mulf %slice3A_51, %mul3A_1847 : vector<128x128xf32>
    %add3A_1849 = arith.addf %add3A_1844, %mul3A_1848 : vector<128x128xf32>
    %get3A_1850 = arith.constant 294 : index
    %get3A_1851 = memref.load %arg1[%get3A_1850] : memref<864xf32, #tpu.memory_space<smem>>
    %mul3A_1852 = vector.broadcast %get3A_1851 : f32 to vector<128x128xf32>
    %mul3A_1853 = arith.mulf %slice3A_52, %mul3A_1852 : vector<128x128xf32>
    %add3A_1854 = arith.addf %add3A_1849, %mul3A_1853 : vector<128x128xf32>
    %get3A_1855 = arith.constant 310 : index
    %get3A_1856 = memref.load %arg1[%get3A_1855] : memref<864xf32, #tpu.memory_space<smem>>
    %mul3A_1857 = vector.broadcast %get3A_1856 : f32 to vector<128x128xf32>
    %mul3A_1858 = arith.mulf %slice3A_61, %mul3A_1857 : vector<128x128xf32>
    %add3A_1859 = arith.addf %add3A_1854, %mul3A_1858 : vector<128x128xf32>
    %get3A_1860 = arith.constant 326 : index
    %get3A_1861 = memref.load %arg1[%get3A_1860] : memref<864xf32, #tpu.memory_space<smem>>
    %mul3A_1862 = vector.broadcast %get3A_1861 : f32 to vector<128x128xf32>
    %mul3A_1863 = arith.mulf %slice3A_53, %mul3A_1862 : vector<128x128xf32>
    %add3A_1864 = arith.addf %add3A_1859, %mul3A_1863 : vector<128x128xf32>
    %get3A_1865 = arith.constant 342 : index
    %get3A_1866 = memref.load %arg1[%get3A_1865] : memref<864xf32, #tpu.memory_space<smem>>
    %mul3A_1867 = vector.broadcast %get3A_1866 : f32 to vector<128x128xf32>
    %mul3A_1868 = arith.mulf %slice3A_62, %mul3A_1867 : vector<128x128xf32>
    %add3A_1869 = arith.addf %add3A_1864, %mul3A_1868 : vector<128x128xf32>
    %get3A_1870 = arith.constant 358 : index
    %get3A_1871 = memref.load %arg1[%get3A_1870] : memref<864xf32, #tpu.memory_space<smem>>
    %mul3A_1872 = vector.broadcast %get3A_1871 : f32 to vector<128x128xf32>
    %mul3A_1873 = arith.mulf %slice3A_54, %mul3A_1872 : vector<128x128xf32>
    %add3A_1874 = arith.addf %add3A_1869, %mul3A_1873 : vector<128x128xf32>
    %get3A_1875 = arith.constant 374 : index
    %get3A_1876 = memref.load %arg1[%get3A_1875] : memref<864xf32, #tpu.memory_space<smem>>
    %mul3A_1877 = vector.broadcast %get3A_1876 : f32 to vector<128x128xf32>
    %mul3A_1878 = arith.mulf %slice3A_63, %mul3A_1877 : vector<128x128xf32>
    %add3A_1879 = arith.addf %add3A_1874, %mul3A_1878 : vector<128x128xf32>
    %get3A_1880 = arith.constant 390 : index
    %get3A_1881 = memref.load %arg1[%get3A_1880] : memref<864xf32, #tpu.memory_space<smem>>
    %mul3A_1882 = vector.broadcast %get3A_1881 : f32 to vector<128x128xf32>
    %mul3A_1883 = arith.mulf %slice3A_55, %mul3A_1882 : vector<128x128xf32>
    %add3A_1884 = arith.addf %add3A_1879, %mul3A_1883 : vector<128x128xf32>
    %get3A_1885 = arith.constant 406 : index
    %get3A_1886 = memref.load %arg1[%get3A_1885] : memref<864xf32, #tpu.memory_space<smem>>
    %mul3A_1887 = vector.broadcast %get3A_1886 : f32 to vector<128x128xf32>
    %mul3A_1888 = arith.mulf %slice3A_64, %mul3A_1887 : vector<128x128xf32>
    %add3A_1889 = arith.addf %add3A_1884, %mul3A_1888 : vector<128x128xf32>
    %get3A_1890 = arith.constant 422 : index
    %get3A_1891 = memref.load %arg1[%get3A_1890] : memref<864xf32, #tpu.memory_space<smem>>
    %mul3A_1892 = vector.broadcast %get3A_1891 : f32 to vector<128x128xf32>
    %mul3A_1893 = arith.mulf %slice3A_56, %mul3A_1892 : vector<128x128xf32>
    %add3A_1894 = arith.addf %add3A_1889, %mul3A_1893 : vector<128x128xf32>
    %get3A_1895 = arith.constant 438 : index
    %get3A_1896 = memref.load %arg1[%get3A_1895] : memref<864xf32, #tpu.memory_space<smem>>
    %mul3A_1897 = vector.broadcast %get3A_1896 : f32 to vector<128x128xf32>
    %mul3A_1898 = arith.mulf %slice3A_65, %mul3A_1897 : vector<128x128xf32>
    %add3A_1899 = arith.addf %add3A_1894, %mul3A_1898 : vector<128x128xf32>
    %get3A_1900 = arith.constant 454 : index
    %get3A_1901 = memref.load %arg1[%get3A_1900] : memref<864xf32, #tpu.memory_space<smem>>
    %mul3A_1902 = vector.broadcast %get3A_1901 : f32 to vector<128x128xf32>
    %mul3A_1903 = arith.mulf %slice3A_57, %mul3A_1902 : vector<128x128xf32>
    %add3A_1904 = arith.addf %add3A_1899, %mul3A_1903 : vector<128x128xf32>
    %get3A_1905 = arith.constant 470 : index
    %get3A_1906 = memref.load %arg1[%get3A_1905] : memref<864xf32, #tpu.memory_space<smem>>
    %mul3A_1907 = vector.broadcast %get3A_1906 : f32 to vector<128x128xf32>
    %mul3A_1908 = arith.mulf %slice3A_66, %mul3A_1907 : vector<128x128xf32>
    %add3A_1909 = arith.addf %add3A_1904, %mul3A_1908 : vector<128x128xf32>
    %get3A_1910 = arith.constant 486 : index
    %get3A_1911 = memref.load %arg1[%get3A_1910] : memref<864xf32, #tpu.memory_space<smem>>
    %mul3A_1912 = vector.broadcast %get3A_1911 : f32 to vector<128x128xf32>
    %mul3A_1913 = arith.mulf %slice3A_58, %mul3A_1912 : vector<128x128xf32>
    %add3A_1914 = arith.addf %add3A_1909, %mul3A_1913 : vector<128x128xf32>
    %get3A_1915 = arith.constant 502 : index
    %get3A_1916 = memref.load %arg1[%get3A_1915] : memref<864xf32, #tpu.memory_space<smem>>
    %mul3A_1917 = vector.broadcast %get3A_1916 : f32 to vector<128x128xf32>
    %mul3A_1918 = arith.mulf %slice3A_67, %mul3A_1917 : vector<128x128xf32>
    %add3A_1919 = arith.addf %add3A_1914, %mul3A_1918 : vector<128x128xf32>
    %get3A_1920 = arith.constant 518 : index
    %get3A_1921 = memref.load %arg1[%get3A_1920] : memref<864xf32, #tpu.memory_space<smem>>
    %mul3A_1922 = vector.broadcast %get3A_1921 : f32 to vector<128x128xf32>
    %mul3A_1923 = arith.mulf %slice3A_59, %mul3A_1922 : vector<128x128xf32>
    %add3A_1924 = arith.addf %add3A_1919, %mul3A_1923 : vector<128x128xf32>
    %get3A_1925 = arith.constant 534 : index
    %get3A_1926 = memref.load %arg1[%get3A_1925] : memref<864xf32, #tpu.memory_space<smem>>
    %mul3A_1927 = vector.broadcast %get3A_1926 : f32 to vector<128x128xf32>
    %mul3A_1928 = arith.mulf %slice3A_68, %mul3A_1927 : vector<128x128xf32>
    %add3A_1929 = arith.addf %add3A_1924, %mul3A_1928 : vector<128x128xf32>
    %get3A_1930 = arith.constant 550 : index
    %get3A_1931 = memref.load %arg1[%get3A_1930] : memref<864xf32, #tpu.memory_space<smem>>
    %mul3A_1932 = vector.broadcast %get3A_1931 : f32 to vector<128x128xf32>
    %mul3A_1933 = arith.mulf %slice3A_60, %mul3A_1932 : vector<128x128xf32>
    %add3A_1934 = arith.addf %add3A_1929, %mul3A_1933 : vector<128x128xf32>
    %get3A_1935 = arith.constant 566 : index
    %get3A_1936 = memref.load %arg1[%get3A_1935] : memref<864xf32, #tpu.memory_space<smem>>
    %mul3A_1937 = vector.broadcast %get3A_1936 : f32 to vector<128x128xf32>
    %mul3A_1938 = arith.mulf %slice3A_69, %mul3A_1937 : vector<128x128xf32>
    %add3A_1939 = arith.addf %add3A_1934, %mul3A_1938 : vector<128x128xf32>
    %get3A_1940 = arith.constant 582 : index
    %get3A_1941 = memref.load %arg1[%get3A_1940] : memref<864xf32, #tpu.memory_space<smem>>
    %mul3A_1942 = vector.broadcast %get3A_1941 : f32 to vector<128x128xf32>
    %mul3A_1943 = arith.mulf %slice3A_70, %mul3A_1942 : vector<128x128xf32>
    %add3A_1944 = arith.addf %add3A_1939, %mul3A_1943 : vector<128x128xf32>
    %get3A_1945 = arith.constant 598 : index
    %get3A_1946 = memref.load %arg1[%get3A_1945] : memref<864xf32, #tpu.memory_space<smem>>
    %mul3A_1947 = vector.broadcast %get3A_1946 : f32 to vector<128x128xf32>
    %mul3A_1948 = arith.mulf %slice3A_79, %mul3A_1947 : vector<128x128xf32>
    %add3A_1949 = arith.addf %add3A_1944, %mul3A_1948 : vector<128x128xf32>
    %get3A_1950 = arith.constant 614 : index
    %get3A_1951 = memref.load %arg1[%get3A_1950] : memref<864xf32, #tpu.memory_space<smem>>
    %mul3A_1952 = vector.broadcast %get3A_1951 : f32 to vector<128x128xf32>
    %mul3A_1953 = arith.mulf %slice3A_71, %mul3A_1952 : vector<128x128xf32>
    %add3A_1954 = arith.addf %add3A_1949, %mul3A_1953 : vector<128x128xf32>
    %get3A_1955 = arith.constant 630 : index
    %get3A_1956 = memref.load %arg1[%get3A_1955] : memref<864xf32, #tpu.memory_space<smem>>
    %mul3A_1957 = vector.broadcast %get3A_1956 : f32 to vector<128x128xf32>
    %mul3A_1958 = arith.mulf %slice3A_80, %mul3A_1957 : vector<128x128xf32>
    %add3A_1959 = arith.addf %add3A_1954, %mul3A_1958 : vector<128x128xf32>
    %get3A_1960 = arith.constant 646 : index
    %get3A_1961 = memref.load %arg1[%get3A_1960] : memref<864xf32, #tpu.memory_space<smem>>
    %mul3A_1962 = vector.broadcast %get3A_1961 : f32 to vector<128x128xf32>
    %mul3A_1963 = arith.mulf %slice3A_72, %mul3A_1962 : vector<128x128xf32>
    %add3A_1964 = arith.addf %add3A_1959, %mul3A_1963 : vector<128x128xf32>
    %get3A_1965 = arith.constant 662 : index
    %get3A_1966 = memref.load %arg1[%get3A_1965] : memref<864xf32, #tpu.memory_space<smem>>
    %mul3A_1967 = vector.broadcast %get3A_1966 : f32 to vector<128x128xf32>
    %mul3A_1968 = arith.mulf %slice3A_81, %mul3A_1967 : vector<128x128xf32>
    %add3A_1969 = arith.addf %add3A_1964, %mul3A_1968 : vector<128x128xf32>
    %get3A_1970 = arith.constant 678 : index
    %get3A_1971 = memref.load %arg1[%get3A_1970] : memref<864xf32, #tpu.memory_space<smem>>
    %mul3A_1972 = vector.broadcast %get3A_1971 : f32 to vector<128x128xf32>
    %mul3A_1973 = arith.mulf %slice3A_73, %mul3A_1972 : vector<128x128xf32>
    %add3A_1974 = arith.addf %add3A_1969, %mul3A_1973 : vector<128x128xf32>
    %get3A_1975 = arith.constant 694 : index
    %get3A_1976 = memref.load %arg1[%get3A_1975] : memref<864xf32, #tpu.memory_space<smem>>
    %mul3A_1977 = vector.broadcast %get3A_1976 : f32 to vector<128x128xf32>
    %mul3A_1978 = arith.mulf %slice3A_82, %mul3A_1977 : vector<128x128xf32>
    %add3A_1979 = arith.addf %add3A_1974, %mul3A_1978 : vector<128x128xf32>
    %get3A_1980 = arith.constant 710 : index
    %get3A_1981 = memref.load %arg1[%get3A_1980] : memref<864xf32, #tpu.memory_space<smem>>
    %mul3A_1982 = vector.broadcast %get3A_1981 : f32 to vector<128x128xf32>
    %mul3A_1983 = arith.mulf %slice3A_74, %mul3A_1982 : vector<128x128xf32>
    %add3A_1984 = arith.addf %add3A_1979, %mul3A_1983 : vector<128x128xf32>
    %get3A_1985 = arith.constant 726 : index
    %get3A_1986 = memref.load %arg1[%get3A_1985] : memref<864xf32, #tpu.memory_space<smem>>
    %mul3A_1987 = vector.broadcast %get3A_1986 : f32 to vector<128x128xf32>
    %mul3A_1988 = arith.mulf %slice3A_83, %mul3A_1987 : vector<128x128xf32>
    %add3A_1989 = arith.addf %add3A_1984, %mul3A_1988 : vector<128x128xf32>
    %get3A_1990 = arith.constant 742 : index
    %get3A_1991 = memref.load %arg1[%get3A_1990] : memref<864xf32, #tpu.memory_space<smem>>
    %mul3A_1992 = vector.broadcast %get3A_1991 : f32 to vector<128x128xf32>
    %mul3A_1993 = arith.mulf %slice3A_75, %mul3A_1992 : vector<128x128xf32>
    %add3A_1994 = arith.addf %add3A_1989, %mul3A_1993 : vector<128x128xf32>
    %get3A_1995 = arith.constant 758 : index
    %get3A_1996 = memref.load %arg1[%get3A_1995] : memref<864xf32, #tpu.memory_space<smem>>
    %mul3A_1997 = vector.broadcast %get3A_1996 : f32 to vector<128x128xf32>
    %mul3A_1998 = arith.mulf %slice3A_84, %mul3A_1997 : vector<128x128xf32>
    %add3A_1999 = arith.addf %add3A_1994, %mul3A_1998 : vector<128x128xf32>
    %get3A_2000 = arith.constant 774 : index
    %get3A_2001 = memref.load %arg1[%get3A_2000] : memref<864xf32, #tpu.memory_space<smem>>
    %mul3A_2002 = vector.broadcast %get3A_2001 : f32 to vector<128x128xf32>
    %mul3A_2003 = arith.mulf %slice3A_76, %mul3A_2002 : vector<128x128xf32>
    %add3A_2004 = arith.addf %add3A_1999, %mul3A_2003 : vector<128x128xf32>
    %get3A_2005 = arith.constant 790 : index
    %get3A_2006 = memref.load %arg1[%get3A_2005] : memref<864xf32, #tpu.memory_space<smem>>
    %mul3A_2007 = vector.broadcast %get3A_2006 : f32 to vector<128x128xf32>
    %mul3A_2008 = arith.mulf %slice3A_85, %mul3A_2007 : vector<128x128xf32>
    %add3A_2009 = arith.addf %add3A_2004, %mul3A_2008 : vector<128x128xf32>
    %get3A_2010 = arith.constant 806 : index
    %get3A_2011 = memref.load %arg1[%get3A_2010] : memref<864xf32, #tpu.memory_space<smem>>
    %mul3A_2012 = vector.broadcast %get3A_2011 : f32 to vector<128x128xf32>
    %mul3A_2013 = arith.mulf %slice3A_77, %mul3A_2012 : vector<128x128xf32>
    %add3A_2014 = arith.addf %add3A_2009, %mul3A_2013 : vector<128x128xf32>
    %get3A_2015 = arith.constant 822 : index
    %get3A_2016 = memref.load %arg1[%get3A_2015] : memref<864xf32, #tpu.memory_space<smem>>
    %mul3A_2017 = vector.broadcast %get3A_2016 : f32 to vector<128x128xf32>
    %mul3A_2018 = arith.mulf %slice3A_86, %mul3A_2017 : vector<128x128xf32>
    %add3A_2019 = arith.addf %add3A_2014, %mul3A_2018 : vector<128x128xf32>
    %get3A_2020 = arith.constant 838 : index
    %get3A_2021 = memref.load %arg1[%get3A_2020] : memref<864xf32, #tpu.memory_space<smem>>
    %mul3A_2022 = vector.broadcast %get3A_2021 : f32 to vector<128x128xf32>
    %mul3A_2023 = arith.mulf %slice3A_78, %mul3A_2022 : vector<128x128xf32>
    %add3A_2024 = arith.addf %add3A_2019, %mul3A_2023 : vector<128x128xf32>
    %get3A_2025 = arith.constant 854 : index
    %get3A_2026 = memref.load %arg1[%get3A_2025] : memref<864xf32, #tpu.memory_space<smem>>
    %mul3A_2027 = vector.broadcast %get3A_2026 : f32 to vector<128x128xf32>
    %mul3A_2028 = arith.mulf %slice3A_87, %mul3A_2027 : vector<128x128xf32>
    %add3A_2029 = arith.addf %add3A_2024, %mul3A_2028 : vector<128x128xf32>
    %swap3A_2030 = arith.constant 0 : index
    %swap3A_2031 = arith.constant 6 : index
    %swap3A_2032 = arith.constant 0 : index
    %swap3A_2033 = arith.constant 0 : index
    %swap3A_2034 = vector.load %arg5[%swap3A_2030, %swap3A_2031, %swap3A_2032, %swap3A_2033] : memref<1x16x128x128xf32, #tpu.memory_space<vmem>>, vector<1x1x128x128xf32>
    %swap3A_2035 = vector.shape_cast %swap3A_2034 : vector<1x1x128x128xf32> to vector<128x128xf32>
    %swap3A_2036 = vector.shape_cast %add3A_2029 : vector<128x128xf32> to vector<1x1x128x128xf32>
    tpu.vector_store %arg5[%swap3A_2030, %swap3A_2031, %swap3A_2032, %swap3A_2033], %swap3A_2036 {strides = array<i32>} : memref<1x16x128x128xf32, #tpu.memory_space<vmem>>, vector<1x1x128x128xf32>,
    %broadcast_in_dim3A_2037 = arith.constant 0.000000e+00 : f32
    %broadcast_in_dim3A_2038 = vector.broadcast %broadcast_in_dim3A_2037 : f32 to vector<128x128xf32>
    %get3A_2039 = arith.constant 7 : index
    %get3A_2040 = memref.load %arg1[%get3A_2039] : memref<864xf32, #tpu.memory_space<smem>>
    %mul3A_2041 = vector.broadcast %get3A_2040 : f32 to vector<128x128xf32>
    %mul3A_2042 = arith.mulf %slice3A, %mul3A_2041 : vector<128x128xf32>
    %add3A_2043 = arith.addf %broadcast_in_dim3A_2038, %mul3A_2042 : vector<128x128xf32>
    %get3A_2044 = arith.constant 23 : index
    %get3A_2045 = memref.load %arg1[%get3A_2044] : memref<864xf32, #tpu.memory_space<smem>>
    %mul3A_2046 = vector.broadcast %get3A_2045 : f32 to vector<128x128xf32>
    %mul3A_2047 = arith.mulf %slice3A_43, %mul3A_2046 : vector<128x128xf32>
    %add3A_2048 = arith.addf %add3A_2043, %mul3A_2047 : vector<128x128xf32>
    %get3A_2049 = arith.constant 39 : index
    %get3A_2050 = memref.load %arg1[%get3A_2049] : memref<864xf32, #tpu.memory_space<smem>>
    %mul3A_2051 = vector.broadcast %get3A_2050 : f32 to vector<128x128xf32>
    %mul3A_2052 = arith.mulf %slice3A_35, %mul3A_2051 : vector<128x128xf32>
    %add3A_2053 = arith.addf %add3A_2048, %mul3A_2052 : vector<128x128xf32>
    %get3A_2054 = arith.constant 55 : index
    %get3A_2055 = memref.load %arg1[%get3A_2054] : memref<864xf32, #tpu.memory_space<smem>>
    %mul3A_2056 = vector.broadcast %get3A_2055 : f32 to vector<128x128xf32>
    %mul3A_2057 = arith.mulf %slice3A_44, %mul3A_2056 : vector<128x128xf32>
    %add3A_2058 = arith.addf %add3A_2053, %mul3A_2057 : vector<128x128xf32>
    %get3A_2059 = arith.constant 71 : index
    %get3A_2060 = memref.load %arg1[%get3A_2059] : memref<864xf32, #tpu.memory_space<smem>>
    %mul3A_2061 = vector.broadcast %get3A_2060 : f32 to vector<128x128xf32>
    %mul3A_2062 = arith.mulf %slice3A_36, %mul3A_2061 : vector<128x128xf32>
    %add3A_2063 = arith.addf %add3A_2058, %mul3A_2062 : vector<128x128xf32>
    %get3A_2064 = arith.constant 87 : index
    %get3A_2065 = memref.load %arg1[%get3A_2064] : memref<864xf32, #tpu.memory_space<smem>>
    %mul3A_2066 = vector.broadcast %get3A_2065 : f32 to vector<128x128xf32>
    %mul3A_2067 = arith.mulf %slice3A_45, %mul3A_2066 : vector<128x128xf32>
    %add3A_2068 = arith.addf %add3A_2063, %mul3A_2067 : vector<128x128xf32>
    %get3A_2069 = arith.constant 103 : index
    %get3A_2070 = memref.load %arg1[%get3A_2069] : memref<864xf32, #tpu.memory_space<smem>>
    %mul3A_2071 = vector.broadcast %get3A_2070 : f32 to vector<128x128xf32>
    %mul3A_2072 = arith.mulf %slice3A_37, %mul3A_2071 : vector<128x128xf32>
    %add3A_2073 = arith.addf %add3A_2068, %mul3A_2072 : vector<128x128xf32>
    %get3A_2074 = arith.constant 119 : index
    %get3A_2075 = memref.load %arg1[%get3A_2074] : memref<864xf32, #tpu.memory_space<smem>>
    %mul3A_2076 = vector.broadcast %get3A_2075 : f32 to vector<128x128xf32>
    %mul3A_2077 = arith.mulf %slice3A_46, %mul3A_2076 : vector<128x128xf32>
    %add3A_2078 = arith.addf %add3A_2073, %mul3A_2077 : vector<128x128xf32>
    %get3A_2079 = arith.constant 135 : index
    %get3A_2080 = memref.load %arg1[%get3A_2079] : memref<864xf32, #tpu.memory_space<smem>>
    %mul3A_2081 = vector.broadcast %get3A_2080 : f32 to vector<128x128xf32>
    %mul3A_2082 = arith.mulf %slice3A_38, %mul3A_2081 : vector<128x128xf32>
    %add3A_2083 = arith.addf %add3A_2078, %mul3A_2082 : vector<128x128xf32>
    %get3A_2084 = arith.constant 151 : index
    %get3A_2085 = memref.load %arg1[%get3A_2084] : memref<864xf32, #tpu.memory_space<smem>>
    %mul3A_2086 = vector.broadcast %get3A_2085 : f32 to vector<128x128xf32>
    %mul3A_2087 = arith.mulf %slice3A_47, %mul3A_2086 : vector<128x128xf32>
    %add3A_2088 = arith.addf %add3A_2083, %mul3A_2087 : vector<128x128xf32>
    %get3A_2089 = arith.constant 167 : index
    %get3A_2090 = memref.load %arg1[%get3A_2089] : memref<864xf32, #tpu.memory_space<smem>>
    %mul3A_2091 = vector.broadcast %get3A_2090 : f32 to vector<128x128xf32>
    %mul3A_2092 = arith.mulf %slice3A_39, %mul3A_2091 : vector<128x128xf32>
    %add3A_2093 = arith.addf %add3A_2088, %mul3A_2092 : vector<128x128xf32>
    %get3A_2094 = arith.constant 183 : index
    %get3A_2095 = memref.load %arg1[%get3A_2094] : memref<864xf32, #tpu.memory_space<smem>>
    %mul3A_2096 = vector.broadcast %get3A_2095 : f32 to vector<128x128xf32>
    %mul3A_2097 = arith.mulf %slice3A_48, %mul3A_2096 : vector<128x128xf32>
    %add3A_2098 = arith.addf %add3A_2093, %mul3A_2097 : vector<128x128xf32>
    %get3A_2099 = arith.constant 199 : index
    %get3A_2100 = memref.load %arg1[%get3A_2099] : memref<864xf32, #tpu.memory_space<smem>>
    %mul3A_2101 = vector.broadcast %get3A_2100 : f32 to vector<128x128xf32>
    %mul3A_2102 = arith.mulf %slice3A_40, %mul3A_2101 : vector<128x128xf32>
    %add3A_2103 = arith.addf %add3A_2098, %mul3A_2102 : vector<128x128xf32>
    %get3A_2104 = arith.constant 215 : index
    %get3A_2105 = memref.load %arg1[%get3A_2104] : memref<864xf32, #tpu.memory_space<smem>>
    %mul3A_2106 = vector.broadcast %get3A_2105 : f32 to vector<128x128xf32>
    %mul3A_2107 = arith.mulf %slice3A_49, %mul3A_2106 : vector<128x128xf32>
    %add3A_2108 = arith.addf %add3A_2103, %mul3A_2107 : vector<128x128xf32>
    %get3A_2109 = arith.constant 231 : index
    %get3A_2110 = memref.load %arg1[%get3A_2109] : memref<864xf32, #tpu.memory_space<smem>>
    %mul3A_2111 = vector.broadcast %get3A_2110 : f32 to vector<128x128xf32>
    %mul3A_2112 = arith.mulf %slice3A_41, %mul3A_2111 : vector<128x128xf32>
    %add3A_2113 = arith.addf %add3A_2108, %mul3A_2112 : vector<128x128xf32>
    %get3A_2114 = arith.constant 247 : index
    %get3A_2115 = memref.load %arg1[%get3A_2114] : memref<864xf32, #tpu.memory_space<smem>>
    %mul3A_2116 = vector.broadcast %get3A_2115 : f32 to vector<128x128xf32>
    %mul3A_2117 = arith.mulf %slice3A_50, %mul3A_2116 : vector<128x128xf32>
    %add3A_2118 = arith.addf %add3A_2113, %mul3A_2117 : vector<128x128xf32>
    %get3A_2119 = arith.constant 263 : index
    %get3A_2120 = memref.load %arg1[%get3A_2119] : memref<864xf32, #tpu.memory_space<smem>>
    %mul3A_2121 = vector.broadcast %get3A_2120 : f32 to vector<128x128xf32>
    %mul3A_2122 = arith.mulf %slice3A_42, %mul3A_2121 : vector<128x128xf32>
    %add3A_2123 = arith.addf %add3A_2118, %mul3A_2122 : vector<128x128xf32>
    %get3A_2124 = arith.constant 279 : index
    %get3A_2125 = memref.load %arg1[%get3A_2124] : memref<864xf32, #tpu.memory_space<smem>>
    %mul3A_2126 = vector.broadcast %get3A_2125 : f32 to vector<128x128xf32>
    %mul3A_2127 = arith.mulf %slice3A_51, %mul3A_2126 : vector<128x128xf32>
    %add3A_2128 = arith.addf %add3A_2123, %mul3A_2127 : vector<128x128xf32>
    %get3A_2129 = arith.constant 295 : index
    %get3A_2130 = memref.load %arg1[%get3A_2129] : memref<864xf32, #tpu.memory_space<smem>>
    %mul3A_2131 = vector.broadcast %get3A_2130 : f32 to vector<128x128xf32>
    %mul3A_2132 = arith.mulf %slice3A_52, %mul3A_2131 : vector<128x128xf32>
    %add3A_2133 = arith.addf %add3A_2128, %mul3A_2132 : vector<128x128xf32>
    %get3A_2134 = arith.constant 311 : index
    %get3A_2135 = memref.load %arg1[%get3A_2134] : memref<864xf32, #tpu.memory_space<smem>>
    %mul3A_2136 = vector.broadcast %get3A_2135 : f32 to vector<128x128xf32>
    %mul3A_2137 = arith.mulf %slice3A_61, %mul3A_2136 : vector<128x128xf32>
    %add3A_2138 = arith.addf %add3A_2133, %mul3A_2137 : vector<128x128xf32>
    %get3A_2139 = arith.constant 327 : index
    %get3A_2140 = memref.load %arg1[%get3A_2139] : memref<864xf32, #tpu.memory_space<smem>>
    %mul3A_2141 = vector.broadcast %get3A_2140 : f32 to vector<128x128xf32>
    %mul3A_2142 = arith.mulf %slice3A_53, %mul3A_2141 : vector<128x128xf32>
    %add3A_2143 = arith.addf %add3A_2138, %mul3A_2142 : vector<128x128xf32>
    %get3A_2144 = arith.constant 343 : index
    %get3A_2145 = memref.load %arg1[%get3A_2144] : memref<864xf32, #tpu.memory_space<smem>>
    %mul3A_2146 = vector.broadcast %get3A_2145 : f32 to vector<128x128xf32>
    %mul3A_2147 = arith.mulf %slice3A_62, %mul3A_2146 : vector<128x128xf32>
    %add3A_2148 = arith.addf %add3A_2143, %mul3A_2147 : vector<128x128xf32>
    %get3A_2149 = arith.constant 359 : index
    %get3A_2150 = memref.load %arg1[%get3A_2149] : memref<864xf32, #tpu.memory_space<smem>>
    %mul3A_2151 = vector.broadcast %get3A_2150 : f32 to vector<128x128xf32>
    %mul3A_2152 = arith.mulf %slice3A_54, %mul3A_2151 : vector<128x128xf32>
    %add3A_2153 = arith.addf %add3A_2148, %mul3A_2152 : vector<128x128xf32>
    %get3A_2154 = arith.constant 375 : index
    %get3A_2155 = memref.load %arg1[%get3A_2154] : memref<864xf32, #tpu.memory_space<smem>>
    %mul3A_2156 = vector.broadcast %get3A_2155 : f32 to vector<128x128xf32>
    %mul3A_2157 = arith.mulf %slice3A_63, %mul3A_2156 : vector<128x128xf32>
    %add3A_2158 = arith.addf %add3A_2153, %mul3A_2157 : vector<128x128xf32>
    %get3A_2159 = arith.constant 391 : index
    %get3A_2160 = memref.load %arg1[%get3A_2159] : memref<864xf32, #tpu.memory_space<smem>>
    %mul3A_2161 = vector.broadcast %get3A_2160 : f32 to vector<128x128xf32>
    %mul3A_2162 = arith.mulf %slice3A_55, %mul3A_2161 : vector<128x128xf32>
    %add3A_2163 = arith.addf %add3A_2158, %mul3A_2162 : vector<128x128xf32>
    %get3A_2164 = arith.constant 407 : index
    %get3A_2165 = memref.load %arg1[%get3A_2164] : memref<864xf32, #tpu.memory_space<smem>>
    %mul3A_2166 = vector.broadcast %get3A_2165 : f32 to vector<128x128xf32>
    %mul3A_2167 = arith.mulf %slice3A_64, %mul3A_2166 : vector<128x128xf32>
    %add3A_2168 = arith.addf %add3A_2163, %mul3A_2167 : vector<128x128xf32>
    %get3A_2169 = arith.constant 423 : index
    %get3A_2170 = memref.load %arg1[%get3A_2169] : memref<864xf32, #tpu.memory_space<smem>>
    %mul3A_2171 = vector.broadcast %get3A_2170 : f32 to vector<128x128xf32>
    %mul3A_2172 = arith.mulf %slice3A_56, %mul3A_2171 : vector<128x128xf32>
    %add3A_2173 = arith.addf %add3A_2168, %mul3A_2172 : vector<128x128xf32>
    %get3A_2174 = arith.constant 439 : index
    %get3A_2175 = memref.load %arg1[%get3A_2174] : memref<864xf32, #tpu.memory_space<smem>>
    %mul3A_2176 = vector.broadcast %get3A_2175 : f32 to vector<128x128xf32>
    %mul3A_2177 = arith.mulf %slice3A_65, %mul3A_2176 : vector<128x128xf32>
    %add3A_2178 = arith.addf %add3A_2173, %mul3A_2177 : vector<128x128xf32>
    %get3A_2179 = arith.constant 455 : index
    %get3A_2180 = memref.load %arg1[%get3A_2179] : memref<864xf32, #tpu.memory_space<smem>>
    %mul3A_2181 = vector.broadcast %get3A_2180 : f32 to vector<128x128xf32>
    %mul3A_2182 = arith.mulf %slice3A_57, %mul3A_2181 : vector<128x128xf32>
    %add3A_2183 = arith.addf %add3A_2178, %mul3A_2182 : vector<128x128xf32>
    %get3A_2184 = arith.constant 471 : index
    %get3A_2185 = memref.load %arg1[%get3A_2184] : memref<864xf32, #tpu.memory_space<smem>>
    %mul3A_2186 = vector.broadcast %get3A_2185 : f32 to vector<128x128xf32>
    %mul3A_2187 = arith.mulf %slice3A_66, %mul3A_2186 : vector<128x128xf32>
    %add3A_2188 = arith.addf %add3A_2183, %mul3A_2187 : vector<128x128xf32>
    %get3A_2189 = arith.constant 487 : index
    %get3A_2190 = memref.load %arg1[%get3A_2189] : memref<864xf32, #tpu.memory_space<smem>>
    %mul3A_2191 = vector.broadcast %get3A_2190 : f32 to vector<128x128xf32>
    %mul3A_2192 = arith.mulf %slice3A_58, %mul3A_2191 : vector<128x128xf32>
    %add3A_2193 = arith.addf %add3A_2188, %mul3A_2192 : vector<128x128xf32>
    %get3A_2194 = arith.constant 503 : index
    %get3A_2195 = memref.load %arg1[%get3A_2194] : memref<864xf32, #tpu.memory_space<smem>>
    %mul3A_2196 = vector.broadcast %get3A_2195 : f32 to vector<128x128xf32>
    %mul3A_2197 = arith.mulf %slice3A_67, %mul3A_2196 : vector<128x128xf32>
    %add3A_2198 = arith.addf %add3A_2193, %mul3A_2197 : vector<128x128xf32>
    %get3A_2199 = arith.constant 519 : index
    %get3A_2200 = memref.load %arg1[%get3A_2199] : memref<864xf32, #tpu.memory_space<smem>>
    %mul3A_2201 = vector.broadcast %get3A_2200 : f32 to vector<128x128xf32>
    %mul3A_2202 = arith.mulf %slice3A_59, %mul3A_2201 : vector<128x128xf32>
    %add3A_2203 = arith.addf %add3A_2198, %mul3A_2202 : vector<128x128xf32>
    %get3A_2204 = arith.constant 535 : index
    %get3A_2205 = memref.load %arg1[%get3A_2204] : memref<864xf32, #tpu.memory_space<smem>>
    %mul3A_2206 = vector.broadcast %get3A_2205 : f32 to vector<128x128xf32>
    %mul3A_2207 = arith.mulf %slice3A_68, %mul3A_2206 : vector<128x128xf32>
    %add3A_2208 = arith.addf %add3A_2203, %mul3A_2207 : vector<128x128xf32>
    %get3A_2209 = arith.constant 551 : index
    %get3A_2210 = memref.load %arg1[%get3A_2209] : memref<864xf32, #tpu.memory_space<smem>>
    %mul3A_2211 = vector.broadcast %get3A_2210 : f32 to vector<128x128xf32>
    %mul3A_2212 = arith.mulf %slice3A_60, %mul3A_2211 : vector<128x128xf32>
    %add3A_2213 = arith.addf %add3A_2208, %mul3A_2212 : vector<128x128xf32>
    %get3A_2214 = arith.constant 567 : index
    %get3A_2215 = memref.load %arg1[%get3A_2214] : memref<864xf32, #tpu.memory_space<smem>>
    %mul3A_2216 = vector.broadcast %get3A_2215 : f32 to vector<128x128xf32>
    %mul3A_2217 = arith.mulf %slice3A_69, %mul3A_2216 : vector<128x128xf32>
    %add3A_2218 = arith.addf %add3A_2213, %mul3A_2217 : vector<128x128xf32>
    %get3A_2219 = arith.constant 583 : index
    %get3A_2220 = memref.load %arg1[%get3A_2219] : memref<864xf32, #tpu.memory_space<smem>>
    %mul3A_2221 = vector.broadcast %get3A_2220 : f32 to vector<128x128xf32>
    %mul3A_2222 = arith.mulf %slice3A_70, %mul3A_2221 : vector<128x128xf32>
    %add3A_2223 = arith.addf %add3A_2218, %mul3A_2222 : vector<128x128xf32>
    %get3A_2224 = arith.constant 599 : index
    %get3A_2225 = memref.load %arg1[%get3A_2224] : memref<864xf32, #tpu.memory_space<smem>>
    %mul3A_2226 = vector.broadcast %get3A_2225 : f32 to vector<128x128xf32>
    %mul3A_2227 = arith.mulf %slice3A_79, %mul3A_2226 : vector<128x128xf32>
    %add3A_2228 = arith.addf %add3A_2223, %mul3A_2227 : vector<128x128xf32>
    %get3A_2229 = arith.constant 615 : index
    %get3A_2230 = memref.load %arg1[%get3A_2229] : memref<864xf32, #tpu.memory_space<smem>>
    %mul3A_2231 = vector.broadcast %get3A_2230 : f32 to vector<128x128xf32>
    %mul3A_2232 = arith.mulf %slice3A_71, %mul3A_2231 : vector<128x128xf32>
    %add3A_2233 = arith.addf %add3A_2228, %mul3A_2232 : vector<128x128xf32>
    %get3A_2234 = arith.constant 631 : index
    %get3A_2235 = memref.load %arg1[%get3A_2234] : memref<864xf32, #tpu.memory_space<smem>>
    %mul3A_2236 = vector.broadcast %get3A_2235 : f32 to vector<128x128xf32>
    %mul3A_2237 = arith.mulf %slice3A_80, %mul3A_2236 : vector<128x128xf32>
    %add3A_2238 = arith.addf %add3A_2233, %mul3A_2237 : vector<128x128xf32>
    %get3A_2239 = arith.constant 647 : index
    %get3A_2240 = memref.load %arg1[%get3A_2239] : memref<864xf32, #tpu.memory_space<smem>>
    %mul3A_2241 = vector.broadcast %get3A_2240 : f32 to vector<128x128xf32>
    %mul3A_2242 = arith.mulf %slice3A_72, %mul3A_2241 : vector<128x128xf32>
    %add3A_2243 = arith.addf %add3A_2238, %mul3A_2242 : vector<128x128xf32>
    %get3A_2244 = arith.constant 663 : index
    %get3A_2245 = memref.load %arg1[%get3A_2244] : memref<864xf32, #tpu.memory_space<smem>>
    %mul3A_2246 = vector.broadcast %get3A_2245 : f32 to vector<128x128xf32>
    %mul3A_2247 = arith.mulf %slice3A_81, %mul3A_2246 : vector<128x128xf32>
    %add3A_2248 = arith.addf %add3A_2243, %mul3A_2247 : vector<128x128xf32>
    %get3A_2249 = arith.constant 679 : index
    %get3A_2250 = memref.load %arg1[%get3A_2249] : memref<864xf32, #tpu.memory_space<smem>>
    %mul3A_2251 = vector.broadcast %get3A_2250 : f32 to vector<128x128xf32>
    %mul3A_2252 = arith.mulf %slice3A_73, %mul3A_2251 : vector<128x128xf32>
    %add3A_2253 = arith.addf %add3A_2248, %mul3A_2252 : vector<128x128xf32>
    %get3A_2254 = arith.constant 695 : index
    %get3A_2255 = memref.load %arg1[%get3A_2254] : memref<864xf32, #tpu.memory_space<smem>>
    %mul3A_2256 = vector.broadcast %get3A_2255 : f32 to vector<128x128xf32>
    %mul3A_2257 = arith.mulf %slice3A_82, %mul3A_2256 : vector<128x128xf32>
    %add3A_2258 = arith.addf %add3A_2253, %mul3A_2257 : vector<128x128xf32>
    %get3A_2259 = arith.constant 711 : index
    %get3A_2260 = memref.load %arg1[%get3A_2259] : memref<864xf32, #tpu.memory_space<smem>>
    %mul3A_2261 = vector.broadcast %get3A_2260 : f32 to vector<128x128xf32>
    %mul3A_2262 = arith.mulf %slice3A_74, %mul3A_2261 : vector<128x128xf32>
    %add3A_2263 = arith.addf %add3A_2258, %mul3A_2262 : vector<128x128xf32>
    %get3A_2264 = arith.constant 727 : index
    %get3A_2265 = memref.load %arg1[%get3A_2264] : memref<864xf32, #tpu.memory_space<smem>>
    %mul3A_2266 = vector.broadcast %get3A_2265 : f32 to vector<128x128xf32>
    %mul3A_2267 = arith.mulf %slice3A_83, %mul3A_2266 : vector<128x128xf32>
    %add3A_2268 = arith.addf %add3A_2263, %mul3A_2267 : vector<128x128xf32>
    %get3A_2269 = arith.constant 743 : index
    %get3A_2270 = memref.load %arg1[%get3A_2269] : memref<864xf32, #tpu.memory_space<smem>>
    %mul3A_2271 = vector.broadcast %get3A_2270 : f32 to vector<128x128xf32>
    %mul3A_2272 = arith.mulf %slice3A_75, %mul3A_2271 : vector<128x128xf32>
    %add3A_2273 = arith.addf %add3A_2268, %mul3A_2272 : vector<128x128xf32>
    %get3A_2274 = arith.constant 759 : index
    %get3A_2275 = memref.load %arg1[%get3A_2274] : memref<864xf32, #tpu.memory_space<smem>>
    %mul3A_2276 = vector.broadcast %get3A_2275 : f32 to vector<128x128xf32>
    %mul3A_2277 = arith.mulf %slice3A_84, %mul3A_2276 : vector<128x128xf32>
    %add3A_2278 = arith.addf %add3A_2273, %mul3A_2277 : vector<128x128xf32>
    %get3A_2279 = arith.constant 775 : index
    %get3A_2280 = memref.load %arg1[%get3A_2279] : memref<864xf32, #tpu.memory_space<smem>>
    %mul3A_2281 = vector.broadcast %get3A_2280 : f32 to vector<128x128xf32>
    %mul3A_2282 = arith.mulf %slice3A_76, %mul3A_2281 : vector<128x128xf32>
    %add3A_2283 = arith.addf %add3A_2278, %mul3A_2282 : vector<128x128xf32>
    %get3A_2284 = arith.constant 791 : index
    %get3A_2285 = memref.load %arg1[%get3A_2284] : memref<864xf32, #tpu.memory_space<smem>>
    %mul3A_2286 = vector.broadcast %get3A_2285 : f32 to vector<128x128xf32>
    %mul3A_2287 = arith.mulf %slice3A_85, %mul3A_2286 : vector<128x128xf32>
    %add3A_2288 = arith.addf %add3A_2283, %mul3A_2287 : vector<128x128xf32>
    %get3A_2289 = arith.constant 807 : index
    %get3A_2290 = memref.load %arg1[%get3A_2289] : memref<864xf32, #tpu.memory_space<smem>>
    %mul3A_2291 = vector.broadcast %get3A_2290 : f32 to vector<128x128xf32>
    %mul3A_2292 = arith.mulf %slice3A_77, %mul3A_2291 : vector<128x128xf32>
    %add3A_2293 = arith.addf %add3A_2288, %mul3A_2292 : vector<128x128xf32>
    %get3A_2294 = arith.constant 823 : index
    %get3A_2295 = memref.load %arg1[%get3A_2294] : memref<864xf32, #tpu.memory_space<smem>>
    %mul3A_2296 = vector.broadcast %get3A_2295 : f32 to vector<128x128xf32>
    %mul3A_2297 = arith.mulf %slice3A_86, %mul3A_2296 : vector<128x128xf32>
    %add3A_2298 = arith.addf %add3A_2293, %mul3A_2297 : vector<128x128xf32>
    %get3A_2299 = arith.constant 839 : index
    %get3A_2300 = memref.load %arg1[%get3A_2299] : memref<864xf32, #tpu.memory_space<smem>>
    %mul3A_2301 = vector.broadcast %get3A_2300 : f32 to vector<128x128xf32>
    %mul3A_2302 = arith.mulf %slice3A_78, %mul3A_2301 : vector<128x128xf32>
    %add3A_2303 = arith.addf %add3A_2298, %mul3A_2302 : vector<128x128xf32>
    %get3A_2304 = arith.constant 855 : index
    %get3A_2305 = memref.load %arg1[%get3A_2304] : memref<864xf32, #tpu.memory_space<smem>>
    %mul3A_2306 = vector.broadcast %get3A_2305 : f32 to vector<128x128xf32>
    %mul3A_2307 = arith.mulf %slice3A_87, %mul3A_2306 : vector<128x128xf32>
    %add3A_2308 = arith.addf %add3A_2303, %mul3A_2307 : vector<128x128xf32>
    %swap3A_2309 = arith.constant 0 : index
    %swap3A_2310 = arith.constant 7 : index
    %swap3A_2311 = arith.constant 0 : index
    %swap3A_2312 = arith.constant 0 : index
    %swap3A_2313 = vector.load %arg5[%swap3A_2309, %swap3A_2310, %swap3A_2311, %swap3A_2312] : memref<1x16x128x128xf32, #tpu.memory_space<vmem>>, vector<1x1x128x128xf32>
    %swap3A_2314 = vector.shape_cast %swap3A_2313 : vector<1x1x128x128xf32> to vector<128x128xf32>
    %swap3A_2315 = vector.shape_cast %add3A_2308 : vector<128x128xf32> to vector<1x1x128x128xf32>
    tpu.vector_store %arg5[%swap3A_2309, %swap3A_2310, %swap3A_2311, %swap3A_2312], %swap3A_2315 {strides = array<i32>} : memref<1x16x128x128xf32, #tpu.memory_space<vmem>>, vector<1x1x128x128xf32>,
    %broadcast_in_dim3A_2316 = arith.constant 0.000000e+00 : f32
    %broadcast_in_dim3A_2317 = vector.broadcast %broadcast_in_dim3A_2316 : f32 to vector<128x128xf32>
    %get3A_2318 = arith.constant 8 : index
    %get3A_2319 = memref.load %arg1[%get3A_2318] : memref<864xf32, #tpu.memory_space<smem>>
    %mul3A_2320 = vector.broadcast %get3A_2319 : f32 to vector<128x128xf32>
    %mul3A_2321 = arith.mulf %slice3A, %mul3A_2320 : vector<128x128xf32>
    %add3A_2322 = arith.addf %broadcast_in_dim3A_2317, %mul3A_2321 : vector<128x128xf32>
    %get3A_2323 = arith.constant 24 : index
    %get3A_2324 = memref.load %arg1[%get3A_2323] : memref<864xf32, #tpu.memory_space<smem>>
    %mul3A_2325 = vector.broadcast %get3A_2324 : f32 to vector<128x128xf32>
    %mul3A_2326 = arith.mulf %slice3A_43, %mul3A_2325 : vector<128x128xf32>
    %add3A_2327 = arith.addf %add3A_2322, %mul3A_2326 : vector<128x128xf32>
    %get3A_2328 = arith.constant 40 : index
    %get3A_2329 = memref.load %arg1[%get3A_2328] : memref<864xf32, #tpu.memory_space<smem>>
    %mul3A_2330 = vector.broadcast %get3A_2329 : f32 to vector<128x128xf32>
    %mul3A_2331 = arith.mulf %slice3A_35, %mul3A_2330 : vector<128x128xf32>
    %add3A_2332 = arith.addf %add3A_2327, %mul3A_2331 : vector<128x128xf32>
    %get3A_2333 = arith.constant 56 : index
    %get3A_2334 = memref.load %arg1[%get3A_2333] : memref<864xf32, #tpu.memory_space<smem>>
    %mul3A_2335 = vector.broadcast %get3A_2334 : f32 to vector<128x128xf32>
    %mul3A_2336 = arith.mulf %slice3A_44, %mul3A_2335 : vector<128x128xf32>
    %add3A_2337 = arith.addf %add3A_2332, %mul3A_2336 : vector<128x128xf32>
    %get3A_2338 = arith.constant 72 : index
    %get3A_2339 = memref.load %arg1[%get3A_2338] : memref<864xf32, #tpu.memory_space<smem>>
    %mul3A_2340 = vector.broadcast %get3A_2339 : f32 to vector<128x128xf32>
    %mul3A_2341 = arith.mulf %slice3A_36, %mul3A_2340 : vector<128x128xf32>
    %add3A_2342 = arith.addf %add3A_2337, %mul3A_2341 : vector<128x128xf32>
    %get3A_2343 = arith.constant 88 : index
    %get3A_2344 = memref.load %arg1[%get3A_2343] : memref<864xf32, #tpu.memory_space<smem>>
    %mul3A_2345 = vector.broadcast %get3A_2344 : f32 to vector<128x128xf32>
    %mul3A_2346 = arith.mulf %slice3A_45, %mul3A_2345 : vector<128x128xf32>
    %add3A_2347 = arith.addf %add3A_2342, %mul3A_2346 : vector<128x128xf32>
    %get3A_2348 = arith.constant 104 : index
    %get3A_2349 = memref.load %arg1[%get3A_2348] : memref<864xf32, #tpu.memory_space<smem>>
    %mul3A_2350 = vector.broadcast %get3A_2349 : f32 to vector<128x128xf32>
    %mul3A_2351 = arith.mulf %slice3A_37, %mul3A_2350 : vector<128x128xf32>
    %add3A_2352 = arith.addf %add3A_2347, %mul3A_2351 : vector<128x128xf32>
    %get3A_2353 = arith.constant 120 : index
    %get3A_2354 = memref.load %arg1[%get3A_2353] : memref<864xf32, #tpu.memory_space<smem>>
    %mul3A_2355 = vector.broadcast %get3A_2354 : f32 to vector<128x128xf32>
    %mul3A_2356 = arith.mulf %slice3A_46, %mul3A_2355 : vector<128x128xf32>
    %add3A_2357 = arith.addf %add3A_2352, %mul3A_2356 : vector<128x128xf32>
    %get3A_2358 = arith.constant 136 : index
    %get3A_2359 = memref.load %arg1[%get3A_2358] : memref<864xf32, #tpu.memory_space<smem>>
    %mul3A_2360 = vector.broadcast %get3A_2359 : f32 to vector<128x128xf32>
    %mul3A_2361 = arith.mulf %slice3A_38, %mul3A_2360 : vector<128x128xf32>
    %add3A_2362 = arith.addf %add3A_2357, %mul3A_2361 : vector<128x128xf32>
    %get3A_2363 = arith.constant 152 : index
    %get3A_2364 = memref.load %arg1[%get3A_2363] : memref<864xf32, #tpu.memory_space<smem>>
    %mul3A_2365 = vector.broadcast %get3A_2364 : f32 to vector<128x128xf32>
    %mul3A_2366 = arith.mulf %slice3A_47, %mul3A_2365 : vector<128x128xf32>
    %add3A_2367 = arith.addf %add3A_2362, %mul3A_2366 : vector<128x128xf32>
    %get3A_2368 = arith.constant 168 : index
    %get3A_2369 = memref.load %arg1[%get3A_2368] : memref<864xf32, #tpu.memory_space<smem>>
    %mul3A_2370 = vector.broadcast %get3A_2369 : f32 to vector<128x128xf32>
    %mul3A_2371 = arith.mulf %slice3A_39, %mul3A_2370 : vector<128x128xf32>
    %add3A_2372 = arith.addf %add3A_2367, %mul3A_2371 : vector<128x128xf32>
    %get3A_2373 = arith.constant 184 : index
    %get3A_2374 = memref.load %arg1[%get3A_2373] : memref<864xf32, #tpu.memory_space<smem>>
    %mul3A_2375 = vector.broadcast %get3A_2374 : f32 to vector<128x128xf32>
    %mul3A_2376 = arith.mulf %slice3A_48, %mul3A_2375 : vector<128x128xf32>
    %add3A_2377 = arith.addf %add3A_2372, %mul3A_2376 : vector<128x128xf32>
    %get3A_2378 = arith.constant 200 : index
    %get3A_2379 = memref.load %arg1[%get3A_2378] : memref<864xf32, #tpu.memory_space<smem>>
    %mul3A_2380 = vector.broadcast %get3A_2379 : f32 to vector<128x128xf32>
    %mul3A_2381 = arith.mulf %slice3A_40, %mul3A_2380 : vector<128x128xf32>
    %add3A_2382 = arith.addf %add3A_2377, %mul3A_2381 : vector<128x128xf32>
    %get3A_2383 = arith.constant 216 : index
    %get3A_2384 = memref.load %arg1[%get3A_2383] : memref<864xf32, #tpu.memory_space<smem>>
    %mul3A_2385 = vector.broadcast %get3A_2384 : f32 to vector<128x128xf32>
    %mul3A_2386 = arith.mulf %slice3A_49, %mul3A_2385 : vector<128x128xf32>
    %add3A_2387 = arith.addf %add3A_2382, %mul3A_2386 : vector<128x128xf32>
    %get3A_2388 = arith.constant 232 : index
    %get3A_2389 = memref.load %arg1[%get3A_2388] : memref<864xf32, #tpu.memory_space<smem>>
    %mul3A_2390 = vector.broadcast %get3A_2389 : f32 to vector<128x128xf32>
    %mul3A_2391 = arith.mulf %slice3A_41, %mul3A_2390 : vector<128x128xf32>
    %add3A_2392 = arith.addf %add3A_2387, %mul3A_2391 : vector<128x128xf32>
    %get3A_2393 = arith.constant 248 : index
    %get3A_2394 = memref.load %arg1[%get3A_2393] : memref<864xf32, #tpu.memory_space<smem>>
    %mul3A_2395 = vector.broadcast %get3A_2394 : f32 to vector<128x128xf32>
    %mul3A_2396 = arith.mulf %slice3A_50, %mul3A_2395 : vector<128x128xf32>
    %add3A_2397 = arith.addf %add3A_2392, %mul3A_2396 : vector<128x128xf32>
    %get3A_2398 = arith.constant 264 : index
    %get3A_2399 = memref.load %arg1[%get3A_2398] : memref<864xf32, #tpu.memory_space<smem>>
    %mul3A_2400 = vector.broadcast %get3A_2399 : f32 to vector<128x128xf32>
    %mul3A_2401 = arith.mulf %slice3A_42, %mul3A_2400 : vector<128x128xf32>
    %add3A_2402 = arith.addf %add3A_2397, %mul3A_2401 : vector<128x128xf32>
    %get3A_2403 = arith.constant 280 : index
    %get3A_2404 = memref.load %arg1[%get3A_2403] : memref<864xf32, #tpu.memory_space<smem>>
    %mul3A_2405 = vector.broadcast %get3A_2404 : f32 to vector<128x128xf32>
    %mul3A_2406 = arith.mulf %slice3A_51, %mul3A_2405 : vector<128x128xf32>
    %add3A_2407 = arith.addf %add3A_2402, %mul3A_2406 : vector<128x128xf32>
    %get3A_2408 = arith.constant 296 : index
    %get3A_2409 = memref.load %arg1[%get3A_2408] : memref<864xf32, #tpu.memory_space<smem>>
    %mul3A_2410 = vector.broadcast %get3A_2409 : f32 to vector<128x128xf32>
    %mul3A_2411 = arith.mulf %slice3A_52, %mul3A_2410 : vector<128x128xf32>
    %add3A_2412 = arith.addf %add3A_2407, %mul3A_2411 : vector<128x128xf32>
    %get3A_2413 = arith.constant 312 : index
    %get3A_2414 = memref.load %arg1[%get3A_2413] : memref<864xf32, #tpu.memory_space<smem>>
    %mul3A_2415 = vector.broadcast %get3A_2414 : f32 to vector<128x128xf32>
    %mul3A_2416 = arith.mulf %slice3A_61, %mul3A_2415 : vector<128x128xf32>
    %add3A_2417 = arith.addf %add3A_2412, %mul3A_2416 : vector<128x128xf32>
    %get3A_2418 = arith.constant 328 : index
    %get3A_2419 = memref.load %arg1[%get3A_2418] : memref<864xf32, #tpu.memory_space<smem>>
    %mul3A_2420 = vector.broadcast %get3A_2419 : f32 to vector<128x128xf32>
    %mul3A_2421 = arith.mulf %slice3A_53, %mul3A_2420 : vector<128x128xf32>
    %add3A_2422 = arith.addf %add3A_2417, %mul3A_2421 : vector<128x128xf32>
    %get3A_2423 = arith.constant 344 : index
    %get3A_2424 = memref.load %arg1[%get3A_2423] : memref<864xf32, #tpu.memory_space<smem>>
    %mul3A_2425 = vector.broadcast %get3A_2424 : f32 to vector<128x128xf32>
    %mul3A_2426 = arith.mulf %slice3A_62, %mul3A_2425 : vector<128x128xf32>
    %add3A_2427 = arith.addf %add3A_2422, %mul3A_2426 : vector<128x128xf32>
    %get3A_2428 = arith.constant 360 : index
    %get3A_2429 = memref.load %arg1[%get3A_2428] : memref<864xf32, #tpu.memory_space<smem>>
    %mul3A_2430 = vector.broadcast %get3A_2429 : f32 to vector<128x128xf32>
    %mul3A_2431 = arith.mulf %slice3A_54, %mul3A_2430 : vector<128x128xf32>
    %add3A_2432 = arith.addf %add3A_2427, %mul3A_2431 : vector<128x128xf32>
    %get3A_2433 = arith.constant 376 : index
    %get3A_2434 = memref.load %arg1[%get3A_2433] : memref<864xf32, #tpu.memory_space<smem>>
    %mul3A_2435 = vector.broadcast %get3A_2434 : f32 to vector<128x128xf32>
    %mul3A_2436 = arith.mulf %slice3A_63, %mul3A_2435 : vector<128x128xf32>
    %add3A_2437 = arith.addf %add3A_2432, %mul3A_2436 : vector<128x128xf32>
    %get3A_2438 = arith.constant 392 : index
    %get3A_2439 = memref.load %arg1[%get3A_2438] : memref<864xf32, #tpu.memory_space<smem>>
    %mul3A_2440 = vector.broadcast %get3A_2439 : f32 to vector<128x128xf32>
    %mul3A_2441 = arith.mulf %slice3A_55, %mul3A_2440 : vector<128x128xf32>
    %add3A_2442 = arith.addf %add3A_2437, %mul3A_2441 : vector<128x128xf32>
    %get3A_2443 = arith.constant 408 : index
    %get3A_2444 = memref.load %arg1[%get3A_2443] : memref<864xf32, #tpu.memory_space<smem>>
    %mul3A_2445 = vector.broadcast %get3A_2444 : f32 to vector<128x128xf32>
    %mul3A_2446 = arith.mulf %slice3A_64, %mul3A_2445 : vector<128x128xf32>
    %add3A_2447 = arith.addf %add3A_2442, %mul3A_2446 : vector<128x128xf32>
    %get3A_2448 = arith.constant 424 : index
    %get3A_2449 = memref.load %arg1[%get3A_2448] : memref<864xf32, #tpu.memory_space<smem>>
    %mul3A_2450 = vector.broadcast %get3A_2449 : f32 to vector<128x128xf32>
    %mul3A_2451 = arith.mulf %slice3A_56, %mul3A_2450 : vector<128x128xf32>
    %add3A_2452 = arith.addf %add3A_2447, %mul3A_2451 : vector<128x128xf32>
    %get3A_2453 = arith.constant 440 : index
    %get3A_2454 = memref.load %arg1[%get3A_2453] : memref<864xf32, #tpu.memory_space<smem>>
    %mul3A_2455 = vector.broadcast %get3A_2454 : f32 to vector<128x128xf32>
    %mul3A_2456 = arith.mulf %slice3A_65, %mul3A_2455 : vector<128x128xf32>
    %add3A_2457 = arith.addf %add3A_2452, %mul3A_2456 : vector<128x128xf32>
    %get3A_2458 = arith.constant 456 : index
    %get3A_2459 = memref.load %arg1[%get3A_2458] : memref<864xf32, #tpu.memory_space<smem>>
    %mul3A_2460 = vector.broadcast %get3A_2459 : f32 to vector<128x128xf32>
    %mul3A_2461 = arith.mulf %slice3A_57, %mul3A_2460 : vector<128x128xf32>
    %add3A_2462 = arith.addf %add3A_2457, %mul3A_2461 : vector<128x128xf32>
    %get3A_2463 = arith.constant 472 : index
    %get3A_2464 = memref.load %arg1[%get3A_2463] : memref<864xf32, #tpu.memory_space<smem>>
    %mul3A_2465 = vector.broadcast %get3A_2464 : f32 to vector<128x128xf32>
    %mul3A_2466 = arith.mulf %slice3A_66, %mul3A_2465 : vector<128x128xf32>
    %add3A_2467 = arith.addf %add3A_2462, %mul3A_2466 : vector<128x128xf32>
    %get3A_2468 = arith.constant 488 : index
    %get3A_2469 = memref.load %arg1[%get3A_2468] : memref<864xf32, #tpu.memory_space<smem>>
    %mul3A_2470 = vector.broadcast %get3A_2469 : f32 to vector<128x128xf32>
    %mul3A_2471 = arith.mulf %slice3A_58, %mul3A_2470 : vector<128x128xf32>
    %add3A_2472 = arith.addf %add3A_2467, %mul3A_2471 : vector<128x128xf32>
    %get3A_2473 = arith.constant 504 : index
    %get3A_2474 = memref.load %arg1[%get3A_2473] : memref<864xf32, #tpu.memory_space<smem>>
    %mul3A_2475 = vector.broadcast %get3A_2474 : f32 to vector<128x128xf32>
    %mul3A_2476 = arith.mulf %slice3A_67, %mul3A_2475 : vector<128x128xf32>
    %add3A_2477 = arith.addf %add3A_2472, %mul3A_2476 : vector<128x128xf32>
    %get3A_2478 = arith.constant 520 : index
    %get3A_2479 = memref.load %arg1[%get3A_2478] : memref<864xf32, #tpu.memory_space<smem>>
    %mul3A_2480 = vector.broadcast %get3A_2479 : f32 to vector<128x128xf32>
    %mul3A_2481 = arith.mulf %slice3A_59, %mul3A_2480 : vector<128x128xf32>
    %add3A_2482 = arith.addf %add3A_2477, %mul3A_2481 : vector<128x128xf32>
    %get3A_2483 = arith.constant 536 : index
    %get3A_2484 = memref.load %arg1[%get3A_2483] : memref<864xf32, #tpu.memory_space<smem>>
    %mul3A_2485 = vector.broadcast %get3A_2484 : f32 to vector<128x128xf32>
    %mul3A_2486 = arith.mulf %slice3A_68, %mul3A_2485 : vector<128x128xf32>
    %add3A_2487 = arith.addf %add3A_2482, %mul3A_2486 : vector<128x128xf32>
    %get3A_2488 = arith.constant 552 : index
    %get3A_2489 = memref.load %arg1[%get3A_2488] : memref<864xf32, #tpu.memory_space<smem>>
    %mul3A_2490 = vector.broadcast %get3A_2489 : f32 to vector<128x128xf32>
    %mul3A_2491 = arith.mulf %slice3A_60, %mul3A_2490 : vector<128x128xf32>
    %add3A_2492 = arith.addf %add3A_2487, %mul3A_2491 : vector<128x128xf32>
    %get3A_2493 = arith.constant 568 : index
    %get3A_2494 = memref.load %arg1[%get3A_2493] : memref<864xf32, #tpu.memory_space<smem>>
    %mul3A_2495 = vector.broadcast %get3A_2494 : f32 to vector<128x128xf32>
    %mul3A_2496 = arith.mulf %slice3A_69, %mul3A_2495 : vector<128x128xf32>
    %add3A_2497 = arith.addf %add3A_2492, %mul3A_2496 : vector<128x128xf32>
    %get3A_2498 = arith.constant 584 : index
    %get3A_2499 = memref.load %arg1[%get3A_2498] : memref<864xf32, #tpu.memory_space<smem>>
    %mul3A_2500 = vector.broadcast %get3A_2499 : f32 to vector<128x128xf32>
    %mul3A_2501 = arith.mulf %slice3A_70, %mul3A_2500 : vector<128x128xf32>
    %add3A_2502 = arith.addf %add3A_2497, %mul3A_2501 : vector<128x128xf32>
    %get3A_2503 = arith.constant 600 : index
    %get3A_2504 = memref.load %arg1[%get3A_2503] : memref<864xf32, #tpu.memory_space<smem>>
    %mul3A_2505 = vector.broadcast %get3A_2504 : f32 to vector<128x128xf32>
    %mul3A_2506 = arith.mulf %slice3A_79, %mul3A_2505 : vector<128x128xf32>
    %add3A_2507 = arith.addf %add3A_2502, %mul3A_2506 : vector<128x128xf32>
    %get3A_2508 = arith.constant 616 : index
    %get3A_2509 = memref.load %arg1[%get3A_2508] : memref<864xf32, #tpu.memory_space<smem>>
    %mul3A_2510 = vector.broadcast %get3A_2509 : f32 to vector<128x128xf32>
    %mul3A_2511 = arith.mulf %slice3A_71, %mul3A_2510 : vector<128x128xf32>
    %add3A_2512 = arith.addf %add3A_2507, %mul3A_2511 : vector<128x128xf32>
    %get3A_2513 = arith.constant 632 : index
    %get3A_2514 = memref.load %arg1[%get3A_2513] : memref<864xf32, #tpu.memory_space<smem>>
    %mul3A_2515 = vector.broadcast %get3A_2514 : f32 to vector<128x128xf32>
    %mul3A_2516 = arith.mulf %slice3A_80, %mul3A_2515 : vector<128x128xf32>
    %add3A_2517 = arith.addf %add3A_2512, %mul3A_2516 : vector<128x128xf32>
    %get3A_2518 = arith.constant 648 : index
    %get3A_2519 = memref.load %arg1[%get3A_2518] : memref<864xf32, #tpu.memory_space<smem>>
    %mul3A_2520 = vector.broadcast %get3A_2519 : f32 to vector<128x128xf32>
    %mul3A_2521 = arith.mulf %slice3A_72, %mul3A_2520 : vector<128x128xf32>
    %add3A_2522 = arith.addf %add3A_2517, %mul3A_2521 : vector<128x128xf32>
    %get3A_2523 = arith.constant 664 : index
    %get3A_2524 = memref.load %arg1[%get3A_2523] : memref<864xf32, #tpu.memory_space<smem>>
    %mul3A_2525 = vector.broadcast %get3A_2524 : f32 to vector<128x128xf32>
    %mul3A_2526 = arith.mulf %slice3A_81, %mul3A_2525 : vector<128x128xf32>
    %add3A_2527 = arith.addf %add3A_2522, %mul3A_2526 : vector<128x128xf32>
    %get3A_2528 = arith.constant 680 : index
    %get3A_2529 = memref.load %arg1[%get3A_2528] : memref<864xf32, #tpu.memory_space<smem>>
    %mul3A_2530 = vector.broadcast %get3A_2529 : f32 to vector<128x128xf32>
    %mul3A_2531 = arith.mulf %slice3A_73, %mul3A_2530 : vector<128x128xf32>
    %add3A_2532 = arith.addf %add3A_2527, %mul3A_2531 : vector<128x128xf32>
    %get3A_2533 = arith.constant 696 : index
    %get3A_2534 = memref.load %arg1[%get3A_2533] : memref<864xf32, #tpu.memory_space<smem>>
    %mul3A_2535 = vector.broadcast %get3A_2534 : f32 to vector<128x128xf32>
    %mul3A_2536 = arith.mulf %slice3A_82, %mul3A_2535 : vector<128x128xf32>
    %add3A_2537 = arith.addf %add3A_2532, %mul3A_2536 : vector<128x128xf32>
    %get3A_2538 = arith.constant 712 : index
    %get3A_2539 = memref.load %arg1[%get3A_2538] : memref<864xf32, #tpu.memory_space<smem>>
    %mul3A_2540 = vector.broadcast %get3A_2539 : f32 to vector<128x128xf32>
    %mul3A_2541 = arith.mulf %slice3A_74, %mul3A_2540 : vector<128x128xf32>
    %add3A_2542 = arith.addf %add3A_2537, %mul3A_2541 : vector<128x128xf32>
    %get3A_2543 = arith.constant 728 : index
    %get3A_2544 = memref.load %arg1[%get3A_2543] : memref<864xf32, #tpu.memory_space<smem>>
    %mul3A_2545 = vector.broadcast %get3A_2544 : f32 to vector<128x128xf32>
    %mul3A_2546 = arith.mulf %slice3A_83, %mul3A_2545 : vector<128x128xf32>
    %add3A_2547 = arith.addf %add3A_2542, %mul3A_2546 : vector<128x128xf32>
    %get3A_2548 = arith.constant 744 : index
    %get3A_2549 = memref.load %arg1[%get3A_2548] : memref<864xf32, #tpu.memory_space<smem>>
    %mul3A_2550 = vector.broadcast %get3A_2549 : f32 to vector<128x128xf32>
    %mul3A_2551 = arith.mulf %slice3A_75, %mul3A_2550 : vector<128x128xf32>
    %add3A_2552 = arith.addf %add3A_2547, %mul3A_2551 : vector<128x128xf32>
    %get3A_2553 = arith.constant 760 : index
    %get3A_2554 = memref.load %arg1[%get3A_2553] : memref<864xf32, #tpu.memory_space<smem>>
    %mul3A_2555 = vector.broadcast %get3A_2554 : f32 to vector<128x128xf32>
    %mul3A_2556 = arith.mulf %slice3A_84, %mul3A_2555 : vector<128x128xf32>
    %add3A_2557 = arith.addf %add3A_2552, %mul3A_2556 : vector<128x128xf32>
    %get3A_2558 = arith.constant 776 : index
    %get3A_2559 = memref.load %arg1[%get3A_2558] : memref<864xf32, #tpu.memory_space<smem>>
    %mul3A_2560 = vector.broadcast %get3A_2559 : f32 to vector<128x128xf32>
    %mul3A_2561 = arith.mulf %slice3A_76, %mul3A_2560 : vector<128x128xf32>
    %add3A_2562 = arith.addf %add3A_2557, %mul3A_2561 : vector<128x128xf32>
    %get3A_2563 = arith.constant 792 : index
    %get3A_2564 = memref.load %arg1[%get3A_2563] : memref<864xf32, #tpu.memory_space<smem>>
    %mul3A_2565 = vector.broadcast %get3A_2564 : f32 to vector<128x128xf32>
    %mul3A_2566 = arith.mulf %slice3A_85, %mul3A_2565 : vector<128x128xf32>
    %add3A_2567 = arith.addf %add3A_2562, %mul3A_2566 : vector<128x128xf32>
    %get3A_2568 = arith.constant 808 : index
    %get3A_2569 = memref.load %arg1[%get3A_2568] : memref<864xf32, #tpu.memory_space<smem>>
    %mul3A_2570 = vector.broadcast %get3A_2569 : f32 to vector<128x128xf32>
    %mul3A_2571 = arith.mulf %slice3A_77, %mul3A_2570 : vector<128x128xf32>
    %add3A_2572 = arith.addf %add3A_2567, %mul3A_2571 : vector<128x128xf32>
    %get3A_2573 = arith.constant 824 : index
    %get3A_2574 = memref.load %arg1[%get3A_2573] : memref<864xf32, #tpu.memory_space<smem>>
    %mul3A_2575 = vector.broadcast %get3A_2574 : f32 to vector<128x128xf32>
    %mul3A_2576 = arith.mulf %slice3A_86, %mul3A_2575 : vector<128x128xf32>
    %add3A_2577 = arith.addf %add3A_2572, %mul3A_2576 : vector<128x128xf32>
    %get3A_2578 = arith.constant 840 : index
    %get3A_2579 = memref.load %arg1[%get3A_2578] : memref<864xf32, #tpu.memory_space<smem>>
    %mul3A_2580 = vector.broadcast %get3A_2579 : f32 to vector<128x128xf32>
    %mul3A_2581 = arith.mulf %slice3A_78, %mul3A_2580 : vector<128x128xf32>
    %add3A_2582 = arith.addf %add3A_2577, %mul3A_2581 : vector<128x128xf32>
    %get3A_2583 = arith.constant 856 : index
    %get3A_2584 = memref.load %arg1[%get3A_2583] : memref<864xf32, #tpu.memory_space<smem>>
    %mul3A_2585 = vector.broadcast %get3A_2584 : f32 to vector<128x128xf32>
    %mul3A_2586 = arith.mulf %slice3A_87, %mul3A_2585 : vector<128x128xf32>
    %add3A_2587 = arith.addf %add3A_2582, %mul3A_2586 : vector<128x128xf32>
    %swap3A_2588 = arith.constant 0 : index
    %swap3A_2589 = arith.constant 8 : index
    %swap3A_2590 = arith.constant 0 : index
    %swap3A_2591 = arith.constant 0 : index
    %swap3A_2592 = vector.load %arg5[%swap3A_2588, %swap3A_2589, %swap3A_2590, %swap3A_2591] : memref<1x16x128x128xf32, #tpu.memory_space<vmem>>, vector<1x1x128x128xf32>
    %swap3A_2593 = vector.shape_cast %swap3A_2592 : vector<1x1x128x128xf32> to vector<128x128xf32>
    %swap3A_2594 = vector.shape_cast %add3A_2587 : vector<128x128xf32> to vector<1x1x128x128xf32>
    tpu.vector_store %arg5[%swap3A_2588, %swap3A_2589, %swap3A_2590, %swap3A_2591], %swap3A_2594 {strides = array<i32>} : memref<1x16x128x128xf32, #tpu.memory_space<vmem>>, vector<1x1x128x128xf32>,
    %broadcast_in_dim3A_2595 = arith.constant 0.000000e+00 : f32
    %broadcast_in_dim3A_2596 = vector.broadcast %broadcast_in_dim3A_2595 : f32 to vector<128x128xf32>
    %get3A_2597 = arith.constant 9 : index
    %get3A_2598 = memref.load %arg1[%get3A_2597] : memref<864xf32, #tpu.memory_space<smem>>
    %mul3A_2599 = vector.broadcast %get3A_2598 : f32 to vector<128x128xf32>
    %mul3A_2600 = arith.mulf %slice3A, %mul3A_2599 : vector<128x128xf32>
    %add3A_2601 = arith.addf %broadcast_in_dim3A_2596, %mul3A_2600 : vector<128x128xf32>
    %get3A_2602 = arith.constant 25 : index
    %get3A_2603 = memref.load %arg1[%get3A_2602] : memref<864xf32, #tpu.memory_space<smem>>
    %mul3A_2604 = vector.broadcast %get3A_2603 : f32 to vector<128x128xf32>
    %mul3A_2605 = arith.mulf %slice3A_43, %mul3A_2604 : vector<128x128xf32>
    %add3A_2606 = arith.addf %add3A_2601, %mul3A_2605 : vector<128x128xf32>
    %get3A_2607 = arith.constant 41 : index
    %get3A_2608 = memref.load %arg1[%get3A_2607] : memref<864xf32, #tpu.memory_space<smem>>
    %mul3A_2609 = vector.broadcast %get3A_2608 : f32 to vector<128x128xf32>
    %mul3A_2610 = arith.mulf %slice3A_35, %mul3A_2609 : vector<128x128xf32>
    %add3A_2611 = arith.addf %add3A_2606, %mul3A_2610 : vector<128x128xf32>
    %get3A_2612 = arith.constant 57 : index
    %get3A_2613 = memref.load %arg1[%get3A_2612] : memref<864xf32, #tpu.memory_space<smem>>
    %mul3A_2614 = vector.broadcast %get3A_2613 : f32 to vector<128x128xf32>
    %mul3A_2615 = arith.mulf %slice3A_44, %mul3A_2614 : vector<128x128xf32>
    %add3A_2616 = arith.addf %add3A_2611, %mul3A_2615 : vector<128x128xf32>
    %get3A_2617 = arith.constant 73 : index
    %get3A_2618 = memref.load %arg1[%get3A_2617] : memref<864xf32, #tpu.memory_space<smem>>
    %mul3A_2619 = vector.broadcast %get3A_2618 : f32 to vector<128x128xf32>
    %mul3A_2620 = arith.mulf %slice3A_36, %mul3A_2619 : vector<128x128xf32>
    %add3A_2621 = arith.addf %add3A_2616, %mul3A_2620 : vector<128x128xf32>
    %get3A_2622 = arith.constant 89 : index
    %get3A_2623 = memref.load %arg1[%get3A_2622] : memref<864xf32, #tpu.memory_space<smem>>
    %mul3A_2624 = vector.broadcast %get3A_2623 : f32 to vector<128x128xf32>
    %mul3A_2625 = arith.mulf %slice3A_45, %mul3A_2624 : vector<128x128xf32>
    %add3A_2626 = arith.addf %add3A_2621, %mul3A_2625 : vector<128x128xf32>
    %get3A_2627 = arith.constant 105 : index
    %get3A_2628 = memref.load %arg1[%get3A_2627] : memref<864xf32, #tpu.memory_space<smem>>
    %mul3A_2629 = vector.broadcast %get3A_2628 : f32 to vector<128x128xf32>
    %mul3A_2630 = arith.mulf %slice3A_37, %mul3A_2629 : vector<128x128xf32>
    %add3A_2631 = arith.addf %add3A_2626, %mul3A_2630 : vector<128x128xf32>
    %get3A_2632 = arith.constant 121 : index
    %get3A_2633 = memref.load %arg1[%get3A_2632] : memref<864xf32, #tpu.memory_space<smem>>
    %mul3A_2634 = vector.broadcast %get3A_2633 : f32 to vector<128x128xf32>
    %mul3A_2635 = arith.mulf %slice3A_46, %mul3A_2634 : vector<128x128xf32>
    %add3A_2636 = arith.addf %add3A_2631, %mul3A_2635 : vector<128x128xf32>
    %get3A_2637 = arith.constant 137 : index
    %get3A_2638 = memref.load %arg1[%get3A_2637] : memref<864xf32, #tpu.memory_space<smem>>
    %mul3A_2639 = vector.broadcast %get3A_2638 : f32 to vector<128x128xf32>
    %mul3A_2640 = arith.mulf %slice3A_38, %mul3A_2639 : vector<128x128xf32>
    %add3A_2641 = arith.addf %add3A_2636, %mul3A_2640 : vector<128x128xf32>
    %get3A_2642 = arith.constant 153 : index
    %get3A_2643 = memref.load %arg1[%get3A_2642] : memref<864xf32, #tpu.memory_space<smem>>
    %mul3A_2644 = vector.broadcast %get3A_2643 : f32 to vector<128x128xf32>
    %mul3A_2645 = arith.mulf %slice3A_47, %mul3A_2644 : vector<128x128xf32>
    %add3A_2646 = arith.addf %add3A_2641, %mul3A_2645 : vector<128x128xf32>
    %get3A_2647 = arith.constant 169 : index
    %get3A_2648 = memref.load %arg1[%get3A_2647] : memref<864xf32, #tpu.memory_space<smem>>
    %mul3A_2649 = vector.broadcast %get3A_2648 : f32 to vector<128x128xf32>
    %mul3A_2650 = arith.mulf %slice3A_39, %mul3A_2649 : vector<128x128xf32>
    %add3A_2651 = arith.addf %add3A_2646, %mul3A_2650 : vector<128x128xf32>
    %get3A_2652 = arith.constant 185 : index
    %get3A_2653 = memref.load %arg1[%get3A_2652] : memref<864xf32, #tpu.memory_space<smem>>
    %mul3A_2654 = vector.broadcast %get3A_2653 : f32 to vector<128x128xf32>
    %mul3A_2655 = arith.mulf %slice3A_48, %mul3A_2654 : vector<128x128xf32>
    %add3A_2656 = arith.addf %add3A_2651, %mul3A_2655 : vector<128x128xf32>
    %get3A_2657 = arith.constant 201 : index
    %get3A_2658 = memref.load %arg1[%get3A_2657] : memref<864xf32, #tpu.memory_space<smem>>
    %mul3A_2659 = vector.broadcast %get3A_2658 : f32 to vector<128x128xf32>
    %mul3A_2660 = arith.mulf %slice3A_40, %mul3A_2659 : vector<128x128xf32>
    %add3A_2661 = arith.addf %add3A_2656, %mul3A_2660 : vector<128x128xf32>
    %get3A_2662 = arith.constant 217 : index
    %get3A_2663 = memref.load %arg1[%get3A_2662] : memref<864xf32, #tpu.memory_space<smem>>
    %mul3A_2664 = vector.broadcast %get3A_2663 : f32 to vector<128x128xf32>
    %mul3A_2665 = arith.mulf %slice3A_49, %mul3A_2664 : vector<128x128xf32>
    %add3A_2666 = arith.addf %add3A_2661, %mul3A_2665 : vector<128x128xf32>
    %get3A_2667 = arith.constant 233 : index
    %get3A_2668 = memref.load %arg1[%get3A_2667] : memref<864xf32, #tpu.memory_space<smem>>
    %mul3A_2669 = vector.broadcast %get3A_2668 : f32 to vector<128x128xf32>
    %mul3A_2670 = arith.mulf %slice3A_41, %mul3A_2669 : vector<128x128xf32>
    %add3A_2671 = arith.addf %add3A_2666, %mul3A_2670 : vector<128x128xf32>
    %get3A_2672 = arith.constant 249 : index
    %get3A_2673 = memref.load %arg1[%get3A_2672] : memref<864xf32, #tpu.memory_space<smem>>
    %mul3A_2674 = vector.broadcast %get3A_2673 : f32 to vector<128x128xf32>
    %mul3A_2675 = arith.mulf %slice3A_50, %mul3A_2674 : vector<128x128xf32>
    %add3A_2676 = arith.addf %add3A_2671, %mul3A_2675 : vector<128x128xf32>
    %get3A_2677 = arith.constant 265 : index
    %get3A_2678 = memref.load %arg1[%get3A_2677] : memref<864xf32, #tpu.memory_space<smem>>
    %mul3A_2679 = vector.broadcast %get3A_2678 : f32 to vector<128x128xf32>
    %mul3A_2680 = arith.mulf %slice3A_42, %mul3A_2679 : vector<128x128xf32>
    %add3A_2681 = arith.addf %add3A_2676, %mul3A_2680 : vector<128x128xf32>
    %get3A_2682 = arith.constant 281 : index
    %get3A_2683 = memref.load %arg1[%get3A_2682] : memref<864xf32, #tpu.memory_space<smem>>
    %mul3A_2684 = vector.broadcast %get3A_2683 : f32 to vector<128x128xf32>
    %mul3A_2685 = arith.mulf %slice3A_51, %mul3A_2684 : vector<128x128xf32>
    %add3A_2686 = arith.addf %add3A_2681, %mul3A_2685 : vector<128x128xf32>
    %get3A_2687 = arith.constant 297 : index
    %get3A_2688 = memref.load %arg1[%get3A_2687] : memref<864xf32, #tpu.memory_space<smem>>
    %mul3A_2689 = vector.broadcast %get3A_2688 : f32 to vector<128x128xf32>
    %mul3A_2690 = arith.mulf %slice3A_52, %mul3A_2689 : vector<128x128xf32>
    %add3A_2691 = arith.addf %add3A_2686, %mul3A_2690 : vector<128x128xf32>
    %get3A_2692 = arith.constant 313 : index
    %get3A_2693 = memref.load %arg1[%get3A_2692] : memref<864xf32, #tpu.memory_space<smem>>
    %mul3A_2694 = vector.broadcast %get3A_2693 : f32 to vector<128x128xf32>
    %mul3A_2695 = arith.mulf %slice3A_61, %mul3A_2694 : vector<128x128xf32>
    %add3A_2696 = arith.addf %add3A_2691, %mul3A_2695 : vector<128x128xf32>
    %get3A_2697 = arith.constant 329 : index
    %get3A_2698 = memref.load %arg1[%get3A_2697] : memref<864xf32, #tpu.memory_space<smem>>
    %mul3A_2699 = vector.broadcast %get3A_2698 : f32 to vector<128x128xf32>
    %mul3A_2700 = arith.mulf %slice3A_53, %mul3A_2699 : vector<128x128xf32>
    %add3A_2701 = arith.addf %add3A_2696, %mul3A_2700 : vector<128x128xf32>
    %get3A_2702 = arith.constant 345 : index
    %get3A_2703 = memref.load %arg1[%get3A_2702] : memref<864xf32, #tpu.memory_space<smem>>
    %mul3A_2704 = vector.broadcast %get3A_2703 : f32 to vector<128x128xf32>
    %mul3A_2705 = arith.mulf %slice3A_62, %mul3A_2704 : vector<128x128xf32>
    %add3A_2706 = arith.addf %add3A_2701, %mul3A_2705 : vector<128x128xf32>
    %get3A_2707 = arith.constant 361 : index
    %get3A_2708 = memref.load %arg1[%get3A_2707] : memref<864xf32, #tpu.memory_space<smem>>
    %mul3A_2709 = vector.broadcast %get3A_2708 : f32 to vector<128x128xf32>
    %mul3A_2710 = arith.mulf %slice3A_54, %mul3A_2709 : vector<128x128xf32>
    %add3A_2711 = arith.addf %add3A_2706, %mul3A_2710 : vector<128x128xf32>
    %get3A_2712 = arith.constant 377 : index
    %get3A_2713 = memref.load %arg1[%get3A_2712] : memref<864xf32, #tpu.memory_space<smem>>
    %mul3A_2714 = vector.broadcast %get3A_2713 : f32 to vector<128x128xf32>
    %mul3A_2715 = arith.mulf %slice3A_63, %mul3A_2714 : vector<128x128xf32>
    %add3A_2716 = arith.addf %add3A_2711, %mul3A_2715 : vector<128x128xf32>
    %get3A_2717 = arith.constant 393 : index
    %get3A_2718 = memref.load %arg1[%get3A_2717] : memref<864xf32, #tpu.memory_space<smem>>
    %mul3A_2719 = vector.broadcast %get3A_2718 : f32 to vector<128x128xf32>
    %mul3A_2720 = arith.mulf %slice3A_55, %mul3A_2719 : vector<128x128xf32>
    %add3A_2721 = arith.addf %add3A_2716, %mul3A_2720 : vector<128x128xf32>
    %get3A_2722 = arith.constant 409 : index
    %get3A_2723 = memref.load %arg1[%get3A_2722] : memref<864xf32, #tpu.memory_space<smem>>
    %mul3A_2724 = vector.broadcast %get3A_2723 : f32 to vector<128x128xf32>
    %mul3A_2725 = arith.mulf %slice3A_64, %mul3A_2724 : vector<128x128xf32>
    %add3A_2726 = arith.addf %add3A_2721, %mul3A_2725 : vector<128x128xf32>
    %get3A_2727 = arith.constant 425 : index
    %get3A_2728 = memref.load %arg1[%get3A_2727] : memref<864xf32, #tpu.memory_space<smem>>
    %mul3A_2729 = vector.broadcast %get3A_2728 : f32 to vector<128x128xf32>
    %mul3A_2730 = arith.mulf %slice3A_56, %mul3A_2729 : vector<128x128xf32>
    %add3A_2731 = arith.addf %add3A_2726, %mul3A_2730 : vector<128x128xf32>
    %get3A_2732 = arith.constant 441 : index
    %get3A_2733 = memref.load %arg1[%get3A_2732] : memref<864xf32, #tpu.memory_space<smem>>
    %mul3A_2734 = vector.broadcast %get3A_2733 : f32 to vector<128x128xf32>
    %mul3A_2735 = arith.mulf %slice3A_65, %mul3A_2734 : vector<128x128xf32>
    %add3A_2736 = arith.addf %add3A_2731, %mul3A_2735 : vector<128x128xf32>
    %get3A_2737 = arith.constant 457 : index
    %get3A_2738 = memref.load %arg1[%get3A_2737] : memref<864xf32, #tpu.memory_space<smem>>
    %mul3A_2739 = vector.broadcast %get3A_2738 : f32 to vector<128x128xf32>
    %mul3A_2740 = arith.mulf %slice3A_57, %mul3A_2739 : vector<128x128xf32>
    %add3A_2741 = arith.addf %add3A_2736, %mul3A_2740 : vector<128x128xf32>
    %get3A_2742 = arith.constant 473 : index
    %get3A_2743 = memref.load %arg1[%get3A_2742] : memref<864xf32, #tpu.memory_space<smem>>
    %mul3A_2744 = vector.broadcast %get3A_2743 : f32 to vector<128x128xf32>
    %mul3A_2745 = arith.mulf %slice3A_66, %mul3A_2744 : vector<128x128xf32>
    %add3A_2746 = arith.addf %add3A_2741, %mul3A_2745 : vector<128x128xf32>
    %get3A_2747 = arith.constant 489 : index
    %get3A_2748 = memref.load %arg1[%get3A_2747] : memref<864xf32, #tpu.memory_space<smem>>
    %mul3A_2749 = vector.broadcast %get3A_2748 : f32 to vector<128x128xf32>
    %mul3A_2750 = arith.mulf %slice3A_58, %mul3A_2749 : vector<128x128xf32>
    %add3A_2751 = arith.addf %add3A_2746, %mul3A_2750 : vector<128x128xf32>
    %get3A_2752 = arith.constant 505 : index
    %get3A_2753 = memref.load %arg1[%get3A_2752] : memref<864xf32, #tpu.memory_space<smem>>
    %mul3A_2754 = vector.broadcast %get3A_2753 : f32 to vector<128x128xf32>
    %mul3A_2755 = arith.mulf %slice3A_67, %mul3A_2754 : vector<128x128xf32>
    %add3A_2756 = arith.addf %add3A_2751, %mul3A_2755 : vector<128x128xf32>
    %get3A_2757 = arith.constant 521 : index
    %get3A_2758 = memref.load %arg1[%get3A_2757] : memref<864xf32, #tpu.memory_space<smem>>
    %mul3A_2759 = vector.broadcast %get3A_2758 : f32 to vector<128x128xf32>
    %mul3A_2760 = arith.mulf %slice3A_59, %mul3A_2759 : vector<128x128xf32>
    %add3A_2761 = arith.addf %add3A_2756, %mul3A_2760 : vector<128x128xf32>
    %get3A_2762 = arith.constant 537 : index
    %get3A_2763 = memref.load %arg1[%get3A_2762] : memref<864xf32, #tpu.memory_space<smem>>
    %mul3A_2764 = vector.broadcast %get3A_2763 : f32 to vector<128x128xf32>
    %mul3A_2765 = arith.mulf %slice3A_68, %mul3A_2764 : vector<128x128xf32>
    %add3A_2766 = arith.addf %add3A_2761, %mul3A_2765 : vector<128x128xf32>
    %get3A_2767 = arith.constant 553 : index
    %get3A_2768 = memref.load %arg1[%get3A_2767] : memref<864xf32, #tpu.memory_space<smem>>
    %mul3A_2769 = vector.broadcast %get3A_2768 : f32 to vector<128x128xf32>
    %mul3A_2770 = arith.mulf %slice3A_60, %mul3A_2769 : vector<128x128xf32>
    %add3A_2771 = arith.addf %add3A_2766, %mul3A_2770 : vector<128x128xf32>
    %get3A_2772 = arith.constant 569 : index
    %get3A_2773 = memref.load %arg1[%get3A_2772] : memref<864xf32, #tpu.memory_space<smem>>
    %mul3A_2774 = vector.broadcast %get3A_2773 : f32 to vector<128x128xf32>
    %mul3A_2775 = arith.mulf %slice3A_69, %mul3A_2774 : vector<128x128xf32>
    %add3A_2776 = arith.addf %add3A_2771, %mul3A_2775 : vector<128x128xf32>
    %get3A_2777 = arith.constant 585 : index
    %get3A_2778 = memref.load %arg1[%get3A_2777] : memref<864xf32, #tpu.memory_space<smem>>
    %mul3A_2779 = vector.broadcast %get3A_2778 : f32 to vector<128x128xf32>
    %mul3A_2780 = arith.mulf %slice3A_70, %mul3A_2779 : vector<128x128xf32>
    %add3A_2781 = arith.addf %add3A_2776, %mul3A_2780 : vector<128x128xf32>
    %get3A_2782 = arith.constant 601 : index
    %get3A_2783 = memref.load %arg1[%get3A_2782] : memref<864xf32, #tpu.memory_space<smem>>
    %mul3A_2784 = vector.broadcast %get3A_2783 : f32 to vector<128x128xf32>
    %mul3A_2785 = arith.mulf %slice3A_79, %mul3A_2784 : vector<128x128xf32>
    %add3A_2786 = arith.addf %add3A_2781, %mul3A_2785 : vector<128x128xf32>
    %get3A_2787 = arith.constant 617 : index
    %get3A_2788 = memref.load %arg1[%get3A_2787] : memref<864xf32, #tpu.memory_space<smem>>
    %mul3A_2789 = vector.broadcast %get3A_2788 : f32 to vector<128x128xf32>
    %mul3A_2790 = arith.mulf %slice3A_71, %mul3A_2789 : vector<128x128xf32>
    %add3A_2791 = arith.addf %add3A_2786, %mul3A_2790 : vector<128x128xf32>
    %get3A_2792 = arith.constant 633 : index
    %get3A_2793 = memref.load %arg1[%get3A_2792] : memref<864xf32, #tpu.memory_space<smem>>
    %mul3A_2794 = vector.broadcast %get3A_2793 : f32 to vector<128x128xf32>
    %mul3A_2795 = arith.mulf %slice3A_80, %mul3A_2794 : vector<128x128xf32>
    %add3A_2796 = arith.addf %add3A_2791, %mul3A_2795 : vector<128x128xf32>
    %get3A_2797 = arith.constant 649 : index
    %get3A_2798 = memref.load %arg1[%get3A_2797] : memref<864xf32, #tpu.memory_space<smem>>
    %mul3A_2799 = vector.broadcast %get3A_2798 : f32 to vector<128x128xf32>
    %mul3A_2800 = arith.mulf %slice3A_72, %mul3A_2799 : vector<128x128xf32>
    %add3A_2801 = arith.addf %add3A_2796, %mul3A_2800 : vector<128x128xf32>
    %get3A_2802 = arith.constant 665 : index
    %get3A_2803 = memref.load %arg1[%get3A_2802] : memref<864xf32, #tpu.memory_space<smem>>
    %mul3A_2804 = vector.broadcast %get3A_2803 : f32 to vector<128x128xf32>
    %mul3A_2805 = arith.mulf %slice3A_81, %mul3A_2804 : vector<128x128xf32>
    %add3A_2806 = arith.addf %add3A_2801, %mul3A_2805 : vector<128x128xf32>
    %get3A_2807 = arith.constant 681 : index
    %get3A_2808 = memref.load %arg1[%get3A_2807] : memref<864xf32, #tpu.memory_space<smem>>
    %mul3A_2809 = vector.broadcast %get3A_2808 : f32 to vector<128x128xf32>
    %mul3A_2810 = arith.mulf %slice3A_73, %mul3A_2809 : vector<128x128xf32>
    %add3A_2811 = arith.addf %add3A_2806, %mul3A_2810 : vector<128x128xf32>
    %get3A_2812 = arith.constant 697 : index
    %get3A_2813 = memref.load %arg1[%get3A_2812] : memref<864xf32, #tpu.memory_space<smem>>
    %mul3A_2814 = vector.broadcast %get3A_2813 : f32 to vector<128x128xf32>
    %mul3A_2815 = arith.mulf %slice3A_82, %mul3A_2814 : vector<128x128xf32>
    %add3A_2816 = arith.addf %add3A_2811, %mul3A_2815 : vector<128x128xf32>
    %get3A_2817 = arith.constant 713 : index
    %get3A_2818 = memref.load %arg1[%get3A_2817] : memref<864xf32, #tpu.memory_space<smem>>
    %mul3A_2819 = vector.broadcast %get3A_2818 : f32 to vector<128x128xf32>
    %mul3A_2820 = arith.mulf %slice3A_74, %mul3A_2819 : vector<128x128xf32>
    %add3A_2821 = arith.addf %add3A_2816, %mul3A_2820 : vector<128x128xf32>
    %get3A_2822 = arith.constant 729 : index
    %get3A_2823 = memref.load %arg1[%get3A_2822] : memref<864xf32, #tpu.memory_space<smem>>
    %mul3A_2824 = vector.broadcast %get3A_2823 : f32 to vector<128x128xf32>
    %mul3A_2825 = arith.mulf %slice3A_83, %mul3A_2824 : vector<128x128xf32>
    %add3A_2826 = arith.addf %add3A_2821, %mul3A_2825 : vector<128x128xf32>
    %get3A_2827 = arith.constant 745 : index
    %get3A_2828 = memref.load %arg1[%get3A_2827] : memref<864xf32, #tpu.memory_space<smem>>
    %mul3A_2829 = vector.broadcast %get3A_2828 : f32 to vector<128x128xf32>
    %mul3A_2830 = arith.mulf %slice3A_75, %mul3A_2829 : vector<128x128xf32>
    %add3A_2831 = arith.addf %add3A_2826, %mul3A_2830 : vector<128x128xf32>
    %get3A_2832 = arith.constant 761 : index
    %get3A_2833 = memref.load %arg1[%get3A_2832] : memref<864xf32, #tpu.memory_space<smem>>
    %mul3A_2834 = vector.broadcast %get3A_2833 : f32 to vector<128x128xf32>
    %mul3A_2835 = arith.mulf %slice3A_84, %mul3A_2834 : vector<128x128xf32>
    %add3A_2836 = arith.addf %add3A_2831, %mul3A_2835 : vector<128x128xf32>
    %get3A_2837 = arith.constant 777 : index
    %get3A_2838 = memref.load %arg1[%get3A_2837] : memref<864xf32, #tpu.memory_space<smem>>
    %mul3A_2839 = vector.broadcast %get3A_2838 : f32 to vector<128x128xf32>
    %mul3A_2840 = arith.mulf %slice3A_76, %mul3A_2839 : vector<128x128xf32>
    %add3A_2841 = arith.addf %add3A_2836, %mul3A_2840 : vector<128x128xf32>
    %get3A_2842 = arith.constant 793 : index
    %get3A_2843 = memref.load %arg1[%get3A_2842] : memref<864xf32, #tpu.memory_space<smem>>
    %mul3A_2844 = vector.broadcast %get3A_2843 : f32 to vector<128x128xf32>
    %mul3A_2845 = arith.mulf %slice3A_85, %mul3A_2844 : vector<128x128xf32>
    %add3A_2846 = arith.addf %add3A_2841, %mul3A_2845 : vector<128x128xf32>
    %get3A_2847 = arith.constant 809 : index
    %get3A_2848 = memref.load %arg1[%get3A_2847] : memref<864xf32, #tpu.memory_space<smem>>
    %mul3A_2849 = vector.broadcast %get3A_2848 : f32 to vector<128x128xf32>
    %mul3A_2850 = arith.mulf %slice3A_77, %mul3A_2849 : vector<128x128xf32>
    %add3A_2851 = arith.addf %add3A_2846, %mul3A_2850 : vector<128x128xf32>
    %get3A_2852 = arith.constant 825 : index
    %get3A_2853 = memref.load %arg1[%get3A_2852] : memref<864xf32, #tpu.memory_space<smem>>
    %mul3A_2854 = vector.broadcast %get3A_2853 : f32 to vector<128x128xf32>
    %mul3A_2855 = arith.mulf %slice3A_86, %mul3A_2854 : vector<128x128xf32>
    %add3A_2856 = arith.addf %add3A_2851, %mul3A_2855 : vector<128x128xf32>
    %get3A_2857 = arith.constant 841 : index
    %get3A_2858 = memref.load %arg1[%get3A_2857] : memref<864xf32, #tpu.memory_space<smem>>
    %mul3A_2859 = vector.broadcast %get3A_2858 : f32 to vector<128x128xf32>
    %mul3A_2860 = arith.mulf %slice3A_78, %mul3A_2859 : vector<128x128xf32>
    %add3A_2861 = arith.addf %add3A_2856, %mul3A_2860 : vector<128x128xf32>
    %get3A_2862 = arith.constant 857 : index
    %get3A_2863 = memref.load %arg1[%get3A_2862] : memref<864xf32, #tpu.memory_space<smem>>
    %mul3A_2864 = vector.broadcast %get3A_2863 : f32 to vector<128x128xf32>
    %mul3A_2865 = arith.mulf %slice3A_87, %mul3A_2864 : vector<128x128xf32>
    %add3A_2866 = arith.addf %add3A_2861, %mul3A_2865 : vector<128x128xf32>
    %swap3A_2867 = arith.constant 0 : index
    %swap3A_2868 = arith.constant 9 : index
    %swap3A_2869 = arith.constant 0 : index
    %swap3A_2870 = arith.constant 0 : index
    %swap3A_2871 = vector.load %arg5[%swap3A_2867, %swap3A_2868, %swap3A_2869, %swap3A_2870] : memref<1x16x128x128xf32, #tpu.memory_space<vmem>>, vector<1x1x128x128xf32>
    %swap3A_2872 = vector.shape_cast %swap3A_2871 : vector<1x1x128x128xf32> to vector<128x128xf32>
    %swap3A_2873 = vector.shape_cast %add3A_2866 : vector<128x128xf32> to vector<1x1x128x128xf32>
    tpu.vector_store %arg5[%swap3A_2867, %swap3A_2868, %swap3A_2869, %swap3A_2870], %swap3A_2873 {strides = array<i32>} : memref<1x16x128x128xf32, #tpu.memory_space<vmem>>, vector<1x1x128x128xf32>,
    %broadcast_in_dim3A_2874 = arith.constant 0.000000e+00 : f32
    %broadcast_in_dim3A_2875 = vector.broadcast %broadcast_in_dim3A_2874 : f32 to vector<128x128xf32>
    %get3A_2876 = arith.constant 10 : index
    %get3A_2877 = memref.load %arg1[%get3A_2876] : memref<864xf32, #tpu.memory_space<smem>>
    %mul3A_2878 = vector.broadcast %get3A_2877 : f32 to vector<128x128xf32>
    %mul3A_2879 = arith.mulf %slice3A, %mul3A_2878 : vector<128x128xf32>
    %add3A_2880 = arith.addf %broadcast_in_dim3A_2875, %mul3A_2879 : vector<128x128xf32>
    %get3A_2881 = arith.constant 26 : index
    %get3A_2882 = memref.load %arg1[%get3A_2881] : memref<864xf32, #tpu.memory_space<smem>>
    %mul3A_2883 = vector.broadcast %get3A_2882 : f32 to vector<128x128xf32>
    %mul3A_2884 = arith.mulf %slice3A_43, %mul3A_2883 : vector<128x128xf32>
    %add3A_2885 = arith.addf %add3A_2880, %mul3A_2884 : vector<128x128xf32>
    %get3A_2886 = arith.constant 42 : index
    %get3A_2887 = memref.load %arg1[%get3A_2886] : memref<864xf32, #tpu.memory_space<smem>>
    %mul3A_2888 = vector.broadcast %get3A_2887 : f32 to vector<128x128xf32>
    %mul3A_2889 = arith.mulf %slice3A_35, %mul3A_2888 : vector<128x128xf32>
    %add3A_2890 = arith.addf %add3A_2885, %mul3A_2889 : vector<128x128xf32>
    %get3A_2891 = arith.constant 58 : index
    %get3A_2892 = memref.load %arg1[%get3A_2891] : memref<864xf32, #tpu.memory_space<smem>>
    %mul3A_2893 = vector.broadcast %get3A_2892 : f32 to vector<128x128xf32>
    %mul3A_2894 = arith.mulf %slice3A_44, %mul3A_2893 : vector<128x128xf32>
    %add3A_2895 = arith.addf %add3A_2890, %mul3A_2894 : vector<128x128xf32>
    %get3A_2896 = arith.constant 74 : index
    %get3A_2897 = memref.load %arg1[%get3A_2896] : memref<864xf32, #tpu.memory_space<smem>>
    %mul3A_2898 = vector.broadcast %get3A_2897 : f32 to vector<128x128xf32>
    %mul3A_2899 = arith.mulf %slice3A_36, %mul3A_2898 : vector<128x128xf32>
    %add3A_2900 = arith.addf %add3A_2895, %mul3A_2899 : vector<128x128xf32>
    %get3A_2901 = arith.constant 90 : index
    %get3A_2902 = memref.load %arg1[%get3A_2901] : memref<864xf32, #tpu.memory_space<smem>>
    %mul3A_2903 = vector.broadcast %get3A_2902 : f32 to vector<128x128xf32>
    %mul3A_2904 = arith.mulf %slice3A_45, %mul3A_2903 : vector<128x128xf32>
    %add3A_2905 = arith.addf %add3A_2900, %mul3A_2904 : vector<128x128xf32>
    %get3A_2906 = arith.constant 106 : index
    %get3A_2907 = memref.load %arg1[%get3A_2906] : memref<864xf32, #tpu.memory_space<smem>>
    %mul3A_2908 = vector.broadcast %get3A_2907 : f32 to vector<128x128xf32>
    %mul3A_2909 = arith.mulf %slice3A_37, %mul3A_2908 : vector<128x128xf32>
    %add3A_2910 = arith.addf %add3A_2905, %mul3A_2909 : vector<128x128xf32>
    %get3A_2911 = arith.constant 122 : index
    %get3A_2912 = memref.load %arg1[%get3A_2911] : memref<864xf32, #tpu.memory_space<smem>>
    %mul3A_2913 = vector.broadcast %get3A_2912 : f32 to vector<128x128xf32>
    %mul3A_2914 = arith.mulf %slice3A_46, %mul3A_2913 : vector<128x128xf32>
    %add3A_2915 = arith.addf %add3A_2910, %mul3A_2914 : vector<128x128xf32>
    %get3A_2916 = arith.constant 138 : index
    %get3A_2917 = memref.load %arg1[%get3A_2916] : memref<864xf32, #tpu.memory_space<smem>>
    %mul3A_2918 = vector.broadcast %get3A_2917 : f32 to vector<128x128xf32>
    %mul3A_2919 = arith.mulf %slice3A_38, %mul3A_2918 : vector<128x128xf32>
    %add3A_2920 = arith.addf %add3A_2915, %mul3A_2919 : vector<128x128xf32>
    %get3A_2921 = arith.constant 154 : index
    %get3A_2922 = memref.load %arg1[%get3A_2921] : memref<864xf32, #tpu.memory_space<smem>>
    %mul3A_2923 = vector.broadcast %get3A_2922 : f32 to vector<128x128xf32>
    %mul3A_2924 = arith.mulf %slice3A_47, %mul3A_2923 : vector<128x128xf32>
    %add3A_2925 = arith.addf %add3A_2920, %mul3A_2924 : vector<128x128xf32>
    %get3A_2926 = arith.constant 170 : index
    %get3A_2927 = memref.load %arg1[%get3A_2926] : memref<864xf32, #tpu.memory_space<smem>>
    %mul3A_2928 = vector.broadcast %get3A_2927 : f32 to vector<128x128xf32>
    %mul3A_2929 = arith.mulf %slice3A_39, %mul3A_2928 : vector<128x128xf32>
    %add3A_2930 = arith.addf %add3A_2925, %mul3A_2929 : vector<128x128xf32>
    %get3A_2931 = arith.constant 186 : index
    %get3A_2932 = memref.load %arg1[%get3A_2931] : memref<864xf32, #tpu.memory_space<smem>>
    %mul3A_2933 = vector.broadcast %get3A_2932 : f32 to vector<128x128xf32>
    %mul3A_2934 = arith.mulf %slice3A_48, %mul3A_2933 : vector<128x128xf32>
    %add3A_2935 = arith.addf %add3A_2930, %mul3A_2934 : vector<128x128xf32>
    %get3A_2936 = arith.constant 202 : index
    %get3A_2937 = memref.load %arg1[%get3A_2936] : memref<864xf32, #tpu.memory_space<smem>>
    %mul3A_2938 = vector.broadcast %get3A_2937 : f32 to vector<128x128xf32>
    %mul3A_2939 = arith.mulf %slice3A_40, %mul3A_2938 : vector<128x128xf32>
    %add3A_2940 = arith.addf %add3A_2935, %mul3A_2939 : vector<128x128xf32>
    %get3A_2941 = arith.constant 218 : index
    %get3A_2942 = memref.load %arg1[%get3A_2941] : memref<864xf32, #tpu.memory_space<smem>>
    %mul3A_2943 = vector.broadcast %get3A_2942 : f32 to vector<128x128xf32>
    %mul3A_2944 = arith.mulf %slice3A_49, %mul3A_2943 : vector<128x128xf32>
    %add3A_2945 = arith.addf %add3A_2940, %mul3A_2944 : vector<128x128xf32>
    %get3A_2946 = arith.constant 234 : index
    %get3A_2947 = memref.load %arg1[%get3A_2946] : memref<864xf32, #tpu.memory_space<smem>>
    %mul3A_2948 = vector.broadcast %get3A_2947 : f32 to vector<128x128xf32>
    %mul3A_2949 = arith.mulf %slice3A_41, %mul3A_2948 : vector<128x128xf32>
    %add3A_2950 = arith.addf %add3A_2945, %mul3A_2949 : vector<128x128xf32>
    %get3A_2951 = arith.constant 250 : index
    %get3A_2952 = memref.load %arg1[%get3A_2951] : memref<864xf32, #tpu.memory_space<smem>>
    %mul3A_2953 = vector.broadcast %get3A_2952 : f32 to vector<128x128xf32>
    %mul3A_2954 = arith.mulf %slice3A_50, %mul3A_2953 : vector<128x128xf32>
    %add3A_2955 = arith.addf %add3A_2950, %mul3A_2954 : vector<128x128xf32>
    %get3A_2956 = arith.constant 266 : index
    %get3A_2957 = memref.load %arg1[%get3A_2956] : memref<864xf32, #tpu.memory_space<smem>>
    %mul3A_2958 = vector.broadcast %get3A_2957 : f32 to vector<128x128xf32>
    %mul3A_2959 = arith.mulf %slice3A_42, %mul3A_2958 : vector<128x128xf32>
    %add3A_2960 = arith.addf %add3A_2955, %mul3A_2959 : vector<128x128xf32>
    %get3A_2961 = arith.constant 282 : index
    %get3A_2962 = memref.load %arg1[%get3A_2961] : memref<864xf32, #tpu.memory_space<smem>>
    %mul3A_2963 = vector.broadcast %get3A_2962 : f32 to vector<128x128xf32>
    %mul3A_2964 = arith.mulf %slice3A_51, %mul3A_2963 : vector<128x128xf32>
    %add3A_2965 = arith.addf %add3A_2960, %mul3A_2964 : vector<128x128xf32>
    %get3A_2966 = arith.constant 298 : index
    %get3A_2967 = memref.load %arg1[%get3A_2966] : memref<864xf32, #tpu.memory_space<smem>>
    %mul3A_2968 = vector.broadcast %get3A_2967 : f32 to vector<128x128xf32>
    %mul3A_2969 = arith.mulf %slice3A_52, %mul3A_2968 : vector<128x128xf32>
    %add3A_2970 = arith.addf %add3A_2965, %mul3A_2969 : vector<128x128xf32>
    %get3A_2971 = arith.constant 314 : index
    %get3A_2972 = memref.load %arg1[%get3A_2971] : memref<864xf32, #tpu.memory_space<smem>>
    %mul3A_2973 = vector.broadcast %get3A_2972 : f32 to vector<128x128xf32>
    %mul3A_2974 = arith.mulf %slice3A_61, %mul3A_2973 : vector<128x128xf32>
    %add3A_2975 = arith.addf %add3A_2970, %mul3A_2974 : vector<128x128xf32>
    %get3A_2976 = arith.constant 330 : index
    %get3A_2977 = memref.load %arg1[%get3A_2976] : memref<864xf32, #tpu.memory_space<smem>>
    %mul3A_2978 = vector.broadcast %get3A_2977 : f32 to vector<128x128xf32>
    %mul3A_2979 = arith.mulf %slice3A_53, %mul3A_2978 : vector<128x128xf32>
    %add3A_2980 = arith.addf %add3A_2975, %mul3A_2979 : vector<128x128xf32>
    %get3A_2981 = arith.constant 346 : index
    %get3A_2982 = memref.load %arg1[%get3A_2981] : memref<864xf32, #tpu.memory_space<smem>>
    %mul3A_2983 = vector.broadcast %get3A_2982 : f32 to vector<128x128xf32>
    %mul3A_2984 = arith.mulf %slice3A_62, %mul3A_2983 : vector<128x128xf32>
    %add3A_2985 = arith.addf %add3A_2980, %mul3A_2984 : vector<128x128xf32>
    %get3A_2986 = arith.constant 362 : index
    %get3A_2987 = memref.load %arg1[%get3A_2986] : memref<864xf32, #tpu.memory_space<smem>>
    %mul3A_2988 = vector.broadcast %get3A_2987 : f32 to vector<128x128xf32>
    %mul3A_2989 = arith.mulf %slice3A_54, %mul3A_2988 : vector<128x128xf32>
    %add3A_2990 = arith.addf %add3A_2985, %mul3A_2989 : vector<128x128xf32>
    %get3A_2991 = arith.constant 378 : index
    %get3A_2992 = memref.load %arg1[%get3A_2991] : memref<864xf32, #tpu.memory_space<smem>>
    %mul3A_2993 = vector.broadcast %get3A_2992 : f32 to vector<128x128xf32>
    %mul3A_2994 = arith.mulf %slice3A_63, %mul3A_2993 : vector<128x128xf32>
    %add3A_2995 = arith.addf %add3A_2990, %mul3A_2994 : vector<128x128xf32>
    %get3A_2996 = arith.constant 394 : index
    %get3A_2997 = memref.load %arg1[%get3A_2996] : memref<864xf32, #tpu.memory_space<smem>>
    %mul3A_2998 = vector.broadcast %get3A_2997 : f32 to vector<128x128xf32>
    %mul3A_2999 = arith.mulf %slice3A_55, %mul3A_2998 : vector<128x128xf32>
    %add3A_3000 = arith.addf %add3A_2995, %mul3A_2999 : vector<128x128xf32>
    %get3A_3001 = arith.constant 410 : index
    %get3A_3002 = memref.load %arg1[%get3A_3001] : memref<864xf32, #tpu.memory_space<smem>>
    %mul3A_3003 = vector.broadcast %get3A_3002 : f32 to vector<128x128xf32>
    %mul3A_3004 = arith.mulf %slice3A_64, %mul3A_3003 : vector<128x128xf32>
    %add3A_3005 = arith.addf %add3A_3000, %mul3A_3004 : vector<128x128xf32>
    %get3A_3006 = arith.constant 426 : index
    %get3A_3007 = memref.load %arg1[%get3A_3006] : memref<864xf32, #tpu.memory_space<smem>>
    %mul3A_3008 = vector.broadcast %get3A_3007 : f32 to vector<128x128xf32>
    %mul3A_3009 = arith.mulf %slice3A_56, %mul3A_3008 : vector<128x128xf32>
    %add3A_3010 = arith.addf %add3A_3005, %mul3A_3009 : vector<128x128xf32>
    %get3A_3011 = arith.constant 442 : index
    %get3A_3012 = memref.load %arg1[%get3A_3011] : memref<864xf32, #tpu.memory_space<smem>>
    %mul3A_3013 = vector.broadcast %get3A_3012 : f32 to vector<128x128xf32>
    %mul3A_3014 = arith.mulf %slice3A_65, %mul3A_3013 : vector<128x128xf32>
    %add3A_3015 = arith.addf %add3A_3010, %mul3A_3014 : vector<128x128xf32>
    %get3A_3016 = arith.constant 458 : index
    %get3A_3017 = memref.load %arg1[%get3A_3016] : memref<864xf32, #tpu.memory_space<smem>>
    %mul3A_3018 = vector.broadcast %get3A_3017 : f32 to vector<128x128xf32>
    %mul3A_3019 = arith.mulf %slice3A_57, %mul3A_3018 : vector<128x128xf32>
    %add3A_3020 = arith.addf %add3A_3015, %mul3A_3019 : vector<128x128xf32>
    %get3A_3021 = arith.constant 474 : index
    %get3A_3022 = memref.load %arg1[%get3A_3021] : memref<864xf32, #tpu.memory_space<smem>>
    %mul3A_3023 = vector.broadcast %get3A_3022 : f32 to vector<128x128xf32>
    %mul3A_3024 = arith.mulf %slice3A_66, %mul3A_3023 : vector<128x128xf32>
    %add3A_3025 = arith.addf %add3A_3020, %mul3A_3024 : vector<128x128xf32>
    %get3A_3026 = arith.constant 490 : index
    %get3A_3027 = memref.load %arg1[%get3A_3026] : memref<864xf32, #tpu.memory_space<smem>>
    %mul3A_3028 = vector.broadcast %get3A_3027 : f32 to vector<128x128xf32>
    %mul3A_3029 = arith.mulf %slice3A_58, %mul3A_3028 : vector<128x128xf32>
    %add3A_3030 = arith.addf %add3A_3025, %mul3A_3029 : vector<128x128xf32>
    %get3A_3031 = arith.constant 506 : index
    %get3A_3032 = memref.load %arg1[%get3A_3031] : memref<864xf32, #tpu.memory_space<smem>>
    %mul3A_3033 = vector.broadcast %get3A_3032 : f32 to vector<128x128xf32>
    %mul3A_3034 = arith.mulf %slice3A_67, %mul3A_3033 : vector<128x128xf32>
    %add3A_3035 = arith.addf %add3A_3030, %mul3A_3034 : vector<128x128xf32>
    %get3A_3036 = arith.constant 522 : index
    %get3A_3037 = memref.load %arg1[%get3A_3036] : memref<864xf32, #tpu.memory_space<smem>>
    %mul3A_3038 = vector.broadcast %get3A_3037 : f32 to vector<128x128xf32>
    %mul3A_3039 = arith.mulf %slice3A_59, %mul3A_3038 : vector<128x128xf32>
    %add3A_3040 = arith.addf %add3A_3035, %mul3A_3039 : vector<128x128xf32>
    %get3A_3041 = arith.constant 538 : index
    %get3A_3042 = memref.load %arg1[%get3A_3041] : memref<864xf32, #tpu.memory_space<smem>>
    %mul3A_3043 = vector.broadcast %get3A_3042 : f32 to vector<128x128xf32>
    %mul3A_3044 = arith.mulf %slice3A_68, %mul3A_3043 : vector<128x128xf32>
    %add3A_3045 = arith.addf %add3A_3040, %mul3A_3044 : vector<128x128xf32>
    %get3A_3046 = arith.constant 554 : index
    %get3A_3047 = memref.load %arg1[%get3A_3046] : memref<864xf32, #tpu.memory_space<smem>>
    %mul3A_3048 = vector.broadcast %get3A_3047 : f32 to vector<128x128xf32>
    %mul3A_3049 = arith.mulf %slice3A_60, %mul3A_3048 : vector<128x128xf32>
    %add3A_3050 = arith.addf %add3A_3045, %mul3A_3049 : vector<128x128xf32>
    %get3A_3051 = arith.constant 570 : index
    %get3A_3052 = memref.load %arg1[%get3A_3051] : memref<864xf32, #tpu.memory_space<smem>>
    %mul3A_3053 = vector.broadcast %get3A_3052 : f32 to vector<128x128xf32>
    %mul3A_3054 = arith.mulf %slice3A_69, %mul3A_3053 : vector<128x128xf32>
    %add3A_3055 = arith.addf %add3A_3050, %mul3A_3054 : vector<128x128xf32>
    %get3A_3056 = arith.constant 586 : index
    %get3A_3057 = memref.load %arg1[%get3A_3056] : memref<864xf32, #tpu.memory_space<smem>>
    %mul3A_3058 = vector.broadcast %get3A_3057 : f32 to vector<128x128xf32>
    %mul3A_3059 = arith.mulf %slice3A_70, %mul3A_3058 : vector<128x128xf32>
    %add3A_3060 = arith.addf %add3A_3055, %mul3A_3059 : vector<128x128xf32>
    %get3A_3061 = arith.constant 602 : index
    %get3A_3062 = memref.load %arg1[%get3A_3061] : memref<864xf32, #tpu.memory_space<smem>>
    %mul3A_3063 = vector.broadcast %get3A_3062 : f32 to vector<128x128xf32>
    %mul3A_3064 = arith.mulf %slice3A_79, %mul3A_3063 : vector<128x128xf32>
    %add3A_3065 = arith.addf %add3A_3060, %mul3A_3064 : vector<128x128xf32>
    %get3A_3066 = arith.constant 618 : index
    %get3A_3067 = memref.load %arg1[%get3A_3066] : memref<864xf32, #tpu.memory_space<smem>>
    %mul3A_3068 = vector.broadcast %get3A_3067 : f32 to vector<128x128xf32>
    %mul3A_3069 = arith.mulf %slice3A_71, %mul3A_3068 : vector<128x128xf32>
    %add3A_3070 = arith.addf %add3A_3065, %mul3A_3069 : vector<128x128xf32>
    %get3A_3071 = arith.constant 634 : index
    %get3A_3072 = memref.load %arg1[%get3A_3071] : memref<864xf32, #tpu.memory_space<smem>>
    %mul3A_3073 = vector.broadcast %get3A_3072 : f32 to vector<128x128xf32>
    %mul3A_3074 = arith.mulf %slice3A_80, %mul3A_3073 : vector<128x128xf32>
    %add3A_3075 = arith.addf %add3A_3070, %mul3A_3074 : vector<128x128xf32>
    %get3A_3076 = arith.constant 650 : index
    %get3A_3077 = memref.load %arg1[%get3A_3076] : memref<864xf32, #tpu.memory_space<smem>>
    %mul3A_3078 = vector.broadcast %get3A_3077 : f32 to vector<128x128xf32>
    %mul3A_3079 = arith.mulf %slice3A_72, %mul3A_3078 : vector<128x128xf32>
    %add3A_3080 = arith.addf %add3A_3075, %mul3A_3079 : vector<128x128xf32>
    %get3A_3081 = arith.constant 666 : index
    %get3A_3082 = memref.load %arg1[%get3A_3081] : memref<864xf32, #tpu.memory_space<smem>>
    %mul3A_3083 = vector.broadcast %get3A_3082 : f32 to vector<128x128xf32>
    %mul3A_3084 = arith.mulf %slice3A_81, %mul3A_3083 : vector<128x128xf32>
    %add3A_3085 = arith.addf %add3A_3080, %mul3A_3084 : vector<128x128xf32>
    %get3A_3086 = arith.constant 682 : index
    %get3A_3087 = memref.load %arg1[%get3A_3086] : memref<864xf32, #tpu.memory_space<smem>>
    %mul3A_3088 = vector.broadcast %get3A_3087 : f32 to vector<128x128xf32>
    %mul3A_3089 = arith.mulf %slice3A_73, %mul3A_3088 : vector<128x128xf32>
    %add3A_3090 = arith.addf %add3A_3085, %mul3A_3089 : vector<128x128xf32>
    %get3A_3091 = arith.constant 698 : index
    %get3A_3092 = memref.load %arg1[%get3A_3091] : memref<864xf32, #tpu.memory_space<smem>>
    %mul3A_3093 = vector.broadcast %get3A_3092 : f32 to vector<128x128xf32>
    %mul3A_3094 = arith.mulf %slice3A_82, %mul3A_3093 : vector<128x128xf32>
    %add3A_3095 = arith.addf %add3A_3090, %mul3A_3094 : vector<128x128xf32>
    %get3A_3096 = arith.constant 714 : index
    %get3A_3097 = memref.load %arg1[%get3A_3096] : memref<864xf32, #tpu.memory_space<smem>>
    %mul3A_3098 = vector.broadcast %get3A_3097 : f32 to vector<128x128xf32>
    %mul3A_3099 = arith.mulf %slice3A_74, %mul3A_3098 : vector<128x128xf32>
    %add3A_3100 = arith.addf %add3A_3095, %mul3A_3099 : vector<128x128xf32>
    %get3A_3101 = arith.constant 730 : index
    %get3A_3102 = memref.load %arg1[%get3A_3101] : memref<864xf32, #tpu.memory_space<smem>>
    %mul3A_3103 = vector.broadcast %get3A_3102 : f32 to vector<128x128xf32>
    %mul3A_3104 = arith.mulf %slice3A_83, %mul3A_3103 : vector<128x128xf32>
    %add3A_3105 = arith.addf %add3A_3100, %mul3A_3104 : vector<128x128xf32>
    %get3A_3106 = arith.constant 746 : index
    %get3A_3107 = memref.load %arg1[%get3A_3106] : memref<864xf32, #tpu.memory_space<smem>>
    %mul3A_3108 = vector.broadcast %get3A_3107 : f32 to vector<128x128xf32>
    %mul3A_3109 = arith.mulf %slice3A_75, %mul3A_3108 : vector<128x128xf32>
    %add3A_3110 = arith.addf %add3A_3105, %mul3A_3109 : vector<128x128xf32>
    %get3A_3111 = arith.constant 762 : index
    %get3A_3112 = memref.load %arg1[%get3A_3111] : memref<864xf32, #tpu.memory_space<smem>>
    %mul3A_3113 = vector.broadcast %get3A_3112 : f32 to vector<128x128xf32>
    %mul3A_3114 = arith.mulf %slice3A_84, %mul3A_3113 : vector<128x128xf32>
    %add3A_3115 = arith.addf %add3A_3110, %mul3A_3114 : vector<128x128xf32>
    %get3A_3116 = arith.constant 778 : index
    %get3A_3117 = memref.load %arg1[%get3A_3116] : memref<864xf32, #tpu.memory_space<smem>>
    %mul3A_3118 = vector.broadcast %get3A_3117 : f32 to vector<128x128xf32>
    %mul3A_3119 = arith.mulf %slice3A_76, %mul3A_3118 : vector<128x128xf32>
    %add3A_3120 = arith.addf %add3A_3115, %mul3A_3119 : vector<128x128xf32>
    %get3A_3121 = arith.constant 794 : index
    %get3A_3122 = memref.load %arg1[%get3A_3121] : memref<864xf32, #tpu.memory_space<smem>>
    %mul3A_3123 = vector.broadcast %get3A_3122 : f32 to vector<128x128xf32>
    %mul3A_3124 = arith.mulf %slice3A_85, %mul3A_3123 : vector<128x128xf32>
    %add3A_3125 = arith.addf %add3A_3120, %mul3A_3124 : vector<128x128xf32>
    %get3A_3126 = arith.constant 810 : index
    %get3A_3127 = memref.load %arg1[%get3A_3126] : memref<864xf32, #tpu.memory_space<smem>>
    %mul3A_3128 = vector.broadcast %get3A_3127 : f32 to vector<128x128xf32>
    %mul3A_3129 = arith.mulf %slice3A_77, %mul3A_3128 : vector<128x128xf32>
    %add3A_3130 = arith.addf %add3A_3125, %mul3A_3129 : vector<128x128xf32>
    %get3A_3131 = arith.constant 826 : index
    %get3A_3132 = memref.load %arg1[%get3A_3131] : memref<864xf32, #tpu.memory_space<smem>>
    %mul3A_3133 = vector.broadcast %get3A_3132 : f32 to vector<128x128xf32>
    %mul3A_3134 = arith.mulf %slice3A_86, %mul3A_3133 : vector<128x128xf32>
    %add3A_3135 = arith.addf %add3A_3130, %mul3A_3134 : vector<128x128xf32>
    %get3A_3136 = arith.constant 842 : index
    %get3A_3137 = memref.load %arg1[%get3A_3136] : memref<864xf32, #tpu.memory_space<smem>>
    %mul3A_3138 = vector.broadcast %get3A_3137 : f32 to vector<128x128xf32>
    %mul3A_3139 = arith.mulf %slice3A_78, %mul3A_3138 : vector<128x128xf32>
    %add3A_3140 = arith.addf %add3A_3135, %mul3A_3139 : vector<128x128xf32>
    %get3A_3141 = arith.constant 858 : index
    %get3A_3142 = memref.load %arg1[%get3A_3141] : memref<864xf32, #tpu.memory_space<smem>>
    %mul3A_3143 = vector.broadcast %get3A_3142 : f32 to vector<128x128xf32>
    %mul3A_3144 = arith.mulf %slice3A_87, %mul3A_3143 : vector<128x128xf32>
    %add3A_3145 = arith.addf %add3A_3140, %mul3A_3144 : vector<128x128xf32>
    %swap3A_3146 = arith.constant 0 : index
    %swap3A_3147 = arith.constant 10 : index
    %swap3A_3148 = arith.constant 0 : index
    %swap3A_3149 = arith.constant 0 : index
    %swap3A_3150 = vector.load %arg5[%swap3A_3146, %swap3A_3147, %swap3A_3148, %swap3A_3149] : memref<1x16x128x128xf32, #tpu.memory_space<vmem>>, vector<1x1x128x128xf32>
    %swap3A_3151 = vector.shape_cast %swap3A_3150 : vector<1x1x128x128xf32> to vector<128x128xf32>
    %swap3A_3152 = vector.shape_cast %add3A_3145 : vector<128x128xf32> to vector<1x1x128x128xf32>
    tpu.vector_store %arg5[%swap3A_3146, %swap3A_3147, %swap3A_3148, %swap3A_3149], %swap3A_3152 {strides = array<i32>} : memref<1x16x128x128xf32, #tpu.memory_space<vmem>>, vector<1x1x128x128xf32>,
    %broadcast_in_dim3A_3153 = arith.constant 0.000000e+00 : f32
    %broadcast_in_dim3A_3154 = vector.broadcast %broadcast_in_dim3A_3153 : f32 to vector<128x128xf32>
    %get3A_3155 = arith.constant 11 : index
    %get3A_3156 = memref.load %arg1[%get3A_3155] : memref<864xf32, #tpu.memory_space<smem>>
    %mul3A_3157 = vector.broadcast %get3A_3156 : f32 to vector<128x128xf32>
    %mul3A_3158 = arith.mulf %slice3A, %mul3A_3157 : vector<128x128xf32>
    %add3A_3159 = arith.addf %broadcast_in_dim3A_3154, %mul3A_3158 : vector<128x128xf32>
    %get3A_3160 = arith.constant 27 : index
    %get3A_3161 = memref.load %arg1[%get3A_3160] : memref<864xf32, #tpu.memory_space<smem>>
    %mul3A_3162 = vector.broadcast %get3A_3161 : f32 to vector<128x128xf32>
    %mul3A_3163 = arith.mulf %slice3A_43, %mul3A_3162 : vector<128x128xf32>
    %add3A_3164 = arith.addf %add3A_3159, %mul3A_3163 : vector<128x128xf32>
    %get3A_3165 = arith.constant 43 : index
    %get3A_3166 = memref.load %arg1[%get3A_3165] : memref<864xf32, #tpu.memory_space<smem>>
    %mul3A_3167 = vector.broadcast %get3A_3166 : f32 to vector<128x128xf32>
    %mul3A_3168 = arith.mulf %slice3A_35, %mul3A_3167 : vector<128x128xf32>
    %add3A_3169 = arith.addf %add3A_3164, %mul3A_3168 : vector<128x128xf32>
    %get3A_3170 = arith.constant 59 : index
    %get3A_3171 = memref.load %arg1[%get3A_3170] : memref<864xf32, #tpu.memory_space<smem>>
    %mul3A_3172 = vector.broadcast %get3A_3171 : f32 to vector<128x128xf32>
    %mul3A_3173 = arith.mulf %slice3A_44, %mul3A_3172 : vector<128x128xf32>
    %add3A_3174 = arith.addf %add3A_3169, %mul3A_3173 : vector<128x128xf32>
    %get3A_3175 = arith.constant 75 : index
    %get3A_3176 = memref.load %arg1[%get3A_3175] : memref<864xf32, #tpu.memory_space<smem>>
    %mul3A_3177 = vector.broadcast %get3A_3176 : f32 to vector<128x128xf32>
    %mul3A_3178 = arith.mulf %slice3A_36, %mul3A_3177 : vector<128x128xf32>
    %add3A_3179 = arith.addf %add3A_3174, %mul3A_3178 : vector<128x128xf32>
    %get3A_3180 = arith.constant 91 : index
    %get3A_3181 = memref.load %arg1[%get3A_3180] : memref<864xf32, #tpu.memory_space<smem>>
    %mul3A_3182 = vector.broadcast %get3A_3181 : f32 to vector<128x128xf32>
    %mul3A_3183 = arith.mulf %slice3A_45, %mul3A_3182 : vector<128x128xf32>
    %add3A_3184 = arith.addf %add3A_3179, %mul3A_3183 : vector<128x128xf32>
    %get3A_3185 = arith.constant 107 : index
    %get3A_3186 = memref.load %arg1[%get3A_3185] : memref<864xf32, #tpu.memory_space<smem>>
    %mul3A_3187 = vector.broadcast %get3A_3186 : f32 to vector<128x128xf32>
    %mul3A_3188 = arith.mulf %slice3A_37, %mul3A_3187 : vector<128x128xf32>
    %add3A_3189 = arith.addf %add3A_3184, %mul3A_3188 : vector<128x128xf32>
    %get3A_3190 = arith.constant 123 : index
    %get3A_3191 = memref.load %arg1[%get3A_3190] : memref<864xf32, #tpu.memory_space<smem>>
    %mul3A_3192 = vector.broadcast %get3A_3191 : f32 to vector<128x128xf32>
    %mul3A_3193 = arith.mulf %slice3A_46, %mul3A_3192 : vector<128x128xf32>
    %add3A_3194 = arith.addf %add3A_3189, %mul3A_3193 : vector<128x128xf32>
    %get3A_3195 = arith.constant 139 : index
    %get3A_3196 = memref.load %arg1[%get3A_3195] : memref<864xf32, #tpu.memory_space<smem>>
    %mul3A_3197 = vector.broadcast %get3A_3196 : f32 to vector<128x128xf32>
    %mul3A_3198 = arith.mulf %slice3A_38, %mul3A_3197 : vector<128x128xf32>
    %add3A_3199 = arith.addf %add3A_3194, %mul3A_3198 : vector<128x128xf32>
    %get3A_3200 = arith.constant 155 : index
    %get3A_3201 = memref.load %arg1[%get3A_3200] : memref<864xf32, #tpu.memory_space<smem>>
    %mul3A_3202 = vector.broadcast %get3A_3201 : f32 to vector<128x128xf32>
    %mul3A_3203 = arith.mulf %slice3A_47, %mul3A_3202 : vector<128x128xf32>
    %add3A_3204 = arith.addf %add3A_3199, %mul3A_3203 : vector<128x128xf32>
    %get3A_3205 = arith.constant 171 : index
    %get3A_3206 = memref.load %arg1[%get3A_3205] : memref<864xf32, #tpu.memory_space<smem>>
    %mul3A_3207 = vector.broadcast %get3A_3206 : f32 to vector<128x128xf32>
    %mul3A_3208 = arith.mulf %slice3A_39, %mul3A_3207 : vector<128x128xf32>
    %add3A_3209 = arith.addf %add3A_3204, %mul3A_3208 : vector<128x128xf32>
    %get3A_3210 = arith.constant 187 : index
    %get3A_3211 = memref.load %arg1[%get3A_3210] : memref<864xf32, #tpu.memory_space<smem>>
    %mul3A_3212 = vector.broadcast %get3A_3211 : f32 to vector<128x128xf32>
    %mul3A_3213 = arith.mulf %slice3A_48, %mul3A_3212 : vector<128x128xf32>
    %add3A_3214 = arith.addf %add3A_3209, %mul3A_3213 : vector<128x128xf32>
    %get3A_3215 = arith.constant 203 : index
    %get3A_3216 = memref.load %arg1[%get3A_3215] : memref<864xf32, #tpu.memory_space<smem>>
    %mul3A_3217 = vector.broadcast %get3A_3216 : f32 to vector<128x128xf32>
    %mul3A_3218 = arith.mulf %slice3A_40, %mul3A_3217 : vector<128x128xf32>
    %add3A_3219 = arith.addf %add3A_3214, %mul3A_3218 : vector<128x128xf32>
    %get3A_3220 = arith.constant 219 : index
    %get3A_3221 = memref.load %arg1[%get3A_3220] : memref<864xf32, #tpu.memory_space<smem>>
    %mul3A_3222 = vector.broadcast %get3A_3221 : f32 to vector<128x128xf32>
    %mul3A_3223 = arith.mulf %slice3A_49, %mul3A_3222 : vector<128x128xf32>
    %add3A_3224 = arith.addf %add3A_3219, %mul3A_3223 : vector<128x128xf32>
    %get3A_3225 = arith.constant 235 : index
    %get3A_3226 = memref.load %arg1[%get3A_3225] : memref<864xf32, #tpu.memory_space<smem>>
    %mul3A_3227 = vector.broadcast %get3A_3226 : f32 to vector<128x128xf32>
    %mul3A_3228 = arith.mulf %slice3A_41, %mul3A_3227 : vector<128x128xf32>
    %add3A_3229 = arith.addf %add3A_3224, %mul3A_3228 : vector<128x128xf32>
    %get3A_3230 = arith.constant 251 : index
    %get3A_3231 = memref.load %arg1[%get3A_3230] : memref<864xf32, #tpu.memory_space<smem>>
    %mul3A_3232 = vector.broadcast %get3A_3231 : f32 to vector<128x128xf32>
    %mul3A_3233 = arith.mulf %slice3A_50, %mul3A_3232 : vector<128x128xf32>
    %add3A_3234 = arith.addf %add3A_3229, %mul3A_3233 : vector<128x128xf32>
    %get3A_3235 = arith.constant 267 : index
    %get3A_3236 = memref.load %arg1[%get3A_3235] : memref<864xf32, #tpu.memory_space<smem>>
    %mul3A_3237 = vector.broadcast %get3A_3236 : f32 to vector<128x128xf32>
    %mul3A_3238 = arith.mulf %slice3A_42, %mul3A_3237 : vector<128x128xf32>
    %add3A_3239 = arith.addf %add3A_3234, %mul3A_3238 : vector<128x128xf32>
    %get3A_3240 = arith.constant 283 : index
    %get3A_3241 = memref.load %arg1[%get3A_3240] : memref<864xf32, #tpu.memory_space<smem>>
    %mul3A_3242 = vector.broadcast %get3A_3241 : f32 to vector<128x128xf32>
    %mul3A_3243 = arith.mulf %slice3A_51, %mul3A_3242 : vector<128x128xf32>
    %add3A_3244 = arith.addf %add3A_3239, %mul3A_3243 : vector<128x128xf32>
    %get3A_3245 = arith.constant 299 : index
    %get3A_3246 = memref.load %arg1[%get3A_3245] : memref<864xf32, #tpu.memory_space<smem>>
    %mul3A_3247 = vector.broadcast %get3A_3246 : f32 to vector<128x128xf32>
    %mul3A_3248 = arith.mulf %slice3A_52, %mul3A_3247 : vector<128x128xf32>
    %add3A_3249 = arith.addf %add3A_3244, %mul3A_3248 : vector<128x128xf32>
    %get3A_3250 = arith.constant 315 : index
    %get3A_3251 = memref.load %arg1[%get3A_3250] : memref<864xf32, #tpu.memory_space<smem>>
    %mul3A_3252 = vector.broadcast %get3A_3251 : f32 to vector<128x128xf32>
    %mul3A_3253 = arith.mulf %slice3A_61, %mul3A_3252 : vector<128x128xf32>
    %add3A_3254 = arith.addf %add3A_3249, %mul3A_3253 : vector<128x128xf32>
    %get3A_3255 = arith.constant 331 : index
    %get3A_3256 = memref.load %arg1[%get3A_3255] : memref<864xf32, #tpu.memory_space<smem>>
    %mul3A_3257 = vector.broadcast %get3A_3256 : f32 to vector<128x128xf32>
    %mul3A_3258 = arith.mulf %slice3A_53, %mul3A_3257 : vector<128x128xf32>
    %add3A_3259 = arith.addf %add3A_3254, %mul3A_3258 : vector<128x128xf32>
    %get3A_3260 = arith.constant 347 : index
    %get3A_3261 = memref.load %arg1[%get3A_3260] : memref<864xf32, #tpu.memory_space<smem>>
    %mul3A_3262 = vector.broadcast %get3A_3261 : f32 to vector<128x128xf32>
    %mul3A_3263 = arith.mulf %slice3A_62, %mul3A_3262 : vector<128x128xf32>
    %add3A_3264 = arith.addf %add3A_3259, %mul3A_3263 : vector<128x128xf32>
    %get3A_3265 = arith.constant 363 : index
    %get3A_3266 = memref.load %arg1[%get3A_3265] : memref<864xf32, #tpu.memory_space<smem>>
    %mul3A_3267 = vector.broadcast %get3A_3266 : f32 to vector<128x128xf32>
    %mul3A_3268 = arith.mulf %slice3A_54, %mul3A_3267 : vector<128x128xf32>
    %add3A_3269 = arith.addf %add3A_3264, %mul3A_3268 : vector<128x128xf32>
    %get3A_3270 = arith.constant 379 : index
    %get3A_3271 = memref.load %arg1[%get3A_3270] : memref<864xf32, #tpu.memory_space<smem>>
    %mul3A_3272 = vector.broadcast %get3A_3271 : f32 to vector<128x128xf32>
    %mul3A_3273 = arith.mulf %slice3A_63, %mul3A_3272 : vector<128x128xf32>
    %add3A_3274 = arith.addf %add3A_3269, %mul3A_3273 : vector<128x128xf32>
    %get3A_3275 = arith.constant 395 : index
    %get3A_3276 = memref.load %arg1[%get3A_3275] : memref<864xf32, #tpu.memory_space<smem>>
    %mul3A_3277 = vector.broadcast %get3A_3276 : f32 to vector<128x128xf32>
    %mul3A_3278 = arith.mulf %slice3A_55, %mul3A_3277 : vector<128x128xf32>
    %add3A_3279 = arith.addf %add3A_3274, %mul3A_3278 : vector<128x128xf32>
    %get3A_3280 = arith.constant 411 : index
    %get3A_3281 = memref.load %arg1[%get3A_3280] : memref<864xf32, #tpu.memory_space<smem>>
    %mul3A_3282 = vector.broadcast %get3A_3281 : f32 to vector<128x128xf32>
    %mul3A_3283 = arith.mulf %slice3A_64, %mul3A_3282 : vector<128x128xf32>
    %add3A_3284 = arith.addf %add3A_3279, %mul3A_3283 : vector<128x128xf32>
    %get3A_3285 = arith.constant 427 : index
    %get3A_3286 = memref.load %arg1[%get3A_3285] : memref<864xf32, #tpu.memory_space<smem>>
    %mul3A_3287 = vector.broadcast %get3A_3286 : f32 to vector<128x128xf32>
    %mul3A_3288 = arith.mulf %slice3A_56, %mul3A_3287 : vector<128x128xf32>
    %add3A_3289 = arith.addf %add3A_3284, %mul3A_3288 : vector<128x128xf32>
    %get3A_3290 = arith.constant 443 : index
    %get3A_3291 = memref.load %arg1[%get3A_3290] : memref<864xf32, #tpu.memory_space<smem>>
    %mul3A_3292 = vector.broadcast %get3A_3291 : f32 to vector<128x128xf32>
    %mul3A_3293 = arith.mulf %slice3A_65, %mul3A_3292 : vector<128x128xf32>
    %add3A_3294 = arith.addf %add3A_3289, %mul3A_3293 : vector<128x128xf32>
    %get3A_3295 = arith.constant 459 : index
    %get3A_3296 = memref.load %arg1[%get3A_3295] : memref<864xf32, #tpu.memory_space<smem>>
    %mul3A_3297 = vector.broadcast %get3A_3296 : f32 to vector<128x128xf32>
    %mul3A_3298 = arith.mulf %slice3A_57, %mul3A_3297 : vector<128x128xf32>
    %add3A_3299 = arith.addf %add3A_3294, %mul3A_3298 : vector<128x128xf32>
    %get3A_3300 = arith.constant 475 : index
    %get3A_3301 = memref.load %arg1[%get3A_3300] : memref<864xf32, #tpu.memory_space<smem>>
    %mul3A_3302 = vector.broadcast %get3A_3301 : f32 to vector<128x128xf32>
    %mul3A_3303 = arith.mulf %slice3A_66, %mul3A_3302 : vector<128x128xf32>
    %add3A_3304 = arith.addf %add3A_3299, %mul3A_3303 : vector<128x128xf32>
    %get3A_3305 = arith.constant 491 : index
    %get3A_3306 = memref.load %arg1[%get3A_3305] : memref<864xf32, #tpu.memory_space<smem>>
    %mul3A_3307 = vector.broadcast %get3A_3306 : f32 to vector<128x128xf32>
    %mul3A_3308 = arith.mulf %slice3A_58, %mul3A_3307 : vector<128x128xf32>
    %add3A_3309 = arith.addf %add3A_3304, %mul3A_3308 : vector<128x128xf32>
    %get3A_3310 = arith.constant 507 : index
    %get3A_3311 = memref.load %arg1[%get3A_3310] : memref<864xf32, #tpu.memory_space<smem>>
    %mul3A_3312 = vector.broadcast %get3A_3311 : f32 to vector<128x128xf32>
    %mul3A_3313 = arith.mulf %slice3A_67, %mul3A_3312 : vector<128x128xf32>
    %add3A_3314 = arith.addf %add3A_3309, %mul3A_3313 : vector<128x128xf32>
    %get3A_3315 = arith.constant 523 : index
    %get3A_3316 = memref.load %arg1[%get3A_3315] : memref<864xf32, #tpu.memory_space<smem>>
    %mul3A_3317 = vector.broadcast %get3A_3316 : f32 to vector<128x128xf32>
    %mul3A_3318 = arith.mulf %slice3A_59, %mul3A_3317 : vector<128x128xf32>
    %add3A_3319 = arith.addf %add3A_3314, %mul3A_3318 : vector<128x128xf32>
    %get3A_3320 = arith.constant 539 : index
    %get3A_3321 = memref.load %arg1[%get3A_3320] : memref<864xf32, #tpu.memory_space<smem>>
    %mul3A_3322 = vector.broadcast %get3A_3321 : f32 to vector<128x128xf32>
    %mul3A_3323 = arith.mulf %slice3A_68, %mul3A_3322 : vector<128x128xf32>
    %add3A_3324 = arith.addf %add3A_3319, %mul3A_3323 : vector<128x128xf32>
    %get3A_3325 = arith.constant 555 : index
    %get3A_3326 = memref.load %arg1[%get3A_3325] : memref<864xf32, #tpu.memory_space<smem>>
    %mul3A_3327 = vector.broadcast %get3A_3326 : f32 to vector<128x128xf32>
    %mul3A_3328 = arith.mulf %slice3A_60, %mul3A_3327 : vector<128x128xf32>
    %add3A_3329 = arith.addf %add3A_3324, %mul3A_3328 : vector<128x128xf32>
    %get3A_3330 = arith.constant 571 : index
    %get3A_3331 = memref.load %arg1[%get3A_3330] : memref<864xf32, #tpu.memory_space<smem>>
    %mul3A_3332 = vector.broadcast %get3A_3331 : f32 to vector<128x128xf32>
    %mul3A_3333 = arith.mulf %slice3A_69, %mul3A_3332 : vector<128x128xf32>
    %add3A_3334 = arith.addf %add3A_3329, %mul3A_3333 : vector<128x128xf32>
    %get3A_3335 = arith.constant 587 : index
    %get3A_3336 = memref.load %arg1[%get3A_3335] : memref<864xf32, #tpu.memory_space<smem>>
    %mul3A_3337 = vector.broadcast %get3A_3336 : f32 to vector<128x128xf32>
    %mul3A_3338 = arith.mulf %slice3A_70, %mul3A_3337 : vector<128x128xf32>
    %add3A_3339 = arith.addf %add3A_3334, %mul3A_3338 : vector<128x128xf32>
    %get3A_3340 = arith.constant 603 : index
    %get3A_3341 = memref.load %arg1[%get3A_3340] : memref<864xf32, #tpu.memory_space<smem>>
    %mul3A_3342 = vector.broadcast %get3A_3341 : f32 to vector<128x128xf32>
    %mul3A_3343 = arith.mulf %slice3A_79, %mul3A_3342 : vector<128x128xf32>
    %add3A_3344 = arith.addf %add3A_3339, %mul3A_3343 : vector<128x128xf32>
    %get3A_3345 = arith.constant 619 : index
    %get3A_3346 = memref.load %arg1[%get3A_3345] : memref<864xf32, #tpu.memory_space<smem>>
    %mul3A_3347 = vector.broadcast %get3A_3346 : f32 to vector<128x128xf32>
    %mul3A_3348 = arith.mulf %slice3A_71, %mul3A_3347 : vector<128x128xf32>
    %add3A_3349 = arith.addf %add3A_3344, %mul3A_3348 : vector<128x128xf32>
    %get3A_3350 = arith.constant 635 : index
    %get3A_3351 = memref.load %arg1[%get3A_3350] : memref<864xf32, #tpu.memory_space<smem>>
    %mul3A_3352 = vector.broadcast %get3A_3351 : f32 to vector<128x128xf32>
    %mul3A_3353 = arith.mulf %slice3A_80, %mul3A_3352 : vector<128x128xf32>
    %add3A_3354 = arith.addf %add3A_3349, %mul3A_3353 : vector<128x128xf32>
    %get3A_3355 = arith.constant 651 : index
    %get3A_3356 = memref.load %arg1[%get3A_3355] : memref<864xf32, #tpu.memory_space<smem>>
    %mul3A_3357 = vector.broadcast %get3A_3356 : f32 to vector<128x128xf32>
    %mul3A_3358 = arith.mulf %slice3A_72, %mul3A_3357 : vector<128x128xf32>
    %add3A_3359 = arith.addf %add3A_3354, %mul3A_3358 : vector<128x128xf32>
    %get3A_3360 = arith.constant 667 : index
    %get3A_3361 = memref.load %arg1[%get3A_3360] : memref<864xf32, #tpu.memory_space<smem>>
    %mul3A_3362 = vector.broadcast %get3A_3361 : f32 to vector<128x128xf32>
    %mul3A_3363 = arith.mulf %slice3A_81, %mul3A_3362 : vector<128x128xf32>
    %add3A_3364 = arith.addf %add3A_3359, %mul3A_3363 : vector<128x128xf32>
    %get3A_3365 = arith.constant 683 : index
    %get3A_3366 = memref.load %arg1[%get3A_3365] : memref<864xf32, #tpu.memory_space<smem>>
    %mul3A_3367 = vector.broadcast %get3A_3366 : f32 to vector<128x128xf32>
    %mul3A_3368 = arith.mulf %slice3A_73, %mul3A_3367 : vector<128x128xf32>
    %add3A_3369 = arith.addf %add3A_3364, %mul3A_3368 : vector<128x128xf32>
    %get3A_3370 = arith.constant 699 : index
    %get3A_3371 = memref.load %arg1[%get3A_3370] : memref<864xf32, #tpu.memory_space<smem>>
    %mul3A_3372 = vector.broadcast %get3A_3371 : f32 to vector<128x128xf32>
    %mul3A_3373 = arith.mulf %slice3A_82, %mul3A_3372 : vector<128x128xf32>
    %add3A_3374 = arith.addf %add3A_3369, %mul3A_3373 : vector<128x128xf32>
    %get3A_3375 = arith.constant 715 : index
    %get3A_3376 = memref.load %arg1[%get3A_3375] : memref<864xf32, #tpu.memory_space<smem>>
    %mul3A_3377 = vector.broadcast %get3A_3376 : f32 to vector<128x128xf32>
    %mul3A_3378 = arith.mulf %slice3A_74, %mul3A_3377 : vector<128x128xf32>
    %add3A_3379 = arith.addf %add3A_3374, %mul3A_3378 : vector<128x128xf32>
    %get3A_3380 = arith.constant 731 : index
    %get3A_3381 = memref.load %arg1[%get3A_3380] : memref<864xf32, #tpu.memory_space<smem>>
    %mul3A_3382 = vector.broadcast %get3A_3381 : f32 to vector<128x128xf32>
    %mul3A_3383 = arith.mulf %slice3A_83, %mul3A_3382 : vector<128x128xf32>
    %add3A_3384 = arith.addf %add3A_3379, %mul3A_3383 : vector<128x128xf32>
    %get3A_3385 = arith.constant 747 : index
    %get3A_3386 = memref.load %arg1[%get3A_3385] : memref<864xf32, #tpu.memory_space<smem>>
    %mul3A_3387 = vector.broadcast %get3A_3386 : f32 to vector<128x128xf32>
    %mul3A_3388 = arith.mulf %slice3A_75, %mul3A_3387 : vector<128x128xf32>
    %add3A_3389 = arith.addf %add3A_3384, %mul3A_3388 : vector<128x128xf32>
    %get3A_3390 = arith.constant 763 : index
    %get3A_3391 = memref.load %arg1[%get3A_3390] : memref<864xf32, #tpu.memory_space<smem>>
    %mul3A_3392 = vector.broadcast %get3A_3391 : f32 to vector<128x128xf32>
    %mul3A_3393 = arith.mulf %slice3A_84, %mul3A_3392 : vector<128x128xf32>
    %add3A_3394 = arith.addf %add3A_3389, %mul3A_3393 : vector<128x128xf32>
    %get3A_3395 = arith.constant 779 : index
    %get3A_3396 = memref.load %arg1[%get3A_3395] : memref<864xf32, #tpu.memory_space<smem>>
    %mul3A_3397 = vector.broadcast %get3A_3396 : f32 to vector<128x128xf32>
    %mul3A_3398 = arith.mulf %slice3A_76, %mul3A_3397 : vector<128x128xf32>
    %add3A_3399 = arith.addf %add3A_3394, %mul3A_3398 : vector<128x128xf32>
    %get3A_3400 = arith.constant 795 : index
    %get3A_3401 = memref.load %arg1[%get3A_3400] : memref<864xf32, #tpu.memory_space<smem>>
    %mul3A_3402 = vector.broadcast %get3A_3401 : f32 to vector<128x128xf32>
    %mul3A_3403 = arith.mulf %slice3A_85, %mul3A_3402 : vector<128x128xf32>
    %add3A_3404 = arith.addf %add3A_3399, %mul3A_3403 : vector<128x128xf32>
    %get3A_3405 = arith.constant 811 : index
    %get3A_3406 = memref.load %arg1[%get3A_3405] : memref<864xf32, #tpu.memory_space<smem>>
    %mul3A_3407 = vector.broadcast %get3A_3406 : f32 to vector<128x128xf32>
    %mul3A_3408 = arith.mulf %slice3A_77, %mul3A_3407 : vector<128x128xf32>
    %add3A_3409 = arith.addf %add3A_3404, %mul3A_3408 : vector<128x128xf32>
    %get3A_3410 = arith.constant 827 : index
    %get3A_3411 = memref.load %arg1[%get3A_3410] : memref<864xf32, #tpu.memory_space<smem>>
    %mul3A_3412 = vector.broadcast %get3A_3411 : f32 to vector<128x128xf32>
    %mul3A_3413 = arith.mulf %slice3A_86, %mul3A_3412 : vector<128x128xf32>
    %add3A_3414 = arith.addf %add3A_3409, %mul3A_3413 : vector<128x128xf32>
    %get3A_3415 = arith.constant 843 : index
    %get3A_3416 = memref.load %arg1[%get3A_3415] : memref<864xf32, #tpu.memory_space<smem>>
    %mul3A_3417 = vector.broadcast %get3A_3416 : f32 to vector<128x128xf32>
    %mul3A_3418 = arith.mulf %slice3A_78, %mul3A_3417 : vector<128x128xf32>
    %add3A_3419 = arith.addf %add3A_3414, %mul3A_3418 : vector<128x128xf32>
    %get3A_3420 = arith.constant 859 : index
    %get3A_3421 = memref.load %arg1[%get3A_3420] : memref<864xf32, #tpu.memory_space<smem>>
    %mul3A_3422 = vector.broadcast %get3A_3421 : f32 to vector<128x128xf32>
    %mul3A_3423 = arith.mulf %slice3A_87, %mul3A_3422 : vector<128x128xf32>
    %add3A_3424 = arith.addf %add3A_3419, %mul3A_3423 : vector<128x128xf32>
    %swap3A_3425 = arith.constant 0 : index
    %swap3A_3426 = arith.constant 11 : index
    %swap3A_3427 = arith.constant 0 : index
    %swap3A_3428 = arith.constant 0 : index
    %swap3A_3429 = vector.load %arg5[%swap3A_3425, %swap3A_3426, %swap3A_3427, %swap3A_3428] : memref<1x16x128x128xf32, #tpu.memory_space<vmem>>, vector<1x1x128x128xf32>
    %swap3A_3430 = vector.shape_cast %swap3A_3429 : vector<1x1x128x128xf32> to vector<128x128xf32>
    %swap3A_3431 = vector.shape_cast %add3A_3424 : vector<128x128xf32> to vector<1x1x128x128xf32>
    tpu.vector_store %arg5[%swap3A_3425, %swap3A_3426, %swap3A_3427, %swap3A_3428], %swap3A_3431 {strides = array<i32>} : memref<1x16x128x128xf32, #tpu.memory_space<vmem>>, vector<1x1x128x128xf32>,
    %broadcast_in_dim3A_3432 = arith.constant 0.000000e+00 : f32
    %broadcast_in_dim3A_3433 = vector.broadcast %broadcast_in_dim3A_3432 : f32 to vector<128x128xf32>
    %get3A_3434 = arith.constant 12 : index
    %get3A_3435 = memref.load %arg1[%get3A_3434] : memref<864xf32, #tpu.memory_space<smem>>
    %mul3A_3436 = vector.broadcast %get3A_3435 : f32 to vector<128x128xf32>
    %mul3A_3437 = arith.mulf %slice3A, %mul3A_3436 : vector<128x128xf32>
    %add3A_3438 = arith.addf %broadcast_in_dim3A_3433, %mul3A_3437 : vector<128x128xf32>
    %get3A_3439 = arith.constant 28 : index
    %get3A_3440 = memref.load %arg1[%get3A_3439] : memref<864xf32, #tpu.memory_space<smem>>
    %mul3A_3441 = vector.broadcast %get3A_3440 : f32 to vector<128x128xf32>
    %mul3A_3442 = arith.mulf %slice3A_43, %mul3A_3441 : vector<128x128xf32>
    %add3A_3443 = arith.addf %add3A_3438, %mul3A_3442 : vector<128x128xf32>
    %get3A_3444 = arith.constant 44 : index
    %get3A_3445 = memref.load %arg1[%get3A_3444] : memref<864xf32, #tpu.memory_space<smem>>
    %mul3A_3446 = vector.broadcast %get3A_3445 : f32 to vector<128x128xf32>
    %mul3A_3447 = arith.mulf %slice3A_35, %mul3A_3446 : vector<128x128xf32>
    %add3A_3448 = arith.addf %add3A_3443, %mul3A_3447 : vector<128x128xf32>
    %get3A_3449 = arith.constant 60 : index
    %get3A_3450 = memref.load %arg1[%get3A_3449] : memref<864xf32, #tpu.memory_space<smem>>
    %mul3A_3451 = vector.broadcast %get3A_3450 : f32 to vector<128x128xf32>
    %mul3A_3452 = arith.mulf %slice3A_44, %mul3A_3451 : vector<128x128xf32>
    %add3A_3453 = arith.addf %add3A_3448, %mul3A_3452 : vector<128x128xf32>
    %get3A_3454 = arith.constant 76 : index
    %get3A_3455 = memref.load %arg1[%get3A_3454] : memref<864xf32, #tpu.memory_space<smem>>
    %mul3A_3456 = vector.broadcast %get3A_3455 : f32 to vector<128x128xf32>
    %mul3A_3457 = arith.mulf %slice3A_36, %mul3A_3456 : vector<128x128xf32>
    %add3A_3458 = arith.addf %add3A_3453, %mul3A_3457 : vector<128x128xf32>
    %get3A_3459 = arith.constant 92 : index
    %get3A_3460 = memref.load %arg1[%get3A_3459] : memref<864xf32, #tpu.memory_space<smem>>
    %mul3A_3461 = vector.broadcast %get3A_3460 : f32 to vector<128x128xf32>
    %mul3A_3462 = arith.mulf %slice3A_45, %mul3A_3461 : vector<128x128xf32>
    %add3A_3463 = arith.addf %add3A_3458, %mul3A_3462 : vector<128x128xf32>
    %get3A_3464 = arith.constant 108 : index
    %get3A_3465 = memref.load %arg1[%get3A_3464] : memref<864xf32, #tpu.memory_space<smem>>
    %mul3A_3466 = vector.broadcast %get3A_3465 : f32 to vector<128x128xf32>
    %mul3A_3467 = arith.mulf %slice3A_37, %mul3A_3466 : vector<128x128xf32>
    %add3A_3468 = arith.addf %add3A_3463, %mul3A_3467 : vector<128x128xf32>
    %get3A_3469 = arith.constant 124 : index
    %get3A_3470 = memref.load %arg1[%get3A_3469] : memref<864xf32, #tpu.memory_space<smem>>
    %mul3A_3471 = vector.broadcast %get3A_3470 : f32 to vector<128x128xf32>
    %mul3A_3472 = arith.mulf %slice3A_46, %mul3A_3471 : vector<128x128xf32>
    %add3A_3473 = arith.addf %add3A_3468, %mul3A_3472 : vector<128x128xf32>
    %get3A_3474 = arith.constant 140 : index
    %get3A_3475 = memref.load %arg1[%get3A_3474] : memref<864xf32, #tpu.memory_space<smem>>
    %mul3A_3476 = vector.broadcast %get3A_3475 : f32 to vector<128x128xf32>
    %mul3A_3477 = arith.mulf %slice3A_38, %mul3A_3476 : vector<128x128xf32>
    %add3A_3478 = arith.addf %add3A_3473, %mul3A_3477 : vector<128x128xf32>
    %get3A_3479 = arith.constant 156 : index
    %get3A_3480 = memref.load %arg1[%get3A_3479] : memref<864xf32, #tpu.memory_space<smem>>
    %mul3A_3481 = vector.broadcast %get3A_3480 : f32 to vector<128x128xf32>
    %mul3A_3482 = arith.mulf %slice3A_47, %mul3A_3481 : vector<128x128xf32>
    %add3A_3483 = arith.addf %add3A_3478, %mul3A_3482 : vector<128x128xf32>
    %get3A_3484 = arith.constant 172 : index
    %get3A_3485 = memref.load %arg1[%get3A_3484] : memref<864xf32, #tpu.memory_space<smem>>
    %mul3A_3486 = vector.broadcast %get3A_3485 : f32 to vector<128x128xf32>
    %mul3A_3487 = arith.mulf %slice3A_39, %mul3A_3486 : vector<128x128xf32>
    %add3A_3488 = arith.addf %add3A_3483, %mul3A_3487 : vector<128x128xf32>
    %get3A_3489 = arith.constant 188 : index
    %get3A_3490 = memref.load %arg1[%get3A_3489] : memref<864xf32, #tpu.memory_space<smem>>
    %mul3A_3491 = vector.broadcast %get3A_3490 : f32 to vector<128x128xf32>
    %mul3A_3492 = arith.mulf %slice3A_48, %mul3A_3491 : vector<128x128xf32>
    %add3A_3493 = arith.addf %add3A_3488, %mul3A_3492 : vector<128x128xf32>
    %get3A_3494 = arith.constant 204 : index
    %get3A_3495 = memref.load %arg1[%get3A_3494] : memref<864xf32, #tpu.memory_space<smem>>
    %mul3A_3496 = vector.broadcast %get3A_3495 : f32 to vector<128x128xf32>
    %mul3A_3497 = arith.mulf %slice3A_40, %mul3A_3496 : vector<128x128xf32>
    %add3A_3498 = arith.addf %add3A_3493, %mul3A_3497 : vector<128x128xf32>
    %get3A_3499 = arith.constant 220 : index
    %get3A_3500 = memref.load %arg1[%get3A_3499] : memref<864xf32, #tpu.memory_space<smem>>
    %mul3A_3501 = vector.broadcast %get3A_3500 : f32 to vector<128x128xf32>
    %mul3A_3502 = arith.mulf %slice3A_49, %mul3A_3501 : vector<128x128xf32>
    %add3A_3503 = arith.addf %add3A_3498, %mul3A_3502 : vector<128x128xf32>
    %get3A_3504 = arith.constant 236 : index
    %get3A_3505 = memref.load %arg1[%get3A_3504] : memref<864xf32, #tpu.memory_space<smem>>
    %mul3A_3506 = vector.broadcast %get3A_3505 : f32 to vector<128x128xf32>
    %mul3A_3507 = arith.mulf %slice3A_41, %mul3A_3506 : vector<128x128xf32>
    %add3A_3508 = arith.addf %add3A_3503, %mul3A_3507 : vector<128x128xf32>
    %get3A_3509 = arith.constant 252 : index
    %get3A_3510 = memref.load %arg1[%get3A_3509] : memref<864xf32, #tpu.memory_space<smem>>
    %mul3A_3511 = vector.broadcast %get3A_3510 : f32 to vector<128x128xf32>
    %mul3A_3512 = arith.mulf %slice3A_50, %mul3A_3511 : vector<128x128xf32>
    %add3A_3513 = arith.addf %add3A_3508, %mul3A_3512 : vector<128x128xf32>
    %get3A_3514 = arith.constant 268 : index
    %get3A_3515 = memref.load %arg1[%get3A_3514] : memref<864xf32, #tpu.memory_space<smem>>
    %mul3A_3516 = vector.broadcast %get3A_3515 : f32 to vector<128x128xf32>
    %mul3A_3517 = arith.mulf %slice3A_42, %mul3A_3516 : vector<128x128xf32>
    %add3A_3518 = arith.addf %add3A_3513, %mul3A_3517 : vector<128x128xf32>
    %get3A_3519 = arith.constant 284 : index
    %get3A_3520 = memref.load %arg1[%get3A_3519] : memref<864xf32, #tpu.memory_space<smem>>
    %mul3A_3521 = vector.broadcast %get3A_3520 : f32 to vector<128x128xf32>
    %mul3A_3522 = arith.mulf %slice3A_51, %mul3A_3521 : vector<128x128xf32>
    %add3A_3523 = arith.addf %add3A_3518, %mul3A_3522 : vector<128x128xf32>
    %get3A_3524 = arith.constant 300 : index
    %get3A_3525 = memref.load %arg1[%get3A_3524] : memref<864xf32, #tpu.memory_space<smem>>
    %mul3A_3526 = vector.broadcast %get3A_3525 : f32 to vector<128x128xf32>
    %mul3A_3527 = arith.mulf %slice3A_52, %mul3A_3526 : vector<128x128xf32>
    %add3A_3528 = arith.addf %add3A_3523, %mul3A_3527 : vector<128x128xf32>
    %get3A_3529 = arith.constant 316 : index
    %get3A_3530 = memref.load %arg1[%get3A_3529] : memref<864xf32, #tpu.memory_space<smem>>
    %mul3A_3531 = vector.broadcast %get3A_3530 : f32 to vector<128x128xf32>
    %mul3A_3532 = arith.mulf %slice3A_61, %mul3A_3531 : vector<128x128xf32>
    %add3A_3533 = arith.addf %add3A_3528, %mul3A_3532 : vector<128x128xf32>
    %get3A_3534 = arith.constant 332 : index
    %get3A_3535 = memref.load %arg1[%get3A_3534] : memref<864xf32, #tpu.memory_space<smem>>
    %mul3A_3536 = vector.broadcast %get3A_3535 : f32 to vector<128x128xf32>
    %mul3A_3537 = arith.mulf %slice3A_53, %mul3A_3536 : vector<128x128xf32>
    %add3A_3538 = arith.addf %add3A_3533, %mul3A_3537 : vector<128x128xf32>
    %get3A_3539 = arith.constant 348 : index
    %get3A_3540 = memref.load %arg1[%get3A_3539] : memref<864xf32, #tpu.memory_space<smem>>
    %mul3A_3541 = vector.broadcast %get3A_3540 : f32 to vector<128x128xf32>
    %mul3A_3542 = arith.mulf %slice3A_62, %mul3A_3541 : vector<128x128xf32>
    %add3A_3543 = arith.addf %add3A_3538, %mul3A_3542 : vector<128x128xf32>
    %get3A_3544 = arith.constant 364 : index
    %get3A_3545 = memref.load %arg1[%get3A_3544] : memref<864xf32, #tpu.memory_space<smem>>
    %mul3A_3546 = vector.broadcast %get3A_3545 : f32 to vector<128x128xf32>
    %mul3A_3547 = arith.mulf %slice3A_54, %mul3A_3546 : vector<128x128xf32>
    %add3A_3548 = arith.addf %add3A_3543, %mul3A_3547 : vector<128x128xf32>
    %get3A_3549 = arith.constant 380 : index
    %get3A_3550 = memref.load %arg1[%get3A_3549] : memref<864xf32, #tpu.memory_space<smem>>
    %mul3A_3551 = vector.broadcast %get3A_3550 : f32 to vector<128x128xf32>
    %mul3A_3552 = arith.mulf %slice3A_63, %mul3A_3551 : vector<128x128xf32>
    %add3A_3553 = arith.addf %add3A_3548, %mul3A_3552 : vector<128x128xf32>
    %get3A_3554 = arith.constant 396 : index
    %get3A_3555 = memref.load %arg1[%get3A_3554] : memref<864xf32, #tpu.memory_space<smem>>
    %mul3A_3556 = vector.broadcast %get3A_3555 : f32 to vector<128x128xf32>
    %mul3A_3557 = arith.mulf %slice3A_55, %mul3A_3556 : vector<128x128xf32>
    %add3A_3558 = arith.addf %add3A_3553, %mul3A_3557 : vector<128x128xf32>
    %get3A_3559 = arith.constant 412 : index
    %get3A_3560 = memref.load %arg1[%get3A_3559] : memref<864xf32, #tpu.memory_space<smem>>
    %mul3A_3561 = vector.broadcast %get3A_3560 : f32 to vector<128x128xf32>
    %mul3A_3562 = arith.mulf %slice3A_64, %mul3A_3561 : vector<128x128xf32>
    %add3A_3563 = arith.addf %add3A_3558, %mul3A_3562 : vector<128x128xf32>
    %get3A_3564 = arith.constant 428 : index
    %get3A_3565 = memref.load %arg1[%get3A_3564] : memref<864xf32, #tpu.memory_space<smem>>
    %mul3A_3566 = vector.broadcast %get3A_3565 : f32 to vector<128x128xf32>
    %mul3A_3567 = arith.mulf %slice3A_56, %mul3A_3566 : vector<128x128xf32>
    %add3A_3568 = arith.addf %add3A_3563, %mul3A_3567 : vector<128x128xf32>
    %get3A_3569 = arith.constant 444 : index
    %get3A_3570 = memref.load %arg1[%get3A_3569] : memref<864xf32, #tpu.memory_space<smem>>
    %mul3A_3571 = vector.broadcast %get3A_3570 : f32 to vector<128x128xf32>
    %mul3A_3572 = arith.mulf %slice3A_65, %mul3A_3571 : vector<128x128xf32>
    %add3A_3573 = arith.addf %add3A_3568, %mul3A_3572 : vector<128x128xf32>
    %get3A_3574 = arith.constant 460 : index
    %get3A_3575 = memref.load %arg1[%get3A_3574] : memref<864xf32, #tpu.memory_space<smem>>
    %mul3A_3576 = vector.broadcast %get3A_3575 : f32 to vector<128x128xf32>
    %mul3A_3577 = arith.mulf %slice3A_57, %mul3A_3576 : vector<128x128xf32>
    %add3A_3578 = arith.addf %add3A_3573, %mul3A_3577 : vector<128x128xf32>
    %get3A_3579 = arith.constant 476 : index
    %get3A_3580 = memref.load %arg1[%get3A_3579] : memref<864xf32, #tpu.memory_space<smem>>
    %mul3A_3581 = vector.broadcast %get3A_3580 : f32 to vector<128x128xf32>
    %mul3A_3582 = arith.mulf %slice3A_66, %mul3A_3581 : vector<128x128xf32>
    %add3A_3583 = arith.addf %add3A_3578, %mul3A_3582 : vector<128x128xf32>
    %get3A_3584 = arith.constant 492 : index
    %get3A_3585 = memref.load %arg1[%get3A_3584] : memref<864xf32, #tpu.memory_space<smem>>
    %mul3A_3586 = vector.broadcast %get3A_3585 : f32 to vector<128x128xf32>
    %mul3A_3587 = arith.mulf %slice3A_58, %mul3A_3586 : vector<128x128xf32>
    %add3A_3588 = arith.addf %add3A_3583, %mul3A_3587 : vector<128x128xf32>
    %get3A_3589 = arith.constant 508 : index
    %get3A_3590 = memref.load %arg1[%get3A_3589] : memref<864xf32, #tpu.memory_space<smem>>
    %mul3A_3591 = vector.broadcast %get3A_3590 : f32 to vector<128x128xf32>
    %mul3A_3592 = arith.mulf %slice3A_67, %mul3A_3591 : vector<128x128xf32>
    %add3A_3593 = arith.addf %add3A_3588, %mul3A_3592 : vector<128x128xf32>
    %get3A_3594 = arith.constant 524 : index
    %get3A_3595 = memref.load %arg1[%get3A_3594] : memref<864xf32, #tpu.memory_space<smem>>
    %mul3A_3596 = vector.broadcast %get3A_3595 : f32 to vector<128x128xf32>
    %mul3A_3597 = arith.mulf %slice3A_59, %mul3A_3596 : vector<128x128xf32>
    %add3A_3598 = arith.addf %add3A_3593, %mul3A_3597 : vector<128x128xf32>
    %get3A_3599 = arith.constant 540 : index
    %get3A_3600 = memref.load %arg1[%get3A_3599] : memref<864xf32, #tpu.memory_space<smem>>
    %mul3A_3601 = vector.broadcast %get3A_3600 : f32 to vector<128x128xf32>
    %mul3A_3602 = arith.mulf %slice3A_68, %mul3A_3601 : vector<128x128xf32>
    %add3A_3603 = arith.addf %add3A_3598, %mul3A_3602 : vector<128x128xf32>
    %get3A_3604 = arith.constant 556 : index
    %get3A_3605 = memref.load %arg1[%get3A_3604] : memref<864xf32, #tpu.memory_space<smem>>
    %mul3A_3606 = vector.broadcast %get3A_3605 : f32 to vector<128x128xf32>
    %mul3A_3607 = arith.mulf %slice3A_60, %mul3A_3606 : vector<128x128xf32>
    %add3A_3608 = arith.addf %add3A_3603, %mul3A_3607 : vector<128x128xf32>
    %get3A_3609 = arith.constant 572 : index
    %get3A_3610 = memref.load %arg1[%get3A_3609] : memref<864xf32, #tpu.memory_space<smem>>
    %mul3A_3611 = vector.broadcast %get3A_3610 : f32 to vector<128x128xf32>
    %mul3A_3612 = arith.mulf %slice3A_69, %mul3A_3611 : vector<128x128xf32>
    %add3A_3613 = arith.addf %add3A_3608, %mul3A_3612 : vector<128x128xf32>
    %get3A_3614 = arith.constant 588 : index
    %get3A_3615 = memref.load %arg1[%get3A_3614] : memref<864xf32, #tpu.memory_space<smem>>
    %mul3A_3616 = vector.broadcast %get3A_3615 : f32 to vector<128x128xf32>
    %mul3A_3617 = arith.mulf %slice3A_70, %mul3A_3616 : vector<128x128xf32>
    %add3A_3618 = arith.addf %add3A_3613, %mul3A_3617 : vector<128x128xf32>
    %get3A_3619 = arith.constant 604 : index
    %get3A_3620 = memref.load %arg1[%get3A_3619] : memref<864xf32, #tpu.memory_space<smem>>
    %mul3A_3621 = vector.broadcast %get3A_3620 : f32 to vector<128x128xf32>
    %mul3A_3622 = arith.mulf %slice3A_79, %mul3A_3621 : vector<128x128xf32>
    %add3A_3623 = arith.addf %add3A_3618, %mul3A_3622 : vector<128x128xf32>
    %get3A_3624 = arith.constant 620 : index
    %get3A_3625 = memref.load %arg1[%get3A_3624] : memref<864xf32, #tpu.memory_space<smem>>
    %mul3A_3626 = vector.broadcast %get3A_3625 : f32 to vector<128x128xf32>
    %mul3A_3627 = arith.mulf %slice3A_71, %mul3A_3626 : vector<128x128xf32>
    %add3A_3628 = arith.addf %add3A_3623, %mul3A_3627 : vector<128x128xf32>
    %get3A_3629 = arith.constant 636 : index
    %get3A_3630 = memref.load %arg1[%get3A_3629] : memref<864xf32, #tpu.memory_space<smem>>
    %mul3A_3631 = vector.broadcast %get3A_3630 : f32 to vector<128x128xf32>
    %mul3A_3632 = arith.mulf %slice3A_80, %mul3A_3631 : vector<128x128xf32>
    %add3A_3633 = arith.addf %add3A_3628, %mul3A_3632 : vector<128x128xf32>
    %get3A_3634 = arith.constant 652 : index
    %get3A_3635 = memref.load %arg1[%get3A_3634] : memref<864xf32, #tpu.memory_space<smem>>
    %mul3A_3636 = vector.broadcast %get3A_3635 : f32 to vector<128x128xf32>
    %mul3A_3637 = arith.mulf %slice3A_72, %mul3A_3636 : vector<128x128xf32>
    %add3A_3638 = arith.addf %add3A_3633, %mul3A_3637 : vector<128x128xf32>
    %get3A_3639 = arith.constant 668 : index
    %get3A_3640 = memref.load %arg1[%get3A_3639] : memref<864xf32, #tpu.memory_space<smem>>
    %mul3A_3641 = vector.broadcast %get3A_3640 : f32 to vector<128x128xf32>
    %mul3A_3642 = arith.mulf %slice3A_81, %mul3A_3641 : vector<128x128xf32>
    %add3A_3643 = arith.addf %add3A_3638, %mul3A_3642 : vector<128x128xf32>
    %get3A_3644 = arith.constant 684 : index
    %get3A_3645 = memref.load %arg1[%get3A_3644] : memref<864xf32, #tpu.memory_space<smem>>
    %mul3A_3646 = vector.broadcast %get3A_3645 : f32 to vector<128x128xf32>
    %mul3A_3647 = arith.mulf %slice3A_73, %mul3A_3646 : vector<128x128xf32>
    %add3A_3648 = arith.addf %add3A_3643, %mul3A_3647 : vector<128x128xf32>
    %get3A_3649 = arith.constant 700 : index
    %get3A_3650 = memref.load %arg1[%get3A_3649] : memref<864xf32, #tpu.memory_space<smem>>
    %mul3A_3651 = vector.broadcast %get3A_3650 : f32 to vector<128x128xf32>
    %mul3A_3652 = arith.mulf %slice3A_82, %mul3A_3651 : vector<128x128xf32>
    %add3A_3653 = arith.addf %add3A_3648, %mul3A_3652 : vector<128x128xf32>
    %get3A_3654 = arith.constant 716 : index
    %get3A_3655 = memref.load %arg1[%get3A_3654] : memref<864xf32, #tpu.memory_space<smem>>
    %mul3A_3656 = vector.broadcast %get3A_3655 : f32 to vector<128x128xf32>
    %mul3A_3657 = arith.mulf %slice3A_74, %mul3A_3656 : vector<128x128xf32>
    %add3A_3658 = arith.addf %add3A_3653, %mul3A_3657 : vector<128x128xf32>
    %get3A_3659 = arith.constant 732 : index
    %get3A_3660 = memref.load %arg1[%get3A_3659] : memref<864xf32, #tpu.memory_space<smem>>
    %mul3A_3661 = vector.broadcast %get3A_3660 : f32 to vector<128x128xf32>
    %mul3A_3662 = arith.mulf %slice3A_83, %mul3A_3661 : vector<128x128xf32>
    %add3A_3663 = arith.addf %add3A_3658, %mul3A_3662 : vector<128x128xf32>
    %get3A_3664 = arith.constant 748 : index
    %get3A_3665 = memref.load %arg1[%get3A_3664] : memref<864xf32, #tpu.memory_space<smem>>
    %mul3A_3666 = vector.broadcast %get3A_3665 : f32 to vector<128x128xf32>
    %mul3A_3667 = arith.mulf %slice3A_75, %mul3A_3666 : vector<128x128xf32>
    %add3A_3668 = arith.addf %add3A_3663, %mul3A_3667 : vector<128x128xf32>
    %get3A_3669 = arith.constant 764 : index
    %get3A_3670 = memref.load %arg1[%get3A_3669] : memref<864xf32, #tpu.memory_space<smem>>
    %mul3A_3671 = vector.broadcast %get3A_3670 : f32 to vector<128x128xf32>
    %mul3A_3672 = arith.mulf %slice3A_84, %mul3A_3671 : vector<128x128xf32>
    %add3A_3673 = arith.addf %add3A_3668, %mul3A_3672 : vector<128x128xf32>
    %get3A_3674 = arith.constant 780 : index
    %get3A_3675 = memref.load %arg1[%get3A_3674] : memref<864xf32, #tpu.memory_space<smem>>
    %mul3A_3676 = vector.broadcast %get3A_3675 : f32 to vector<128x128xf32>
    %mul3A_3677 = arith.mulf %slice3A_76, %mul3A_3676 : vector<128x128xf32>
    %add3A_3678 = arith.addf %add3A_3673, %mul3A_3677 : vector<128x128xf32>
    %get3A_3679 = arith.constant 796 : index
    %get3A_3680 = memref.load %arg1[%get3A_3679] : memref<864xf32, #tpu.memory_space<smem>>
    %mul3A_3681 = vector.broadcast %get3A_3680 : f32 to vector<128x128xf32>
    %mul3A_3682 = arith.mulf %slice3A_85, %mul3A_3681 : vector<128x128xf32>
    %add3A_3683 = arith.addf %add3A_3678, %mul3A_3682 : vector<128x128xf32>
    %get3A_3684 = arith.constant 812 : index
    %get3A_3685 = memref.load %arg1[%get3A_3684] : memref<864xf32, #tpu.memory_space<smem>>
    %mul3A_3686 = vector.broadcast %get3A_3685 : f32 to vector<128x128xf32>
    %mul3A_3687 = arith.mulf %slice3A_77, %mul3A_3686 : vector<128x128xf32>
    %add3A_3688 = arith.addf %add3A_3683, %mul3A_3687 : vector<128x128xf32>
    %get3A_3689 = arith.constant 828 : index
    %get3A_3690 = memref.load %arg1[%get3A_3689] : memref<864xf32, #tpu.memory_space<smem>>
    %mul3A_3691 = vector.broadcast %get3A_3690 : f32 to vector<128x128xf32>
    %mul3A_3692 = arith.mulf %slice3A_86, %mul3A_3691 : vector<128x128xf32>
    %add3A_3693 = arith.addf %add3A_3688, %mul3A_3692 : vector<128x128xf32>
    %get3A_3694 = arith.constant 844 : index
    %get3A_3695 = memref.load %arg1[%get3A_3694] : memref<864xf32, #tpu.memory_space<smem>>
    %mul3A_3696 = vector.broadcast %get3A_3695 : f32 to vector<128x128xf32>
    %mul3A_3697 = arith.mulf %slice3A_78, %mul3A_3696 : vector<128x128xf32>
    %add3A_3698 = arith.addf %add3A_3693, %mul3A_3697 : vector<128x128xf32>
    %get3A_3699 = arith.constant 860 : index
    %get3A_3700 = memref.load %arg1[%get3A_3699] : memref<864xf32, #tpu.memory_space<smem>>
    %mul3A_3701 = vector.broadcast %get3A_3700 : f32 to vector<128x128xf32>
    %mul3A_3702 = arith.mulf %slice3A_87, %mul3A_3701 : vector<128x128xf32>
    %add3A_3703 = arith.addf %add3A_3698, %mul3A_3702 : vector<128x128xf32>
    %swap3A_3704 = arith.constant 0 : index
    %swap3A_3705 = arith.constant 12 : index
    %swap3A_3706 = arith.constant 0 : index
    %swap3A_3707 = arith.constant 0 : index
    %swap3A_3708 = vector.load %arg5[%swap3A_3704, %swap3A_3705, %swap3A_3706, %swap3A_3707] : memref<1x16x128x128xf32, #tpu.memory_space<vmem>>, vector<1x1x128x128xf32>
    %swap3A_3709 = vector.shape_cast %swap3A_3708 : vector<1x1x128x128xf32> to vector<128x128xf32>
    %swap3A_3710 = vector.shape_cast %add3A_3703 : vector<128x128xf32> to vector<1x1x128x128xf32>
    tpu.vector_store %arg5[%swap3A_3704, %swap3A_3705, %swap3A_3706, %swap3A_3707], %swap3A_3710 {strides = array<i32>} : memref<1x16x128x128xf32, #tpu.memory_space<vmem>>, vector<1x1x128x128xf32>,
    %broadcast_in_dim3A_3711 = arith.constant 0.000000e+00 : f32
    %broadcast_in_dim3A_3712 = vector.broadcast %broadcast_in_dim3A_3711 : f32 to vector<128x128xf32>
    %get3A_3713 = arith.constant 13 : index
    %get3A_3714 = memref.load %arg1[%get3A_3713] : memref<864xf32, #tpu.memory_space<smem>>
    %mul3A_3715 = vector.broadcast %get3A_3714 : f32 to vector<128x128xf32>
    %mul3A_3716 = arith.mulf %slice3A, %mul3A_3715 : vector<128x128xf32>
    %add3A_3717 = arith.addf %broadcast_in_dim3A_3712, %mul3A_3716 : vector<128x128xf32>
    %get3A_3718 = arith.constant 29 : index
    %get3A_3719 = memref.load %arg1[%get3A_3718] : memref<864xf32, #tpu.memory_space<smem>>
    %mul3A_3720 = vector.broadcast %get3A_3719 : f32 to vector<128x128xf32>
    %mul3A_3721 = arith.mulf %slice3A_43, %mul3A_3720 : vector<128x128xf32>
    %add3A_3722 = arith.addf %add3A_3717, %mul3A_3721 : vector<128x128xf32>
    %get3A_3723 = arith.constant 45 : index
    %get3A_3724 = memref.load %arg1[%get3A_3723] : memref<864xf32, #tpu.memory_space<smem>>
    %mul3A_3725 = vector.broadcast %get3A_3724 : f32 to vector<128x128xf32>
    %mul3A_3726 = arith.mulf %slice3A_35, %mul3A_3725 : vector<128x128xf32>
    %add3A_3727 = arith.addf %add3A_3722, %mul3A_3726 : vector<128x128xf32>
    %get3A_3728 = arith.constant 61 : index
    %get3A_3729 = memref.load %arg1[%get3A_3728] : memref<864xf32, #tpu.memory_space<smem>>
    %mul3A_3730 = vector.broadcast %get3A_3729 : f32 to vector<128x128xf32>
    %mul3A_3731 = arith.mulf %slice3A_44, %mul3A_3730 : vector<128x128xf32>
    %add3A_3732 = arith.addf %add3A_3727, %mul3A_3731 : vector<128x128xf32>
    %get3A_3733 = arith.constant 77 : index
    %get3A_3734 = memref.load %arg1[%get3A_3733] : memref<864xf32, #tpu.memory_space<smem>>
    %mul3A_3735 = vector.broadcast %get3A_3734 : f32 to vector<128x128xf32>
    %mul3A_3736 = arith.mulf %slice3A_36, %mul3A_3735 : vector<128x128xf32>
    %add3A_3737 = arith.addf %add3A_3732, %mul3A_3736 : vector<128x128xf32>
    %get3A_3738 = arith.constant 93 : index
    %get3A_3739 = memref.load %arg1[%get3A_3738] : memref<864xf32, #tpu.memory_space<smem>>
    %mul3A_3740 = vector.broadcast %get3A_3739 : f32 to vector<128x128xf32>
    %mul3A_3741 = arith.mulf %slice3A_45, %mul3A_3740 : vector<128x128xf32>
    %add3A_3742 = arith.addf %add3A_3737, %mul3A_3741 : vector<128x128xf32>
    %get3A_3743 = arith.constant 109 : index
    %get3A_3744 = memref.load %arg1[%get3A_3743] : memref<864xf32, #tpu.memory_space<smem>>
    %mul3A_3745 = vector.broadcast %get3A_3744 : f32 to vector<128x128xf32>
    %mul3A_3746 = arith.mulf %slice3A_37, %mul3A_3745 : vector<128x128xf32>
    %add3A_3747 = arith.addf %add3A_3742, %mul3A_3746 : vector<128x128xf32>
    %get3A_3748 = arith.constant 125 : index
    %get3A_3749 = memref.load %arg1[%get3A_3748] : memref<864xf32, #tpu.memory_space<smem>>
    %mul3A_3750 = vector.broadcast %get3A_3749 : f32 to vector<128x128xf32>
    %mul3A_3751 = arith.mulf %slice3A_46, %mul3A_3750 : vector<128x128xf32>
    %add3A_3752 = arith.addf %add3A_3747, %mul3A_3751 : vector<128x128xf32>
    %get3A_3753 = arith.constant 141 : index
    %get3A_3754 = memref.load %arg1[%get3A_3753] : memref<864xf32, #tpu.memory_space<smem>>
    %mul3A_3755 = vector.broadcast %get3A_3754 : f32 to vector<128x128xf32>
    %mul3A_3756 = arith.mulf %slice3A_38, %mul3A_3755 : vector<128x128xf32>
    %add3A_3757 = arith.addf %add3A_3752, %mul3A_3756 : vector<128x128xf32>
    %get3A_3758 = arith.constant 157 : index
    %get3A_3759 = memref.load %arg1[%get3A_3758] : memref<864xf32, #tpu.memory_space<smem>>
    %mul3A_3760 = vector.broadcast %get3A_3759 : f32 to vector<128x128xf32>
    %mul3A_3761 = arith.mulf %slice3A_47, %mul3A_3760 : vector<128x128xf32>
    %add3A_3762 = arith.addf %add3A_3757, %mul3A_3761 : vector<128x128xf32>
    %get3A_3763 = arith.constant 173 : index
    %get3A_3764 = memref.load %arg1[%get3A_3763] : memref<864xf32, #tpu.memory_space<smem>>
    %mul3A_3765 = vector.broadcast %get3A_3764 : f32 to vector<128x128xf32>
    %mul3A_3766 = arith.mulf %slice3A_39, %mul3A_3765 : vector<128x128xf32>
    %add3A_3767 = arith.addf %add3A_3762, %mul3A_3766 : vector<128x128xf32>
    %get3A_3768 = arith.constant 189 : index
    %get3A_3769 = memref.load %arg1[%get3A_3768] : memref<864xf32, #tpu.memory_space<smem>>
    %mul3A_3770 = vector.broadcast %get3A_3769 : f32 to vector<128x128xf32>
    %mul3A_3771 = arith.mulf %slice3A_48, %mul3A_3770 : vector<128x128xf32>
    %add3A_3772 = arith.addf %add3A_3767, %mul3A_3771 : vector<128x128xf32>
    %get3A_3773 = arith.constant 205 : index
    %get3A_3774 = memref.load %arg1[%get3A_3773] : memref<864xf32, #tpu.memory_space<smem>>
    %mul3A_3775 = vector.broadcast %get3A_3774 : f32 to vector<128x128xf32>
    %mul3A_3776 = arith.mulf %slice3A_40, %mul3A_3775 : vector<128x128xf32>
    %add3A_3777 = arith.addf %add3A_3772, %mul3A_3776 : vector<128x128xf32>
    %get3A_3778 = arith.constant 221 : index
    %get3A_3779 = memref.load %arg1[%get3A_3778] : memref<864xf32, #tpu.memory_space<smem>>
    %mul3A_3780 = vector.broadcast %get3A_3779 : f32 to vector<128x128xf32>
    %mul3A_3781 = arith.mulf %slice3A_49, %mul3A_3780 : vector<128x128xf32>
    %add3A_3782 = arith.addf %add3A_3777, %mul3A_3781 : vector<128x128xf32>
    %get3A_3783 = arith.constant 237 : index
    %get3A_3784 = memref.load %arg1[%get3A_3783] : memref<864xf32, #tpu.memory_space<smem>>
    %mul3A_3785 = vector.broadcast %get3A_3784 : f32 to vector<128x128xf32>
    %mul3A_3786 = arith.mulf %slice3A_41, %mul3A_3785 : vector<128x128xf32>
    %add3A_3787 = arith.addf %add3A_3782, %mul3A_3786 : vector<128x128xf32>
    %get3A_3788 = arith.constant 253 : index
    %get3A_3789 = memref.load %arg1[%get3A_3788] : memref<864xf32, #tpu.memory_space<smem>>
    %mul3A_3790 = vector.broadcast %get3A_3789 : f32 to vector<128x128xf32>
    %mul3A_3791 = arith.mulf %slice3A_50, %mul3A_3790 : vector<128x128xf32>
    %add3A_3792 = arith.addf %add3A_3787, %mul3A_3791 : vector<128x128xf32>
    %get3A_3793 = arith.constant 269 : index
    %get3A_3794 = memref.load %arg1[%get3A_3793] : memref<864xf32, #tpu.memory_space<smem>>
    %mul3A_3795 = vector.broadcast %get3A_3794 : f32 to vector<128x128xf32>
    %mul3A_3796 = arith.mulf %slice3A_42, %mul3A_3795 : vector<128x128xf32>
    %add3A_3797 = arith.addf %add3A_3792, %mul3A_3796 : vector<128x128xf32>
    %get3A_3798 = arith.constant 285 : index
    %get3A_3799 = memref.load %arg1[%get3A_3798] : memref<864xf32, #tpu.memory_space<smem>>
    %mul3A_3800 = vector.broadcast %get3A_3799 : f32 to vector<128x128xf32>
    %mul3A_3801 = arith.mulf %slice3A_51, %mul3A_3800 : vector<128x128xf32>
    %add3A_3802 = arith.addf %add3A_3797, %mul3A_3801 : vector<128x128xf32>
    %get3A_3803 = arith.constant 301 : index
    %get3A_3804 = memref.load %arg1[%get3A_3803] : memref<864xf32, #tpu.memory_space<smem>>
    %mul3A_3805 = vector.broadcast %get3A_3804 : f32 to vector<128x128xf32>
    %mul3A_3806 = arith.mulf %slice3A_52, %mul3A_3805 : vector<128x128xf32>
    %add3A_3807 = arith.addf %add3A_3802, %mul3A_3806 : vector<128x128xf32>
    %get3A_3808 = arith.constant 317 : index
    %get3A_3809 = memref.load %arg1[%get3A_3808] : memref<864xf32, #tpu.memory_space<smem>>
    %mul3A_3810 = vector.broadcast %get3A_3809 : f32 to vector<128x128xf32>
    %mul3A_3811 = arith.mulf %slice3A_61, %mul3A_3810 : vector<128x128xf32>
    %add3A_3812 = arith.addf %add3A_3807, %mul3A_3811 : vector<128x128xf32>
    %get3A_3813 = arith.constant 333 : index
    %get3A_3814 = memref.load %arg1[%get3A_3813] : memref<864xf32, #tpu.memory_space<smem>>
    %mul3A_3815 = vector.broadcast %get3A_3814 : f32 to vector<128x128xf32>
    %mul3A_3816 = arith.mulf %slice3A_53, %mul3A_3815 : vector<128x128xf32>
    %add3A_3817 = arith.addf %add3A_3812, %mul3A_3816 : vector<128x128xf32>
    %get3A_3818 = arith.constant 349 : index
    %get3A_3819 = memref.load %arg1[%get3A_3818] : memref<864xf32, #tpu.memory_space<smem>>
    %mul3A_3820 = vector.broadcast %get3A_3819 : f32 to vector<128x128xf32>
    %mul3A_3821 = arith.mulf %slice3A_62, %mul3A_3820 : vector<128x128xf32>
    %add3A_3822 = arith.addf %add3A_3817, %mul3A_3821 : vector<128x128xf32>
    %get3A_3823 = arith.constant 365 : index
    %get3A_3824 = memref.load %arg1[%get3A_3823] : memref<864xf32, #tpu.memory_space<smem>>
    %mul3A_3825 = vector.broadcast %get3A_3824 : f32 to vector<128x128xf32>
    %mul3A_3826 = arith.mulf %slice3A_54, %mul3A_3825 : vector<128x128xf32>
    %add3A_3827 = arith.addf %add3A_3822, %mul3A_3826 : vector<128x128xf32>
    %get3A_3828 = arith.constant 381 : index
    %get3A_3829 = memref.load %arg1[%get3A_3828] : memref<864xf32, #tpu.memory_space<smem>>
    %mul3A_3830 = vector.broadcast %get3A_3829 : f32 to vector<128x128xf32>
    %mul3A_3831 = arith.mulf %slice3A_63, %mul3A_3830 : vector<128x128xf32>
    %add3A_3832 = arith.addf %add3A_3827, %mul3A_3831 : vector<128x128xf32>
    %get3A_3833 = arith.constant 397 : index
    %get3A_3834 = memref.load %arg1[%get3A_3833] : memref<864xf32, #tpu.memory_space<smem>>
    %mul3A_3835 = vector.broadcast %get3A_3834 : f32 to vector<128x128xf32>
    %mul3A_3836 = arith.mulf %slice3A_55, %mul3A_3835 : vector<128x128xf32>
    %add3A_3837 = arith.addf %add3A_3832, %mul3A_3836 : vector<128x128xf32>
    %get3A_3838 = arith.constant 413 : index
    %get3A_3839 = memref.load %arg1[%get3A_3838] : memref<864xf32, #tpu.memory_space<smem>>
    %mul3A_3840 = vector.broadcast %get3A_3839 : f32 to vector<128x128xf32>
    %mul3A_3841 = arith.mulf %slice3A_64, %mul3A_3840 : vector<128x128xf32>
    %add3A_3842 = arith.addf %add3A_3837, %mul3A_3841 : vector<128x128xf32>
    %get3A_3843 = arith.constant 429 : index
    %get3A_3844 = memref.load %arg1[%get3A_3843] : memref<864xf32, #tpu.memory_space<smem>>
    %mul3A_3845 = vector.broadcast %get3A_3844 : f32 to vector<128x128xf32>
    %mul3A_3846 = arith.mulf %slice3A_56, %mul3A_3845 : vector<128x128xf32>
    %add3A_3847 = arith.addf %add3A_3842, %mul3A_3846 : vector<128x128xf32>
    %get3A_3848 = arith.constant 445 : index
    %get3A_3849 = memref.load %arg1[%get3A_3848] : memref<864xf32, #tpu.memory_space<smem>>
    %mul3A_3850 = vector.broadcast %get3A_3849 : f32 to vector<128x128xf32>
    %mul3A_3851 = arith.mulf %slice3A_65, %mul3A_3850 : vector<128x128xf32>
    %add3A_3852 = arith.addf %add3A_3847, %mul3A_3851 : vector<128x128xf32>
    %get3A_3853 = arith.constant 461 : index
    %get3A_3854 = memref.load %arg1[%get3A_3853] : memref<864xf32, #tpu.memory_space<smem>>
    %mul3A_3855 = vector.broadcast %get3A_3854 : f32 to vector<128x128xf32>
    %mul3A_3856 = arith.mulf %slice3A_57, %mul3A_3855 : vector<128x128xf32>
    %add3A_3857 = arith.addf %add3A_3852, %mul3A_3856 : vector<128x128xf32>
    %get3A_3858 = arith.constant 477 : index
    %get3A_3859 = memref.load %arg1[%get3A_3858] : memref<864xf32, #tpu.memory_space<smem>>
    %mul3A_3860 = vector.broadcast %get3A_3859 : f32 to vector<128x128xf32>
    %mul3A_3861 = arith.mulf %slice3A_66, %mul3A_3860 : vector<128x128xf32>
    %add3A_3862 = arith.addf %add3A_3857, %mul3A_3861 : vector<128x128xf32>
    %get3A_3863 = arith.constant 493 : index
    %get3A_3864 = memref.load %arg1[%get3A_3863] : memref<864xf32, #tpu.memory_space<smem>>
    %mul3A_3865 = vector.broadcast %get3A_3864 : f32 to vector<128x128xf32>
    %mul3A_3866 = arith.mulf %slice3A_58, %mul3A_3865 : vector<128x128xf32>
    %add3A_3867 = arith.addf %add3A_3862, %mul3A_3866 : vector<128x128xf32>
    %get3A_3868 = arith.constant 509 : index
    %get3A_3869 = memref.load %arg1[%get3A_3868] : memref<864xf32, #tpu.memory_space<smem>>
    %mul3A_3870 = vector.broadcast %get3A_3869 : f32 to vector<128x128xf32>
    %mul3A_3871 = arith.mulf %slice3A_67, %mul3A_3870 : vector<128x128xf32>
    %add3A_3872 = arith.addf %add3A_3867, %mul3A_3871 : vector<128x128xf32>
    %get3A_3873 = arith.constant 525 : index
    %get3A_3874 = memref.load %arg1[%get3A_3873] : memref<864xf32, #tpu.memory_space<smem>>
    %mul3A_3875 = vector.broadcast %get3A_3874 : f32 to vector<128x128xf32>
    %mul3A_3876 = arith.mulf %slice3A_59, %mul3A_3875 : vector<128x128xf32>
    %add3A_3877 = arith.addf %add3A_3872, %mul3A_3876 : vector<128x128xf32>
    %get3A_3878 = arith.constant 541 : index
    %get3A_3879 = memref.load %arg1[%get3A_3878] : memref<864xf32, #tpu.memory_space<smem>>
    %mul3A_3880 = vector.broadcast %get3A_3879 : f32 to vector<128x128xf32>
    %mul3A_3881 = arith.mulf %slice3A_68, %mul3A_3880 : vector<128x128xf32>
    %add3A_3882 = arith.addf %add3A_3877, %mul3A_3881 : vector<128x128xf32>
    %get3A_3883 = arith.constant 557 : index
    %get3A_3884 = memref.load %arg1[%get3A_3883] : memref<864xf32, #tpu.memory_space<smem>>
    %mul3A_3885 = vector.broadcast %get3A_3884 : f32 to vector<128x128xf32>
    %mul3A_3886 = arith.mulf %slice3A_60, %mul3A_3885 : vector<128x128xf32>
    %add3A_3887 = arith.addf %add3A_3882, %mul3A_3886 : vector<128x128xf32>
    %get3A_3888 = arith.constant 573 : index
    %get3A_3889 = memref.load %arg1[%get3A_3888] : memref<864xf32, #tpu.memory_space<smem>>
    %mul3A_3890 = vector.broadcast %get3A_3889 : f32 to vector<128x128xf32>
    %mul3A_3891 = arith.mulf %slice3A_69, %mul3A_3890 : vector<128x128xf32>
    %add3A_3892 = arith.addf %add3A_3887, %mul3A_3891 : vector<128x128xf32>
    %get3A_3893 = arith.constant 589 : index
    %get3A_3894 = memref.load %arg1[%get3A_3893] : memref<864xf32, #tpu.memory_space<smem>>
    %mul3A_3895 = vector.broadcast %get3A_3894 : f32 to vector<128x128xf32>
    %mul3A_3896 = arith.mulf %slice3A_70, %mul3A_3895 : vector<128x128xf32>
    %add3A_3897 = arith.addf %add3A_3892, %mul3A_3896 : vector<128x128xf32>
    %get3A_3898 = arith.constant 605 : index
    %get3A_3899 = memref.load %arg1[%get3A_3898] : memref<864xf32, #tpu.memory_space<smem>>
    %mul3A_3900 = vector.broadcast %get3A_3899 : f32 to vector<128x128xf32>
    %mul3A_3901 = arith.mulf %slice3A_79, %mul3A_3900 : vector<128x128xf32>
    %add3A_3902 = arith.addf %add3A_3897, %mul3A_3901 : vector<128x128xf32>
    %get3A_3903 = arith.constant 621 : index
    %get3A_3904 = memref.load %arg1[%get3A_3903] : memref<864xf32, #tpu.memory_space<smem>>
    %mul3A_3905 = vector.broadcast %get3A_3904 : f32 to vector<128x128xf32>
    %mul3A_3906 = arith.mulf %slice3A_71, %mul3A_3905 : vector<128x128xf32>
    %add3A_3907 = arith.addf %add3A_3902, %mul3A_3906 : vector<128x128xf32>
    %get3A_3908 = arith.constant 637 : index
    %get3A_3909 = memref.load %arg1[%get3A_3908] : memref<864xf32, #tpu.memory_space<smem>>
    %mul3A_3910 = vector.broadcast %get3A_3909 : f32 to vector<128x128xf32>
    %mul3A_3911 = arith.mulf %slice3A_80, %mul3A_3910 : vector<128x128xf32>
    %add3A_3912 = arith.addf %add3A_3907, %mul3A_3911 : vector<128x128xf32>
    %get3A_3913 = arith.constant 653 : index
    %get3A_3914 = memref.load %arg1[%get3A_3913] : memref<864xf32, #tpu.memory_space<smem>>
    %mul3A_3915 = vector.broadcast %get3A_3914 : f32 to vector<128x128xf32>
    %mul3A_3916 = arith.mulf %slice3A_72, %mul3A_3915 : vector<128x128xf32>
    %add3A_3917 = arith.addf %add3A_3912, %mul3A_3916 : vector<128x128xf32>
    %get3A_3918 = arith.constant 669 : index
    %get3A_3919 = memref.load %arg1[%get3A_3918] : memref<864xf32, #tpu.memory_space<smem>>
    %mul3A_3920 = vector.broadcast %get3A_3919 : f32 to vector<128x128xf32>
    %mul3A_3921 = arith.mulf %slice3A_81, %mul3A_3920 : vector<128x128xf32>
    %add3A_3922 = arith.addf %add3A_3917, %mul3A_3921 : vector<128x128xf32>
    %get3A_3923 = arith.constant 685 : index
    %get3A_3924 = memref.load %arg1[%get3A_3923] : memref<864xf32, #tpu.memory_space<smem>>
    %mul3A_3925 = vector.broadcast %get3A_3924 : f32 to vector<128x128xf32>
    %mul3A_3926 = arith.mulf %slice3A_73, %mul3A_3925 : vector<128x128xf32>
    %add3A_3927 = arith.addf %add3A_3922, %mul3A_3926 : vector<128x128xf32>
    %get3A_3928 = arith.constant 701 : index
    %get3A_3929 = memref.load %arg1[%get3A_3928] : memref<864xf32, #tpu.memory_space<smem>>
    %mul3A_3930 = vector.broadcast %get3A_3929 : f32 to vector<128x128xf32>
    %mul3A_3931 = arith.mulf %slice3A_82, %mul3A_3930 : vector<128x128xf32>
    %add3A_3932 = arith.addf %add3A_3927, %mul3A_3931 : vector<128x128xf32>
    %get3A_3933 = arith.constant 717 : index
    %get3A_3934 = memref.load %arg1[%get3A_3933] : memref<864xf32, #tpu.memory_space<smem>>
    %mul3A_3935 = vector.broadcast %get3A_3934 : f32 to vector<128x128xf32>
    %mul3A_3936 = arith.mulf %slice3A_74, %mul3A_3935 : vector<128x128xf32>
    %add3A_3937 = arith.addf %add3A_3932, %mul3A_3936 : vector<128x128xf32>
    %get3A_3938 = arith.constant 733 : index
    %get3A_3939 = memref.load %arg1[%get3A_3938] : memref<864xf32, #tpu.memory_space<smem>>
    %mul3A_3940 = vector.broadcast %get3A_3939 : f32 to vector<128x128xf32>
    %mul3A_3941 = arith.mulf %slice3A_83, %mul3A_3940 : vector<128x128xf32>
    %add3A_3942 = arith.addf %add3A_3937, %mul3A_3941 : vector<128x128xf32>
    %get3A_3943 = arith.constant 749 : index
    %get3A_3944 = memref.load %arg1[%get3A_3943] : memref<864xf32, #tpu.memory_space<smem>>
    %mul3A_3945 = vector.broadcast %get3A_3944 : f32 to vector<128x128xf32>
    %mul3A_3946 = arith.mulf %slice3A_75, %mul3A_3945 : vector<128x128xf32>
    %add3A_3947 = arith.addf %add3A_3942, %mul3A_3946 : vector<128x128xf32>
    %get3A_3948 = arith.constant 765 : index
    %get3A_3949 = memref.load %arg1[%get3A_3948] : memref<864xf32, #tpu.memory_space<smem>>
    %mul3A_3950 = vector.broadcast %get3A_3949 : f32 to vector<128x128xf32>
    %mul3A_3951 = arith.mulf %slice3A_84, %mul3A_3950 : vector<128x128xf32>
    %add3A_3952 = arith.addf %add3A_3947, %mul3A_3951 : vector<128x128xf32>
    %get3A_3953 = arith.constant 781 : index
    %get3A_3954 = memref.load %arg1[%get3A_3953] : memref<864xf32, #tpu.memory_space<smem>>
    %mul3A_3955 = vector.broadcast %get3A_3954 : f32 to vector<128x128xf32>
    %mul3A_3956 = arith.mulf %slice3A_76, %mul3A_3955 : vector<128x128xf32>
    %add3A_3957 = arith.addf %add3A_3952, %mul3A_3956 : vector<128x128xf32>
    %get3A_3958 = arith.constant 797 : index
    %get3A_3959 = memref.load %arg1[%get3A_3958] : memref<864xf32, #tpu.memory_space<smem>>
    %mul3A_3960 = vector.broadcast %get3A_3959 : f32 to vector<128x128xf32>
    %mul3A_3961 = arith.mulf %slice3A_85, %mul3A_3960 : vector<128x128xf32>
    %add3A_3962 = arith.addf %add3A_3957, %mul3A_3961 : vector<128x128xf32>
    %get3A_3963 = arith.constant 813 : index
    %get3A_3964 = memref.load %arg1[%get3A_3963] : memref<864xf32, #tpu.memory_space<smem>>
    %mul3A_3965 = vector.broadcast %get3A_3964 : f32 to vector<128x128xf32>
    %mul3A_3966 = arith.mulf %slice3A_77, %mul3A_3965 : vector<128x128xf32>
    %add3A_3967 = arith.addf %add3A_3962, %mul3A_3966 : vector<128x128xf32>
    %get3A_3968 = arith.constant 829 : index
    %get3A_3969 = memref.load %arg1[%get3A_3968] : memref<864xf32, #tpu.memory_space<smem>>
    %mul3A_3970 = vector.broadcast %get3A_3969 : f32 to vector<128x128xf32>
    %mul3A_3971 = arith.mulf %slice3A_86, %mul3A_3970 : vector<128x128xf32>
    %add3A_3972 = arith.addf %add3A_3967, %mul3A_3971 : vector<128x128xf32>
    %get3A_3973 = arith.constant 845 : index
    %get3A_3974 = memref.load %arg1[%get3A_3973] : memref<864xf32, #tpu.memory_space<smem>>
    %mul3A_3975 = vector.broadcast %get3A_3974 : f32 to vector<128x128xf32>
    %mul3A_3976 = arith.mulf %slice3A_78, %mul3A_3975 : vector<128x128xf32>
    %add3A_3977 = arith.addf %add3A_3972, %mul3A_3976 : vector<128x128xf32>
    %get3A_3978 = arith.constant 861 : index
    %get3A_3979 = memref.load %arg1[%get3A_3978] : memref<864xf32, #tpu.memory_space<smem>>
    %mul3A_3980 = vector.broadcast %get3A_3979 : f32 to vector<128x128xf32>
    %mul3A_3981 = arith.mulf %slice3A_87, %mul3A_3980 : vector<128x128xf32>
    %add3A_3982 = arith.addf %add3A_3977, %mul3A_3981 : vector<128x128xf32>
    %swap3A_3983 = arith.constant 0 : index
    %swap3A_3984 = arith.constant 13 : index
    %swap3A_3985 = arith.constant 0 : index
    %swap3A_3986 = arith.constant 0 : index
    %swap3A_3987 = vector.load %arg5[%swap3A_3983, %swap3A_3984, %swap3A_3985, %swap3A_3986] : memref<1x16x128x128xf32, #tpu.memory_space<vmem>>, vector<1x1x128x128xf32>
    %swap3A_3988 = vector.shape_cast %swap3A_3987 : vector<1x1x128x128xf32> to vector<128x128xf32>
    %swap3A_3989 = vector.shape_cast %add3A_3982 : vector<128x128xf32> to vector<1x1x128x128xf32>
    tpu.vector_store %arg5[%swap3A_3983, %swap3A_3984, %swap3A_3985, %swap3A_3986], %swap3A_3989 {strides = array<i32>} : memref<1x16x128x128xf32, #tpu.memory_space<vmem>>, vector<1x1x128x128xf32>,
    %broadcast_in_dim3A_3990 = arith.constant 0.000000e+00 : f32
    %broadcast_in_dim3A_3991 = vector.broadcast %broadcast_in_dim3A_3990 : f32 to vector<128x128xf32>
    %get3A_3992 = arith.constant 14 : index
    %get3A_3993 = memref.load %arg1[%get3A_3992] : memref<864xf32, #tpu.memory_space<smem>>
    %mul3A_3994 = vector.broadcast %get3A_3993 : f32 to vector<128x128xf32>
    %mul3A_3995 = arith.mulf %slice3A, %mul3A_3994 : vector<128x128xf32>
    %add3A_3996 = arith.addf %broadcast_in_dim3A_3991, %mul3A_3995 : vector<128x128xf32>
    %get3A_3997 = arith.constant 30 : index
    %get3A_3998 = memref.load %arg1[%get3A_3997] : memref<864xf32, #tpu.memory_space<smem>>
    %mul3A_3999 = vector.broadcast %get3A_3998 : f32 to vector<128x128xf32>
    %mul3A_4000 = arith.mulf %slice3A_43, %mul3A_3999 : vector<128x128xf32>
    %add3A_4001 = arith.addf %add3A_3996, %mul3A_4000 : vector<128x128xf32>
    %get3A_4002 = arith.constant 46 : index
    %get3A_4003 = memref.load %arg1[%get3A_4002] : memref<864xf32, #tpu.memory_space<smem>>
    %mul3A_4004 = vector.broadcast %get3A_4003 : f32 to vector<128x128xf32>
    %mul3A_4005 = arith.mulf %slice3A_35, %mul3A_4004 : vector<128x128xf32>
    %add3A_4006 = arith.addf %add3A_4001, %mul3A_4005 : vector<128x128xf32>
    %get3A_4007 = arith.constant 62 : index
    %get3A_4008 = memref.load %arg1[%get3A_4007] : memref<864xf32, #tpu.memory_space<smem>>
    %mul3A_4009 = vector.broadcast %get3A_4008 : f32 to vector<128x128xf32>
    %mul3A_4010 = arith.mulf %slice3A_44, %mul3A_4009 : vector<128x128xf32>
    %add3A_4011 = arith.addf %add3A_4006, %mul3A_4010 : vector<128x128xf32>
    %get3A_4012 = arith.constant 78 : index
    %get3A_4013 = memref.load %arg1[%get3A_4012] : memref<864xf32, #tpu.memory_space<smem>>
    %mul3A_4014 = vector.broadcast %get3A_4013 : f32 to vector<128x128xf32>
    %mul3A_4015 = arith.mulf %slice3A_36, %mul3A_4014 : vector<128x128xf32>
    %add3A_4016 = arith.addf %add3A_4011, %mul3A_4015 : vector<128x128xf32>
    %get3A_4017 = arith.constant 94 : index
    %get3A_4018 = memref.load %arg1[%get3A_4017] : memref<864xf32, #tpu.memory_space<smem>>
    %mul3A_4019 = vector.broadcast %get3A_4018 : f32 to vector<128x128xf32>
    %mul3A_4020 = arith.mulf %slice3A_45, %mul3A_4019 : vector<128x128xf32>
    %add3A_4021 = arith.addf %add3A_4016, %mul3A_4020 : vector<128x128xf32>
    %get3A_4022 = arith.constant 110 : index
    %get3A_4023 = memref.load %arg1[%get3A_4022] : memref<864xf32, #tpu.memory_space<smem>>
    %mul3A_4024 = vector.broadcast %get3A_4023 : f32 to vector<128x128xf32>
    %mul3A_4025 = arith.mulf %slice3A_37, %mul3A_4024 : vector<128x128xf32>
    %add3A_4026 = arith.addf %add3A_4021, %mul3A_4025 : vector<128x128xf32>
    %get3A_4027 = arith.constant 126 : index
    %get3A_4028 = memref.load %arg1[%get3A_4027] : memref<864xf32, #tpu.memory_space<smem>>
    %mul3A_4029 = vector.broadcast %get3A_4028 : f32 to vector<128x128xf32>
    %mul3A_4030 = arith.mulf %slice3A_46, %mul3A_4029 : vector<128x128xf32>
    %add3A_4031 = arith.addf %add3A_4026, %mul3A_4030 : vector<128x128xf32>
    %get3A_4032 = arith.constant 142 : index
    %get3A_4033 = memref.load %arg1[%get3A_4032] : memref<864xf32, #tpu.memory_space<smem>>
    %mul3A_4034 = vector.broadcast %get3A_4033 : f32 to vector<128x128xf32>
    %mul3A_4035 = arith.mulf %slice3A_38, %mul3A_4034 : vector<128x128xf32>
    %add3A_4036 = arith.addf %add3A_4031, %mul3A_4035 : vector<128x128xf32>
    %get3A_4037 = arith.constant 158 : index
    %get3A_4038 = memref.load %arg1[%get3A_4037] : memref<864xf32, #tpu.memory_space<smem>>
    %mul3A_4039 = vector.broadcast %get3A_4038 : f32 to vector<128x128xf32>
    %mul3A_4040 = arith.mulf %slice3A_47, %mul3A_4039 : vector<128x128xf32>
    %add3A_4041 = arith.addf %add3A_4036, %mul3A_4040 : vector<128x128xf32>
    %get3A_4042 = arith.constant 174 : index
    %get3A_4043 = memref.load %arg1[%get3A_4042] : memref<864xf32, #tpu.memory_space<smem>>
    %mul3A_4044 = vector.broadcast %get3A_4043 : f32 to vector<128x128xf32>
    %mul3A_4045 = arith.mulf %slice3A_39, %mul3A_4044 : vector<128x128xf32>
    %add3A_4046 = arith.addf %add3A_4041, %mul3A_4045 : vector<128x128xf32>
    %get3A_4047 = arith.constant 190 : index
    %get3A_4048 = memref.load %arg1[%get3A_4047] : memref<864xf32, #tpu.memory_space<smem>>
    %mul3A_4049 = vector.broadcast %get3A_4048 : f32 to vector<128x128xf32>
    %mul3A_4050 = arith.mulf %slice3A_48, %mul3A_4049 : vector<128x128xf32>
    %add3A_4051 = arith.addf %add3A_4046, %mul3A_4050 : vector<128x128xf32>
    %get3A_4052 = arith.constant 206 : index
    %get3A_4053 = memref.load %arg1[%get3A_4052] : memref<864xf32, #tpu.memory_space<smem>>
    %mul3A_4054 = vector.broadcast %get3A_4053 : f32 to vector<128x128xf32>
    %mul3A_4055 = arith.mulf %slice3A_40, %mul3A_4054 : vector<128x128xf32>
    %add3A_4056 = arith.addf %add3A_4051, %mul3A_4055 : vector<128x128xf32>
    %get3A_4057 = arith.constant 222 : index
    %get3A_4058 = memref.load %arg1[%get3A_4057] : memref<864xf32, #tpu.memory_space<smem>>
    %mul3A_4059 = vector.broadcast %get3A_4058 : f32 to vector<128x128xf32>
    %mul3A_4060 = arith.mulf %slice3A_49, %mul3A_4059 : vector<128x128xf32>
    %add3A_4061 = arith.addf %add3A_4056, %mul3A_4060 : vector<128x128xf32>
    %get3A_4062 = arith.constant 238 : index
    %get3A_4063 = memref.load %arg1[%get3A_4062] : memref<864xf32, #tpu.memory_space<smem>>
    %mul3A_4064 = vector.broadcast %get3A_4063 : f32 to vector<128x128xf32>
    %mul3A_4065 = arith.mulf %slice3A_41, %mul3A_4064 : vector<128x128xf32>
    %add3A_4066 = arith.addf %add3A_4061, %mul3A_4065 : vector<128x128xf32>
    %get3A_4067 = arith.constant 254 : index
    %get3A_4068 = memref.load %arg1[%get3A_4067] : memref<864xf32, #tpu.memory_space<smem>>
    %mul3A_4069 = vector.broadcast %get3A_4068 : f32 to vector<128x128xf32>
    %mul3A_4070 = arith.mulf %slice3A_50, %mul3A_4069 : vector<128x128xf32>
    %add3A_4071 = arith.addf %add3A_4066, %mul3A_4070 : vector<128x128xf32>
    %get3A_4072 = arith.constant 270 : index
    %get3A_4073 = memref.load %arg1[%get3A_4072] : memref<864xf32, #tpu.memory_space<smem>>
    %mul3A_4074 = vector.broadcast %get3A_4073 : f32 to vector<128x128xf32>
    %mul3A_4075 = arith.mulf %slice3A_42, %mul3A_4074 : vector<128x128xf32>
    %add3A_4076 = arith.addf %add3A_4071, %mul3A_4075 : vector<128x128xf32>
    %get3A_4077 = arith.constant 286 : index
    %get3A_4078 = memref.load %arg1[%get3A_4077] : memref<864xf32, #tpu.memory_space<smem>>
    %mul3A_4079 = vector.broadcast %get3A_4078 : f32 to vector<128x128xf32>
    %mul3A_4080 = arith.mulf %slice3A_51, %mul3A_4079 : vector<128x128xf32>
    %add3A_4081 = arith.addf %add3A_4076, %mul3A_4080 : vector<128x128xf32>
    %get3A_4082 = arith.constant 302 : index
    %get3A_4083 = memref.load %arg1[%get3A_4082] : memref<864xf32, #tpu.memory_space<smem>>
    %mul3A_4084 = vector.broadcast %get3A_4083 : f32 to vector<128x128xf32>
    %mul3A_4085 = arith.mulf %slice3A_52, %mul3A_4084 : vector<128x128xf32>
    %add3A_4086 = arith.addf %add3A_4081, %mul3A_4085 : vector<128x128xf32>
    %get3A_4087 = arith.constant 318 : index
    %get3A_4088 = memref.load %arg1[%get3A_4087] : memref<864xf32, #tpu.memory_space<smem>>
    %mul3A_4089 = vector.broadcast %get3A_4088 : f32 to vector<128x128xf32>
    %mul3A_4090 = arith.mulf %slice3A_61, %mul3A_4089 : vector<128x128xf32>
    %add3A_4091 = arith.addf %add3A_4086, %mul3A_4090 : vector<128x128xf32>
    %get3A_4092 = arith.constant 334 : index
    %get3A_4093 = memref.load %arg1[%get3A_4092] : memref<864xf32, #tpu.memory_space<smem>>
    %mul3A_4094 = vector.broadcast %get3A_4093 : f32 to vector<128x128xf32>
    %mul3A_4095 = arith.mulf %slice3A_53, %mul3A_4094 : vector<128x128xf32>
    %add3A_4096 = arith.addf %add3A_4091, %mul3A_4095 : vector<128x128xf32>
    %get3A_4097 = arith.constant 350 : index
    %get3A_4098 = memref.load %arg1[%get3A_4097] : memref<864xf32, #tpu.memory_space<smem>>
    %mul3A_4099 = vector.broadcast %get3A_4098 : f32 to vector<128x128xf32>
    %mul3A_4100 = arith.mulf %slice3A_62, %mul3A_4099 : vector<128x128xf32>
    %add3A_4101 = arith.addf %add3A_4096, %mul3A_4100 : vector<128x128xf32>
    %get3A_4102 = arith.constant 366 : index
    %get3A_4103 = memref.load %arg1[%get3A_4102] : memref<864xf32, #tpu.memory_space<smem>>
    %mul3A_4104 = vector.broadcast %get3A_4103 : f32 to vector<128x128xf32>
    %mul3A_4105 = arith.mulf %slice3A_54, %mul3A_4104 : vector<128x128xf32>
    %add3A_4106 = arith.addf %add3A_4101, %mul3A_4105 : vector<128x128xf32>
    %get3A_4107 = arith.constant 382 : index
    %get3A_4108 = memref.load %arg1[%get3A_4107] : memref<864xf32, #tpu.memory_space<smem>>
    %mul3A_4109 = vector.broadcast %get3A_4108 : f32 to vector<128x128xf32>
    %mul3A_4110 = arith.mulf %slice3A_63, %mul3A_4109 : vector<128x128xf32>
    %add3A_4111 = arith.addf %add3A_4106, %mul3A_4110 : vector<128x128xf32>
    %get3A_4112 = arith.constant 398 : index
    %get3A_4113 = memref.load %arg1[%get3A_4112] : memref<864xf32, #tpu.memory_space<smem>>
    %mul3A_4114 = vector.broadcast %get3A_4113 : f32 to vector<128x128xf32>
    %mul3A_4115 = arith.mulf %slice3A_55, %mul3A_4114 : vector<128x128xf32>
    %add3A_4116 = arith.addf %add3A_4111, %mul3A_4115 : vector<128x128xf32>
    %get3A_4117 = arith.constant 414 : index
    %get3A_4118 = memref.load %arg1[%get3A_4117] : memref<864xf32, #tpu.memory_space<smem>>
    %mul3A_4119 = vector.broadcast %get3A_4118 : f32 to vector<128x128xf32>
    %mul3A_4120 = arith.mulf %slice3A_64, %mul3A_4119 : vector<128x128xf32>
    %add3A_4121 = arith.addf %add3A_4116, %mul3A_4120 : vector<128x128xf32>
    %get3A_4122 = arith.constant 430 : index
    %get3A_4123 = memref.load %arg1[%get3A_4122] : memref<864xf32, #tpu.memory_space<smem>>
    %mul3A_4124 = vector.broadcast %get3A_4123 : f32 to vector<128x128xf32>
    %mul3A_4125 = arith.mulf %slice3A_56, %mul3A_4124 : vector<128x128xf32>
    %add3A_4126 = arith.addf %add3A_4121, %mul3A_4125 : vector<128x128xf32>
    %get3A_4127 = arith.constant 446 : index
    %get3A_4128 = memref.load %arg1[%get3A_4127] : memref<864xf32, #tpu.memory_space<smem>>
    %mul3A_4129 = vector.broadcast %get3A_4128 : f32 to vector<128x128xf32>
    %mul3A_4130 = arith.mulf %slice3A_65, %mul3A_4129 : vector<128x128xf32>
    %add3A_4131 = arith.addf %add3A_4126, %mul3A_4130 : vector<128x128xf32>
    %get3A_4132 = arith.constant 462 : index
    %get3A_4133 = memref.load %arg1[%get3A_4132] : memref<864xf32, #tpu.memory_space<smem>>
    %mul3A_4134 = vector.broadcast %get3A_4133 : f32 to vector<128x128xf32>
    %mul3A_4135 = arith.mulf %slice3A_57, %mul3A_4134 : vector<128x128xf32>
    %add3A_4136 = arith.addf %add3A_4131, %mul3A_4135 : vector<128x128xf32>
    %get3A_4137 = arith.constant 478 : index
    %get3A_4138 = memref.load %arg1[%get3A_4137] : memref<864xf32, #tpu.memory_space<smem>>
    %mul3A_4139 = vector.broadcast %get3A_4138 : f32 to vector<128x128xf32>
    %mul3A_4140 = arith.mulf %slice3A_66, %mul3A_4139 : vector<128x128xf32>
    %add3A_4141 = arith.addf %add3A_4136, %mul3A_4140 : vector<128x128xf32>
    %get3A_4142 = arith.constant 494 : index
    %get3A_4143 = memref.load %arg1[%get3A_4142] : memref<864xf32, #tpu.memory_space<smem>>
    %mul3A_4144 = vector.broadcast %get3A_4143 : f32 to vector<128x128xf32>
    %mul3A_4145 = arith.mulf %slice3A_58, %mul3A_4144 : vector<128x128xf32>
    %add3A_4146 = arith.addf %add3A_4141, %mul3A_4145 : vector<128x128xf32>
    %get3A_4147 = arith.constant 510 : index
    %get3A_4148 = memref.load %arg1[%get3A_4147] : memref<864xf32, #tpu.memory_space<smem>>
    %mul3A_4149 = vector.broadcast %get3A_4148 : f32 to vector<128x128xf32>
    %mul3A_4150 = arith.mulf %slice3A_67, %mul3A_4149 : vector<128x128xf32>
    %add3A_4151 = arith.addf %add3A_4146, %mul3A_4150 : vector<128x128xf32>
    %get3A_4152 = arith.constant 526 : index
    %get3A_4153 = memref.load %arg1[%get3A_4152] : memref<864xf32, #tpu.memory_space<smem>>
    %mul3A_4154 = vector.broadcast %get3A_4153 : f32 to vector<128x128xf32>
    %mul3A_4155 = arith.mulf %slice3A_59, %mul3A_4154 : vector<128x128xf32>
    %add3A_4156 = arith.addf %add3A_4151, %mul3A_4155 : vector<128x128xf32>
    %get3A_4157 = arith.constant 542 : index
    %get3A_4158 = memref.load %arg1[%get3A_4157] : memref<864xf32, #tpu.memory_space<smem>>
    %mul3A_4159 = vector.broadcast %get3A_4158 : f32 to vector<128x128xf32>
    %mul3A_4160 = arith.mulf %slice3A_68, %mul3A_4159 : vector<128x128xf32>
    %add3A_4161 = arith.addf %add3A_4156, %mul3A_4160 : vector<128x128xf32>
    %get3A_4162 = arith.constant 558 : index
    %get3A_4163 = memref.load %arg1[%get3A_4162] : memref<864xf32, #tpu.memory_space<smem>>
    %mul3A_4164 = vector.broadcast %get3A_4163 : f32 to vector<128x128xf32>
    %mul3A_4165 = arith.mulf %slice3A_60, %mul3A_4164 : vector<128x128xf32>
    %add3A_4166 = arith.addf %add3A_4161, %mul3A_4165 : vector<128x128xf32>
    %get3A_4167 = arith.constant 574 : index
    %get3A_4168 = memref.load %arg1[%get3A_4167] : memref<864xf32, #tpu.memory_space<smem>>
    %mul3A_4169 = vector.broadcast %get3A_4168 : f32 to vector<128x128xf32>
    %mul3A_4170 = arith.mulf %slice3A_69, %mul3A_4169 : vector<128x128xf32>
    %add3A_4171 = arith.addf %add3A_4166, %mul3A_4170 : vector<128x128xf32>
    %get3A_4172 = arith.constant 590 : index
    %get3A_4173 = memref.load %arg1[%get3A_4172] : memref<864xf32, #tpu.memory_space<smem>>
    %mul3A_4174 = vector.broadcast %get3A_4173 : f32 to vector<128x128xf32>
    %mul3A_4175 = arith.mulf %slice3A_70, %mul3A_4174 : vector<128x128xf32>
    %add3A_4176 = arith.addf %add3A_4171, %mul3A_4175 : vector<128x128xf32>
    %get3A_4177 = arith.constant 606 : index
    %get3A_4178 = memref.load %arg1[%get3A_4177] : memref<864xf32, #tpu.memory_space<smem>>
    %mul3A_4179 = vector.broadcast %get3A_4178 : f32 to vector<128x128xf32>
    %mul3A_4180 = arith.mulf %slice3A_79, %mul3A_4179 : vector<128x128xf32>
    %add3A_4181 = arith.addf %add3A_4176, %mul3A_4180 : vector<128x128xf32>
    %get3A_4182 = arith.constant 622 : index
    %get3A_4183 = memref.load %arg1[%get3A_4182] : memref<864xf32, #tpu.memory_space<smem>>
    %mul3A_4184 = vector.broadcast %get3A_4183 : f32 to vector<128x128xf32>
    %mul3A_4185 = arith.mulf %slice3A_71, %mul3A_4184 : vector<128x128xf32>
    %add3A_4186 = arith.addf %add3A_4181, %mul3A_4185 : vector<128x128xf32>
    %get3A_4187 = arith.constant 638 : index
    %get3A_4188 = memref.load %arg1[%get3A_4187] : memref<864xf32, #tpu.memory_space<smem>>
    %mul3A_4189 = vector.broadcast %get3A_4188 : f32 to vector<128x128xf32>
    %mul3A_4190 = arith.mulf %slice3A_80, %mul3A_4189 : vector<128x128xf32>
    %add3A_4191 = arith.addf %add3A_4186, %mul3A_4190 : vector<128x128xf32>
    %get3A_4192 = arith.constant 654 : index
    %get3A_4193 = memref.load %arg1[%get3A_4192] : memref<864xf32, #tpu.memory_space<smem>>
    %mul3A_4194 = vector.broadcast %get3A_4193 : f32 to vector<128x128xf32>
    %mul3A_4195 = arith.mulf %slice3A_72, %mul3A_4194 : vector<128x128xf32>
    %add3A_4196 = arith.addf %add3A_4191, %mul3A_4195 : vector<128x128xf32>
    %get3A_4197 = arith.constant 670 : index
    %get3A_4198 = memref.load %arg1[%get3A_4197] : memref<864xf32, #tpu.memory_space<smem>>
    %mul3A_4199 = vector.broadcast %get3A_4198 : f32 to vector<128x128xf32>
    %mul3A_4200 = arith.mulf %slice3A_81, %mul3A_4199 : vector<128x128xf32>
    %add3A_4201 = arith.addf %add3A_4196, %mul3A_4200 : vector<128x128xf32>
    %get3A_4202 = arith.constant 686 : index
    %get3A_4203 = memref.load %arg1[%get3A_4202] : memref<864xf32, #tpu.memory_space<smem>>
    %mul3A_4204 = vector.broadcast %get3A_4203 : f32 to vector<128x128xf32>
    %mul3A_4205 = arith.mulf %slice3A_73, %mul3A_4204 : vector<128x128xf32>
    %add3A_4206 = arith.addf %add3A_4201, %mul3A_4205 : vector<128x128xf32>
    %get3A_4207 = arith.constant 702 : index
    %get3A_4208 = memref.load %arg1[%get3A_4207] : memref<864xf32, #tpu.memory_space<smem>>
    %mul3A_4209 = vector.broadcast %get3A_4208 : f32 to vector<128x128xf32>
    %mul3A_4210 = arith.mulf %slice3A_82, %mul3A_4209 : vector<128x128xf32>
    %add3A_4211 = arith.addf %add3A_4206, %mul3A_4210 : vector<128x128xf32>
    %get3A_4212 = arith.constant 718 : index
    %get3A_4213 = memref.load %arg1[%get3A_4212] : memref<864xf32, #tpu.memory_space<smem>>
    %mul3A_4214 = vector.broadcast %get3A_4213 : f32 to vector<128x128xf32>
    %mul3A_4215 = arith.mulf %slice3A_74, %mul3A_4214 : vector<128x128xf32>
    %add3A_4216 = arith.addf %add3A_4211, %mul3A_4215 : vector<128x128xf32>
    %get3A_4217 = arith.constant 734 : index
    %get3A_4218 = memref.load %arg1[%get3A_4217] : memref<864xf32, #tpu.memory_space<smem>>
    %mul3A_4219 = vector.broadcast %get3A_4218 : f32 to vector<128x128xf32>
    %mul3A_4220 = arith.mulf %slice3A_83, %mul3A_4219 : vector<128x128xf32>
    %add3A_4221 = arith.addf %add3A_4216, %mul3A_4220 : vector<128x128xf32>
    %get3A_4222 = arith.constant 750 : index
    %get3A_4223 = memref.load %arg1[%get3A_4222] : memref<864xf32, #tpu.memory_space<smem>>
    %mul3A_4224 = vector.broadcast %get3A_4223 : f32 to vector<128x128xf32>
    %mul3A_4225 = arith.mulf %slice3A_75, %mul3A_4224 : vector<128x128xf32>
    %add3A_4226 = arith.addf %add3A_4221, %mul3A_4225 : vector<128x128xf32>
    %get3A_4227 = arith.constant 766 : index
    %get3A_4228 = memref.load %arg1[%get3A_4227] : memref<864xf32, #tpu.memory_space<smem>>
    %mul3A_4229 = vector.broadcast %get3A_4228 : f32 to vector<128x128xf32>
    %mul3A_4230 = arith.mulf %slice3A_84, %mul3A_4229 : vector<128x128xf32>
    %add3A_4231 = arith.addf %add3A_4226, %mul3A_4230 : vector<128x128xf32>
    %get3A_4232 = arith.constant 782 : index
    %get3A_4233 = memref.load %arg1[%get3A_4232] : memref<864xf32, #tpu.memory_space<smem>>
    %mul3A_4234 = vector.broadcast %get3A_4233 : f32 to vector<128x128xf32>
    %mul3A_4235 = arith.mulf %slice3A_76, %mul3A_4234 : vector<128x128xf32>
    %add3A_4236 = arith.addf %add3A_4231, %mul3A_4235 : vector<128x128xf32>
    %get3A_4237 = arith.constant 798 : index
    %get3A_4238 = memref.load %arg1[%get3A_4237] : memref<864xf32, #tpu.memory_space<smem>>
    %mul3A_4239 = vector.broadcast %get3A_4238 : f32 to vector<128x128xf32>
    %mul3A_4240 = arith.mulf %slice3A_85, %mul3A_4239 : vector<128x128xf32>
    %add3A_4241 = arith.addf %add3A_4236, %mul3A_4240 : vector<128x128xf32>
    %get3A_4242 = arith.constant 814 : index
    %get3A_4243 = memref.load %arg1[%get3A_4242] : memref<864xf32, #tpu.memory_space<smem>>
    %mul3A_4244 = vector.broadcast %get3A_4243 : f32 to vector<128x128xf32>
    %mul3A_4245 = arith.mulf %slice3A_77, %mul3A_4244 : vector<128x128xf32>
    %add3A_4246 = arith.addf %add3A_4241, %mul3A_4245 : vector<128x128xf32>
    %get3A_4247 = arith.constant 830 : index
    %get3A_4248 = memref.load %arg1[%get3A_4247] : memref<864xf32, #tpu.memory_space<smem>>
    %mul3A_4249 = vector.broadcast %get3A_4248 : f32 to vector<128x128xf32>
    %mul3A_4250 = arith.mulf %slice3A_86, %mul3A_4249 : vector<128x128xf32>
    %add3A_4251 = arith.addf %add3A_4246, %mul3A_4250 : vector<128x128xf32>
    %get3A_4252 = arith.constant 846 : index
    %get3A_4253 = memref.load %arg1[%get3A_4252] : memref<864xf32, #tpu.memory_space<smem>>
    %mul3A_4254 = vector.broadcast %get3A_4253 : f32 to vector<128x128xf32>
    %mul3A_4255 = arith.mulf %slice3A_78, %mul3A_4254 : vector<128x128xf32>
    %add3A_4256 = arith.addf %add3A_4251, %mul3A_4255 : vector<128x128xf32>
    %get3A_4257 = arith.constant 862 : index
    %get3A_4258 = memref.load %arg1[%get3A_4257] : memref<864xf32, #tpu.memory_space<smem>>
    %mul3A_4259 = vector.broadcast %get3A_4258 : f32 to vector<128x128xf32>
    %mul3A_4260 = arith.mulf %slice3A_87, %mul3A_4259 : vector<128x128xf32>
    %add3A_4261 = arith.addf %add3A_4256, %mul3A_4260 : vector<128x128xf32>
    %swap3A_4262 = arith.constant 0 : index
    %swap3A_4263 = arith.constant 14 : index
    %swap3A_4264 = arith.constant 0 : index
    %swap3A_4265 = arith.constant 0 : index
    %swap3A_4266 = vector.load %arg5[%swap3A_4262, %swap3A_4263, %swap3A_4264, %swap3A_4265] : memref<1x16x128x128xf32, #tpu.memory_space<vmem>>, vector<1x1x128x128xf32>
    %swap3A_4267 = vector.shape_cast %swap3A_4266 : vector<1x1x128x128xf32> to vector<128x128xf32>
    %swap3A_4268 = vector.shape_cast %add3A_4261 : vector<128x128xf32> to vector<1x1x128x128xf32>
    tpu.vector_store %arg5[%swap3A_4262, %swap3A_4263, %swap3A_4264, %swap3A_4265], %swap3A_4268 {strides = array<i32>} : memref<1x16x128x128xf32, #tpu.memory_space<vmem>>, vector<1x1x128x128xf32>,
    %broadcast_in_dim3A_4269 = arith.constant 0.000000e+00 : f32
    %broadcast_in_dim3A_4270 = vector.broadcast %broadcast_in_dim3A_4269 : f32 to vector<128x128xf32>
    %get3A_4271 = arith.constant 15 : index
    %get3A_4272 = memref.load %arg1[%get3A_4271] : memref<864xf32, #tpu.memory_space<smem>>
    %mul3A_4273 = vector.broadcast %get3A_4272 : f32 to vector<128x128xf32>
    %mul3A_4274 = arith.mulf %slice3A, %mul3A_4273 : vector<128x128xf32>
    %add3A_4275 = arith.addf %broadcast_in_dim3A_4270, %mul3A_4274 : vector<128x128xf32>
    %get3A_4276 = arith.constant 31 : index
    %get3A_4277 = memref.load %arg1[%get3A_4276] : memref<864xf32, #tpu.memory_space<smem>>
    %mul3A_4278 = vector.broadcast %get3A_4277 : f32 to vector<128x128xf32>
    %mul3A_4279 = arith.mulf %slice3A_43, %mul3A_4278 : vector<128x128xf32>
    %add3A_4280 = arith.addf %add3A_4275, %mul3A_4279 : vector<128x128xf32>
    %get3A_4281 = arith.constant 47 : index
    %get3A_4282 = memref.load %arg1[%get3A_4281] : memref<864xf32, #tpu.memory_space<smem>>
    %mul3A_4283 = vector.broadcast %get3A_4282 : f32 to vector<128x128xf32>
    %mul3A_4284 = arith.mulf %slice3A_35, %mul3A_4283 : vector<128x128xf32>
    %add3A_4285 = arith.addf %add3A_4280, %mul3A_4284 : vector<128x128xf32>
    %get3A_4286 = arith.constant 63 : index
    %get3A_4287 = memref.load %arg1[%get3A_4286] : memref<864xf32, #tpu.memory_space<smem>>
    %mul3A_4288 = vector.broadcast %get3A_4287 : f32 to vector<128x128xf32>
    %mul3A_4289 = arith.mulf %slice3A_44, %mul3A_4288 : vector<128x128xf32>
    %add3A_4290 = arith.addf %add3A_4285, %mul3A_4289 : vector<128x128xf32>
    %get3A_4291 = arith.constant 79 : index
    %get3A_4292 = memref.load %arg1[%get3A_4291] : memref<864xf32, #tpu.memory_space<smem>>
    %mul3A_4293 = vector.broadcast %get3A_4292 : f32 to vector<128x128xf32>
    %mul3A_4294 = arith.mulf %slice3A_36, %mul3A_4293 : vector<128x128xf32>
    %add3A_4295 = arith.addf %add3A_4290, %mul3A_4294 : vector<128x128xf32>
    %get3A_4296 = arith.constant 95 : index
    %get3A_4297 = memref.load %arg1[%get3A_4296] : memref<864xf32, #tpu.memory_space<smem>>
    %mul3A_4298 = vector.broadcast %get3A_4297 : f32 to vector<128x128xf32>
    %mul3A_4299 = arith.mulf %slice3A_45, %mul3A_4298 : vector<128x128xf32>
    %add3A_4300 = arith.addf %add3A_4295, %mul3A_4299 : vector<128x128xf32>
    %get3A_4301 = arith.constant 111 : index
    %get3A_4302 = memref.load %arg1[%get3A_4301] : memref<864xf32, #tpu.memory_space<smem>>
    %mul3A_4303 = vector.broadcast %get3A_4302 : f32 to vector<128x128xf32>
    %mul3A_4304 = arith.mulf %slice3A_37, %mul3A_4303 : vector<128x128xf32>
    %add3A_4305 = arith.addf %add3A_4300, %mul3A_4304 : vector<128x128xf32>
    %get3A_4306 = arith.constant 127 : index
    %get3A_4307 = memref.load %arg1[%get3A_4306] : memref<864xf32, #tpu.memory_space<smem>>
    %mul3A_4308 = vector.broadcast %get3A_4307 : f32 to vector<128x128xf32>
    %mul3A_4309 = arith.mulf %slice3A_46, %mul3A_4308 : vector<128x128xf32>
    %add3A_4310 = arith.addf %add3A_4305, %mul3A_4309 : vector<128x128xf32>
    %get3A_4311 = arith.constant 143 : index
    %get3A_4312 = memref.load %arg1[%get3A_4311] : memref<864xf32, #tpu.memory_space<smem>>
    %mul3A_4313 = vector.broadcast %get3A_4312 : f32 to vector<128x128xf32>
    %mul3A_4314 = arith.mulf %slice3A_38, %mul3A_4313 : vector<128x128xf32>
    %add3A_4315 = arith.addf %add3A_4310, %mul3A_4314 : vector<128x128xf32>
    %get3A_4316 = arith.constant 159 : index
    %get3A_4317 = memref.load %arg1[%get3A_4316] : memref<864xf32, #tpu.memory_space<smem>>
    %mul3A_4318 = vector.broadcast %get3A_4317 : f32 to vector<128x128xf32>
    %mul3A_4319 = arith.mulf %slice3A_47, %mul3A_4318 : vector<128x128xf32>
    %add3A_4320 = arith.addf %add3A_4315, %mul3A_4319 : vector<128x128xf32>
    %get3A_4321 = arith.constant 175 : index
    %get3A_4322 = memref.load %arg1[%get3A_4321] : memref<864xf32, #tpu.memory_space<smem>>
    %mul3A_4323 = vector.broadcast %get3A_4322 : f32 to vector<128x128xf32>
    %mul3A_4324 = arith.mulf %slice3A_39, %mul3A_4323 : vector<128x128xf32>
    %add3A_4325 = arith.addf %add3A_4320, %mul3A_4324 : vector<128x128xf32>
    %get3A_4326 = arith.constant 191 : index
    %get3A_4327 = memref.load %arg1[%get3A_4326] : memref<864xf32, #tpu.memory_space<smem>>
    %mul3A_4328 = vector.broadcast %get3A_4327 : f32 to vector<128x128xf32>
    %mul3A_4329 = arith.mulf %slice3A_48, %mul3A_4328 : vector<128x128xf32>
    %add3A_4330 = arith.addf %add3A_4325, %mul3A_4329 : vector<128x128xf32>
    %get3A_4331 = arith.constant 207 : index
    %get3A_4332 = memref.load %arg1[%get3A_4331] : memref<864xf32, #tpu.memory_space<smem>>
    %mul3A_4333 = vector.broadcast %get3A_4332 : f32 to vector<128x128xf32>
    %mul3A_4334 = arith.mulf %slice3A_40, %mul3A_4333 : vector<128x128xf32>
    %add3A_4335 = arith.addf %add3A_4330, %mul3A_4334 : vector<128x128xf32>
    %get3A_4336 = arith.constant 223 : index
    %get3A_4337 = memref.load %arg1[%get3A_4336] : memref<864xf32, #tpu.memory_space<smem>>
    %mul3A_4338 = vector.broadcast %get3A_4337 : f32 to vector<128x128xf32>
    %mul3A_4339 = arith.mulf %slice3A_49, %mul3A_4338 : vector<128x128xf32>
    %add3A_4340 = arith.addf %add3A_4335, %mul3A_4339 : vector<128x128xf32>
    %get3A_4341 = arith.constant 239 : index
    %get3A_4342 = memref.load %arg1[%get3A_4341] : memref<864xf32, #tpu.memory_space<smem>>
    %mul3A_4343 = vector.broadcast %get3A_4342 : f32 to vector<128x128xf32>
    %mul3A_4344 = arith.mulf %slice3A_41, %mul3A_4343 : vector<128x128xf32>
    %add3A_4345 = arith.addf %add3A_4340, %mul3A_4344 : vector<128x128xf32>
    %get3A_4346 = arith.constant 255 : index
    %get3A_4347 = memref.load %arg1[%get3A_4346] : memref<864xf32, #tpu.memory_space<smem>>
    %mul3A_4348 = vector.broadcast %get3A_4347 : f32 to vector<128x128xf32>
    %mul3A_4349 = arith.mulf %slice3A_50, %mul3A_4348 : vector<128x128xf32>
    %add3A_4350 = arith.addf %add3A_4345, %mul3A_4349 : vector<128x128xf32>
    %get3A_4351 = arith.constant 271 : index
    %get3A_4352 = memref.load %arg1[%get3A_4351] : memref<864xf32, #tpu.memory_space<smem>>
    %mul3A_4353 = vector.broadcast %get3A_4352 : f32 to vector<128x128xf32>
    %mul3A_4354 = arith.mulf %slice3A_42, %mul3A_4353 : vector<128x128xf32>
    %add3A_4355 = arith.addf %add3A_4350, %mul3A_4354 : vector<128x128xf32>
    %get3A_4356 = arith.constant 287 : index
    %get3A_4357 = memref.load %arg1[%get3A_4356] : memref<864xf32, #tpu.memory_space<smem>>
    %mul3A_4358 = vector.broadcast %get3A_4357 : f32 to vector<128x128xf32>
    %mul3A_4359 = arith.mulf %slice3A_51, %mul3A_4358 : vector<128x128xf32>
    %add3A_4360 = arith.addf %add3A_4355, %mul3A_4359 : vector<128x128xf32>
    %get3A_4361 = arith.constant 303 : index
    %get3A_4362 = memref.load %arg1[%get3A_4361] : memref<864xf32, #tpu.memory_space<smem>>
    %mul3A_4363 = vector.broadcast %get3A_4362 : f32 to vector<128x128xf32>
    %mul3A_4364 = arith.mulf %slice3A_52, %mul3A_4363 : vector<128x128xf32>
    %add3A_4365 = arith.addf %add3A_4360, %mul3A_4364 : vector<128x128xf32>
    %get3A_4366 = arith.constant 319 : index
    %get3A_4367 = memref.load %arg1[%get3A_4366] : memref<864xf32, #tpu.memory_space<smem>>
    %mul3A_4368 = vector.broadcast %get3A_4367 : f32 to vector<128x128xf32>
    %mul3A_4369 = arith.mulf %slice3A_61, %mul3A_4368 : vector<128x128xf32>
    %add3A_4370 = arith.addf %add3A_4365, %mul3A_4369 : vector<128x128xf32>
    %get3A_4371 = arith.constant 335 : index
    %get3A_4372 = memref.load %arg1[%get3A_4371] : memref<864xf32, #tpu.memory_space<smem>>
    %mul3A_4373 = vector.broadcast %get3A_4372 : f32 to vector<128x128xf32>
    %mul3A_4374 = arith.mulf %slice3A_53, %mul3A_4373 : vector<128x128xf32>
    %add3A_4375 = arith.addf %add3A_4370, %mul3A_4374 : vector<128x128xf32>
    %get3A_4376 = arith.constant 351 : index
    %get3A_4377 = memref.load %arg1[%get3A_4376] : memref<864xf32, #tpu.memory_space<smem>>
    %mul3A_4378 = vector.broadcast %get3A_4377 : f32 to vector<128x128xf32>
    %mul3A_4379 = arith.mulf %slice3A_62, %mul3A_4378 : vector<128x128xf32>
    %add3A_4380 = arith.addf %add3A_4375, %mul3A_4379 : vector<128x128xf32>
    %get3A_4381 = arith.constant 367 : index
    %get3A_4382 = memref.load %arg1[%get3A_4381] : memref<864xf32, #tpu.memory_space<smem>>
    %mul3A_4383 = vector.broadcast %get3A_4382 : f32 to vector<128x128xf32>
    %mul3A_4384 = arith.mulf %slice3A_54, %mul3A_4383 : vector<128x128xf32>
    %add3A_4385 = arith.addf %add3A_4380, %mul3A_4384 : vector<128x128xf32>
    %get3A_4386 = arith.constant 383 : index
    %get3A_4387 = memref.load %arg1[%get3A_4386] : memref<864xf32, #tpu.memory_space<smem>>
    %mul3A_4388 = vector.broadcast %get3A_4387 : f32 to vector<128x128xf32>
    %mul3A_4389 = arith.mulf %slice3A_63, %mul3A_4388 : vector<128x128xf32>
    %add3A_4390 = arith.addf %add3A_4385, %mul3A_4389 : vector<128x128xf32>
    %get3A_4391 = arith.constant 399 : index
    %get3A_4392 = memref.load %arg1[%get3A_4391] : memref<864xf32, #tpu.memory_space<smem>>
    %mul3A_4393 = vector.broadcast %get3A_4392 : f32 to vector<128x128xf32>
    %mul3A_4394 = arith.mulf %slice3A_55, %mul3A_4393 : vector<128x128xf32>
    %add3A_4395 = arith.addf %add3A_4390, %mul3A_4394 : vector<128x128xf32>
    %get3A_4396 = arith.constant 415 : index
    %get3A_4397 = memref.load %arg1[%get3A_4396] : memref<864xf32, #tpu.memory_space<smem>>
    %mul3A_4398 = vector.broadcast %get3A_4397 : f32 to vector<128x128xf32>
    %mul3A_4399 = arith.mulf %slice3A_64, %mul3A_4398 : vector<128x128xf32>
    %add3A_4400 = arith.addf %add3A_4395, %mul3A_4399 : vector<128x128xf32>
    %get3A_4401 = arith.constant 431 : index
    %get3A_4402 = memref.load %arg1[%get3A_4401] : memref<864xf32, #tpu.memory_space<smem>>
    %mul3A_4403 = vector.broadcast %get3A_4402 : f32 to vector<128x128xf32>
    %mul3A_4404 = arith.mulf %slice3A_56, %mul3A_4403 : vector<128x128xf32>
    %add3A_4405 = arith.addf %add3A_4400, %mul3A_4404 : vector<128x128xf32>
    %get3A_4406 = arith.constant 447 : index
    %get3A_4407 = memref.load %arg1[%get3A_4406] : memref<864xf32, #tpu.memory_space<smem>>
    %mul3A_4408 = vector.broadcast %get3A_4407 : f32 to vector<128x128xf32>
    %mul3A_4409 = arith.mulf %slice3A_65, %mul3A_4408 : vector<128x128xf32>
    %add3A_4410 = arith.addf %add3A_4405, %mul3A_4409 : vector<128x128xf32>
    %get3A_4411 = arith.constant 463 : index
    %get3A_4412 = memref.load %arg1[%get3A_4411] : memref<864xf32, #tpu.memory_space<smem>>
    %mul3A_4413 = vector.broadcast %get3A_4412 : f32 to vector<128x128xf32>
    %mul3A_4414 = arith.mulf %slice3A_57, %mul3A_4413 : vector<128x128xf32>
    %add3A_4415 = arith.addf %add3A_4410, %mul3A_4414 : vector<128x128xf32>
    %get3A_4416 = arith.constant 479 : index
    %get3A_4417 = memref.load %arg1[%get3A_4416] : memref<864xf32, #tpu.memory_space<smem>>
    %mul3A_4418 = vector.broadcast %get3A_4417 : f32 to vector<128x128xf32>
    %mul3A_4419 = arith.mulf %slice3A_66, %mul3A_4418 : vector<128x128xf32>
    %add3A_4420 = arith.addf %add3A_4415, %mul3A_4419 : vector<128x128xf32>
    %get3A_4421 = arith.constant 495 : index
    %get3A_4422 = memref.load %arg1[%get3A_4421] : memref<864xf32, #tpu.memory_space<smem>>
    %mul3A_4423 = vector.broadcast %get3A_4422 : f32 to vector<128x128xf32>
    %mul3A_4424 = arith.mulf %slice3A_58, %mul3A_4423 : vector<128x128xf32>
    %add3A_4425 = arith.addf %add3A_4420, %mul3A_4424 : vector<128x128xf32>
    %get3A_4426 = arith.constant 511 : index
    %get3A_4427 = memref.load %arg1[%get3A_4426] : memref<864xf32, #tpu.memory_space<smem>>
    %mul3A_4428 = vector.broadcast %get3A_4427 : f32 to vector<128x128xf32>
    %mul3A_4429 = arith.mulf %slice3A_67, %mul3A_4428 : vector<128x128xf32>
    %add3A_4430 = arith.addf %add3A_4425, %mul3A_4429 : vector<128x128xf32>
    %get3A_4431 = arith.constant 527 : index
    %get3A_4432 = memref.load %arg1[%get3A_4431] : memref<864xf32, #tpu.memory_space<smem>>
    %mul3A_4433 = vector.broadcast %get3A_4432 : f32 to vector<128x128xf32>
    %mul3A_4434 = arith.mulf %slice3A_59, %mul3A_4433 : vector<128x128xf32>
    %add3A_4435 = arith.addf %add3A_4430, %mul3A_4434 : vector<128x128xf32>
    %get3A_4436 = arith.constant 543 : index
    %get3A_4437 = memref.load %arg1[%get3A_4436] : memref<864xf32, #tpu.memory_space<smem>>
    %mul3A_4438 = vector.broadcast %get3A_4437 : f32 to vector<128x128xf32>
    %mul3A_4439 = arith.mulf %slice3A_68, %mul3A_4438 : vector<128x128xf32>
    %add3A_4440 = arith.addf %add3A_4435, %mul3A_4439 : vector<128x128xf32>
    %get3A_4441 = arith.constant 559 : index
    %get3A_4442 = memref.load %arg1[%get3A_4441] : memref<864xf32, #tpu.memory_space<smem>>
    %mul3A_4443 = vector.broadcast %get3A_4442 : f32 to vector<128x128xf32>
    %mul3A_4444 = arith.mulf %slice3A_60, %mul3A_4443 : vector<128x128xf32>
    %add3A_4445 = arith.addf %add3A_4440, %mul3A_4444 : vector<128x128xf32>
    %get3A_4446 = arith.constant 575 : index
    %get3A_4447 = memref.load %arg1[%get3A_4446] : memref<864xf32, #tpu.memory_space<smem>>
    %mul3A_4448 = vector.broadcast %get3A_4447 : f32 to vector<128x128xf32>
    %mul3A_4449 = arith.mulf %slice3A_69, %mul3A_4448 : vector<128x128xf32>
    %add3A_4450 = arith.addf %add3A_4445, %mul3A_4449 : vector<128x128xf32>
    %get3A_4451 = arith.constant 591 : index
    %get3A_4452 = memref.load %arg1[%get3A_4451] : memref<864xf32, #tpu.memory_space<smem>>
    %mul3A_4453 = vector.broadcast %get3A_4452 : f32 to vector<128x128xf32>
    %mul3A_4454 = arith.mulf %slice3A_70, %mul3A_4453 : vector<128x128xf32>
    %add3A_4455 = arith.addf %add3A_4450, %mul3A_4454 : vector<128x128xf32>
    %get3A_4456 = arith.constant 607 : index
    %get3A_4457 = memref.load %arg1[%get3A_4456] : memref<864xf32, #tpu.memory_space<smem>>
    %mul3A_4458 = vector.broadcast %get3A_4457 : f32 to vector<128x128xf32>
    %mul3A_4459 = arith.mulf %slice3A_79, %mul3A_4458 : vector<128x128xf32>
    %add3A_4460 = arith.addf %add3A_4455, %mul3A_4459 : vector<128x128xf32>
    %get3A_4461 = arith.constant 623 : index
    %get3A_4462 = memref.load %arg1[%get3A_4461] : memref<864xf32, #tpu.memory_space<smem>>
    %mul3A_4463 = vector.broadcast %get3A_4462 : f32 to vector<128x128xf32>
    %mul3A_4464 = arith.mulf %slice3A_71, %mul3A_4463 : vector<128x128xf32>
    %add3A_4465 = arith.addf %add3A_4460, %mul3A_4464 : vector<128x128xf32>
    %get3A_4466 = arith.constant 639 : index
    %get3A_4467 = memref.load %arg1[%get3A_4466] : memref<864xf32, #tpu.memory_space<smem>>
    %mul3A_4468 = vector.broadcast %get3A_4467 : f32 to vector<128x128xf32>
    %mul3A_4469 = arith.mulf %slice3A_80, %mul3A_4468 : vector<128x128xf32>
    %add3A_4470 = arith.addf %add3A_4465, %mul3A_4469 : vector<128x128xf32>
    %get3A_4471 = arith.constant 655 : index
    %get3A_4472 = memref.load %arg1[%get3A_4471] : memref<864xf32, #tpu.memory_space<smem>>
    %mul3A_4473 = vector.broadcast %get3A_4472 : f32 to vector<128x128xf32>
    %mul3A_4474 = arith.mulf %slice3A_72, %mul3A_4473 : vector<128x128xf32>
    %add3A_4475 = arith.addf %add3A_4470, %mul3A_4474 : vector<128x128xf32>
    %get3A_4476 = arith.constant 671 : index
    %get3A_4477 = memref.load %arg1[%get3A_4476] : memref<864xf32, #tpu.memory_space<smem>>
    %mul3A_4478 = vector.broadcast %get3A_4477 : f32 to vector<128x128xf32>
    %mul3A_4479 = arith.mulf %slice3A_81, %mul3A_4478 : vector<128x128xf32>
    %add3A_4480 = arith.addf %add3A_4475, %mul3A_4479 : vector<128x128xf32>
    %get3A_4481 = arith.constant 687 : index
    %get3A_4482 = memref.load %arg1[%get3A_4481] : memref<864xf32, #tpu.memory_space<smem>>
    %mul3A_4483 = vector.broadcast %get3A_4482 : f32 to vector<128x128xf32>
    %mul3A_4484 = arith.mulf %slice3A_73, %mul3A_4483 : vector<128x128xf32>
    %add3A_4485 = arith.addf %add3A_4480, %mul3A_4484 : vector<128x128xf32>
    %get3A_4486 = arith.constant 703 : index
    %get3A_4487 = memref.load %arg1[%get3A_4486] : memref<864xf32, #tpu.memory_space<smem>>
    %mul3A_4488 = vector.broadcast %get3A_4487 : f32 to vector<128x128xf32>
    %mul3A_4489 = arith.mulf %slice3A_82, %mul3A_4488 : vector<128x128xf32>
    %add3A_4490 = arith.addf %add3A_4485, %mul3A_4489 : vector<128x128xf32>
    %get3A_4491 = arith.constant 719 : index
    %get3A_4492 = memref.load %arg1[%get3A_4491] : memref<864xf32, #tpu.memory_space<smem>>
    %mul3A_4493 = vector.broadcast %get3A_4492 : f32 to vector<128x128xf32>
    %mul3A_4494 = arith.mulf %slice3A_74, %mul3A_4493 : vector<128x128xf32>
    %add3A_4495 = arith.addf %add3A_4490, %mul3A_4494 : vector<128x128xf32>
    %get3A_4496 = arith.constant 735 : index
    %get3A_4497 = memref.load %arg1[%get3A_4496] : memref<864xf32, #tpu.memory_space<smem>>
    %mul3A_4498 = vector.broadcast %get3A_4497 : f32 to vector<128x128xf32>
    %mul3A_4499 = arith.mulf %slice3A_83, %mul3A_4498 : vector<128x128xf32>
    %add3A_4500 = arith.addf %add3A_4495, %mul3A_4499 : vector<128x128xf32>
    %get3A_4501 = arith.constant 751 : index
    %get3A_4502 = memref.load %arg1[%get3A_4501] : memref<864xf32, #tpu.memory_space<smem>>
    %mul3A_4503 = vector.broadcast %get3A_4502 : f32 to vector<128x128xf32>
    %mul3A_4504 = arith.mulf %slice3A_75, %mul3A_4503 : vector<128x128xf32>
    %add3A_4505 = arith.addf %add3A_4500, %mul3A_4504 : vector<128x128xf32>
    %get3A_4506 = arith.constant 767 : index
    %get3A_4507 = memref.load %arg1[%get3A_4506] : memref<864xf32, #tpu.memory_space<smem>>
    %mul3A_4508 = vector.broadcast %get3A_4507 : f32 to vector<128x128xf32>
    %mul3A_4509 = arith.mulf %slice3A_84, %mul3A_4508 : vector<128x128xf32>
    %add3A_4510 = arith.addf %add3A_4505, %mul3A_4509 : vector<128x128xf32>
    %get3A_4511 = arith.constant 783 : index
    %get3A_4512 = memref.load %arg1[%get3A_4511] : memref<864xf32, #tpu.memory_space<smem>>
    %mul3A_4513 = vector.broadcast %get3A_4512 : f32 to vector<128x128xf32>
    %mul3A_4514 = arith.mulf %slice3A_76, %mul3A_4513 : vector<128x128xf32>
    %add3A_4515 = arith.addf %add3A_4510, %mul3A_4514 : vector<128x128xf32>
    %get3A_4516 = arith.constant 799 : index
    %get3A_4517 = memref.load %arg1[%get3A_4516] : memref<864xf32, #tpu.memory_space<smem>>
    %mul3A_4518 = vector.broadcast %get3A_4517 : f32 to vector<128x128xf32>
    %mul3A_4519 = arith.mulf %slice3A_85, %mul3A_4518 : vector<128x128xf32>
    %add3A_4520 = arith.addf %add3A_4515, %mul3A_4519 : vector<128x128xf32>
    %get3A_4521 = arith.constant 815 : index
    %get3A_4522 = memref.load %arg1[%get3A_4521] : memref<864xf32, #tpu.memory_space<smem>>
    %mul3A_4523 = vector.broadcast %get3A_4522 : f32 to vector<128x128xf32>
    %mul3A_4524 = arith.mulf %slice3A_77, %mul3A_4523 : vector<128x128xf32>
    %add3A_4525 = arith.addf %add3A_4520, %mul3A_4524 : vector<128x128xf32>
    %get3A_4526 = arith.constant 831 : index
    %get3A_4527 = memref.load %arg1[%get3A_4526] : memref<864xf32, #tpu.memory_space<smem>>
    %mul3A_4528 = vector.broadcast %get3A_4527 : f32 to vector<128x128xf32>
    %mul3A_4529 = arith.mulf %slice3A_86, %mul3A_4528 : vector<128x128xf32>
    %add3A_4530 = arith.addf %add3A_4525, %mul3A_4529 : vector<128x128xf32>
    %get3A_4531 = arith.constant 847 : index
    %get3A_4532 = memref.load %arg1[%get3A_4531] : memref<864xf32, #tpu.memory_space<smem>>
    %mul3A_4533 = vector.broadcast %get3A_4532 : f32 to vector<128x128xf32>
    %mul3A_4534 = arith.mulf %slice3A_78, %mul3A_4533 : vector<128x128xf32>
    %add3A_4535 = arith.addf %add3A_4530, %mul3A_4534 : vector<128x128xf32>
    %get3A_4536 = arith.constant 863 : index
    %get3A_4537 = memref.load %arg1[%get3A_4536] : memref<864xf32, #tpu.memory_space<smem>>
    %mul3A_4538 = vector.broadcast %get3A_4537 : f32 to vector<128x128xf32>
    %mul3A_4539 = arith.mulf %slice3A_87, %mul3A_4538 : vector<128x128xf32>
    %add3A_4540 = arith.addf %add3A_4535, %mul3A_4539 : vector<128x128xf32>
    %swap3A_4541 = arith.constant 0 : index
    %swap3A_4542 = arith.constant 15 : index
    %swap3A_4543 = arith.constant 0 : index
    %swap3A_4544 = arith.constant 0 : index
    %swap3A_4545 = vector.load %arg5[%swap3A_4541, %swap3A_4542, %swap3A_4543, %swap3A_4544] : memref<1x16x128x128xf32, #tpu.memory_space<vmem>>, vector<1x1x128x128xf32>
    %swap3A_4546 = vector.shape_cast %swap3A_4545 : vector<1x1x128x128xf32> to vector<128x128xf32>
    %swap3A_4547 = vector.shape_cast %add3A_4540 : vector<128x128xf32> to vector<1x1x128x128xf32>
    tpu.vector_store %arg5[%swap3A_4541, %swap3A_4542, %swap3A_4543, %swap3A_4544], %swap3A_4547 {strides = array<i32>} : memref<1x16x128x128xf32, #tpu.memory_space<vmem>>, vector<1x1x128x128xf32>,
    return
  }
  func.func @transform_0(%arg0: i32) -> i32 {
    %c0_i32 = arith.constant 0 : i32
    %c0_i32_0 = arith.constant 0 : i32
    return %c0_i32 : i32
  }
  func.func @transform_1(%arg0: i32) -> (i32, i32, i32, i32) {
    %c0_i32 = arith.constant 0 : i32
    %c0_i32_0 = arith.constant 0 : i32
    %c0_i32_1 = arith.constant 0 : i32
    %c0_i32_2 = arith.constant 0 : i32
    return %c0_i32, %arg0, %c0_i32_0, %c0_i32_1 : i32, i32, i32, i32
  }
  func.func @transform_2(%arg0: i32) -> (i32, i32, i32, i32) {
    %add3A = arith.constant 1 : i32
    %add3A_0 = arith.addi %arg0, %add3A : i32
    %c0_i32 = arith.constant 0 : i32
    %c0_i32_1 = arith.constant 0 : i32
    %c0_i32_2 = arith.constant 0 : i32
    %c0_i32_3 = arith.constant 0 : i32
    return %c0_i32, %add3A_0, %c0_i32_1, %c0_i32_2 : i32, i32, i32, i32
  }
  func.func @transform_3(%arg0: i32) -> (i32, i32, i32, i32) {
    %add3A = arith.constant 2 : i32
    %add3A_0 = arith.addi %arg0, %add3A : i32
    %c0_i32 = arith.constant 0 : i32
    %c0_i32_1 = arith.constant 0 : i32
    %c0_i32_2 = arith.constant 0 : i32
    %c0_i32_3 = arith.constant 0 : i32
    return %c0_i32, %add3A_0, %c0_i32_1, %c0_i32_2 : i32, i32, i32, i32
  }
  func.func @transform_4(%arg0: i32) -> (i32, i32, i32, i32) {
    %c0_i32 = arith.constant 0 : i32
    %c0_i32_0 = arith.constant 0 : i32
    %c0_i32_1 = arith.constant 0 : i32
    %c0_i32_2 = arith.constant 0 : i32
    return %arg0, %c0_i32, %c0_i32_0, %c0_i32_1 : i32, i32, i32, i32
  }
}

</mosaic_0001>

<sc_bundles>
// kernel: gather_offload_async_start
scs
__scs_entry_jumppad:
0x0: {  	(pc) =	sbr.rel $0x88, $3  }
0x1: {  	(tag) =	ssettag $0x0;
	lr =	simm.s32 $0x1  }
0x2: {  	[smem:$0x3F9E] =	sst lr;
	_ =	strace $0xD0000000  }
0x3: {  	_ = 	snop  }
0x4: {  	_ = 	snop  }
0x5: {  	_ = 	snop  }
0x6: {  	_ = 	snop  }
0x7: {  	_ = 	snop  }
__scs_overlays_trampoline_lowered:
0x8: {  	[smem:$0x3FAD] =	sst s0  }
0x9: {  	[smem:$0x3FAE] =	sst s1  }
0xa: {  	[smem:$0x3FAF] =	sst s2  }
0xb: {  	[smem:$0x3FB0] =	sst s3  }
0xc: {  	[smem:$0x3FB1] =	sst s4  }
0xd: {  	[smem:$0x3FB2] =	sst s5  }
0xe: {  	[smem:$0x3FB3] =	sst s6  }
0xf: {  	[smem:$0x3FB4] =	sst s7  }
0x10: {  	[smem:$0x3FB5] =	sst s8  }
0x11: {  	[smem:$0x3FB6] =	sst s9;
	s0 =	simm.s32 @!p0 $0x0  }
0x12: {  	s1 =	sld [smem:$0x3F9C];
	s0 =	simm.s32 @p0 $0x1  }
0x13: {  	[smem:$0x3FB7] =	sst s0;
	s0 =	simm.s32 @!p1 $0x0  }
0x14: {  	s2 =	sld [smem:$0x3F9B];
	s0 =	simm.s32 @p1 $0x1  }
0x15: {  	[smem:$0x3FB8] =	sst s0;
	s0 =	simm.s32 @!p2 $0x0  }
0x16: {  	s3 =	sld [smem:$0x3FDB];
	s0 =	simm.s32 @p2 $0x1  }
0x17: {  	s4 =	simm.s32 $0x1BF5;
	[smem:$0x3FBA] =	sst s0  }
0x18: {  	s0 =	sld [smem:$0x3F9D];
	_ =	swait.ge [sflag:s4], $0x0  }
0x19: {  	s7 =	sld [smem:$0x3F9E]  }
0x1a: {  	s8 =	sadd.s32 $0xFFFFE003, lr  }
0x1b: {  	s9 =	sadd.s32 $0xFFFFFEF7, lr;
	s5 =	simm.s32 $0xFFFFFFFF;
	p2 =	slt.u32 s8, $0xFFFFF086  }
0x1c: {  	p1 =	slt.u32 s9, $0xF7A;
	s5 =	simm.s32 @!p2 $0x0  }
0x1d: {  	s5 =	simm.s32 @p1 $0x1;
	p0 =	seq.s32 s7, s2  }
0x1e: {  	s7 =	smul.u32 @!p0 $0xF7A, s2;
	p2 =	seq.s32 @!p0 s5, $0x0  }
0x1f: {  	s9 =	smul.u32 $0xF7A, s1;
	s8 =	simm.s32 @!p0 $0x1BF5;
	p2 =	por !p2, p0  }
0x20: {  	[sflag:s8] =	ssyncset.s32 @!p0 $0xFFFFF086;
	s6 =	sadd.s32 @!p0 s3, s7;
	s7 =	simm.s32 @!p0 $0x108  }
0x21: {  	s3 =	sadd.s32 s3, s9;
	s6 =	sadd.s32 @!p0 $0x88, s6;
	s7 =	simm.s32 @p2 $0x1082  }
0x22: {  	[simem:s7], [sflag:s8] =	dma.local @!p0 [hbm:s6], $0xF7A  }
0x23: {  	s9 =	sor.u32 $0xD0000000, s2;
	s6 =	simm.s32 $0x108;
	_ =	swait.ge @!p0 [sflag:s8], $0x0  }
0x24: {  	s3 =	sadd.s32 $0x88, s3;
	s6 =	simm.s32 @!p1 $0x1082;
	[sflag:s4] =	ssyncset.s32 $0xFFFFF086  }
0x25: {  	[simem:s6], [sflag:s4] =	dma.local [hbm:s3], $0xF7A  }
0x26: {  	[smem:$0x3F9E] =	sst s1;
	(tag) =	ssettag s2;
	_ =	strace s9  }
0x27: {  	s1 =	sld [smem:$0x3FAE]  }
0x28: {  	s2 =	sld [smem:$0x3FAF]  }
0x29: {  	s4 =	sld [smem:$0x3FB1]  }
0x2a: {  	p0 =	seq.s32 s5, $0x0;
	s5 =	sld [smem:$0x3FB2]  }
0x2b: {  	s6 =	sld [smem:$0x3FB3]  }
0x2c: {  	s7 =	sld [smem:$0x3FB4]  }
0x2d: {  	s3 =	simm.s32 $0x108;
	s8 =	sld [smem:$0x3FB5]  }
0x2e: {  	s3 =	simm.s32 @!p0 $0x1082;
	s9 =	sld [smem:$0x3FB6]  }
0x2f: {  	lr =	sadd.s32 s0, s3;
	s0 =	sld [smem:$0x3FAD]  }
0x30: {  	s3 =	sld [smem:$0x3FB0]  }
0x31: {  	[smem:$0x3FB9] =	sst s10  }
0x32: {  	s10 =	sld [smem:$0x3FB7];
	_ =	sdelay $0x3  }
0x33: {  	p0 =	seq.s32 s10, $0x1;
	s10 =	sld [smem:$0x3FB9];
	_ =	sdelay $0x3  }
0x34: {  	[smem:$0x3FB9] =	sst s10  }
0x35: {  	s10 =	sld [smem:$0x3FB8];
	_ =	sdelay $0x3  }
0x36: {  	p1 =	seq.s32 s10, $0x1;
	s10 =	sld [smem:$0x3FB9];
	_ =	sdelay $0x3  }
0x37: {  	[smem:$0x3FB9] =	sst s10  }
0x38: {  	s10 =	sld [smem:$0x3FBA]  }
0x39: {  	_ = 	snop;
	(pc) =	sbr.ind lr, $3  }
0x3a: {  	_ = 	snop  }
0x3b: {  	_ = 	snop  }
0x3c: {  	p2 =	seq.s32 s10, $0x1;
	s10 =	sld [smem:$0x3FB9]  }
0x3d: {  	_ =	shalt  }
0x3e: {  	_ =	shalt  }
0x3f: {  	_ =	shalt  }
0x40: {  	_ =	shalt  }
0x41: {  	_ =	shalt  }
0x42: {  	_ =	shalt  }
0x43: {  	_ =	shalt  }
0x44: {  	_ =	shalt  }
0x45: {  	_ =	shalt  }
0x46: {  	_ =	shalt  }
0x47: {  	_ =	shalt  }
0x48: {  	_ =	shalt  }
0x49: {  	_ =	shalt  }
0x4a: {  	_ =	shalt  }
0x4b: {  	_ =	shalt  }
0x4c: {  	_ =	shalt  }
0x4d: {  	_ =	shalt  }
0x4e: {  	_ =	shalt  }
0x4f: {  	_ =	shalt  }
0x50: {  	_ =	shalt  }
0x51: {  	_ =	shalt  }
0x52: {  	_ =	shalt  }
0x53: {  	_ =	shalt  }
0x54: {  	_ =	shalt  }
0x55: {  	_ =	shalt  }
0x56: {  	_ =	shalt  }
0x57: {  	_ =	shalt  }
0x58: {  	_ =	shalt  }
0x59: {  	_ =	shalt  }
0x5a: {  	_ =	shalt  }
0x5b: {  	_ =	shalt  }
0x5c: {  	_ =	shalt  }
0x5d: {  	_ =	shalt  }
0x5e: {  	_ =	shalt  }
0x5f: {  	_ =	shalt  }
0x60: {  	_ =	shalt  }
0x61: {  	_ =	shalt  }
0x62: {  	_ =	shalt  }
0x63: {  	_ =	shalt  }
0x64: {  	_ =	shalt  }
0x65: {  	_ =	shalt  }
0x66: {  	_ =	shalt  }
0x67: {  	_ =	shalt  }
0x68: {  	_ =	shalt  }
0x69: {  	_ =	shalt  }
0x6a: {  	_ =	shalt  }
0x6b: {  	_ =	shalt  }
0x6c: {  	_ =	shalt  }
0x6d: {  	_ =	shalt  }
0x6e: {  	_ =	shalt  }
0x6f: {  	_ =	shalt  }
0x70: {  	_ =	shalt  }
0x71: {  	_ =	shalt  }
0x72: {  	_ =	shalt  }
0x73: {  	_ =	shalt  }
0x74: {  	_ =	shalt  }
0x75: {  	_ =	shalt  }
0x76: {  	_ =	shalt  }
0x77: {  	_ =	shalt  }
0x78: {  	_ =	shalt  }
0x79: {  	_ =	shalt  }
0x7a: {  	_ =	shalt  }
0x7b: {  	_ =	shalt  }
0x7c: {  	_ =	shalt  }
0x7d: {  	_ =	shalt  }
0x7e: {  	_ =	shalt  }
0x7f: {  	_ =	shalt  }
0x80: {  	_ =	shalt  }
0x81: {  	_ =	shalt  }
0x82: {  	_ =	shalt  }
0x83: {  	_ =	shalt  }
0x84: {  	_ =	shalt  }
0x85: {  	_ =	shalt  }
0x86: {  	_ =	shalt  }
0x87: {  	_ =	shalt  }
.Lfunc_end0:
.L_simem_size_0:
called_computation.1_lowered:
.L_overlay_start_0:
0x88: {  	s2 =	sld [smem:$0x3FD9]  }
0x89: {  	s3 =	sld [smem:$0x3FFE];
	_ =	sdelay $0x1  }
0x8a: {  	s1 =	srdreg.scid  }
0x8b: {  	s0 =	sand.u32 $0x1, s1  }
0x8c: {  	s17 =	sshll.u32 s0, $0xA;
	s2 =	sadd.s32 s3, s2  }
0x8d: {  	s2 =	sadd.s32 s2, s17  }
0x8e: {  	[smem:$0x3FC5] =	sst s2  }
0x8f: {  	_ = 	snop  }
0x90: {  	s2 =	sld [smem:$0x3FD0];
	(tm) =	ssettm $0x1  }
0x91: {  	s18 =	sld [smem:$0x3FFB];
	_ =	sdelay $0x3  }
0x92: {  	_ =	strace s18  }
0x93: {  	s3 =	sld [smem:$0x3FFC];
	_ =	sdelay $0x3  }
0x94: {  	_ =	strace s3  }
0x95: {  	s3 =	sld [smem:$0x3FFD];
	_ =	sdelay $0x3  }
0x96: {  	_ =	strace s3  }
0x97: {  	_ =	strace $0x8FFFFFFF  }
0x98: {  	s19 =	sld [smem:$0x3FDB];
	_ =	sdelay $0x1  }
0x99: {  	s4 =	simm.s32 $_scs_section_size  }
0x9a: {  	s5 =	simm.s32 $_size__tile_overlayer_lowered;
	s6 =	simm.s32 $_tile_overlayer_lowered  }
0x9b: {  	s22 =	simm.s32 $0x1BFF;
	s21 =	sshll.u32 s6, $0x1;
	s3 =	sadd.s32 s4, s19  }
0x9c: {  	s7 =	simm.s32 $0x0;
	s20 =	sshll.u32 s5, $0x1;
	s5 =	sadd.s32 s21, s3  }
0x9d: {  	[timem:s7], [sflag:s22] =	dma.local [hbm:s5], s20  }
0x9e: {  	_ =	swait.ge [sflag:s22], s20  }
0x9f: {  	s4 =	ssub.s32 $0x0, s20;
	[sflag:s22] =	ssyncset.done $0x0  }
0xa0: {  	[sflag:s22] =	ssyncadd.s32 s4;
	_ =	sdelay $0x1  }
0xa1: {  	s23 =	simm.s32 $0x1B8B  }
0xa2: {  	_ =	swait.ge [sflag:s23], $0x1  }
0xa3: {  	[sflag:s23] =	ssyncset.done $0x0  }
0xa4: {  	s25 =	simm.s32 $0x1B8E;
	s24 =	sld [smem:$0x3FFE];
	[sflag:s23] =	ssyncadd.s32 $0xFFFFFFFF  }
0xa5: {  	s26 =	simm.s32 $execute0_lowered;
	[smem:$0x3FD2] =	sst s25  }
0xa6: {  	s5 =	sshll.u32 s26, $0x1;
	_ =	strace $0x80000049;
	[dreg:$0x1] =	wrdreg $0xFFFFFFFF  }
0xa7: {  	s28 =	simm.s32 $_size_execute0_lowered;
	s3 =	sadd.s32 s3, s5;
	[dreg:$0x0] =	wrdreg $0x0  }
0xa8: {  	s5 =	sshll.u32 s28, $0x1;
	[dreg:$0x2] =	wrdreg s3  }
0xa9: {  	[dreg:$0x3] =	wrdreg s5  }
0xaa: {  	[dreg:$0x4] =	wrdreg $0xC0  }
0xab: {  	_ =	task [dreg:s7], $0x5FFFF  }
0xac: {  	[dreg:$0x1] =	wrdreg $0xFFFFFFFF  }
0xad: {  	[dreg:$0x0] =	wrdreg $0x60  }
0xae: {  	[dreg:$0x2] =	wrdreg s24  }
0xaf: {  	[dreg:$0x3] =	wrdreg s2  }
0xb0: {  	[dreg:$0x4] =	wrdreg $0x9  }
0xb1: {  	_ =	task.clear_ibuf [dreg:s7], $0x5FFFF;
	_ =	strace $0x90000049  }
0xb2: {  	s29 =	simm.s32 $0x9;
	_ =	strace $0x8000004B  }
0xb3: {  	_ =	swait.ge [sflag:s29], $0x1  }
0xb4: {  	[sflag:s29] =	ssyncadd.s32 $0xFFFFFFFF  }
0xb5: {  	_ =	strace $0x9000004B  }
0xb6: {  	_ =	sfence  }
0xb7: {  	s30 =	sld [smem:$0x0];
	_ =	sdelay $0x2  }
0xb8: {  	s31 =	sshll.u32 s1, $0xD;
	s1 =	sshrl.u32 s1, $0x2  }
0xb9: {  	s3 =	sand.u32 $0x4000, s31;
	s1 =	sadd.s32 s1, s30  }
0xba: {  	s0 =	sor.u32 s3, s0;
	s1 =	sshll.u32 s1, $0x11  }
0xbb: {  	s0 =	sor.u32 s1, s0  }
0xbc: {  	s0 =	sadd.s32 $0x8F2B, s0  }
0xbd: {  	[sflag:s0] =	ssyncadd.remote.s32 $0x1  }
0xbe: {  	_ =	sfence.sel $0xFFFF  }
0xbf: {  	[dreg:$0x0] =	wrdreg $0xFFFFFFFF;
	(pc) =	sbr.abs _section_cstart, $3  }
0xc0: {  	[dreg:$0x1] =	wrdreg $0xFFFFFFFF  }
0xc1: {  	_ =	task.clear_ibuf [dreg:s7], $0x2FFFF;
	_ =	strace $0x9FFFFFFF  }
0xc2: {  	(tm) =	ssettm $0x7FFFFFFF  }
0xc3: {  	_ =	shalt  }
tec
execute0_lowered:
.L_overlay_start_1:
0x0: {  	(tag) =	ssettag $0x1  }
0x1: {  	s7 =	rddreg [dreg:$0x0]  }
0x2: {  	s0 =	srdreg.scid;
	s2 =	rddreg [dreg:$0x1]  }
0x3: {  	s1 =	stileid.u32;
	s5 =	simm.s32 $0x1;
	s6 =	simm.s32 $0x2  }
0x4: {  	s10 =	simm.s32 $0x3;
	s11 =	simm.s32 $0x0;
	s3 =	sshll.u32 s0, $0x7  }
0x5: {  	s14 =	simm.s32 $0x0;
	s4 =	sshll.u32 s1, $0x8;
	s3 =	sand.u32 $0x80, s3  }
0x6: {  	s0 =	rddreg [dreg:$0x2];
	_ =	strace $0x8000004A;
	s3 =	sor.u32 s4, s3  }
0x7: {  	s13 =	simm.s32 $0x0;
	[sflag:s5] =	ssyncpa.u1 $0x0;
	s8 =	ssub.s32 $0x18700, s3  }
.Ltmp0:
0x8: {  	s4 =	sadd.s32 $0x597800, s7;
	s9 =	sand.u32 $0xF80, s8;
	(pc) =	sbr.rel .LBB2_1-.Ltmp0, $4  }
0x9: {  	[sflag:s6] =	ssyncpa.u1 $0x0;
	p0 =	sne.s32 s9, $0x0;
	s9 =	simm.s32 $0x1  }
0xa: {  	s7 =	sadd.s32 $0x200, s7;
	s8 =	sshrl.u32 s8, $0xC;
	s9 =	simm.s32 @!p0 $0x0  }
0xb: {  	[sflag:s10] =	ssyncpa.u1 $0x0;
	s12 =	smov.u32 s3;
	s8 =	sadd.s32 s9, s8  }
0xc: {  	vm0 =	vmmov $0xffff;
	v0 =	vlaneseq.u32;
	p0 =	por $0x0, $0x0;
	s9 =	sadd.s32 $0x18700, s2;
	s10 =	sadd.s32 $0x1, s8  }
.LBB2_4:
0xd: {  	_ =	sdelay $0x1  }
0xe: {  	s21 =	sshra.s32 s21, $0x2;
	(ifvalue) =	ssetifvalue $0x7FFFFFFF  }
0xf: {  	s19 =	sadd.s32 $0x780, s19;
	s17 =	sadd.s32 s21, s17;
	(ifvalue) =	ssetifvalue $0x7FFFFFFF  }
0x10: {  	[tilespmem:s19], [sflag:$0x1] =	stream.indirect_vreg.gather [hbm4b:s4+s11], $0x1, v1, vm0, $0x4038;
	[tilespmem:$0x1100] =	vst v63  }
0x11: {  	v1 =	vld.msk [tilespmem:s17+$0x0 ss:$0x1], $0xffff;
	_ =	sdelay $0x4  }
0x12: {  	v2 =	vshrl.u32 v1, $0xE  }
0x13: {  	v3 =	vshll.u32 v1, $0x12;
	v4 =	vshll.u32 v1, $0x4;
	vm1 =	veq.s32 v1, $0x80000000  }
0x14: {  	p1 =	sgt.s32 s20, $0x0;
	v1 =	vand.u32 $0x7F, v2;
	v2 =	vand.u32 $0x1FC0000, v3;
	v3 =	vand.u32 $0x3F800, v4  }
0x15: {  	s20 =	simm.s32 @!p1 $0x0;
	v1 =	vsel vm1, $0xFFFFFFFF, v1;
	v2 =	vor.u32 v3, v2  }
0x16: {  	s26 =	smin.u32 s20, $0x10;
	v2 =	vsel vm1, $0xFFFBF800, v2;
	v3 =	vand.u32 $0xFFFFFC00, v1  }
0x17: {  	v1 =	vand.u32 $0x7F, v1;
	v2 =	vadd.s32 v3, v2;
	v3 =	vmov s26  }
0x18: {  	v1 =	vor.u32 v1, v2;
	vm1 =	vgt.u32 v3, v0  }
0x19: {  	v2 =	vnsel vm1, $0x7FFFFFFF, v1;
	_ =	sdelay $0x1  }
0x1a: {  	v3 =	vor.u32 $0x80, v1  }
0x1b: {  	(ifvalue) =	ssetifvalue $0x7FFFFFFF;
	v3 =	vnsel vm1, $0x7FFFFFFF, v3  }
0x1c: {  	s17 =	sadd.s32 s21, s18;
	(ifvalue) =	ssetifvalue $0x7FFFFFFF  }
0x1d: {  	v51 =	vor.u32 $0x100, v1;
	[tilespmem:s17], [sflag:$0x1] =	stream.indirect_vreg.gather [hbm4b:s4+s11], $0x1, v2, vm0, $0x4038;
	[tilespmem:$0x1100] =	vst v63  }
0x1e: {  	(ifvalue) =	ssetifvalue $0x7FFFFFFF;
	v2 =	vnsel vm1, $0x7FFFFFFF, v51  }
0x1f: {  	s18 =	sadd.s32 $0x80, s17;
	(ifvalue) =	ssetifvalue $0x7FFFFFFF  }
0x20: {  	v52 =	vor.u32 $0x180, v1;
	[tilespmem:s18], [sflag:$0x1] =	stream.indirect_vreg.gather [hbm4b:s4+s11], $0x1, v3, vm0, $0x4038;
	[tilespmem:$0x1100] =	vst v63  }
0x21: {  	v3 =	vnsel vm1, $0x7FFFFFFF, v52;
	(ifvalue) =	ssetifvalue $0x7FFFFFFF  }
0x22: {  	s28 =	sadd.s32 $0x100, s17;
	(ifvalue) =	ssetifvalue $0x7FFFFFFF  }
0x23: {  	v53 =	vor.u32 $0x200, v1;
	[tilespmem:s28], [sflag:$0x1] =	stream.indirect_vreg.gather [hbm4b:s4+s11], $0x1, v2, vm0, $0x4038;
	[tilespmem:$0x1100] =	vst v63  }
0x24: {  	(ifvalue) =	ssetifvalue $0x7FFFFFFF;
	v2 =	vnsel vm1, $0x7FFFFFFF, v53  }
0x25: {  	s29 =	sadd.s32 $0x180, s17;
	(ifvalue) =	ssetifvalue $0x7FFFFFFF  }
0x26: {  	v54 =	vor.u32 $0x280, v1;
	[tilespmem:s29], [sflag:$0x1] =	stream.indirect_vreg.gather [hbm4b:s4+s11], $0x1, v3, vm0, $0x4038;
	[tilespmem:$0x1100] =	vst v63  }
0x27: {  	v3 =	vnsel vm1, $0x7FFFFFFF, v54;
	(ifvalue) =	ssetifvalue $0x7FFFFFFF  }
0x28: {  	s30 =	sadd.s32 $0x200, s17;
	(ifvalue) =	ssetifvalue $0x7FFFFFFF  }
0x29: {  	v55 =	vor.u32 $0x300, v1;
	[tilespmem:s30], [sflag:$0x1] =	stream.indirect_vreg.gather [hbm4b:s4+s11], $0x1, v2, vm0, $0x4038;
	[tilespmem:$0x1100] =	vst v63  }
0x2a: {  	(ifvalue) =	ssetifvalue $0x7FFFFFFF;
	v2 =	vnsel vm1, $0x7FFFFFFF, v55  }
0x2b: {  	s31 =	sadd.s32 $0x280, s17;
	(ifvalue) =	ssetifvalue $0x7FFFFFFF  }
0x2c: {  	v56 =	vor.u32 $0x380, v1;
	[tilespmem:s31], [sflag:$0x1] =	stream.indirect_vreg.gather [hbm4b:s4+s11], $0x1, v3, vm0, $0x4038;
	[tilespmem:$0x1100] =	vst v63  }
0x2d: {  	v3 =	vnsel vm1, $0x7FFFFFFF, v56;
	(ifvalue) =	ssetifvalue $0x7FFFFFFF  }
0x2e: {  	s19 =	sadd.s32 $0x300, s17;
	(ifvalue) =	ssetifvalue $0x7FFFFFFF  }
0x2f: {  	v57 =	vadd.s32 $0x400, v1;
	[tilespmem:s19], [sflag:$0x1] =	stream.indirect_vreg.gather [hbm4b:s4+s11], $0x1, v2, vm0, $0x4038;
	[tilespmem:$0x1100] =	vst v63  }
0x30: {  	(ifvalue) =	ssetifvalue $0x7FFFFFFF;
	v2 =	vnsel vm1, $0x7FFFFFFF, v57  }
0x31: {  	s20 =	sadd.s32 $0x380, s17;
	(ifvalue) =	ssetifvalue $0x7FFFFFFF  }
0x32: {  	v58 =	vadd.s32 $0x480, v1;
	[tilespmem:s20], [sflag:$0x1] =	stream.indirect_vreg.gather [hbm4b:s4+s11], $0x1, v3, vm0, $0x4038;
	[tilespmem:$0x1100] =	vst v63  }
0x33: {  	v3 =	vnsel vm1, $0x7FFFFFFF, v58;
	(ifvalue) =	ssetifvalue $0x7FFFFFFF  }
0x34: {  	s21 =	sadd.s32 $0x400, s17;
	(ifvalue) =	ssetifvalue $0x7FFFFFFF  }
0x35: {  	v59 =	vadd.s32 $0x500, v1;
	[tilespmem:s21], [sflag:$0x1] =	stream.indirect_vreg.gather [hbm4b:s4+s11], $0x1, v2, vm0, $0x4038;
	[tilespmem:$0x1100] =	vst v63  }
0x36: {  	(ifvalue) =	ssetifvalue $0x7FFFFFFF;
	v2 =	vnsel vm1, $0x7FFFFFFF, v59  }
0x37: {  	s22 =	sadd.s32 $0x480, s17;
	(ifvalue) =	ssetifvalue $0x7FFFFFFF  }
0x38: {  	v60 =	vadd.s32 $0x580, v1;
	[tilespmem:s22], [sflag:$0x1] =	stream.indirect_vreg.gather [hbm4b:s4+s11], $0x1, v3, vm0, $0x4038;
	[tilespmem:$0x1100] =	vst v63  }
0x39: {  	v3 =	vnsel vm1, $0x7FFFFFFF, v60;
	(ifvalue) =	ssetifvalue $0x7FFFFFFF  }
0x3a: {  	s23 =	sadd.s32 $0x500, s17;
	(ifvalue) =	ssetifvalue $0x7FFFFFFF  }
0x3b: {  	v61 =	vadd.s32 $0x600, v1;
	[tilespmem:s23], [sflag:$0x1] =	stream.indirect_vreg.gather [hbm4b:s4+s11], $0x1, v2, vm0, $0x4038;
	[tilespmem:$0x1100] =	vst v63  }
0x3c: {  	(ifvalue) =	ssetifvalue $0x7FFFFFFF;
	v2 =	vnsel vm1, $0x7FFFFFFF, v61  }
0x3d: {  	s24 =	sadd.s32 $0x580, s17;
	(ifvalue) =	ssetifvalue $0x7FFFFFFF  }
0x3e: {  	v62 =	vadd.s32 $0x680, v1;
	[tilespmem:s24], [sflag:$0x1] =	stream.indirect_vreg.gather [hbm4b:s4+s11], $0x1, v3, vm0, $0x4038;
	[tilespmem:$0x1100] =	vst v63  }
0x3f: {  	v3 =	vnsel vm1, $0x7FFFFFFF, v62;
	(ifvalue) =	ssetifvalue $0x7FFFFFFF  }
0x40: {  	s25 =	sadd.s32 $0x600, s17;
	(ifvalue) =	ssetifvalue $0x7FFFFFFF  }
0x41: {  	v63 =	vadd.s32 $0x700, v1;
	[tilespmem:s25], [sflag:$0x1] =	stream.indirect_vreg.gather [hbm4b:s4+s11], $0x1, v2, vm0, $0x4038;
	[tilespmem:$0x1100] =	vst v63  }
0x42: {  	(ifvalue) =	ssetifvalue $0x7FFFFFFF;
	v2 =	vnsel vm1, $0x7FFFFFFF, v63  }
0x43: {  	s26 =	sadd.s32 $0x680, s17;
	(ifvalue) =	ssetifvalue $0x7FFFFFFF  }
0x44: {  	v1 =	vadd.s32 $0x780, v1;
	[tilespmem:s26], [sflag:$0x1] =	stream.indirect_vreg.gather [hbm4b:s4+s11], $0x1, v3, vm0, $0x4038;
	[tilespmem:$0x1100] =	vst v63  }
0x45: {  	v1 =	vnsel vm1, $0x7FFFFFFF, v1;
	(ifvalue) =	ssetifvalue $0x7FFFFFFF  }
0x46: {  	s28 =	sadd.s32 $0x700, s17;
	(ifvalue) =	ssetifvalue $0x7FFFFFFF  }
0x47: {  	[tilespmem:s28], [sflag:$0x1] =	stream.indirect_vreg.gather [hbm4b:s4+s11], $0x1, v2, vm0, $0x4038;
	[tilespmem:$0x1100] =	vst v63  }
0x48: {  	(ifvalue) =	ssetifvalue $0x7FFFFFFF  }
0x49: {  	s17 =	sadd.s32 $0x780, s17;
	s29 =	sshll.u32 s14, $0x3;
	(ifvalue) =	ssetifvalue $0x7FFFFFFF  }
0x4a: {  	[tilespmem:s17], [sflag:$0x1] =	stream.indirect_vreg.gather [hbm4b:s4+s11], $0x1, v1, vm0, $0x4038;
	[tilespmem:$0x1100] =	vst v63  }
0x4b: {  	s30 =	sand.u32 $0x78, s14;
	s17 =	sand.u32 $0xFFFFFC00, s29  }
0x4c: {  	_ =	swait.ge [sflag:s5], $0x800;
	s14 =	sor.u32 s30, s17  }
0x4d: {  	[sflag:s5] =	ssyncset.done $0x0;
	s14 =	sshrl.u32 s14, $0x3  }
0x4e: {  	[sflag:s5] =	ssyncadd.s32 $0xFFFFF800;
	s31 =	sadd.s32 s2, s14  }
0x4f: {  	[hbm:s31] =	stream.linear.scatter [tilespmem:s16], [sflag:$0x3], $0x400, $0x38;
	[tilespmem:$0x1100] =	vst v63  }
0x50: {  	s15 =	sadd.s32 $0x500, s15;
	s14 =	sadd.s32 s14, s9  }
0x51: {  	[hbm:s14] =	stream.linear.scatter [tilespmem:s15], [sflag:$0x3], $0x400, $0x38;
	[tilespmem:$0x1100] =	vst v63  }
.LBB2_5:
0x52: {  	s16 =	sadd.s32 $0x1000, s12  }
0x53: {  	p2 =	sgt.s32 s16, $0x186FF  }
0x54: {  	s16 =	smov.u32 @p2 s3;
	p2 =	sne.s32 s13, s10  }
.Ltmp1:
0x55: {  	p1 =	slt.u32 s13, $0x2;
	(pc) =	sbr.rel @!p2 .LBB2_6-.Ltmp1, $4  }
0x56: {  	s15 =	simm.s32 @!p1 $0x3  }
0x57: {  	s17 =	sadd.s32 $0x1, s13;
	_ =	swait.ge @!p1 [sflag:s15], $0x800  }
0x58: {  	s14 =	smov.u32 s12;
	p0 =	por !p0, !p0;
	[sflag:s15] =	ssyncset.done @!p1 $0x0  }
0x59: {  	s13 =	smov.u32 s17;
	s12 =	smov.u32 s16;
	[sflag:s15] =	ssyncadd.s32 @!p1 $0xFFFFF800  }
.LBB2_1:
0x5a: {  	p1 =	sge.u32 s13, s8  }
0x5b: {  	s15 =	sxor.u32 @!p1 $0xFFFFFFFF, s13  }
0x5c: {  	s31 =	sadd.s32 $0xFFFFFFFF, s13;
	s16 =	sshrl.u32 @!p1 s12, $0x3;
	s15 =	sshll.u32 @!p1 s15, $0x7  }
0x5d: {  	s17 =	sand.u32 @!p1 $0x7, s12;
	s16 =	sadd.s32 @!p1 s7, s16;
	s15 =	sand.u32 @!p1 $0x80, s15  }
0x5e: {  	[tilespmem:s15], [sflag:$0x2] =	stream.linear.gather @!p1 [hbm4b:s16+s17], $0x80, $0x38;
	[tilespmem:$0x1100] =	vst v63  }
0x5f: {  	p1 =	sge.u32 s31, s8  }
.Ltmp2:
0x60: {  	_ = 	snop;
	(pc) =	sbr.rel @p1 .LBB2_5-.Ltmp2, $1  }
0x61: {  	_ =	sdelay $0x3  }
0x62: {  	s15 =	simm.s32 $0x1  }
0x63: {  	_ =	swait.ge [sflag:s6], $0x80;
	s15 =	simm.s32 @!p0 $0x0  }
0x64: {  	[sflag:s6] =	ssyncset.done $0x0;
	s17 =	sshll.u32 s15, $0x7  }
0x65: {  	[sflag:s6] =	ssyncadd.s32 $0xFFFFFF80;
	s16 =	sadd.s32 $0x0, s17  }
0x66: {  	v1 =	vld.msk [tilespmem:s16+$0x0 ss:$0x1], $0xffff;
	_ =	sdelay $0x3  }
0x67: {  	s20 =	ssub.s32 $0x186A0, s14  }
0x68: {  	p1 =	slt.s32 s20, $0x80;
	v2 =	vshrl.u32 v1, $0xE  }
0x69: {  	s20 =	simm.s32 @!p1 $0x80;
	v3 =	vshll.u32 v1, $0x12;
	v4 =	vshll.u32 v1, $0x4;
	vm1 =	veq.s32 v1, $0x80000000  }
0x6a: {  	p1 =	sgt.s32 s20, $0x0;
	s16 =	smov.u32 s20;
	v1 =	vand.u32 $0x7F, v2;
	v2 =	vand.u32 $0x1FC0000, v3;
	v3 =	vand.u32 $0x3F800, v4  }
0x6b: {  	s16 =	simm.s32 @!p1 $0x0;
	v1 =	vsel vm1, $0xFFFFFFFF, v1;
	v2 =	vor.u32 v3, v2  }
0x6c: {  	s16 =	smin.u32 s16, $0x10;
	v2 =	vsel vm1, $0xFFFBF800, v2;
	v3 =	vand.u32 $0xFFFFFC00, v1  }
0x6d: {  	v1 =	vand.u32 $0x7F, v1;
	v2 =	vadd.s32 v3, v2;
	v3 =	vmov s16  }
0x6e: {  	v1 =	vor.u32 v1, v2;
	vm1 =	vgt.u32 v3, v0  }
0x6f: {  	v2 =	vnsel vm1, $0x7FFFFFFF, v1;
	_ =	sdelay $0x1  }
0x70: {  	s15 =	sshll.u32 s15, $0xB;
	v3 =	vor.u32 $0x80, v1  }
0x71: {  	s18 =	sor.u32 $0x100, s15;
	(ifvalue) =	ssetifvalue $0x7FFFFFFF;
	v3 =	vnsel vm1, $0x7FFFFFFF, v3  }
0x72: {  	s19 =	sadd.s32 $0x0, s18;
	(ifvalue) =	ssetifvalue $0x7FFFFFFF  }
0x73: {  	v51 =	vor.u32 $0x100, v1;
	[tilespmem:s19], [sflag:$0x1] =	stream.indirect_vreg.gather [hbm4b:s4+s11], $0x1, v2, vm0, $0x4038;
	[tilespmem:$0x1100] =	vst v63  }
0x74: {  	(ifvalue) =	ssetifvalue $0x7FFFFFFF;
	v2 =	vnsel vm1, $0x7FFFFFFF, v51  }
0x75: {  	s28 =	sadd.s32 $0x80, s19;
	(ifvalue) =	ssetifvalue $0x7FFFFFFF  }
0x76: {  	v52 =	vor.u32 $0x180, v1;
	[tilespmem:s28], [sflag:$0x1] =	stream.indirect_vreg.gather [hbm4b:s4+s11], $0x1, v3, vm0, $0x4038;
	[tilespmem:$0x1100] =	vst v63  }
0x77: {  	v3 =	vnsel vm1, $0x7FFFFFFF, v52;
	(ifvalue) =	ssetifvalue $0x7FFFFFFF  }
0x78: {  	s29 =	sadd.s32 $0x100, s19;
	(ifvalue) =	ssetifvalue $0x7FFFFFFF  }
0x79: {  	v53 =	vor.u32 $0x200, v1;
	[tilespmem:s29], [sflag:$0x1] =	stream.indirect_vreg.gather [hbm4b:s4+s11], $0x1, v2, vm0, $0x4038;
	[tilespmem:$0x1100] =	vst v63  }
0x7a: {  	(ifvalue) =	ssetifvalue $0x7FFFFFFF;
	v2 =	vnsel vm1, $0x7FFFFFFF, v53  }
0x7b: {  	s30 =	sadd.s32 $0x180, s19;
	(ifvalue) =	ssetifvalue $0x7FFFFFFF  }
0x7c: {  	v54 =	vor.u32 $0x280, v1;
	[tilespmem:s30], [sflag:$0x1] =	stream.indirect_vreg.gather [hbm4b:s4+s11], $0x1, v3, vm0, $0x4038;
	[tilespmem:$0x1100] =	vst v63  }
0x7d: {  	v3 =	vnsel vm1, $0x7FFFFFFF, v54;
	(ifvalue) =	ssetifvalue $0x7FFFFFFF  }
0x7e: {  	s31 =	sadd.s32 $0x200, s19;
	(ifvalue) =	ssetifvalue $0x7FFFFFFF  }
0x7f: {  	v55 =	vor.u32 $0x300, v1;
	[tilespmem:s31], [sflag:$0x1] =	stream.indirect_vreg.gather [hbm4b:s4+s11], $0x1, v2, vm0, $0x4038;
	[tilespmem:$0x1100] =	vst v63  }
0x80: {  	(ifvalue) =	ssetifvalue $0x7FFFFFFF;
	v2 =	vnsel vm1, $0x7FFFFFFF, v55  }
0x81: {  	s16 =	sadd.s32 $0x280, s19;
	(ifvalue) =	ssetifvalue $0x7FFFFFFF  }
0x82: {  	v56 =	vor.u32 $0x380, v1;
	[tilespmem:s16], [sflag:$0x1] =	stream.indirect_vreg.gather [hbm4b:s4+s11], $0x1, v3, vm0, $0x4038;
	[tilespmem:$0x1100] =	vst v63  }
0x83: {  	v3 =	vnsel vm1, $0x7FFFFFFF, v56;
	(ifvalue) =	ssetifvalue $0x7FFFFFFF  }
0x84: {  	s21 =	sadd.s32 $0x300, s19;
	(ifvalue) =	ssetifvalue $0x7FFFFFFF  }
0x85: {  	v57 =	vadd.s32 $0x400, v1;
	[tilespmem:s21], [sflag:$0x1] =	stream.indirect_vreg.gather [hbm4b:s4+s11], $0x1, v2, vm0, $0x4038;
	[tilespmem:$0x1100] =	vst v63  }
0x86: {  	(ifvalue) =	ssetifvalue $0x7FFFFFFF;
	v2 =	vnsel vm1, $0x7FFFFFFF, v57  }
0x87: {  	s22 =	sadd.s32 $0x380, s19;
	(ifvalue) =	ssetifvalue $0x7FFFFFFF  }
0x88: {  	v58 =	vadd.s32 $0x480, v1;
	[tilespmem:s22], [sflag:$0x1] =	stream.indirect_vreg.gather [hbm4b:s4+s11], $0x1, v3, vm0, $0x4038;
	[tilespmem:$0x1100] =	vst v63  }
0x89: {  	v3 =	vnsel vm1, $0x7FFFFFFF, v58;
	(ifvalue) =	ssetifvalue $0x7FFFFFFF  }
0x8a: {  	s23 =	sadd.s32 $0x400, s19;
	(ifvalue) =	ssetifvalue $0x7FFFFFFF  }
0x8b: {  	v59 =	vadd.s32 $0x500, v1;
	[tilespmem:s23], [sflag:$0x1] =	stream.indirect_vreg.gather [hbm4b:s4+s11], $0x1, v2, vm0, $0x4038;
	[tilespmem:$0x1100] =	vst v63  }
0x8c: {  	(ifvalue) =	ssetifvalue $0x7FFFFFFF;
	v2 =	vnsel vm1, $0x7FFFFFFF, v59  }
0x8d: {  	s24 =	sadd.s32 $0x480, s19;
	(ifvalue) =	ssetifvalue $0x7FFFFFFF  }
0x8e: {  	v60 =	vadd.s32 $0x580, v1;
	[tilespmem:s24], [sflag:$0x1] =	stream.indirect_vreg.gather [hbm4b:s4+s11], $0x1, v3, vm0, $0x4038;
	[tilespmem:$0x1100] =	vst v63  }
0x8f: {  	v3 =	vnsel vm1, $0x7FFFFFFF, v60;
	(ifvalue) =	ssetifvalue $0x7FFFFFFF  }
0x90: {  	s25 =	sadd.s32 $0x500, s19;
	(ifvalue) =	ssetifvalue $0x7FFFFFFF  }
0x91: {  	v61 =	vadd.s32 $0x600, v1;
	[tilespmem:s25], [sflag:$0x1] =	stream.indirect_vreg.gather [hbm4b:s4+s11], $0x1, v2, vm0, $0x4038;
	[tilespmem:$0x1100] =	vst v63  }
0x92: {  	(ifvalue) =	ssetifvalue $0x7FFFFFFF;
	v2 =	vnsel vm1, $0x7FFFFFFF, v61  }
0x93: {  	s26 =	sadd.s32 $0x580, s19;
	(ifvalue) =	ssetifvalue $0x7FFFFFFF  }
0x94: {  	v62 =	vadd.s32 $0x680, v1;
	[tilespmem:s26], [sflag:$0x1] =	stream.indirect_vreg.gather [hbm4b:s4+s11], $0x1, v3, vm0, $0x4038;
	[tilespmem:$0x1100] =	vst v63  }
0x95: {  	v3 =	vnsel vm1, $0x7FFFFFFF, v62;
	(ifvalue) =	ssetifvalue $0x7FFFFFFF  }
0x96: {  	s28 =	sadd.s32 $0x600, s19;
	(ifvalue) =	ssetifvalue $0x7FFFFFFF  }
0x97: {  	v63 =	vadd.s32 $0x700, v1;
	[tilespmem:s28], [sflag:$0x1] =	stream.indirect_vreg.gather [hbm4b:s4+s11], $0x1, v2, vm0, $0x4038;
	[tilespmem:$0x1100] =	vst v63  }
0x98: {  	s20 =	sadd.s32 $0xFFFFFFF0, s20;
	s30 =	sshll.u32 s13, $0xB;
	(ifvalue) =	ssetifvalue $0x7FFFFFFF;
	v2 =	vnsel vm1, $0x7FFFFFFF, v63  }
0x99: {  	s29 =	sadd.s32 $0x680, s19;
	s15 =	sand.u32 $0x800, s30;
	(ifvalue) =	ssetifvalue $0x7FFFFFFF  }
0x9a: {  	[tilespmem:s29], [sflag:$0x1] =	stream.indirect_vreg.gather [hbm4b:s4+s11], $0x1, v3, vm0, $0x4038;
	[tilespmem:$0x1100] =	vst v63  }
0x9b: {  	v1 =	vadd.s32 $0x780, v1;
	s31 =	sadd.s32 $0x700, s19;
	s16 =	sor.u32 $0x100, s15;
	(ifvalue) =	ssetifvalue $0x7FFFFFFF  }
0x9c: {  	v1 =	vnsel vm1, $0x7FFFFFFF, v1;
	s21 =	simm.s32 $0x40;
	s24 =	simm.s32 $0x80;
	(ifvalue) =	ssetifvalue $0x7FFFFFFF  }
0x9d: {  	[tilespmem:s31], [sflag:$0x1] =	stream.indirect_vreg.gather [hbm4b:s4+s11], $0x1, v2, vm0, $0x4038;
	[tilespmem:$0x1100] =	vst v63  }
.LBB2_3:
0x9e: {  	s23 =	sshra.s32 s21, $0x2  }
0x9f: {  	(ifvalue) =	ssetifvalue $0x7FFFFFFF;
	s21 =	smov.u32 s24;
	s22 =	sadd.s32 $0x40, s24  }
0xa0: {  	s19 =	sadd.s32 $0x780, s19;
	s25 =	sadd.s32 s23, s17;
	(ifvalue) =	ssetifvalue $0x7FFFFFFF  }
0xa1: {  	[tilespmem:s19], [sflag:$0x1] =	stream.indirect_vreg.gather [hbm4b:s4+s11], $0x1, v1, vm0, $0x4038;
	[tilespmem:$0x1100] =	vst v63  }
0xa2: {  	p1 =	sne.s32 s24, $0x1C0;
	v1 =	vld.msk [tilespmem:s25+$0x0 ss:$0x1], $0xffff;
	_ =	sdelay $0x5  }
0xa3: {  	v2 =	vshrl.u32 v1, $0xE;
	v3 =	vshll.u32 v1, $0x12;
	v4 =	vshll.u32 v1, $0x4  }
0xa4: {  	vm1 =	veq.s32 v1, $0x80000000;
	v1 =	vand.u32 $0x7F, v2;
	v2 =	vand.u32 $0x1FC0000, v3  }
0xa5: {  	p2 =	sgt.s32 s20, $0x0;
	s19 =	smov.u32 s20;
	v3 =	vand.u32 $0x3F800, v4;
	v1 =	vsel vm1, $0xFFFFFFFF, v1  }
0xa6: {  	s19 =	simm.s32 @!p2 $0x0;
	v2 =	vor.u32 v3, v2  }
0xa7: {  	s19 =	smin.u32 s19, $0x10;
	v2 =	vsel vm1, $0xFFFBF800, v2;
	v3 =	vand.u32 $0xFFFFFC00, v1  }
0xa8: {  	v1 =	vand.u32 $0x7F, v1;
	v2 =	vadd.s32 v3, v2;
	v3 =	vmov s19  }
0xa9: {  	v1 =	vor.u32 v1, v2;
	vm1 =	vgt.u32 v3, v0  }
0xaa: {  	v2 =	vnsel vm1, $0x7FFFFFFF, v1;
	v3 =	vor.u32 $0x80, v1;
	v4 =	vor.u32 $0x100, v1  }
0xab: {  	v5 =	vor.u32 $0x180, v1;
	v6 =	vor.u32 $0x200, v1;
	v7 =	vor.u32 $0x280, v1;
	(ifvalue) =	ssetifvalue $0x7FFFFFFF  }
0xac: {  	v8 =	vor.u32 $0x300, v1;
	v9 =	vor.u32 $0x380, v1;
	v10 =	vadd.s32 $0x400, v1;
	(ifvalue) =	ssetifvalue $0x7FFFFFFF  }
0xad: {  	v11 =	vadd.s32 $0x480, v1;
	v12 =	vadd.s32 $0x500, v1;
	v3 =	vnsel vm1, $0x7FFFFFFF, v3  }
0xae: {  	s19 =	sadd.s32 s23, s18;
	v13 =	vadd.s32 $0x580, v1;
	v14 =	vadd.s32 $0x600, v1;
	v15 =	vadd.s32 $0x680, v1  }
0xaf: {  	[tilespmem:s19], [sflag:$0x1] =	stream.indirect_vreg.gather [hbm4b:s4+s11], $0x1, v2, vm0, $0x4038;
	v2 =	vadd.s32 $0x700, v1;
	v1 =	vadd.s32 $0x780, v1;
	[tilespmem:$0x1100] =	vst v63  }
0xb0: {  	v4 =	vnsel vm1, $0x7FFFFFFF, v4;
	(ifvalue) =	ssetifvalue $0x7FFFFFFF  }
0xb1: {  	s23 =	sadd.s32 $0x80, s19;
	(ifvalue) =	ssetifvalue $0x7FFFFFFF  }
0xb2: {  	[tilespmem:s23], [sflag:$0x1] =	stream.indirect_vreg.gather [hbm4b:s4+s11], $0x1, v3, vm0, $0x4038;
	[tilespmem:$0x1100] =	vst v63  }
0xb3: {  	v3 =	vnsel vm1, $0x7FFFFFFF, v5;
	(ifvalue) =	ssetifvalue $0x7FFFFFFF  }
0xb4: {  	s23 =	sadd.s32 $0x100, s19;
	(ifvalue) =	ssetifvalue $0x7FFFFFFF  }
0xb5: {  	[tilespmem:s23], [sflag:$0x1] =	stream.indirect_vreg.gather [hbm4b:s4+s11], $0x1, v4, vm0, $0x4038;
	[tilespmem:$0x1100] =	vst v63  }
0xb6: {  	v4 =	vnsel vm1, $0x7FFFFFFF, v6;
	(ifvalue) =	ssetifvalue $0x7FFFFFFF  }
0xb7: {  	s23 =	sadd.s32 $0x180, s19;
	(ifvalue) =	ssetifvalue $0x7FFFFFFF  }
0xb8: {  	[tilespmem:s23], [sflag:$0x1] =	stream.indirect_vreg.gather [hbm4b:s4+s11], $0x1, v3, vm0, $0x4038;
	[tilespmem:$0x1100] =	vst v63  }
0xb9: {  	v3 =	vnsel vm1, $0x7FFFFFFF, v7;
	(ifvalue) =	ssetifvalue $0x7FFFFFFF  }
0xba: {  	s23 =	sadd.s32 $0x200, s19;
	(ifvalue) =	ssetifvalue $0x7FFFFFFF  }
0xbb: {  	[tilespmem:s23], [sflag:$0x1] =	stream.indirect_vreg.gather [hbm4b:s4+s11], $0x1, v4, vm0, $0x4038;
	[tilespmem:$0x1100] =	vst v63  }
0xbc: {  	v4 =	vnsel vm1, $0x7FFFFFFF, v8;
	(ifvalue) =	ssetifvalue $0x7FFFFFFF  }
0xbd: {  	s23 =	sadd.s32 $0x280, s19;
	(ifvalue) =	ssetifvalue $0x7FFFFFFF  }
0xbe: {  	[tilespmem:s23], [sflag:$0x1] =	stream.indirect_vreg.gather [hbm4b:s4+s11], $0x1, v3, vm0, $0x4038;
	[tilespmem:$0x1100] =	vst v63  }
0xbf: {  	v3 =	vnsel vm1, $0x7FFFFFFF, v9;
	(ifvalue) =	ssetifvalue $0x7FFFFFFF  }
0xc0: {  	s23 =	sadd.s32 $0x300, s19;
	(ifvalue) =	ssetifvalue $0x7FFFFFFF  }
0xc1: {  	[tilespmem:s23], [sflag:$0x1] =	stream.indirect_vreg.gather [hbm4b:s4+s11], $0x1, v4, vm0, $0x4038;
	[tilespmem:$0x1100] =	vst v63  }
0xc2: {  	v4 =	vnsel vm1, $0x7FFFFFFF, v10;
	(ifvalue) =	ssetifvalue $0x7FFFFFFF  }
0xc3: {  	s23 =	sadd.s32 $0x380, s19;
	(ifvalue) =	ssetifvalue $0x7FFFFFFF  }
0xc4: {  	[tilespmem:s23], [sflag:$0x1] =	stream.indirect_vreg.gather [hbm4b:s4+s11], $0x1, v3, vm0, $0x4038;
	[tilespmem:$0x1100] =	vst v63  }
0xc5: {  	v3 =	vnsel vm1, $0x7FFFFFFF, v11;
	(ifvalue) =	ssetifvalue $0x7FFFFFFF  }
0xc6: {  	s23 =	sadd.s32 $0x400, s19;
	(ifvalue) =	ssetifvalue $0x7FFFFFFF  }
0xc7: {  	[tilespmem:s23], [sflag:$0x1] =	stream.indirect_vreg.gather [hbm4b:s4+s11], $0x1, v4, vm0, $0x4038;
	[tilespmem:$0x1100] =	vst v63  }
0xc8: {  	v4 =	vnsel vm1, $0x7FFFFFFF, v12;
	(ifvalue) =	ssetifvalue $0x7FFFFFFF  }
0xc9: {  	s23 =	sadd.s32 $0x480, s19;
	(ifvalue) =	ssetifvalue $0x7FFFFFFF  }
0xca: {  	[tilespmem:s23], [sflag:$0x1] =	stream.indirect_vreg.gather [hbm4b:s4+s11], $0x1, v3, vm0, $0x4038;
	[tilespmem:$0x1100] =	vst v63  }
0xcb: {  	v3 =	vnsel vm1, $0x7FFFFFFF, v13;
	(ifvalue) =	ssetifvalue $0x7FFFFFFF  }
0xcc: {  	s23 =	sadd.s32 $0x500, s19;
	(ifvalue) =	ssetifvalue $0x7FFFFFFF  }
0xcd: {  	[tilespmem:s23], [sflag:$0x1] =	stream.indirect_vreg.gather [hbm4b:s4+s11], $0x1, v4, vm0, $0x4038;
	[tilespmem:$0x1100] =	vst v63  }
0xce: {  	v4 =	vnsel vm1, $0x7FFFFFFF, v14;
	(ifvalue) =	ssetifvalue $0x7FFFFFFF  }
0xcf: {  	s23 =	sadd.s32 $0x580, s19;
	(ifvalue) =	ssetifvalue $0x7FFFFFFF  }
0xd0: {  	[tilespmem:s23], [sflag:$0x1] =	stream.indirect_vreg.gather [hbm4b:s4+s11], $0x1, v3, vm0, $0x4038;
	[tilespmem:$0x1100] =	vst v63  }
0xd1: {  	v3 =	vnsel vm1, $0x7FFFFFFF, v15;
	(ifvalue) =	ssetifvalue $0x7FFFFFFF  }
0xd2: {  	s23 =	sadd.s32 $0x600, s19;
	(ifvalue) =	ssetifvalue $0x7FFFFFFF  }
0xd3: {  	[tilespmem:s23], [sflag:$0x1] =	stream.indirect_vreg.gather [hbm4b:s4+s11], $0x1, v4, vm0, $0x4038;
	[tilespmem:$0x1100] =	vst v63  }
0xd4: {  	v2 =	vnsel vm1, $0x7FFFFFFF, v2;
	(ifvalue) =	ssetifvalue $0x7FFFFFFF  }
.Ltmp3:
0xd5: {  	s23 =	sadd.s32 $0x680, s19;
	(ifvalue) =	ssetifvalue $0x7FFFFFFF;
	(pc) =	sbr.rel @p1 .LBB2_3-.Ltmp3, $4  }
0xd6: {  	[tilespmem:s23], [sflag:$0x1] =	stream.indirect_vreg.gather [hbm4b:s4+s11], $0x1, v3, vm0, $0x4038;
	[tilespmem:$0x1100] =	vst v63  }
0xd7: {  	s24 =	smov.u32 s22;
	v1 =	vnsel vm1, $0x7FFFFFFF, v1;
	(ifvalue) =	ssetifvalue $0x7FFFFFFF  }
0xd8: {  	s20 =	sadd.s32 $0xFFFFFFF0, s20;
	s23 =	sadd.s32 $0x700, s19;
	(ifvalue) =	ssetifvalue $0x7FFFFFFF  }
0xd9: {  	[tilespmem:s23], [sflag:$0x1] =	stream.indirect_vreg.gather [hbm4b:s4+s11], $0x1, v2, vm0, $0x4038;
	[tilespmem:$0x1100] =	vst v63  }
.Ltmp4:
0xda: {  	_ = 	snop;
	(pc) =	sbr.rel .LBB2_4-.Ltmp4, $1  }
0xdb: {  	_ =	sdelay $0x3  }
.LBB2_6:
0xdc: {  	_ =	sfence.sel $0x180000  }
0xdd: {  	s2 =	simm.s32 $0x2;
	[bflag:$0x0] =	sbarrier.arrive $0xFFFF  }
0xde: {  	s30 =	simm.s32 $0x3;
	[sflag:s2] =	ssyncpa.u1 $0x1  }
0xdf: {  	s31 =	simm.s32 $0x1;
	[sflag:s30] =	ssyncpa.u1 $0x1  }
0xe0: {  	[sflag:s31] =	ssyncpa.u1 $0x1  }
0xe1: {  	p0 =	sne.s32 s1, $0x0;
	_ =	strace $0x9000004A  }
0xe2: {  	s0 =	sadd.s32 @!p0 $0x100000, s0;
	[bflag:$0x2] =	sbarrier.arrive $0xFFFF  }
0xe3: {  	[sflag:s0] =	ssyncadd.tile.s32 @!p0 $0x1;
	_ =	shalt  }
.Lfunc_end2:
_tile_overlayer_lowered:
.L_overlay_start_2:
0xe4: {  	(tag) =	ssettag $0x2  }
0xe5: {  	s0 =	rddreg [dreg:$0x0];
	s2 =	stileid.u32  }
0xe6: {  	s1 =	rddreg [dreg:$0x1];
	p0 =	sne.s32 s2, $0x0  }
0xe7: {  	s3 =	rddreg [dreg:$0x2];
	[bflag:$0x3] =	sbarrier.arrive $0xFFFF;
	s2 =	simm.s32 @!p0 $0x1C01  }
0xe8: {  	[timem:s3], [sflag:s2] =	dma.local @!p0 [hbm:s0], s1  }
0xe9: {  	s0 =	simm.s32 @!p0 $0x1  }
0xea: {  	_ =	swait.ge @!p0 [sflag:s0], s1  }
0xeb: {  	s1 =	ssub.s32 @!p0 $0x0, s1;
	[sflag:s0] =	ssyncset.done @!p0 $0x0  }
0xec: {  	[sflag:s0] =	ssyncadd.s32 @!p0 s1  }
0xed: {  	[bflag:$0x3] =	sbarrier.arrive $0xFFFF  }
0xee: {  	_ =	shalt  }

// kernel: scatter_offload_async_start
scs
__scs_entry_jumppad:
0x0: {  	(pc) =	sbr.rel $0x88, $3  }
0x1: {  	(tag) =	ssettag $0x0;
	lr =	simm.s32 $0x1  }
0x2: {  	[smem:$0x3F9E] =	sst lr;
	_ =	strace $0xD0000000  }
0x3: {  	_ = 	snop  }
0x4: {  	_ = 	snop  }
0x5: {  	_ = 	snop  }
0x6: {  	_ = 	snop  }
0x7: {  	_ = 	snop  }
__scs_overlays_trampoline_lowered:
0x8: {  	[smem:$0x3FAD] =	sst s0  }
0x9: {  	[smem:$0x3FAE] =	sst s1  }
0xa: {  	[smem:$0x3FAF] =	sst s2  }
0xb: {  	[smem:$0x3FB0] =	sst s3  }
0xc: {  	[smem:$0x3FB1] =	sst s4  }
0xd: {  	[smem:$0x3FB2] =	sst s5  }
0xe: {  	[smem:$0x3FB3] =	sst s6  }
0xf: {  	[smem:$0x3FB4] =	sst s7  }
0x10: {  	[smem:$0x3FB5] =	sst s8  }
0x11: {  	[smem:$0x3FB6] =	sst s9;
	s0 =	simm.s32 @!p0 $0x0  }
0x12: {  	s1 =	sld [smem:$0x3F9C];
	s0 =	simm.s32 @p0 $0x1  }
0x13: {  	[smem:$0x3FB7] =	sst s0;
	s0 =	simm.s32 @!p1 $0x0  }
0x14: {  	s2 =	sld [smem:$0x3F9B];
	s0 =	simm.s32 @p1 $0x1  }
0x15: {  	[smem:$0x3FB8] =	sst s0;
	s0 =	simm.s32 @!p2 $0x0  }
0x16: {  	s3 =	sld [smem:$0x3FDB];
	s0 =	simm.s32 @p2 $0x1  }
0x17: {  	s4 =	simm.s32 $0x1BF5;
	[smem:$0x3FBA] =	sst s0  }
0x18: {  	s0 =	sld [smem:$0x3F9D];
	_ =	swait.ge [sflag:s4], $0x0  }
0x19: {  	s7 =	sld [smem:$0x3F9E]  }
0x1a: {  	s8 =	sadd.s32 $0xFFFFE003, lr  }
0x1b: {  	s9 =	sadd.s32 $0xFFFFFEF7, lr;
	s5 =	simm.s32 $0xFFFFFFFF;
	p2 =	slt.u32 s8, $0xFFFFF086  }
0x1c: {  	p1 =	slt.u32 s9, $0xF7A;
	s5 =	simm.s32 @!p2 $0x0  }
0x1d: {  	s5 =	simm.s32 @p1 $0x1;
	p0 =	seq.s32 s7, s2  }
0x1e: {  	s7 =	smul.u32 @!p0 $0xF7A, s2;
	p2 =	seq.s32 @!p0 s5, $0x0  }
0x1f: {  	s9 =	smul.u32 $0xF7A, s1;
	s8 =	simm.s32 @!p0 $0x1BF5;
	p2 =	por !p2, p0  }
0x20: {  	[sflag:s8] =	ssyncset.s32 @!p0 $0xFFFFF086;
	s6 =	sadd.s32 @!p0 s3, s7;
	s7 =	simm.s32 @!p0 $0x108  }
0x21: {  	s3 =	sadd.s32 s3, s9;
	s6 =	sadd.s32 @!p0 $0x88, s6;
	s7 =	simm.s32 @p2 $0x1082  }
0x22: {  	[simem:s7], [sflag:s8] =	dma.local @!p0 [hbm:s6], $0xF7A  }
0x23: {  	s9 =	sor.u32 $0xD0000000, s2;
	s6 =	simm.s32 $0x108;
	_ =	swait.ge @!p0 [sflag:s8], $0x0  }
0x24: {  	s3 =	sadd.s32 $0x88, s3;
	s6 =	simm.s32 @!p1 $0x1082;
	[sflag:s4] =	ssyncset.s32 $0xFFFFF086  }
0x25: {  	[simem:s6], [sflag:s4] =	dma.local [hbm:s3], $0xF7A  }
0x26: {  	[smem:$0x3F9E] =	sst s1;
	(tag) =	ssettag s2;
	_ =	strace s9  }
0x27: {  	s1 =	sld [smem:$0x3FAE]  }
0x28: {  	s2 =	sld [smem:$0x3FAF]  }
0x29: {  	s4 =	sld [smem:$0x3FB1]  }
0x2a: {  	p0 =	seq.s32 s5, $0x0;
	s5 =	sld [smem:$0x3FB2]  }
0x2b: {  	s6 =	sld [smem:$0x3FB3]  }
0x2c: {  	s7 =	sld [smem:$0x3FB4]  }
0x2d: {  	s3 =	simm.s32 $0x108;
	s8 =	sld [smem:$0x3FB5]  }
0x2e: {  	s3 =	simm.s32 @!p0 $0x1082;
	s9 =	sld [smem:$0x3FB6]  }
0x2f: {  	lr =	sadd.s32 s0, s3;
	s0 =	sld [smem:$0x3FAD]  }
0x30: {  	s3 =	sld [smem:$0x3FB0]  }
0x31: {  	[smem:$0x3FB9] =	sst s10  }
0x32: {  	s10 =	sld [smem:$0x3FB7];
	_ =	sdelay $0x3  }
0x33: {  	p0 =	seq.s32 s10, $0x1;
	s10 =	sld [smem:$0x3FB9];
	_ =	sdelay $0x3  }
0x34: {  	[smem:$0x3FB9] =	sst s10  }
0x35: {  	s10 =	sld [smem:$0x3FB8];
	_ =	sdelay $0x3  }
0x36: {  	p1 =	seq.s32 s10, $0x1;
	s10 =	sld [smem:$0x3FB9];
	_ =	sdelay $0x3  }
0x37: {  	[smem:$0x3FB9] =	sst s10  }
0x38: {  	s10 =	sld [smem:$0x3FBA]  }
0x39: {  	_ = 	snop;
	(pc) =	sbr.ind lr, $3  }
0x3a: {  	_ = 	snop  }
0x3b: {  	_ = 	snop  }
0x3c: {  	p2 =	seq.s32 s10, $0x1;
	s10 =	sld [smem:$0x3FB9]  }
0x3d: {  	_ =	shalt  }
0x3e: {  	_ =	shalt  }
0x3f: {  	_ =	shalt  }
0x40: {  	_ =	shalt  }
0x41: {  	_ =	shalt  }
0x42: {  	_ =	shalt  }
0x43: {  	_ =	shalt  }
0x44: {  	_ =	shalt  }
0x45: {  	_ =	shalt  }
0x46: {  	_ =	shalt  }
0x47: {  	_ =	shalt  }
0x48: {  	_ =	shalt  }
0x49: {  	_ =	shalt  }
0x4a: {  	_ =	shalt  }
0x4b: {  	_ =	shalt  }
0x4c: {  	_ =	shalt  }
0x4d: {  	_ =	shalt  }
0x4e: {  	_ =	shalt  }
0x4f: {  	_ =	shalt  }
0x50: {  	_ =	shalt  }
0x51: {  	_ =	shalt  }
0x52: {  	_ =	shalt  }
0x53: {  	_ =	shalt  }
0x54: {  	_ =	shalt  }
0x55: {  	_ =	shalt  }
0x56: {  	_ =	shalt  }
0x57: {  	_ =	shalt  }
0x58: {  	_ =	shalt  }
0x59: {  	_ =	shalt  }
0x5a: {  	_ =	shalt  }
0x5b: {  	_ =	shalt  }
0x5c: {  	_ =	shalt  }
0x5d: {  	_ =	shalt  }
0x5e: {  	_ =	shalt  }
0x5f: {  	_ =	shalt  }
0x60: {  	_ =	shalt  }
0x61: {  	_ =	shalt  }
0x62: {  	_ =	shalt  }
0x63: {  	_ =	shalt  }
0x64: {  	_ =	shalt  }
0x65: {  	_ =	shalt  }
0x66: {  	_ =	shalt  }
0x67: {  	_ =	shalt  }
0x68: {  	_ =	shalt  }
0x69: {  	_ =	shalt  }
0x6a: {  	_ =	shalt  }
0x6b: {  	_ =	shalt  }
0x6c: {  	_ =	shalt  }
0x6d: {  	_ =	shalt  }
0x6e: {  	_ =	shalt  }
0x6f: {  	_ =	shalt  }
0x70: {  	_ =	shalt  }
0x71: {  	_ =	shalt  }
0x72: {  	_ =	shalt  }
0x73: {  	_ =	shalt  }
0x74: {  	_ =	shalt  }
0x75: {  	_ =	shalt  }
0x76: {  	_ =	shalt  }
0x77: {  	_ =	shalt  }
0x78: {  	_ =	shalt  }
0x79: {  	_ =	shalt  }
0x7a: {  	_ =	shalt  }
0x7b: {  	_ =	shalt  }
0x7c: {  	_ =	shalt  }
0x7d: {  	_ =	shalt  }
0x7e: {  	_ =	shalt  }
0x7f: {  	_ =	shalt  }
0x80: {  	_ =	shalt  }
0x81: {  	_ =	shalt  }
0x82: {  	_ =	shalt  }
0x83: {  	_ =	shalt  }
0x84: {  	_ =	shalt  }
0x85: {  	_ =	shalt  }
0x86: {  	_ =	shalt  }
0x87: {  	_ =	shalt  }
.Lfunc_end0:
.L_simem_size_0:
called_computation_lowered:
.L_overlay_start_0:
0x88: {  	s0 =	sld [smem:$0x3FD9]  }
0x89: {  	s1 =	sld [smem:$0x3FFE];
	_ =	sdelay $0x3  }
0x8a: {  	s0 =	sadd.s32 s1, s0  }
0x8b: {  	[smem:$0x3FC5] =	sst s0  }
0x8c: {  	_ = 	snop  }
0x8d: {  	s0 =	sld [smem:$0x3FD0];
	(tm) =	ssettm $0x1  }
0x8e: {  	s16 =	sld [smem:$0x3FFB];
	_ =	sdelay $0x3  }
0x8f: {  	_ =	strace s16  }
0x90: {  	s1 =	sld [smem:$0x3FFC];
	_ =	sdelay $0x3  }
0x91: {  	_ =	strace s1  }
0x92: {  	s1 =	sld [smem:$0x3FFD];
	_ =	sdelay $0x3  }
0x93: {  	_ =	strace s1  }
0x94: {  	_ =	strace $0x8FFFFFFF  }
0x95: {  	s17 =	sld [smem:$0x3FDB];
	_ =	sdelay $0x1  }
0x96: {  	s2 =	simm.s32 $_scs_section_size  }
0x97: {  	s3 =	simm.s32 $_size__tile_overlayer_lowered;
	s4 =	simm.s32 $_tile_overlayer_lowered  }
0x98: {  	s20 =	simm.s32 $0x1BFF;
	s19 =	sshll.u32 s4, $0x1;
	s1 =	sadd.s32 s2, s17  }
0x99: {  	s5 =	simm.s32 $0x0;
	s18 =	sshll.u32 s3, $0x1;
	s3 =	sadd.s32 s19, s1  }
0x9a: {  	[timem:s5], [sflag:s20] =	dma.local [hbm:s3], s18  }
0x9b: {  	_ =	swait.ge [sflag:s20], s18  }
0x9c: {  	s2 =	ssub.s32 $0x0, s18;
	[sflag:s20] =	ssyncset.done $0x0  }
0x9d: {  	[sflag:s20] =	ssyncadd.s32 s2;
	_ =	sdelay $0x1  }
0x9e: {  	s21 =	simm.s32 $0x1B8B  }
0x9f: {  	_ =	swait.ge [sflag:s21], $0x1  }
0xa0: {  	[sflag:s21] =	ssyncset.done $0x0  }
0xa1: {  	s23 =	simm.s32 $0x1B8E;
	s22 =	sld [smem:$0x3FFE];
	[sflag:s21] =	ssyncadd.s32 $0xFFFFFFFF  }
0xa2: {  	s24 =	simm.s32 $execute0_lowered;
	[smem:$0x3FD2] =	sst s23  }
0xa3: {  	s3 =	sshll.u32 s24, $0x1;
	_ =	strace $0x80000046;
	[dreg:$0x1] =	wrdreg $0xFFFFFFFF  }
0xa4: {  	s25 =	simm.s32 $_size_execute0_lowered;
	s1 =	sadd.s32 s1, s3;
	[dreg:$0x0] =	wrdreg $0x0  }
0xa5: {  	s3 =	sshll.u32 s25, $0x1;
	[dreg:$0x2] =	wrdreg s1  }
0xa6: {  	[dreg:$0x3] =	wrdreg s3  }
0xa7: {  	[dreg:$0x4] =	wrdreg $0xC0  }
0xa8: {  	_ =	task [dreg:s5], $0x5FFFF  }
0xa9: {  	[dreg:$0x1] =	wrdreg $0xFFFFFFFF  }
0xaa: {  	[dreg:$0x0] =	wrdreg $0x60  }
0xab: {  	[dreg:$0x2] =	wrdreg s22  }
0xac: {  	[dreg:$0x3] =	wrdreg s0  }
0xad: {  	[dreg:$0x4] =	wrdreg $0x9  }
0xae: {  	_ =	task.clear_ibuf [dreg:s5], $0x5FFFF;
	_ =	strace $0x90000046  }
0xaf: {  	s26 =	simm.s32 $0x9;
	_ =	strace $0x80000048  }
0xb0: {  	_ =	swait.ge [sflag:s26], $0x1  }
0xb1: {  	[sflag:s26] =	ssyncadd.s32 $0xFFFFFFFF  }
0xb2: {  	_ =	strace $0x90000048  }
0xb3: {  	_ =	sfence  }
0xb4: {  	s28 =	sld [smem:$0x0];
	_ =	sdelay $0x1  }
0xb5: {  	s29 =	srdreg.scid  }
0xb6: {  	s30 =	sshll.u32 s29, $0xD;
	s31 =	sshrl.u32 s29, $0x2  }
0xb7: {  	s2 =	sand.u32 $0x4000, s30;
	s1 =	sand.u32 $0x1, s29;
	s0 =	sadd.s32 s31, s28  }
0xb8: {  	s1 =	sor.u32 s2, s1;
	s0 =	sshll.u32 s0, $0x11  }
0xb9: {  	s0 =	sor.u32 s0, s1  }
0xba: {  	s0 =	sadd.s32 $0x8F2B, s0  }
0xbb: {  	[sflag:s0] =	ssyncadd.remote.s32 $0x1  }
0xbc: {  	_ =	sfence.sel $0xFFFF  }
0xbd: {  	[dreg:$0x0] =	wrdreg $0xFFFFFFFF;
	(pc) =	sbr.abs _section_cstart, $3  }
0xbe: {  	[dreg:$0x1] =	wrdreg $0xFFFFFFFF  }
0xbf: {  	_ =	task.clear_ibuf [dreg:s5], $0x2FFFF;
	_ =	strace $0x9FFFFFFF  }
0xc0: {  	(tm) =	ssettm $0x7FFFFFFF  }
0xc1: {  	_ =	shalt  }
tec
execute0_lowered:
.L_overlay_start_1:
0x0: {  	(tag) =	ssettag $0x1  }
0x1: {  	s0 =	rddreg [dreg:$0x0]  }
0x2: {  	s14 =	stileid.u32;
	_ =	strace $0x80000047;
	s2 =	simm.s32 $0x1  }
0x3: {  	v1 =	vimm.s32 $0xFFFFFFFF;
	s1 =	smin.u32 s14, $0x9;
	[sflag:s2] =	ssyncpa.u1 $0x0  }
0x4: {  	v0 =	vimm.s32 $0x7FFFFFFF;
	s1 =	sadd.s32 s14, s1;
	[tilespmem:$0x10] =	vst v1  }
0x5: {  	p0 =	slt.u32 s14, $0x9;
	[tilespmem:$0x20] =	vst v1;
	s4 =	smul.u32 $0xFA0, s1;
	s1 =	simm.s32 $0x1F40  }
0x6: {  	[tilespmem:$0x30] =	vst v0;
	s1 =	simm.s32 @!p0 $0xFA0  }
0x7: {  	[tilespmem:$0x40] =	vst v0;
	s1 =	sadd.s32 s1, s4  }
0x8: {  	[tilespmem:$0x50] =	vst v0;
	s5 =	smin.u32 s1, $0x186A0  }
0x9: {  	s7 =	simm.s32 $0x2;
	s8 =	simm.s32 $0x8;
	[tilespmem:$0x60] =	vst v1;
	s3 =	ssub.s32 s5, s4  }
0xa: {  	s31 =	simm.s32 $0x9;
	s16 =	simm.s32 $0x0;
	[tilespmem:$0x70] =	vst v1;
	p0 =	sgt.s32 s3, $0x0  }
0xb: {  	s17 =	simm.s32 $0xF0;
	s18 =	simm.s32 $0xFFFFFFFF;
	[tilespmem:$0x80] =	vst v1;
	s3 =	simm.s32 @!p0 $0x0  }
0xc: {  	s19 =	simm.s32 $0xFFFFE1C0;
	s20 =	simm.s32 $0xFFFFFFFE;
	v1 =	vimm.s32 $0x0;
	[tilespmem:$0xB0] =	vst v0;
	s30 =	smulhi.u32 $0x10624DD3, s3  }
0xd: {  	s21 =	simm.s32 $0xF;
	s25 =	simm.s32 $0x0;
	s24 =	simm.s32 $0x0;
	[tilespmem:$0x90] =	vst v1  }
0xe: {  	[tilespmem:$0xA0] =	vst v1;
	[sflag:s7] =	ssyncpa.u1 $0x0;
	s7 =	simm.s32 $0x7;
	s9 =	sshrl.u32 s30, $0x8  }
0xf: {  	s6 =	sadd.s32 $0x3400, s0;
	[sflag:s7] =	ssyncpa.u1 $0x0;
	s10 =	smul.u32 $0xFA0, s9  }
.Ltmp0:
0x10: {  	[sflag:s8] =	ssyncpa.u1 $0x0;
	s23 =	smov.u32 s4;
	(pc) =	sbr.rel .LBB2_1-.Ltmp0, $4  }
0x11: {  	s1 =	sadd.s32 $0x6600, s0;
	[sflag:s31] =	ssyncpa.u1 $0x0;
	p0 =	sne.s32 s3, s10  }
0x12: {  	s10 =	sshll.u32 s14, $0x1;
	s14 =	sshllo.u32 s14, $0x1;
	s2 =	simm.s32 @!p0 $0x0  }
0x13: {  	vm0 =	vmmov $0xffff;
	v2 =	vlaneseq.u32;
	s13 =	sor.u32 $0x81, s10;
	s15 =	sor.u32 $0x80, s10;
	s9 =	sadd.s32 s2, s9  }
0x14: {  	vm1 =	vmxor vm1, vm1;
	vm2 =	vmmov $0x1;
	vm3 =	vcmask $0x3F3C;
	p0 =	por $0x0, $0x0;
	s11 =	sadd.s32 $0x1, s9;
	s12 =	sadd.s32 $0x2, s9  }
.LBB2_9:
0x15: {  	p1 =	slt.u32 s24, $0x3  }
0x16: {  	s0 =	simm.s32 @!p1 $0x2  }
0x17: {  	_ =	swait.ge @!p1 [sflag:s0], $0xFA0  }
0x18: {  	[sflag:s0] =	ssyncset.done @!p1 $0x0  }
0x19: {  	[sflag:s0] =	ssyncadd.s32 @!p1 $0xFFFFF060;
	s0 =	simm.s32 @!p1 $0x9  }
0x1a: {  	_ =	swait.ge @!p1 [sflag:s0], $0x10  }
0x1b: {  	[sflag:s0] =	ssyncset.done @!p1 $0x0  }
0x1c: {  	[sflag:s0] =	ssyncadd.s32 @!p1 $0xFFFFFFF0;
	p1 =	sne.s32 s24, s12  }
.Ltmp1:
0x1d: {  	s2 =	sadd.s32 $0xFA0, s23;
	(pc) =	sbr.rel @!p1 .LBB2_10-.Ltmp1, $4  }
0x1e: {  	s3 =	smov.u32 s4;
	s31 =	sadd.s32 $0x1, s24;
	s17 =	sadd.s32 $0xFA0, s17  }
0x1f: {  	s18 =	sadd.s32 $0x1, s18;
	s25 =	smov.u32 s23;
	p2 =	slt.s32 s2, s5  }
0x20: {  	p0 =	por !p0, !p0;
	s19 =	sadd.s32 $0xFA0, s19;
	s3 =	smov.u32 @p2 s2  }
0x21: {  	s20 =	sadd.s32 $0x1, s20;
	s23 =	smov.u32 s3;
	s24 =	smov.u32 s31  }
.LBB2_1:
0x22: {  	p1 =	sge.u32 s24, s9  }
0x23: {  	s0 =	smulhi.u32 @!p1 $0xAAAAAAAB, s24;
	_ =	sdelay $0x1  }
0x24: {  	s0 =	sshrl.u32 @!p1 s0, $0x1  }
0x25: {  	s0 =	smul.u32 @!p1 $0x3, s0;
	_ =	sdelay $0x1  }
0x26: {  	s0 =	ssub.s32 @!p1 s24, s0  }
0x27: {  	s0 =	smul.u32 @!p1 $0x3E80, s0;
	_ =	sdelay $0x1  }
0x28: {  	s3 =	rddreg [dreg:$0x1];
	s2 =	sshrl.u32 @!p1 s23, $0x3;
	s0 =	sshrl.u32 @!p1 s0, $0x2  }
0x29: {  	s2 =	sadd.s32 @!p1 s3, s2;
	s3 =	sand.u32 @!p1 $0x7, s23;
	s0 =	sadd.s32 @!p1 $0x100, s0  }
0x2a: {  	[tilespmem:s0], [sflag:$0x7] =	stream.linear.gather @!p1 [hbm4b:s2+s3], $0xFA0, $0x38;
	[tilespmem:$0x8DC0] =	vst v63  }
0x2b: {  	s0 =	sadd.s32 $0xFFFFFFFF, s24  }
0x2c: {  	p1 =	sge.u32 s0, s9  }
.Ltmp2:
0x2d: {  	_ = 	snop;
	(pc) =	sbr.rel @p1 .LBB2_5-.Ltmp2, $1  }
0x2e: {  	_ =	sdelay $0x3  }
0x2f: {  	s2 =	smulhi.u32 $0xAAAAAAAB, s0;
	_ =	sdelay $0x1  }
0x30: {  	s2 =	sshrl.u32 s2, $0x1  }
0x31: {  	s2 =	smul.u32 $0x3, s2;
	_ =	sdelay $0x1  }
0x32: {  	s2 =	ssub.s32 s0, s2  }
0x33: {  	s2 =	smul.u32 $0x3E80, s2  }
0x34: {  	_ =	swait.ge [sflag:s7], $0xFA0  }
0x35: {  	[sflag:s7] =	ssyncset.done $0x0;
	s2 =	sshrl.u32 s2, $0x2  }
0x36: {  	[sflag:s7] =	ssyncadd.s32 $0xFFFFF060;
	(ifvalue) =	ssetifvalue $0xFFFFFFFF;
	v3 =	vld.msk [tilespmem:s2+$0x100 ss:$0x1], $0xffff;
	_ =	sdelay $0x2  }
0x37: {  	s30 =	smulhi.u32 $0xAAAAAAAB, s18;
	p1 =	sne.s32 s24, $0x1  }
0x38: {  	v4 =	vimm.s32 @!p1 $0x0  }
0x39: {  	s2 =	sshrl.u32 s30, $0x1;
	v4 =	vperm.xlane @!p1 v3, v4  }
0x3a: {  	s3 =	sshll.u32 s24, $0x4;
	s2 =	smul.u32 $0xFFFF4480, s2;
	vm4 =	vlt.u32 v3, $0x200000  }
0x3b: {  	s3 =	sand.u32 $0x10, s3;
	v3 =	vnsel vm4, $0xFFFFFFFE, v3;
	vm4 =	vlt.u32 @!p1 v4, $0x200000  }
0x3c: {  	s2 =	sshra.s32 s2, $0x2;
	[tilespmem:s3+$0x60] =	vst v3;
	v3 =	vnsel @!p1 vm4, $0xFFFFFFFE, v4  }
0x3d: {  	s26 =	sadd.s32 s2, s17;
	[tilespmem:$0x80] =	vst @!p1 v3  }
0x3e: {  	v3 =	vld.msk [tilespmem:s26+$0x0 ss:$0x1], $0xffff;
	_ =	sdelay $0x4  }
0x3f: {  	(xrf1) =	vunique.msk.u32 $0xffff, v3;
	_ =	sdelay $0xd  }
0x40: {  	v4 =	vimm.s32 $0xFFFFFFFF;
	v5, _, _ =	vpop (xrf1)  }
0x41: {  	vm5 =	vne.s32 v3, v4;
	vm4 =	veq.s32 v5, v2  }
0x42: {  	vm6 =	vlt.u32 v3, $0x200000;
	vm4 =	vmand vm5, vm4  }
0x43: {  	vm4 =	vmand vm6, vm4  }
0x44: {  	v4 =	vnsel vm4, $0xFFFFFFFF, v3  }
0x45: {  	s31 =	sand.u32 $0x1, s0  }
0x46: {  	s0 =	simm.s32 $0xFA0;
	p1 =	seq.s32 s31, $0x1  }
0x47: {  	s0 =	simm.s32 @!p1 $0x0  }
0x48: {  	s2 =	sadd.s32 $0x3F70, s0;
	(ifvalue) =	ssetifvalue $0xFFFFFFFF  }
0x49: {  	v3 =	vperm.xlane v3, v1;
	[tilespmem:s2], [sflag:$0x8] =	stream.indirect_vreg.gather [hbm4b:s1+s16], $0x1, v4, vm0, $0x4038;
	v4 =	vnsel vm6, $0xFFFFFFFE, v4;
	[tilespmem:$0x8DC0] =	vst v63  }
0x4a: {  	s22 =	sadd.s32 $0xFFFFFFF0, s26;
	s3 =	simm.s32 $0x0;
	[tilespmem:s26+$0x0] =	vst v4  }
.LBB2_3:
0x4b: {  	v4 =	vld.msk [tilespmem:s22+$0x0 ss:$0x1], $0xffff;
	s3 =	sadd.s32 $0x10, s3;
	v5 =	vmov v3;
	s26 =	smov.u32 s22  }
0x4c: {  	p1 =	slt.u32 s3, $0xF90;
	_ =	sdelay $0x4  }
0x4d: {  	v3 =	vperm.xlane v4, v1;
	(xrf1) =	vunique.msk.u32 $0xffff, v4;
	_ =	sdelay $0xd  }
0x4e: {  	v6, _, _ =	vpop (xrf1)  }
0x4f: {  	vm5 =	vne.s32 v4, v5;
	vm4 =	veq.s32 v6, v2  }
0x50: {  	vm6 =	vlt.u32 v4, $0x200000;
	vm4 =	vmand vm5, vm4  }
0x51: {  	vm4 =	vmand vm6, vm4  }
0x52: {  	v4 =	vnsel vm4, $0xFFFFFFFF, v4  }
.Ltmp3:
0x53: {  	v5 =	vnsel vm6, $0xFFFFFFFE, v4;
	(pc) =	sbr.rel @p1 .LBB2_3-.Ltmp3, $3  }
0x54: {  	_ =	sdelay $0x1  }
0x55: {  	s22 =	sadd.s32 $0xFFFFFFF0, s22;
	s2 =	sadd.s32 $0xFFFFFFF0, s2;
	(ifvalue) =	ssetifvalue $0xFFFFFFFF  }
0x56: {  	[tilespmem:s2], [sflag:$0x8] =	stream.indirect_vreg.gather [hbm4b:s1+s16], $0x1, v4, vm0, $0x4038;
	[tilespmem:s26+$0x0] =	vst v5  }
0x57: {  	s2 =	sshrl.u32 s25, $0x3  }
0x58: {  	s0 =	sadd.s32 $0x4F20, s0;
	s2 =	sadd.s32 s6, s2  }
0x59: {  	[tilespmem:s0], [sflag:$0x8] =	stream.linear.gather [hbm:s2], $0xFA0, $0x38;
	[tilespmem:$0x8DC0] =	vst v63  }
.LBB2_5:
0x5a: {  	p1 =	slt.u32 s24, $0x2  }
0x5b: {  	p2 =	sge.u32 @!p1 s24, s12  }
0x5c: {  	p1 =	por p1, p2  }
.Ltmp4:
0x5d: {  	_ = 	snop;
	(pc) =	sbr.rel @p1 .LBB2_9-.Ltmp4, $1  }
0x5e: {  	_ =	sdelay $0x3  }
0x5f: {  	s0 =	sadd.s32 $0xFFFFFFFE, s24  }
0x60: {  	s2 =	smulhi.u32 $0xAAAAAAAB, s0;
	_ =	sdelay $0x1  }
0x61: {  	s2 =	sshrl.u32 s2, $0x1  }
0x62: {  	s2 =	smul.u32 $0x3, s2;
	_ =	sdelay $0x1  }
0x63: {  	s0 =	ssub.s32 s0, s2  }
0x64: {  	_ =	swait.ge [sflag:s8], $0x1F40;
	s0 =	smul.u32 $0xFA0, s0  }
0x65: {  	p1 =	sne.s32 s24, s11;
	[sflag:s8] =	ssyncset.done $0x0  }
0x66: {  	[sflag:s8] =	ssyncadd.s32 $0xFFFFE0C0;
	s2 =	sadd.s32 @!p1 $0x109F, s0  }
0x67: {  	[spmem:s13] =	stream.linear.scatter @!p1 [tilespmem:s2], [sflag:$0x1], $0x1, $0x38;
	[tilespmem:$0x8DC0] =	vst v63  }
0x68: {  	s2 =	simm.s32 @!p1 $0x1  }
0x69: {  	_ =	swait.ge @!p1 [sflag:s2], $0x1  }
0x6a: {  	s3 =	sshll.u32 s24, $0x4;
	[sflag:s2] =	ssyncset.done @!p1 $0x0  }
0x6b: {  	s25 =	sand.u32 $0x10, s3;
	[sflag:s2] =	ssyncadd.s32 @!p1 $0xFFFFFFFF  }
0x6c: {  	s2 =	sxor.u32 $0x10, s25;
	v4 =	vld [tilespmem:s25+$0x10]  }
0x6d: {  	v5 =	vld [tilespmem:s2+$0x60]  }
0x6e: {  	v3 =	vld [tilespmem:$0x80];
	_ =	sdelay $0x2  }
0x6f: {  	(v2sf) =	vpush v4, $0x0  }
0x70: {  	(v2sf) =	vpush v5, $0x0  }
0x71: {  	(v2sf) =	vpush v3, $0x0;
	_ =	sdelay $0xc  }
0x72: {  	s26 =	spop (v2sf)  }
0x73: {  	s22 =	spop (v2sf)  }
0x74: {  	s28 =	spop (v2sf)  }
0x75: {  	p3 =	seq.s32 s26, s22;
	p2 =	seq.s32 s28, s26  }
0x76: {  	p2 =	por p3, p2  }
0x77: {  	s26 =	sand.u32 $0x1, s24;
	v4 =	vpsel p2, $0xFFFFFFFF, v4  }
0x78: {  	s29 =	smul.u32 $0xFA0, s26;
	[tilespmem:s25+$0x10] =	vst.msk $0x1, v4  }
0x79: {  	v4 =	vld [tilespmem:$0x30]  }
0x7a: {  	v5 =	vld [tilespmem:s29+$0x4F20]  }
0x7b: {  	v6 =	vld [tilespmem:s25+$0x40];
	_ =	sdelay $0x3  }
0x7c: {  	vm4 =	vmmov vm1;
	vm6 =	vmmov vm2;
	vm5 =	vlt.s32 v4, v5  }
0x7d: {  	vm4 =	vmmov @p3 vm2;
	s3 =	sshll.u32 s26, $0x4;
	v5 =	vsel vm5, v4, v5;
	vm5 =	vlt.s32 v4, v6  }
0x7e: {  	vm6 =	vmmov @p2 vm1;
	s26 =	sor.u32 $0x8DA0, s3;
	v4 =	vsel vm5, v4, v6;
	[tilespmem:s29+$0x4F20] =	vst.msk vm4, v5  }
0x7f: {  	[tilespmem:s26+$0x0] =	vst.msk vm6, v4  }
0x80: {  	v4 =	vld [tilespmem:s29+$0x3F70];
	_ =	sdelay $0x4  }
0x81: {  	v4 =	vshift.insert v4, v1, s21  }
0x82: {  	s22 =	sor.u32 $0x40, s2  }
0x83: {  	v5 =	vimm.s32 $0x7FFFFFFF;
	[tilespmem:s22+$0x0] =	vst.msk $0x1, v4  }
0x84: {  	[tilespmem:s29+$0x3F7F] =	vst.msk $0x1, v5  }
0x85: {  	v4 =	vld [tilespmem:s0+$0x1090];
	_ =	sdelay $0x1  }
0x86: {  	s0 =	simm.s32 $0x1  }
0x87: {  	s22 =	smulhi.u32 $0xAAAAAAAB, s20;
	s0 =	simm.s32 @!p0 $0x0  }
0x88: {  	s0 =	smul.u32 $0x3E80, s0  }
0x89: {  	s3 =	sshrl.u32 s22, $0x1;
	v4 =	vshift.insert v4, v1, s21  }
0x8a: {  	s3 =	smul.u32 $0xFFFF4480, s3;
	s0 =	sshrl.u32 s0, $0x2  }
0x8b: {  	s22 =	sadd.s32 $0x4F20, s0;
	[tilespmem:s2+$0x10] =	vst.msk $0x1, v4  }
0x8c: {  	s3 =	sshra.s32 s3, $0x2;
	v6 =	vld [tilespmem:s22+$0x0]  }
0x8d: {  	s2 =	sadd.s32 s3, s19  }
0x8e: {  	v7 =	vld [tilespmem:s2+$0x0];
	_ =	sdelay $0x2  }
0x8f: {  	vm4 =	vlt.s32 v6, v5  }
0x90: {  	v5 =	vsel vm4, v6, v5  }
0x91: {  	vm4 =	vne.s32 v7, $0xFFFFFFFF;
	v5 =	vxor.u32 $0x80000000, v5  }
0x92: {  	(xrf0) =	vmin.seg.scan.u32 vm4, v5  }
0x93: {  	s3 =	sadd.s32 $0x2FE0, s0  }
0x94: {  	v8 =	vld [tilespmem:s3+$0x0]  }
0x95: {  	v6 =	vld [tilespmem:$0xA0];
	_ =	sdelay $0x2  }
0x96: {  	v5 =	vperm.xlane v4, v1;
	v9, _, _ =	vpop (xrf0)  }
0x97: {  	vm6 =	veq.s32 v7, v3;
	v9 =	vxor.u32 $0x80000000, v9  }
0x98: {  	vm8 =	veq.s32 v7, v5;
	vm5 =	veq.s32 v6, $0x1;
	vm7 =	vlt.s32 v9, v8  }
0x99: {  	vm8 =	vmor vm8, vm6;
	v6 =	vsel vm7, v9, v8;
	vm7 =	vgt.u32 v7, $0xFFFFFFFD  }
0x9a: {  	v10 =	vld [tilespmem:$0x90];
	vm9 =	vmand vm4, vm3;
	vm4 =	vmor vm5, vm6;
	vm5 =	vmor vm8, vm7  }
0x9b: {  	v8 =	vsel vm5, $0xFFFFFFFF, v7;
	_ =	sdelay $0x1  }
0x9c: {  	s31 =	simm.s32 $0x0  }
0x9d: {  	s30 =	sadd.s32 $0x6E60, s0;
	s0 =	sadd.s32 $0x10, s22;
	s2 =	sadd.s32 $0x10, s2;
	v11 =	vsel vm9, $0x7FFFFFFF, v9;
	v6 =	vsel vm6, v9, v6  }
0x9e: {  	s22 =	sadd.s32 $0x10, s30;
	s3 =	sadd.s32 $0x10, s3;
	[tilespmem:s30+$0x0] =	vst v6;
	v6 =	vsel vm6, v9, v10;
	v7 =	vshift.insert v11, v0, s21;
	(ifvalue) =	ssetifvalue $0xFFFFFFFF  }
.LBB2_7:
0x9f: {  	[hbm4b:s1+s16] =	stream.indirect_vreg.scatter [tilespmem:s30], [sflag:$0x2], $0x1, v8, vm0, $0x4038;
	[tilespmem:$0x8DC0] =	vst v63  }
0xa0: {  	s31 =	sadd.s32 $0x10, s31;
	s30 =	smov.u32 s22;
	v8 =	vld [tilespmem:s0+$0x0]  }
0xa1: {  	p2 =	slt.u32 s31, $0xF90  }
0xa2: {  	v9 =	vld [tilespmem:s2+$0x0];
	_ =	sdelay $0x2  }
0xa3: {  	vm5 =	vlt.s32 v8, v7  }
0xa4: {  	v7 =	vsel vm5, v8, v7  }
0xa5: {  	vm5 =	vne.s32 v9, $0xFFFFFFFF;
	v7 =	vxor.u32 $0x80000000, v7  }
0xa6: {  	(xrf0) =	vmin.seg.scan.u32 vm5, v7;
	_ =	sdelay $0x2  }
0xa7: {  	v7 =	vld [tilespmem:s3+$0x0];
	_ =	sdelay $0x1  }
0xa8: {  	vm6 =	veq.s32 v9, v3;
	vm7 =	veq.s32 v9, v5  }
0xa9: {  	vm8 =	vgt.u32 v9, $0xFFFFFFFD;
	vm4 =	vmor vm4, vm6;
	vm7 =	vmor vm7, vm6;
	v8, _, _ =	vpop (xrf0)  }
0xaa: {  	vm5 =	vmand vm5, vm3;
	vm7 =	vmor vm7, vm8;
	v10 =	vxor.u32 $0x80000000, v8  }
.Ltmp5:
0xab: {  	v8 =	vsel vm7, $0xFFFFFFFF, v9;
	vm7 =	vlt.s32 v10, v7;
	v9 =	vsel vm5, $0x7FFFFFFF, v10;
	(pc) =	sbr.rel @p2 .LBB2_7-.Ltmp5, $4  }
0xac: {  	v6 =	vsel vm6, v10, v6;
	v11 =	vsel vm7, v10, v7;
	v7 =	vshift.insert v9, v0, s21  }
0xad: {  	v9 =	vsel vm6, v10, v11  }
0xae: {  	s0 =	sadd.s32 $0x10, s0;
	s2 =	sadd.s32 $0x10, s2;
	[tilespmem:s22+$0x0] =	vst v9  }
0xaf: {  	s3 =	sadd.s32 $0x10, s3;
	s22 =	sadd.s32 $0x10, s22;
	(ifvalue) =	ssetifvalue $0xFFFFFFFF  }
0xb0: {  	_ =	sdelay $0x3  }
0xb1: {  	[hbm4b:s1+s16] =	stream.indirect_vreg.scatter [tilespmem:s30], [sflag:$0x2], $0x1, v8, vm0, $0x4038;
	[tilespmem:$0x8DC0] =	vst v63  }
0xb2: {  	v3 =	vld [tilespmem:s29+$0x7DF0];
	_ =	sdelay $0x4  }
0xb3: {  	v3 =	vshift.insert v3, v1, s21  }
0xb4: {  	s0 =	simm.s32 $0x30  }
0xb5: {  	[tilespmem:s0+$0x0] =	vst.msk $0x1, v3  }
0xb6: {  	v3 =	vsel vm4, $0x1, v1;
	[tilespmem:$0x90] =	vst v6  }
0xb7: {  	s0 =	sadd.s32 @!p1 $0x7DFF, s29;
	[tilespmem:$0xA0] =	vst v3  }
0xb8: {  	[spmem:s14] =	stream.linear.scatter @!p1 [tilespmem:s0], [sflag:$0x1], $0x1, $0x38;
	[tilespmem:$0x8DC0] =	vst v63  }
0xb9: {  	s0 =	simm.s32 @!p1 $0x1  }
0xba: {  	v3 =	vmctz.xlane @!p1 vm4;
	_ =	swait.ge @!p1 [sflag:s0], $0x1  }
0xbb: {  	(v2sf) =	vpush @!p1 v4, $0x0  }
0xbc: {  	(v2sf) =	vpush @!p1 v3, $0x0;
	_ =	sdelay $0xd  }
0xbd: {  	s2 =	spop @!p1 (v2sf)  }
0xbe: {  	s3 =	spop @!p1 (v2sf)  }
0xbf: {  	p2 =	sne.s32 @!p1 s28, s2;
	p3 =	slt.s32 @!p1 s3, $0xF  }
0xc0: {  	[sflag:s0] =	ssyncset.done @!p1 $0x0;
	p2 =	por p2, p1;
	p3 =	por !p3, p1  }
0xc1: {  	[sflag:s0] =	ssyncadd.s32 @!p1 $0xFFFFFFFF;
	v3 =	vimm.s32 @!p2 $0xFFFFFFFF;
	s3 =	simm.s32 @p3 $0xF  }
0xc2: {  	[tilespmem:$0x80] =	vst @!p2 v3;
	s2 =	sadd.s32 @!p1 $0x90, s3  }
0xc3: {  	[spmem:s10] =	stream.linear.scatter @!p1 [tilespmem:s2], [sflag:$0x1], $0x1, $0x38;
	[tilespmem:$0x8DC0] =	vst v63  }
0xc4: {  	_ =	swait.ge @!p1 [sflag:s0], $0x1  }
0xc5: {  	[sflag:s0] =	ssyncset.done @!p1 $0x0  }
0xc6: {  	s2 =	simm.s32 @!p1 $0x80;
	[sflag:s0] =	ssyncadd.s32 @!p1 $0xFFFFFFFF  }
0xc7: {  	[spmem:s15] =	stream.linear.scatter @!p1 [tilespmem:s2], [sflag:$0x1], $0x1, $0x38;
	[tilespmem:$0x8DC0] =	vst v63  }
0xc8: {  	_ =	swait.ge @!p1 [sflag:s0], $0x1  }
0xc9: {  	[sflag:s0] =	ssyncset.done @!p1 $0x0  }
0xca: {  	[sflag:s0] =	ssyncadd.s32 @!p1 $0xFFFFFFFF;
	(ifvalue) =	ssetifvalue $0xFFFFFFFF;
	v3 =	vld [tilespmem:s25+$0x10];
	_ =	sdelay $0x3  }
.Ltmp6:
0xcb: {  	_ = 	snop;
	(pc) =	sbr.rel .LBB2_9-.Ltmp6, $3  }
0xcc: {  	_ =	sdelay $0x1  }
0xcd: {  	(ifvalue) =	ssetifvalue $0xFFFFFFFF  }
0xce: {  	[hbm4b:s1+s16] =	stream.indirect_vreg.scatter [tilespmem:s26], [sflag:$0x9], $0x1, v3, vm0, $0x4038;
	[tilespmem:$0x8DC0] =	vst v63  }
.LBB2_10:
0xcf: {  	_ =	sfence.sel $0x180000  }
0xd0: {  	s0 =	simm.s32 $0x7;
	[bflag:$0x0] =	sbarrier.arrive $0xFFFF  }
0xd1: {  	s26 =	simm.s32 $0x8;
	[sflag:s0] =	ssyncpa.u1 $0x1  }
0xd2: {  	s28 =	simm.s32 $0x9;
	[sflag:s26] =	ssyncpa.u1 $0x1  }
0xd3: {  	[sflag:s28] =	ssyncpa.u1 $0x1  }
0xd4: {  	_ =	sfence.stream.spmem  }
0xd5: {  	s29 =	simm.s32 $0x3;
	[bflag:$0x0] =	sbarrier.arrive $0xFFFF  }
0xd6: {  	s30 =	simm.s32 $0x4;
	[sflag:s29] =	ssyncpa.u1 $0x1  }
0xd7: {  	s31 =	simm.s32 $0x3C;
	s2 =	stileid.u32;
	[sflag:s30] =	ssyncpa.u1 $0x1  }
0xd8: {  	p0 =	sne.s32 s2, $0x0;
	[sflag:s31] =	ssyncpa.u1 $0x1  }
0xd9: {  	s0 =	simm.s32 @p0 $0x1;
	_ =	sfence @p0  }
0xda: {  	[sflag:s0] =	ssyncpa.u1 @p0 $0x1;
	s0 =	simm.s32 @p0 $0x2  }
0xdb: {  	[sflag:s0] =	ssyncpa.u1 @p0 $0x1  }
0xdc: {  	_ =	strace @p0 $0x90000047  }
0xdd: {  	[bflag:$0x2] =	sbarrier.arrive @p0 $0xFFFF  }
0xde: {  	_ =	shalt @p0  }
.LBB2_11:
0xdf: {  	_ =	sfence.stream.spmem;
	s0 =	simm.s32 $0x5  }
0xe0: {  	s2 =	simm.s32 $0x80;
	s3 =	simm.s32 $0xC0;
	[sflag:s0] =	ssyncpa.u1 $0x0  }
0xe1: {  	[tilespmem:s3], [sflag:$0x5] =	stream.linear.gather [spmem:s2], $0x20, $0x38;
	[tilespmem:$0x8DC0] =	vst v63  }
0xe2: {  	s30 =	simm.s32 $0xE0;
	s2 =	simm.s32 $0x0  }
0xe3: {  	[tilespmem:s30], [sflag:$0x5] =	stream.linear.gather [spmem:s2], $0x20, $0x38;
	[tilespmem:$0x8DC0] =	vst v63  }
.Ltmp7:
0xe4: {  	_ = 	snop;
	(pc) =	sbr.rel .LBB2_12-.Ltmp7, $4  }
0xe5: {  	_ =	swait.ge [sflag:s0], $0x40  }
0xe6: {  	[sflag:s0] =	ssyncset.done $0x0  }
0xe7: {  	s31 =	simm.s32 $0x6;
	[sflag:s0] =	ssyncadd.s32 $0xFFFFFFC0  }
0xe8: {  	s3 =	simm.s32 $0x0;
	[sflag:s31] =	ssyncpa.u1 $0x0  }
.LBB2_17:
0xe9: {  	p0 =	sgt.u32 s4, $0x1FFFFF  }
0xea: {  	s0 =	sshrl.u32 @!p0 s4, $0x3  }
0xeb: {  	s4 =	sand.u32 @!p0 $0x7, s4;
	s5 =	simm.s32 @!p0 $0xB0;
	s0 =	sadd.s32 @!p0 s1, s0  }
0xec: {  	[tilespmem:s5], [sflag:$0x6] =	stream.linear.gather @!p0 [hbm4b:s0+s4], $0x1, $0x38;
	[tilespmem:$0x8DC0] =	vst v63  }
0xed: {  	s0 =	simm.s32 @!p0 $0x6  }
0xee: {  	_ =	swait.ge @!p0 [sflag:s0], $0x1  }
0xef: {  	[sflag:s0] =	ssyncset.done @!p0 $0x0  }
0xf0: {  	[sflag:s0] =	ssyncadd.s32 @!p0 $0xFFFFFFFF  }
0xf1: {  	v1 =	vld.msk @!p0 [tilespmem:$0xB0], $0x1  }
0xf2: {  	v2 =	vld.msk @!p0 [tilespmem:s3+$0xE0], $0x1;
	_ =	sdelay $0x4  }
0xf3: {  	vm0 =	vlt.s32 @!p0 v2, v1  }
0xf4: {  	v1 =	vsel @!p0 vm0, v2, v1  }
0xf5: {  	[tilespmem:s3+$0xE0] =	vst.msk @!p0 $0x1, v1  }
0xf6: {  	[tilespmem:s2+$0xC0] =	vst.msk $0x1, v0  }
0xf7: {  	v0 =	vld.msk [tilespmem:s3+$0xE0], $0x1;
	_ =	sdelay $0x4  }
0xf8: {  	[tilespmem:s2+$0xE0] =	vst.msk $0x1, v0;
	s2 =	sadd.s32 $0x1, s2  }
.LBB2_19:
0xf9: {  	s3 =	sadd.s32 $0x1, s3  }
0xfa: {  	p0 =	sne.s32 s3, $0x20  }
.Ltmp8:
0xfb: {  	_ = 	snop;
	(pc) =	sbr.rel @!p0 .LBB2_20-.Ltmp8, $1  }
0xfc: {  	_ =	sdelay $0x3  }
.LBB2_12:
0xfd: {  	v0 =	vld.msk [tilespmem:s3+$0xC0], $0x1;
	_ =	sdelay $0x4  }
0xfe: {  	(v2sf) =	vpush v0, $0x0;
	_ =	sdelay $0xe  }
0xff: {  	s4 =	spop (v2sf)  }
0x100: {  	p0 =	seq.s32 s4, $0xFFFFFFFF  }
.Ltmp9:
0x101: {  	_ = 	snop;
	(pc) =	sbr.rel @p0 .LBB2_19-.Ltmp9, $1  }
0x102: {  	_ =	sdelay $0x3  }
0x103: {  	p0 =	slt.s32 s2, $0x1  }
.Ltmp10:
0x104: {  	_ = 	snop;
	(pc) =	sbr.rel @p0 .LBB2_17-.Ltmp10, $1  }
0x105: {  	_ =	sdelay $0x3  }
0x106: {  	s0 =	simm.s32 $0xC0;
	p0 =	por $0x0, $0x0  }
0x107: {  	v1 =	vld.msk @!p0 [tilespmem:s0+$0x0], $0x1;
	_ =	sdelay $0x4  }
0x108: {  	(v2sf) =	vpush @!p0 v1, $0x0;
	_ =	sdelay $0xd  }
0x109: {  	p2 =	sne.s32 s2, $0x1  }
.Ltmp11:
0x10a: {  	s5 =	spop @!p0 (v2sf);
	(pc) =	sbr.rel @!p2 .LBB2_16-.Ltmp11, $4  }
0x10b: {  	p1 =	seq.s32 @!p0 s4, s5  }
0x10c: {  	s5 =	simm.s32 $0x0;
	p1 =	por !p1, p0  }
0x10d: {  	s7 =	simm.s32 $0xFFFFFFFF;
	s5 =	simm.s32 @p1 $0xFFFFFFFF  }
0x10e: {  	s6 =	simm.s32 $0x1;
	s5 =	smov.u32 @p0 s7  }
.LBB2_15:
0x10f: {  	s7 =	smov.u32 s5;
	p0 =	sne.s32 s5, $0xFFFFFFFF  }
0x110: {  	s0 =	sadd.s32 $0x1, s0;
	s5 =	smov.u32 s6;
	s6 =	sadd.s32 $0x1, s6  }
0x111: {  	p1 =	sne.s32 s2, s6;
	v1 =	vld.msk @!p0 [tilespmem:s0+$0x0], $0x1;
	_ =	sdelay $0x4  }
0x112: {  	(v2sf) =	vpush @!p0 v1, $0x0;
	_ =	sdelay $0xe  }
.Ltmp12:
0x113: {  	s8 =	spop @!p0 (v2sf);
	(pc) =	sbr.rel @p1 .LBB2_15-.Ltmp12, $4  }
0x114: {  	p2 =	seq.s32 @!p0 s4, s8  }
0x115: {  	p2 =	por !p2, p0  }
0x116: {  	s5 =	simm.s32 @p2 $0xFFFFFFFF  }
0x117: {  	s5 =	smov.u32 @p0 s7  }
.LBB2_16:
0x118: {  	p0 =	sne.s32 s5, $0xFFFFFFFF  }
.Ltmp13:
0x119: {  	_ = 	snop;
	(pc) =	sbr.rel @!p0 .LBB2_17-.Ltmp13, $1  }
0x11a: {  	_ =	sdelay $0x3  }
0x11b: {  	v0 =	vld.msk [tilespmem:s3+$0xE0], $0x1  }
0x11c: {  	v1 =	vld.msk [tilespmem:s5+$0xE0], $0x1;
	_ =	sdelay $0x2  }
.Ltmp14:
0x11d: {  	_ = 	snop;
	(pc) =	sbr.rel .LBB2_19-.Ltmp14, $4  }
0x11e: {  	_ = 	snop  }
0x11f: {  	vm0 =	vlt.s32 v1, v0  }
0x120: {  	v0 =	vsel vm0, v1, v0  }
0x121: {  	[tilespmem:s5+$0xE0] =	vst.msk $0x1, v0  }
.LBB2_20:
0x122: {  	p0 =	slt.s32 s2, $0x1  }
.Ltmp15:
0x123: {  	_ = 	snop;
	(pc) =	sbr.rel @p0 .LBB2_24-.Ltmp15, $3  }
0x124: {  	_ =	sdelay $0x1  }
0x125: {  	s0 =	simm.s32 $0x6  }
0x126: {  	s3 =	simm.s32 $0x0;
	[sflag:s0] =	ssyncpa.u1 $0x1  }
0x127: {  	s0 =	simm.s32 $0xC0  }
0x128: {  	v0 =	vld.msk [tilespmem:s0+$0x0], $0x1;
	_ =	sdelay $0x4  }
0x129: {  	(v2sf) =	vpush v0, $0x0;
	_ =	sdelay $0xe  }
0x12a: {  	s2 =	sadd.s32 $0xFFFFFFFF, s2;
	s4 =	spop (v2sf)  }
0x12b: {  	p1 =	sne.s32 s2, $0x0;
	p0 =	sgt.u32 s4, $0x1FFFFF  }
.Ltmp16:
0x12c: {  	s5 =	sshrl.u32 @!p0 s4, $0x3;
	(pc) =	sbr.rel @!p1 .LBB2_23-.Ltmp16, $4  }
0x12d: {  	s0 =	simm.s32 $0xE0;
	s4 =	sand.u32 @!p0 $0x7, s4;
	s5 =	sadd.s32 @!p0 s1, s5  }
0x12e: {  	[hbm4b:s5+s4] =	stream.linear.scatter @!p0 [tilespmem:s0], [sflag:$0x5], $0x1, $0x38;
	[tilespmem:$0x8DC0] =	vst v63  }
0x12f: {  	s5 =	simm.s32 $0x0  }
0x130: {  	s4 =	simm.s32 $0xC1;
	s5 =	simm.s32 @!p0 $0x4  }
.LBB2_22:
0x131: {  	v0 =	vld.msk [tilespmem:s4+$0x0], $0x1;
	s2 =	sadd.s32 $0xFFFFFFFF, s2;
	s3 =	sadd.s32 s3, s5  }
0x132: {  	p0 =	sne.s32 s2, $0x0;
	_ =	sdelay $0x3  }
0x133: {  	(v2sf) =	vpush v0, $0x0;
	_ =	sdelay $0xe  }
.Ltmp17:
0x134: {  	s6 =	spop (v2sf);
	(pc) =	sbr.rel @p0 .LBB2_22-.Ltmp17, $4  }
0x135: {  	s5 =	simm.s32 $0x0;
	p1 =	sgt.u32 s6, $0x1FFFFF  }
0x136: {  	s0 =	sadd.s32 $0x1, s0;
	s5 =	simm.s32 @!p1 $0x4;
	s7 =	sshrl.u32 @!p1 s6, $0x3  }
0x137: {  	s4 =	sadd.s32 $0x1, s4;
	s6 =	sand.u32 @!p1 $0x7, s6;
	s7 =	sadd.s32 @!p1 s1, s7  }
0x138: {  	[hbm4b:s7+s6] =	stream.linear.scatter @!p1 [tilespmem:s0], [sflag:$0x5], $0x1, $0x38;
	[tilespmem:$0x8DC0] =	vst v63  }
.LBB2_23:
0x139: {  	s0 =	sadd.s32 s3, s5  }
0x13a: {  	s3 =	sshrl.u32 s0, $0x2  }
.LBB2_24:
0x13b: {  	s0 =	simm.s32 $0x5  }
0x13c: {  	_ =	swait.ge [sflag:s0], s3  }
0x13d: {  	s1 =	ssub.s32 $0x0, s3;
	[sflag:s0] =	ssyncset.done $0x0  }
0x13e: {  	[sflag:s0] =	ssyncadd.s32 s1  }
0x13f: {  	[sflag:s0] =	ssyncpa.u1 $0x1  }
0x140: {  	s29 =	simm.s32 $0x1;
	_ =	sfence  }
0x141: {  	s30 =	simm.s32 $0x2;
	[sflag:s29] =	ssyncpa.u1 $0x1  }
0x142: {  	[sflag:s30] =	ssyncpa.u1 $0x1  }
0x143: {  	_ =	strace $0x90000047  }
0x144: {  	[bflag:$0x2] =	sbarrier.arrive $0xFFFF  }
0x145: {  	s31 =	rddreg [dreg:$0x2]  }
0x146: {  	s0 =	sadd.s32 $0x100000, s31  }
0x147: {  	[sflag:s0] =	ssyncadd.tile.s32 $0x1;
	_ =	shalt  }
.Lfunc_end2:
_tile_overlayer_lowered:
.L_overlay_start_2:
0x148: {  	(tag) =	ssettag $0x2  }
0x149: {  	s0 =	rddreg [dreg:$0x0];
	s2 =	stileid.u32  }
0x14a: {  	s1 =	rddreg [dreg:$0x1];
	p0 =	sne.s32 s2, $0x0  }
0x14b: {  	s3 =	rddreg [dreg:$0x2];
	[bflag:$0x3] =	sbarrier.arrive $0xFFFF;
	s2 =	simm.s32 @!p0 $0x1C01  }
0x14c: {  	[timem:s3], [sflag:s2] =	dma.local @!p0 [hbm:s0], s1  }
0x14d: {  	s0 =	simm.s32 @!p0 $0x1  }
0x14e: {  	_ =	swait.ge @!p0 [sflag:s0], s1  }
0x14f: {  	s1 =	ssub.s32 @!p0 $0x0, s1;
	[sflag:s0] =	ssyncset.done @!p0 $0x0  }
0x150: {  	[sflag:s0] =	ssyncadd.s32 @!p0 s1  }
0x151: {  	[bflag:$0x3] =	sbarrier.arrive $0xFFFF  }
0x152: {  	_ =	shalt  }

</sc_bundles>
